<compile_context>
chip_gen: v7x
topology: tpu7x:2x2x1
jax: 0.10.2.dev20260603
libtpu: 0.0.44.dev20260713+nightly
codegen_flags: <defaults>
</compile_context>

<pallas_src>
import functools

import jax
import jax.numpy as jnp
from jax import lax
from jax.experimental import pallas as pl
from jax.experimental.pallas import tpu as pltpu
from jax.experimental.pallas import tpu_sc as plsc

B = 4096
L_ITEM = 20
L_CTX = 50
L_CTXP = 64
EMBED = 32
CTXD = 32

NC = 2
NS = 16
NW = NC * NS

BPW = B // NW
ITEM_PW = BPW * L_ITEM
CTX_PW = BPW * L_CTXP
CH = 128
ITEM_CHUNKS = ITEM_PW // CH
CTX_CHUNKS = CTX_PW // CH
RPC = CH // L_CTXP
CNB = 16
SDEPTH = 5
GDEPTH = CNB - SDEPTH
IBUF = 8
IWD = 2
IGD = IBUF - IWD


@functools.cache
def _sc_ctx_fn():
    mesh = plsc.VectorSubcoreMesh(core_axis_name="c", subcore_axis_name="s")

    @functools.partial(
        pl.kernel,
        mesh=mesh,
        out_type=jax.ShapeDtypeStruct((B, CTXD), jnp.float32),
        scratch_types=[
            pltpu.VMEM((CTX_PW,), jnp.int32),
            pltpu.VMEM((CNB, CH, CTXD), jnp.float32),
            pltpu.VMEM((CNB, CH), jnp.int32),
            pltpu.VMEM_SHARED((NS * BPW, CTXD), jnp.float32),
            pltpu.SemaphoreType.DMA,
            pltpu.SemaphoreType.DMA,
        ],
        compiler_params=pltpu.CompilerParams(use_tc_tiling_on_sc=False),
    )
    def _sc_ctx(ctx_idx, set_tab, sum_out,
                cidx_v, ctx_bufs, sidx_v, acc_sh, csem, ssem):
        cid = lax.axis_index("c")
        sid = lax.axis_index("s")
        wid = sid * NC + cid

        with jax.named_scope("adjust"):
            pltpu.sync_copy(ctx_idx.at[pl.ds(wid * CTX_PW, CTX_PW)], cidx_v)

            def adjust_body(g, carry):
                v = cidx_v[pl.ds(g * 16, 16)]
                cidx_v[pl.ds(g * 16, 16)] = jnp.maximum(v - 1, 0)
                return carry

            lax.fori_loop(0, CTX_PW // 16, adjust_body, 0)

        with jax.named_scope("zero_acc"):
            def zero_body(r, carry):
                ctx_bufs[0, r, pl.ds(0, 16)] = jnp.zeros((16,), jnp.float32)
                ctx_bufs[0, r, pl.ds(16, 16)] = jnp.zeros((16,), jnp.float32)
                return carry

            lax.fori_loop(0, CH, zero_body, 0)
            pltpu.sync_copy(ctx_bufs.at[0],
                            acc_sh.at[pl.ds(sid * BPW, BPW)])

        def fire_ctx(c, buf):
            pltpu.async_copy(
                set_tab.at[cidx_v.at[pl.ds(c * CH, CH)]],
                ctx_bufs.at[buf], csem)

        with jax.named_scope("ctx_prime"):
            for b in range(GDEPTH):
                fire_ctx(b, b)

        with jax.named_scope("ctx_loop"):
            def ctx_group(g, carry):
                for b in range(CNB):
                    c = g * CNB + b
                    pltpu.make_async_copy(set_tab.at[pl.ds(0, CH)],
                                          ctx_bufs.at[b], csem).wait()
                    base = sid * BPW + RPC * c
                    for t in range(CH // 16):
                        sidx_v[b, pl.ds(t * 16, 16)] = (
                            jnp.zeros((16,), jnp.int32)
                            + (base + (1 if t >= CH // 32 else 0)))
                    pltpu.async_copy(ctx_bufs.at[b], acc_sh.at[sidx_v.at[b]],
                                     ssem, add=True)

                    @pl.when(c >= SDEPTH)
                    def _():
                        pltpu.make_async_copy(
                            ctx_bufs.at[b], acc_sh.at[pl.ds(0, CH)],
                            ssem).wait()

                    @pl.when(c + GDEPTH < CTX_CHUNKS)
                    def _():
                        fire_ctx(c + GDEPTH, (b + GDEPTH) % CNB)
                return carry

            lax.fori_loop(0, CTX_CHUNKS // CNB, ctx_group, 0)

        with jax.named_scope("tail"):
            for _ in range(SDEPTH):
                pltpu.make_async_copy(ctx_bufs.at[0], acc_sh.at[pl.ds(0, CH)],
                                      ssem).wait()
            pltpu.sync_copy(acc_sh.at[pl.ds(sid * BPW, BPW)],
                            sum_out.at[pl.ds(wid * BPW, BPW)])

    return _sc_ctx


@functools.cache
def _sc_item_fn():
    mesh = plsc.VectorSubcoreMesh(core_axis_name="c", subcore_axis_name="s")

    @functools.partial(
        pl.kernel,
        mesh=mesh,
        out_type=jax.ShapeDtypeStruct((B * L_ITEM, EMBED), jnp.float32),
        scratch_types=[
            pltpu.VMEM((ITEM_PW,), jnp.int32),
            pltpu.VMEM((ITEM_CHUNKS, CH, EMBED), jnp.float32),
            pltpu.SemaphoreType.DMA,
            pltpu.SemaphoreType.DMA,
        ],
        compiler_params=pltpu.CompilerParams(use_tc_tiling_on_sc=False),
    )
    def _sc_item(item_idx, item_tab, item_out, iidx_v, item_bufs, isem, wsem):
        cid = lax.axis_index("c")
        sid = lax.axis_index("s")
        wid = sid * NC + cid

        with jax.named_scope("item_fire"):
            pltpu.sync_copy(item_idx.at[pl.ds(wid * ITEM_PW, ITEM_PW)], iidx_v)
            for j in range(ITEM_CHUNKS):
                pltpu.async_copy(
                    item_tab.at[iidx_v.at[pl.ds(j * CH, CH)]],
                    item_bufs.at[j], isem)

        with jax.named_scope("item_drain"):
            for j in range(ITEM_CHUNKS):
                pltpu.make_async_copy(item_tab.at[pl.ds(0, CH)],
                                      item_bufs.at[j], isem).wait()
                pltpu.async_copy(
                    item_bufs.at[j],
                    item_out.at[pl.ds(wid * ITEM_PW + j * CH, CH)], wsem)
            for j in range(ITEM_CHUNKS):
                pltpu.make_async_copy(
                    item_bufs.at[j],
                    item_out.at[pl.ds(wid * ITEM_PW + j * CH, CH)],
                    wsem).wait()

    return _sc_item


BB = 256


def _tc_body(idx_ref, it_ref, sum_ref, tab_ref, w1, b1, w2, b2, w3, b3,
             out_ref):
    maskf = (idx_ref[...] > 0).astype(jnp.float32)
    nz = jnp.sum(maskf, axis=-1, keepdims=True)
    tab = tab_ref[...]
    padsum = jnp.sum(tab[L_CTX - 1:L_CTXP - 1, :], axis=0, keepdims=True)
    summed = (sum_ref[...] - padsum
              - (float(L_CTX) - nz) * tab[0:1, :])
    sq = jnp.sum(summed * summed, axis=-1, keepdims=True)
    normalized = summed * lax.rsqrt(jnp.maximum(sq, 1e-4))
    h = jnp.maximum(
        jnp.dot(normalized, w1[...], preferred_element_type=jnp.float32) + b1[...], 0.0)
    h = jnp.maximum(
        jnp.dot(h, w2[...], preferred_element_type=jnp.float32) + b2[...], 0.0)
    ce = jnp.dot(h, w3[...], preferred_element_type=jnp.float32) + b3[...]
    it = it_ref[...]
    diff = it - ce[:, None, :]
    d = jnp.sqrt(jnp.sum(diff * diff, axis=-1))
    out_ref[...] = 1.0 - jnp.tanh(d)


def _tc_compute(ctx_idx, item_rows, summed, tab64, W1, b1, W2, b2, W3, b3):
    grid = (B // BB,)
    return pl.pallas_call(
        _tc_body,
        grid=grid,
        in_specs=[
            pl.BlockSpec((BB, L_CTX), lambda i: (i, 0)),
            pl.BlockSpec((BB, L_ITEM, EMBED), lambda i: (i, 0, 0)),
            pl.BlockSpec((BB, CTXD), lambda i: (i, 0)),
            pl.BlockSpec((L_CTXP, CTXD), lambda i: (0, 0)),
            pl.BlockSpec((CTXD, 2 * CTXD), lambda i: (0, 0)),
            pl.BlockSpec((1, 2 * CTXD), lambda i: (0, 0)),
            pl.BlockSpec((2 * CTXD, 4 * CTXD), lambda i: (0, 0)),
            pl.BlockSpec((1, 4 * CTXD), lambda i: (0, 0)),
            pl.BlockSpec((4 * CTXD, EMBED), lambda i: (0, 0)),
            pl.BlockSpec((1, EMBED), lambda i: (0, 0)),
        ],
        out_specs=pl.BlockSpec((BB, L_ITEM), lambda i: (i, 0)),
        out_shape=jax.ShapeDtypeStruct((B, L_ITEM), jnp.float32),
    )(ctx_idx, item_rows, summed, tab64, W1, b1, W2, b2, W3, b3)


def kernel(item_indices, context_indices, item_table, set_table,
           W1, b1, W2, b2, W3, b3):
    pad_block = jnp.broadcast_to(
        jnp.arange(L_CTX, L_CTXP, dtype=jnp.int32), (B, L_CTXP - L_CTX))
    ctx_pad = jnp.concatenate([context_indices, pad_block], axis=1)
    summed = _sc_ctx_fn()(ctx_pad.reshape(-1), set_table)
    item_rows = _sc_item_fn()(item_indices.reshape(-1), item_table)
    return _tc_compute(
        context_indices,
        item_rows.reshape(B, L_ITEM, EMBED),
        summed, set_table[:L_CTXP],
        W1, b1.reshape(1, -1), W2, b2.reshape(1, -1), W3, b3.reshape(1, -1))

# --- scband reference (transcript-rebuilt; emitter-appended) ---
"""Pipeline reference for scband-contextual-rating-84499186582073 (READ-ONLY COPY).

The authoritative reference and input builder live on the scoring server;
editing this copy changes nothing except your own understanding.
"""

import jax, jax.numpy as jnp
import numpy as np

NUM_ITEMS = 1000000
EMBED = 32
CTX = 32
B = 4096
L_ITEM = 20
L_CTX = 50


def setup_inputs(seed: int = 0) -> dict:
    key = jax.random.key(seed)
    ks = jax.random.split(key, 10)
    item_indices = jax.random.randint(ks[0], (B, L_ITEM), 0, NUM_ITEMS, dtype=jnp.int32)
    context_indices = jax.random.randint(ks[1], (B, L_CTX), 0, NUM_ITEMS, dtype=jnp.int32)
    item_table = jax.random.normal(ks[2], (NUM_ITEMS, EMBED), dtype=jnp.float32) * 0.05
    set_table = jax.random.normal(ks[3], (NUM_ITEMS - 1, CTX), dtype=jnp.float32) * (1.0 / CTX / CTX)
    W1 = jax.random.normal(ks[4], (CTX, 2 * CTX), dtype=jnp.float32) * 0.05
    b1 = jnp.zeros((2 * CTX,), dtype=jnp.float32)
    W2 = jax.random.normal(ks[5], (2 * CTX, 4 * CTX), dtype=jnp.float32) * 0.05
    b2 = jnp.zeros((4 * CTX,), dtype=jnp.float32)
    W3 = jax.random.normal(ks[6], (4 * CTX, EMBED), dtype=jnp.float32) * 0.05
    b3 = jnp.zeros((EMBED,), dtype=jnp.float32)
    return {
        'item_indices': item_indices,
        'context_indices': context_indices,
        'item_table': item_table,
        'set_table': set_table,
        'W1': W1, 'b1': b1,
        'W2': W2, 'b2': b2,
        'W3': W3, 'b3': b3,
    }


def reference(item_indices, context_indices, item_table, set_table, W1, b1, W2, b2, W3, b3):
    # item embedding lookup (keras Embedding, mask_zero only affects mask propagation, not values)
    item_embeds = jnp.take(item_table, item_indices, axis=0)  # [B, L_ITEM, EMBED]

    # SetEmbedding: zero row prepended, gather, sum-pool, l2-normalize, MLP
    embeddings = jnp.concatenate([jnp.zeros((1, CTX), dtype=jnp.float32), set_table], axis=0)
    ctx_embeds = jnp.take(embeddings, context_indices, axis=0)  # [B, L_CTX, CTX]
    summed = jnp.sum(ctx_embeds, axis=1)  # [B, CTX]
    sq_norm = jnp.sum(summed * summed, axis=-1, keepdims=True)
    normalized = summed * jax.lax.rsqrt(jnp.maximum(sq_norm, 1e-4))
    h = jax.nn.relu(normalized @ W1 + b1)
    h = jax.nn.relu(h @ W2 + b2)
    context_embeds = h @ W3 + b3  # [B, EMBED]

    # euclidean distance between each item embed and the pooled context embed
    diff = item_embeds - context_embeds[:, None, :]
    distances = jnp.sqrt(jnp.sum(diff * diff, axis=-1))  # [B, L_ITEM]
    nonlinear_distances = 1.0 - jnp.tanh(distances)
    return nonlinear_distances

if __name__ == "__main__":
    import jax
    _d = setup_inputs()
    print(jax.jit(kernel)(*tuple(_d.values())))

</pallas_src>

<mosaic_0001>
#map = affine_map<(d0, d1) -> (0)>
#map1 = affine_map<(d0, d1) -> (0, 0)>
module attributes {stable_mosaic.version = 14 : i64} {
  func.func @_sc_item(%arg0: i32, %arg1: i32, %arg2: memref<81920xi32, #tpu.memory_space<hbm>>, %arg3: memref<1000000x32xf32, #tpu.memory_space<hbm>>, %arg4: memref<81920x32xf32, #tpu.memory_space<hbm>>, %arg5: memref<2560xi32, #tpu.memory_space<vmem>>, %arg6: memref<20x128x32xf32, #tpu.memory_space<vmem>>, %arg7: memref<!tpu.dma_semaphore, #tpu.memory_space<semaphore_mem>>, %arg8: memref<!tpu.dma_semaphore, #tpu.memory_space<semaphore_mem>>) attributes {dimension_semantics = [#tpu.dimension_semantics<core_parallel>, #tpu.dimension_semantics<subcore_parallel>], iteration_bounds = array<i64: 2, 16>, scalar_prefetch = 0 : i64, scratch_operands = 4 : i64, tpu.core_type = #tpu.core_type<sc_vector_subcore>, window_params = [{transform_indices = #map}, {transform_indices = #map1}, {transform_indices = #map1}]} {
    %mul3A = arith.constant 2 : i32
    %mul3A_0 = arith.muli %arg1, %mul3A : i32
    %add3A = arith.addi %mul3A_0, %arg0 : i32
    "tpu.trace_start"() <{level = 10 : i32, message = "item_fire"}> : () -> ()
    %mul3A_1 = arith.constant 2560 : i32
    %mul3A_2 = arith.muli %add3A, %mul3A_1 : i32
    "tpu.region"() ({
      %run_scoped3A = tpu.sem_alloc : memref<!tpu.dma_semaphore, #tpu.memory_space<semaphore_mem>>
      %dma_start3A_1181 = tpu.memref_slice %arg2[%mul3A_2] : memref<81920xi32, #tpu.memory_space<hbm>> -> memref<2560xi32, #tpu.memory_space<hbm>>
      %dma_start3A_1182 = tpu.memref_slice %arg2[%mul3A_2] : memref<81920xi32, #tpu.memory_space<hbm>> -> memref<2560xi32, #tpu.memory_space<hbm>>
      tpu.enqueue_dma source(%dma_start3A_1182 : memref<2560xi32, #tpu.memory_space<hbm>>) target(%arg5 : memref<2560xi32, #tpu.memory_space<vmem>>) target_semaphore(%run_scoped3A : memref<!tpu.dma_semaphore, #tpu.memory_space<semaphore_mem>>)
      %dma_wait3A_1183 = tpu.memref_slice %arg2[%mul3A_2] : memref<81920xi32, #tpu.memory_space<hbm>> -> memref<2560xi32, #tpu.memory_space<hbm>>
      %dma_wait3A_1184 = tpu.memref_slice %arg2[%mul3A_2] : memref<81920xi32, #tpu.memory_space<hbm>> -> memref<2560xi32, #tpu.memory_space<hbm>>
      tpu.wait_dma2 semaphore(%run_scoped3A : memref<!tpu.dma_semaphore, #tpu.memory_space<semaphore_mem>>) src(%dma_wait3A_1184 : memref<2560xi32, #tpu.memory_space<hbm>>) dst(%arg5 : memref<2560xi32, #tpu.memory_space<vmem>>)
      tpu.yield
    }) : () -> ()
    %dma_start3A = arith.constant 0 : i32
    %dma_start3A_3 = arith.constant 0 : i32
    %dma_start3A_4 = arith.constant 0 : i32
    %dma_start3A_5 = tpu.memref_slice %arg6[%dma_start3A, %dma_start3A_3, %dma_start3A_4] : memref<20x128x32xf32, #tpu.memory_space<vmem>> -> memref<1x128x32xf32, #tpu.memory_space<vmem>>
    %dma_start3A_6 = tpu.memref_squeeze %dma_start3A_5 : memref<1x128x32xf32, #tpu.memory_space<vmem>> -> memref<128x32xf32, #tpu.memory_space<vmem>>
    %dma_start3A_7 = arith.constant 0 : i32
    %dma_start3A_8 = tpu.memref_slice %arg5[%dma_start3A_7] : memref<2560xi32, #tpu.memory_space<vmem>> -> memref<128xi32, #tpu.memory_space<vmem>>
    %dma_start3A_9 = arith.constant 0 : i32
    %dma_start3A_10 = arith.constant 0 : i32
    %dma_start3A_11 = tpu.memref_slice %arg3[%dma_start3A_9, %dma_start3A_10] : memref<1000000x32xf32, #tpu.memory_space<hbm>> -> memref<1000000x32xf32, #tpu.memory_space<hbm>>
    tpu.enqueue_indirect_dma source(%dma_start3A_11 : memref<1000000x32xf32, #tpu.memory_space<hbm>>) target(%dma_start3A_6 : memref<128x32xf32, #tpu.memory_space<vmem>>) offsets(%dma_start3A_8 : memref<128xi32, #tpu.memory_space<vmem>>) semaphore(%arg7 : memref<!tpu.dma_semaphore, #tpu.memory_space<semaphore_mem>>)
    %dma_start3A_12 = arith.constant 1 : i32
    %dma_start3A_13 = arith.constant 0 : i32
    %dma_start3A_14 = arith.constant 0 : i32
    %dma_start3A_15 = tpu.memref_slice %arg6[%dma_start3A_12, %dma_start3A_13, %dma_start3A_14] : memref<20x128x32xf32, #tpu.memory_space<vmem>> -> memref<1x128x32xf32, #tpu.memory_space<vmem>>
    %dma_start3A_16 = tpu.memref_squeeze %dma_start3A_15 : memref<1x128x32xf32, #tpu.memory_space<vmem>> -> memref<128x32xf32, #tpu.memory_space<vmem>>
    %dma_start3A_17 = arith.constant 128 : i32
    %dma_start3A_18 = tpu.memref_slice %arg5[%dma_start3A_17] : memref<2560xi32, #tpu.memory_space<vmem>> -> memref<128xi32, #tpu.memory_space<vmem>>
    %dma_start3A_19 = arith.constant 0 : i32
    %dma_start3A_20 = arith.constant 0 : i32
    %dma_start3A_21 = tpu.memref_slice %arg3[%dma_start3A_19, %dma_start3A_20] : memref<1000000x32xf32, #tpu.memory_space<hbm>> -> memref<1000000x32xf32, #tpu.memory_space<hbm>>
    tpu.enqueue_indirect_dma source(%dma_start3A_21 : memref<1000000x32xf32, #tpu.memory_space<hbm>>) target(%dma_start3A_16 : memref<128x32xf32, #tpu.memory_space<vmem>>) offsets(%dma_start3A_18 : memref<128xi32, #tpu.memory_space<vmem>>) semaphore(%arg7 : memref<!tpu.dma_semaphore, #tpu.memory_space<semaphore_mem>>)
    %dma_start3A_22 = arith.constant 2 : i32
    %dma_start3A_23 = arith.constant 0 : i32
    %dma_start3A_24 = arith.constant 0 : i32
    %dma_start3A_25 = tpu.memref_slice %arg6[%dma_start3A_22, %dma_start3A_23, %dma_start3A_24] : memref<20x128x32xf32, #tpu.memory_space<vmem>> -> memref<1x128x32xf32, #tpu.memory_space<vmem>>
    %dma_start3A_26 = tpu.memref_squeeze %dma_start3A_25 : memref<1x128x32xf32, #tpu.memory_space<vmem>> -> memref<128x32xf32, #tpu.memory_space<vmem>>
    %dma_start3A_27 = arith.constant 256 : i32
    %dma_start3A_28 = tpu.memref_slice %arg5[%dma_start3A_27] : memref<2560xi32, #tpu.memory_space<vmem>> -> memref<128xi32, #tpu.memory_space<vmem>>
    %dma_start3A_29 = arith.constant 0 : i32
    %dma_start3A_30 = arith.constant 0 : i32
    %dma_start3A_31 = tpu.memref_slice %arg3[%dma_start3A_29, %dma_start3A_30] : memref<1000000x32xf32, #tpu.memory_space<hbm>> -> memref<1000000x32xf32, #tpu.memory_space<hbm>>
    tpu.enqueue_indirect_dma source(%dma_start3A_31 : memref<1000000x32xf32, #tpu.memory_space<hbm>>) target(%dma_start3A_26 : memref<128x32xf32, #tpu.memory_space<vmem>>) offsets(%dma_start3A_28 : memref<128xi32, #tpu.memory_space<vmem>>) semaphore(%arg7 : memref<!tpu.dma_semaphore, #tpu.memory_space<semaphore_mem>>)
    %dma_start3A_32 = arith.constant 3 : i32
    %dma_start3A_33 = arith.constant 0 : i32
    %dma_start3A_34 = arith.constant 0 : i32
    %dma_start3A_35 = tpu.memref_slice %arg6[%dma_start3A_32, %dma_start3A_33, %dma_start3A_34] : memref<20x128x32xf32, #tpu.memory_space<vmem>> -> memref<1x128x32xf32, #tpu.memory_space<vmem>>
    %dma_start3A_36 = tpu.memref_squeeze %dma_start3A_35 : memref<1x128x32xf32, #tpu.memory_space<vmem>> -> memref<128x32xf32, #tpu.memory_space<vmem>>
    %dma_start3A_37 = arith.constant 384 : i32
    %dma_start3A_38 = tpu.memref_slice %arg5[%dma_start3A_37] : memref<2560xi32, #tpu.memory_space<vmem>> -> memref<128xi32, #tpu.memory_space<vmem>>
    %dma_start3A_39 = arith.constant 0 : i32
    %dma_start3A_40 = arith.constant 0 : i32
    %dma_start3A_41 = tpu.memref_slice %arg3[%dma_start3A_39, %dma_start3A_40] : memref<1000000x32xf32, #tpu.memory_space<hbm>> -> memref<1000000x32xf32, #tpu.memory_space<hbm>>
    tpu.enqueue_indirect_dma source(%dma_start3A_41 : memref<1000000x32xf32, #tpu.memory_space<hbm>>) target(%dma_start3A_36 : memref<128x32xf32, #tpu.memory_space<vmem>>) offsets(%dma_start3A_38 : memref<128xi32, #tpu.memory_space<vmem>>) semaphore(%arg7 : memref<!tpu.dma_semaphore, #tpu.memory_space<semaphore_mem>>)
    %dma_start3A_42 = arith.constant 4 : i32
    %dma_start3A_43 = arith.constant 0 : i32
    %dma_start3A_44 = arith.constant 0 : i32
    %dma_start3A_45 = tpu.memref_slice %arg6[%dma_start3A_42, %dma_start3A_43, %dma_start3A_44] : memref<20x128x32xf32, #tpu.memory_space<vmem>> -> memref<1x128x32xf32, #tpu.memory_space<vmem>>
    %dma_start3A_46 = tpu.memref_squeeze %dma_start3A_45 : memref<1x128x32xf32, #tpu.memory_space<vmem>> -> memref<128x32xf32, #tpu.memory_space<vmem>>
    %dma_start3A_47 = arith.constant 512 : i32
    %dma_start3A_48 = tpu.memref_slice %arg5[%dma_start3A_47] : memref<2560xi32, #tpu.memory_space<vmem>> -> memref<128xi32, #tpu.memory_space<vmem>>
    %dma_start3A_49 = arith.constant 0 : i32
    %dma_start3A_50 = arith.constant 0 : i32
    %dma_start3A_51 = tpu.memref_slice %arg3[%dma_start3A_49, %dma_start3A_50] : memref<1000000x32xf32, #tpu.memory_space<hbm>> -> memref<1000000x32xf32, #tpu.memory_space<hbm>>
    tpu.enqueue_indirect_dma source(%dma_start3A_51 : memref<1000000x32xf32, #tpu.memory_space<hbm>>) target(%dma_start3A_46 : memref<128x32xf32, #tpu.memory_space<vmem>>) offsets(%dma_start3A_48 : memref<128xi32, #tpu.memory_space<vmem>>) semaphore(%arg7 : memref<!tpu.dma_semaphore, #tpu.memory_space<semaphore_mem>>)
    %dma_start3A_52 = arith.constant 5 : i32
    %dma_start3A_53 = arith.constant 0 : i32
    %dma_start3A_54 = arith.constant 0 : i32
    %dma_start3A_55 = tpu.memref_slice %arg6[%dma_start3A_52, %dma_start3A_53, %dma_start3A_54] : memref<20x128x32xf32, #tpu.memory_space<vmem>> -> memref<1x128x32xf32, #tpu.memory_space<vmem>>
    %dma_start3A_56 = tpu.memref_squeeze %dma_start3A_55 : memref<1x128x32xf32, #tpu.memory_space<vmem>> -> memref<128x32xf32, #tpu.memory_space<vmem>>
    %dma_start3A_57 = arith.constant 640 : i32
    %dma_start3A_58 = tpu.memref_slice %arg5[%dma_start3A_57] : memref<2560xi32, #tpu.memory_space<vmem>> -> memref<128xi32, #tpu.memory_space<vmem>>
    %dma_start3A_59 = arith.constant 0 : i32
    %dma_start3A_60 = arith.constant 0 : i32
    %dma_start3A_61 = tpu.memref_slice %arg3[%dma_start3A_59, %dma_start3A_60] : memref<1000000x32xf32, #tpu.memory_space<hbm>> -> memref<1000000x32xf32, #tpu.memory_space<hbm>>
    tpu.enqueue_indirect_dma source(%dma_start3A_61 : memref<1000000x32xf32, #tpu.memory_space<hbm>>) target(%dma_start3A_56 : memref<128x32xf32, #tpu.memory_space<vmem>>) offsets(%dma_start3A_58 : memref<128xi32, #tpu.memory_space<vmem>>) semaphore(%arg7 : memref<!tpu.dma_semaphore, #tpu.memory_space<semaphore_mem>>)
    %dma_start3A_62 = arith.constant 6 : i32
    %dma_start3A_63 = arith.constant 0 : i32
    %dma_start3A_64 = arith.constant 0 : i32
    %dma_start3A_65 = tpu.memref_slice %arg6[%dma_start3A_62, %dma_start3A_63, %dma_start3A_64] : memref<20x128x32xf32, #tpu.memory_space<vmem>> -> memref<1x128x32xf32, #tpu.memory_space<vmem>>
    %dma_start3A_66 = tpu.memref_squeeze %dma_start3A_65 : memref<1x128x32xf32, #tpu.memory_space<vmem>> -> memref<128x32xf32, #tpu.memory_space<vmem>>
    %dma_start3A_67 = arith.constant 768 : i32
    %dma_start3A_68 = tpu.memref_slice %arg5[%dma_start3A_67] : memref<2560xi32, #tpu.memory_space<vmem>> -> memref<128xi32, #tpu.memory_space<vmem>>
    %dma_start3A_69 = arith.constant 0 : i32
    %dma_start3A_70 = arith.constant 0 : i32
    %dma_start3A_71 = tpu.memref_slice %arg3[%dma_start3A_69, %dma_start3A_70] : memref<1000000x32xf32, #tpu.memory_space<hbm>> -> memref<1000000x32xf32, #tpu.memory_space<hbm>>
    tpu.enqueue_indirect_dma source(%dma_start3A_71 : memref<1000000x32xf32, #tpu.memory_space<hbm>>) target(%dma_start3A_66 : memref<128x32xf32, #tpu.memory_space<vmem>>) offsets(%dma_start3A_68 : memref<128xi32, #tpu.memory_space<vmem>>) semaphore(%arg7 : memref<!tpu.dma_semaphore, #tpu.memory_space<semaphore_mem>>)
    %dma_start3A_72 = arith.constant 7 : i32
    %dma_start3A_73 = arith.constant 0 : i32
    %dma_start3A_74 = arith.constant 0 : i32
    %dma_start3A_75 = tpu.memref_slice %arg6[%dma_start3A_72, %dma_start3A_73, %dma_start3A_74] : memref<20x128x32xf32, #tpu.memory_space<vmem>> -> memref<1x128x32xf32, #tpu.memory_space<vmem>>
    %dma_start3A_76 = tpu.memref_squeeze %dma_start3A_75 : memref<1x128x32xf32, #tpu.memory_space<vmem>> -> memref<128x32xf32, #tpu.memory_space<vmem>>
    %dma_start3A_77 = arith.constant 896 : i32
    %dma_start3A_78 = tpu.memref_slice %arg5[%dma_start3A_77] : memref<2560xi32, #tpu.memory_space<vmem>> -> memref<128xi32, #tpu.memory_space<vmem>>
    %dma_start3A_79 = arith.constant 0 : i32
    %dma_start3A_80 = arith.constant 0 : i32
    %dma_start3A_81 = tpu.memref_slice %arg3[%dma_start3A_79, %dma_start3A_80] : memref<1000000x32xf32, #tpu.memory_space<hbm>> -> memref<1000000x32xf32, #tpu.memory_space<hbm>>
    tpu.enqueue_indirect_dma source(%dma_start3A_81 : memref<1000000x32xf32, #tpu.memory_space<hbm>>) target(%dma_start3A_76 : memref<128x32xf32, #tpu.memory_space<vmem>>) offsets(%dma_start3A_78 : memref<128xi32, #tpu.memory_space<vmem>>) semaphore(%arg7 : memref<!tpu.dma_semaphore, #tpu.memory_space<semaphore_mem>>)
    %dma_start3A_82 = arith.constant 8 : i32
    %dma_start3A_83 = arith.constant 0 : i32
    %dma_start3A_84 = arith.constant 0 : i32
    %dma_start3A_85 = tpu.memref_slice %arg6[%dma_start3A_82, %dma_start3A_83, %dma_start3A_84] : memref<20x128x32xf32, #tpu.memory_space<vmem>> -> memref<1x128x32xf32, #tpu.memory_space<vmem>>
    %dma_start3A_86 = tpu.memref_squeeze %dma_start3A_85 : memref<1x128x32xf32, #tpu.memory_space<vmem>> -> memref<128x32xf32, #tpu.memory_space<vmem>>
    %dma_start3A_87 = arith.constant 1024 : i32
    %dma_start3A_88 = tpu.memref_slice %arg5[%dma_start3A_87] : memref<2560xi32, #tpu.memory_space<vmem>> -> memref<128xi32, #tpu.memory_space<vmem>>
    %dma_start3A_89 = arith.constant 0 : i32
    %dma_start3A_90 = arith.constant 0 : i32
    %dma_start3A_91 = tpu.memref_slice %arg3[%dma_start3A_89, %dma_start3A_90] : memref<1000000x32xf32, #tpu.memory_space<hbm>> -> memref<1000000x32xf32, #tpu.memory_space<hbm>>
    tpu.enqueue_indirect_dma source(%dma_start3A_91 : memref<1000000x32xf32, #tpu.memory_space<hbm>>) target(%dma_start3A_86 : memref<128x32xf32, #tpu.memory_space<vmem>>) offsets(%dma_start3A_88 : memref<128xi32, #tpu.memory_space<vmem>>) semaphore(%arg7 : memref<!tpu.dma_semaphore, #tpu.memory_space<semaphore_mem>>)
    %dma_start3A_92 = arith.constant 9 : i32
    %dma_start3A_93 = arith.constant 0 : i32
    %dma_start3A_94 = arith.constant 0 : i32
    %dma_start3A_95 = tpu.memref_slice %arg6[%dma_start3A_92, %dma_start3A_93, %dma_start3A_94] : memref<20x128x32xf32, #tpu.memory_space<vmem>> -> memref<1x128x32xf32, #tpu.memory_space<vmem>>
    %dma_start3A_96 = tpu.memref_squeeze %dma_start3A_95 : memref<1x128x32xf32, #tpu.memory_space<vmem>> -> memref<128x32xf32, #tpu.memory_space<vmem>>
    %dma_start3A_97 = arith.constant 1152 : i32
    %dma_start3A_98 = tpu.memref_slice %arg5[%dma_start3A_97] : memref<2560xi32, #tpu.memory_space<vmem>> -> memref<128xi32, #tpu.memory_space<vmem>>
    %dma_start3A_99 = arith.constant 0 : i32
    %dma_start3A_100 = arith.constant 0 : i32
    %dma_start3A_101 = tpu.memref_slice %arg3[%dma_start3A_99, %dma_start3A_100] : memref<1000000x32xf32, #tpu.memory_space<hbm>> -> memref<1000000x32xf32, #tpu.memory_space<hbm>>
    tpu.enqueue_indirect_dma source(%dma_start3A_101 : memref<1000000x32xf32, #tpu.memory_space<hbm>>) target(%dma_start3A_96 : memref<128x32xf32, #tpu.memory_space<vmem>>) offsets(%dma_start3A_98 : memref<128xi32, #tpu.memory_space<vmem>>) semaphore(%arg7 : memref<!tpu.dma_semaphore, #tpu.memory_space<semaphore_mem>>)
    %dma_start3A_102 = arith.constant 10 : i32
    %dma_start3A_103 = arith.constant 0 : i32
    %dma_start3A_104 = arith.constant 0 : i32
    %dma_start3A_105 = tpu.memref_slice %arg6[%dma_start3A_102, %dma_start3A_103, %dma_start3A_104] : memref<20x128x32xf32, #tpu.memory_space<vmem>> -> memref<1x128x32xf32, #tpu.memory_space<vmem>>
    %dma_start3A_106 = tpu.memref_squeeze %dma_start3A_105 : memref<1x128x32xf32, #tpu.memory_space<vmem>> -> memref<128x32xf32, #tpu.memory_space<vmem>>
    %dma_start3A_107 = arith.constant 1280 : i32
    %dma_start3A_108 = tpu.memref_slice %arg5[%dma_start3A_107] : memref<2560xi32, #tpu.memory_space<vmem>> -> memref<128xi32, #tpu.memory_space<vmem>>
    %dma_start3A_109 = arith.constant 0 : i32
    %dma_start3A_110 = arith.constant 0 : i32
    %dma_start3A_111 = tpu.memref_slice %arg3[%dma_start3A_109, %dma_start3A_110] : memref<1000000x32xf32, #tpu.memory_space<hbm>> -> memref<1000000x32xf32, #tpu.memory_space<hbm>>
    tpu.enqueue_indirect_dma source(%dma_start3A_111 : memref<1000000x32xf32, #tpu.memory_space<hbm>>) target(%dma_start3A_106 : memref<128x32xf32, #tpu.memory_space<vmem>>) offsets(%dma_start3A_108 : memref<128xi32, #tpu.memory_space<vmem>>) semaphore(%arg7 : memref<!tpu.dma_semaphore, #tpu.memory_space<semaphore_mem>>)
    %dma_start3A_112 = arith.constant 11 : i32
    %dma_start3A_113 = arith.constant 0 : i32
    %dma_start3A_114 = arith.constant 0 : i32
    %dma_start3A_115 = tpu.memref_slice %arg6[%dma_start3A_112, %dma_start3A_113, %dma_start3A_114] : memref<20x128x32xf32, #tpu.memory_space<vmem>> -> memref<1x128x32xf32, #tpu.memory_space<vmem>>
    %dma_start3A_116 = tpu.memref_squeeze %dma_start3A_115 : memref<1x128x32xf32, #tpu.memory_space<vmem>> -> memref<128x32xf32, #tpu.memory_space<vmem>>
    %dma_start3A_117 = arith.constant 1408 : i32
    %dma_start3A_118 = tpu.memref_slice %arg5[%dma_start3A_117] : memref<2560xi32, #tpu.memory_space<vmem>> -> memref<128xi32, #tpu.memory_space<vmem>>
    %dma_start3A_119 = arith.constant 0 : i32
    %dma_start3A_120 = arith.constant 0 : i32
    %dma_start3A_121 = tpu.memref_slice %arg3[%dma_start3A_119, %dma_start3A_120] : memref<1000000x32xf32, #tpu.memory_space<hbm>> -> memref<1000000x32xf32, #tpu.memory_space<hbm>>
    tpu.enqueue_indirect_dma source(%dma_start3A_121 : memref<1000000x32xf32, #tpu.memory_space<hbm>>) target(%dma_start3A_116 : memref<128x32xf32, #tpu.memory_space<vmem>>) offsets(%dma_start3A_118 : memref<128xi32, #tpu.memory_space<vmem>>) semaphore(%arg7 : memref<!tpu.dma_semaphore, #tpu.memory_space<semaphore_mem>>)
    %dma_start3A_122 = arith.constant 12 : i32
    %dma_start3A_123 = arith.constant 0 : i32
    %dma_start3A_124 = arith.constant 0 : i32
    %dma_start3A_125 = tpu.memref_slice %arg6[%dma_start3A_122, %dma_start3A_123, %dma_start3A_124] : memref<20x128x32xf32, #tpu.memory_space<vmem>> -> memref<1x128x32xf32, #tpu.memory_space<vmem>>
    %dma_start3A_126 = tpu.memref_squeeze %dma_start3A_125 : memref<1x128x32xf32, #tpu.memory_space<vmem>> -> memref<128x32xf32, #tpu.memory_space<vmem>>
    %dma_start3A_127 = arith.constant 1536 : i32
    %dma_start3A_128 = tpu.memref_slice %arg5[%dma_start3A_127] : memref<2560xi32, #tpu.memory_space<vmem>> -> memref<128xi32, #tpu.memory_space<vmem>>
    %dma_start3A_129 = arith.constant 0 : i32
    %dma_start3A_130 = arith.constant 0 : i32
    %dma_start3A_131 = tpu.memref_slice %arg3[%dma_start3A_129, %dma_start3A_130] : memref<1000000x32xf32, #tpu.memory_space<hbm>> -> memref<1000000x32xf32, #tpu.memory_space<hbm>>
    tpu.enqueue_indirect_dma source(%dma_start3A_131 : memref<1000000x32xf32, #tpu.memory_space<hbm>>) target(%dma_start3A_126 : memref<128x32xf32, #tpu.memory_space<vmem>>) offsets(%dma_start3A_128 : memref<128xi32, #tpu.memory_space<vmem>>) semaphore(%arg7 : memref<!tpu.dma_semaphore, #tpu.memory_space<semaphore_mem>>)
    %dma_start3A_132 = arith.constant 13 : i32
    %dma_start3A_133 = arith.constant 0 : i32
    %dma_start3A_134 = arith.constant 0 : i32
    %dma_start3A_135 = tpu.memref_slice %arg6[%dma_start3A_132, %dma_start3A_133, %dma_start3A_134] : memref<20x128x32xf32, #tpu.memory_space<vmem>> -> memref<1x128x32xf32, #tpu.memory_space<vmem>>
    %dma_start3A_136 = tpu.memref_squeeze %dma_start3A_135 : memref<1x128x32xf32, #tpu.memory_space<vmem>> -> memref<128x32xf32, #tpu.memory_space<vmem>>
    %dma_start3A_137 = arith.constant 1664 : i32
    %dma_start3A_138 = tpu.memref_slice %arg5[%dma_start3A_137] : memref<2560xi32, #tpu.memory_space<vmem>> -> memref<128xi32, #tpu.memory_space<vmem>>
    %dma_start3A_139 = arith.constant 0 : i32
    %dma_start3A_140 = arith.constant 0 : i32
    %dma_start3A_141 = tpu.memref_slice %arg3[%dma_start3A_139, %dma_start3A_140] : memref<1000000x32xf32, #tpu.memory_space<hbm>> -> memref<1000000x32xf32, #tpu.memory_space<hbm>>
    tpu.enqueue_indirect_dma source(%dma_start3A_141 : memref<1000000x32xf32, #tpu.memory_space<hbm>>) target(%dma_start3A_136 : memref<128x32xf32, #tpu.memory_space<vmem>>) offsets(%dma_start3A_138 : memref<128xi32, #tpu.memory_space<vmem>>) semaphore(%arg7 : memref<!tpu.dma_semaphore, #tpu.memory_space<semaphore_mem>>)
    %dma_start3A_142 = arith.constant 14 : i32
    %dma_start3A_143 = arith.constant 0 : i32
    %dma_start3A_144 = arith.constant 0 : i32
    %dma_start3A_145 = tpu.memref_slice %arg6[%dma_start3A_142, %dma_start3A_143, %dma_start3A_144] : memref<20x128x32xf32, #tpu.memory_space<vmem>> -> memref<1x128x32xf32, #tpu.memory_space<vmem>>
    %dma_start3A_146 = tpu.memref_squeeze %dma_start3A_145 : memref<1x128x32xf32, #tpu.memory_space<vmem>> -> memref<128x32xf32, #tpu.memory_space<vmem>>
    %dma_start3A_147 = arith.constant 1792 : i32
    %dma_start3A_148 = tpu.memref_slice %arg5[%dma_start3A_147] : memref<2560xi32, #tpu.memory_space<vmem>> -> memref<128xi32, #tpu.memory_space<vmem>>
    %dma_start3A_149 = arith.constant 0 : i32
    %dma_start3A_150 = arith.constant 0 : i32
    %dma_start3A_151 = tpu.memref_slice %arg3[%dma_start3A_149, %dma_start3A_150] : memref<1000000x32xf32, #tpu.memory_space<hbm>> -> memref<1000000x32xf32, #tpu.memory_space<hbm>>
    tpu.enqueue_indirect_dma source(%dma_start3A_151 : memref<1000000x32xf32, #tpu.memory_space<hbm>>) target(%dma_start3A_146 : memref<128x32xf32, #tpu.memory_space<vmem>>) offsets(%dma_start3A_148 : memref<128xi32, #tpu.memory_space<vmem>>) semaphore(%arg7 : memref<!tpu.dma_semaphore, #tpu.memory_space<semaphore_mem>>)
    %dma_start3A_152 = arith.constant 15 : i32
    %dma_start3A_153 = arith.constant 0 : i32
    %dma_start3A_154 = arith.constant 0 : i32
    %dma_start3A_155 = tpu.memref_slice %arg6[%dma_start3A_152, %dma_start3A_153, %dma_start3A_154] : memref<20x128x32xf32, #tpu.memory_space<vmem>> -> memref<1x128x32xf32, #tpu.memory_space<vmem>>
    %dma_start3A_156 = tpu.memref_squeeze %dma_start3A_155 : memref<1x128x32xf32, #tpu.memory_space<vmem>> -> memref<128x32xf32, #tpu.memory_space<vmem>>
    %dma_start3A_157 = arith.constant 1920 : i32
    %dma_start3A_158 = tpu.memref_slice %arg5[%dma_start3A_157] : memref<2560xi32, #tpu.memory_space<vmem>> -> memref<128xi32, #tpu.memory_space<vmem>>
    %dma_start3A_159 = arith.constant 0 : i32
    %dma_start3A_160 = arith.constant 0 : i32
    %dma_start3A_161 = tpu.memref_slice %arg3[%dma_start3A_159, %dma_start3A_160] : memref<1000000x32xf32, #tpu.memory_space<hbm>> -> memref<1000000x32xf32, #tpu.memory_space<hbm>>
    tpu.enqueue_indirect_dma source(%dma_start3A_161 : memref<1000000x32xf32, #tpu.memory_space<hbm>>) target(%dma_start3A_156 : memref<128x32xf32, #tpu.memory_space<vmem>>) offsets(%dma_start3A_158 : memref<128xi32, #tpu.memory_space<vmem>>) semaphore(%arg7 : memref<!tpu.dma_semaphore, #tpu.memory_space<semaphore_mem>>)
    %dma_start3A_162 = arith.constant 16 : i32
    %dma_start3A_163 = arith.constant 0 : i32
    %dma_start3A_164 = arith.constant 0 : i32
    %dma_start3A_165 = tpu.memref_slice %arg6[%dma_start3A_162, %dma_start3A_163, %dma_start3A_164] : memref<20x128x32xf32, #tpu.memory_space<vmem>> -> memref<1x128x32xf32, #tpu.memory_space<vmem>>
    %dma_start3A_166 = tpu.memref_squeeze %dma_start3A_165 : memref<1x128x32xf32, #tpu.memory_space<vmem>> -> memref<128x32xf32, #tpu.memory_space<vmem>>
    %dma_start3A_167 = arith.constant 2048 : i32
    %dma_start3A_168 = tpu.memref_slice %arg5[%dma_start3A_167] : memref<2560xi32, #tpu.memory_space<vmem>> -> memref<128xi32, #tpu.memory_space<vmem>>
    %dma_start3A_169 = arith.constant 0 : i32
    %dma_start3A_170 = arith.constant 0 : i32
    %dma_start3A_171 = tpu.memref_slice %arg3[%dma_start3A_169, %dma_start3A_170] : memref<1000000x32xf32, #tpu.memory_space<hbm>> -> memref<1000000x32xf32, #tpu.memory_space<hbm>>
    tpu.enqueue_indirect_dma source(%dma_start3A_171 : memref<1000000x32xf32, #tpu.memory_space<hbm>>) target(%dma_start3A_166 : memref<128x32xf32, #tpu.memory_space<vmem>>) offsets(%dma_start3A_168 : memref<128xi32, #tpu.memory_space<vmem>>) semaphore(%arg7 : memref<!tpu.dma_semaphore, #tpu.memory_space<semaphore_mem>>)
    %dma_start3A_172 = arith.constant 17 : i32
    %dma_start3A_173 = arith.constant 0 : i32
    %dma_start3A_174 = arith.constant 0 : i32
    %dma_start3A_175 = tpu.memref_slice %arg6[%dma_start3A_172, %dma_start3A_173, %dma_start3A_174] : memref<20x128x32xf32, #tpu.memory_space<vmem>> -> memref<1x128x32xf32, #tpu.memory_space<vmem>>
    %dma_start3A_176 = tpu.memref_squeeze %dma_start3A_175 : memref<1x128x32xf32, #tpu.memory_space<vmem>> -> memref<128x32xf32, #tpu.memory_space<vmem>>
    %dma_start3A_177 = arith.constant 2176 : i32
    %dma_start3A_178 = tpu.memref_slice %arg5[%dma_start3A_177] : memref<2560xi32, #tpu.memory_space<vmem>> -> memref<128xi32, #tpu.memory_space<vmem>>
    %dma_start3A_179 = arith.constant 0 : i32
    %dma_start3A_180 = arith.constant 0 : i32
    %dma_start3A_181 = tpu.memref_slice %arg3[%dma_start3A_179, %dma_start3A_180] : memref<1000000x32xf32, #tpu.memory_space<hbm>> -> memref<1000000x32xf32, #tpu.memory_space<hbm>>
    tpu.enqueue_indirect_dma source(%dma_start3A_181 : memref<1000000x32xf32, #tpu.memory_space<hbm>>) target(%dma_start3A_176 : memref<128x32xf32, #tpu.memory_space<vmem>>) offsets(%dma_start3A_178 : memref<128xi32, #tpu.memory_space<vmem>>) semaphore(%arg7 : memref<!tpu.dma_semaphore, #tpu.memory_space<semaphore_mem>>)
    %dma_start3A_182 = arith.constant 18 : i32
    %dma_start3A_183 = arith.constant 0 : i32
    %dma_start3A_184 = arith.constant 0 : i32
    %dma_start3A_185 = tpu.memref_slice %arg6[%dma_start3A_182, %dma_start3A_183, %dma_start3A_184] : memref<20x128x32xf32, #tpu.memory_space<vmem>> -> memref<1x128x32xf32, #tpu.memory_space<vmem>>
    %dma_start3A_186 = tpu.memref_squeeze %dma_start3A_185 : memref<1x128x32xf32, #tpu.memory_space<vmem>> -> memref<128x32xf32, #tpu.memory_space<vmem>>
    %dma_start3A_187 = arith.constant 2304 : i32
    %dma_start3A_188 = tpu.memref_slice %arg5[%dma_start3A_187] : memref<2560xi32, #tpu.memory_space<vmem>> -> memref<128xi32, #tpu.memory_space<vmem>>
    %dma_start3A_189 = arith.constant 0 : i32
    %dma_start3A_190 = arith.constant 0 : i32
    %dma_start3A_191 = tpu.memref_slice %arg3[%dma_start3A_189, %dma_start3A_190] : memref<1000000x32xf32, #tpu.memory_space<hbm>> -> memref<1000000x32xf32, #tpu.memory_space<hbm>>
    tpu.enqueue_indirect_dma source(%dma_start3A_191 : memref<1000000x32xf32, #tpu.memory_space<hbm>>) target(%dma_start3A_186 : memref<128x32xf32, #tpu.memory_space<vmem>>) offsets(%dma_start3A_188 : memref<128xi32, #tpu.memory_space<vmem>>) semaphore(%arg7 : memref<!tpu.dma_semaphore, #tpu.memory_space<semaphore_mem>>)
    %dma_start3A_192 = arith.constant 19 : i32
    %dma_start3A_193 = arith.constant 0 : i32
    %dma_start3A_194 = arith.constant 0 : i32
    %dma_start3A_195 = tpu.memref_slice %arg6[%dma_start3A_192, %dma_start3A_193, %dma_start3A_194] : memref<20x128x32xf32, #tpu.memory_space<vmem>> -> memref<1x128x32xf32, #tpu.memory_space<vmem>>
    %dma_start3A_196 = tpu.memref_squeeze %dma_start3A_195 : memref<1x128x32xf32, #tpu.memory_space<vmem>> -> memref<128x32xf32, #tpu.memory_space<vmem>>
    %dma_start3A_197 = arith.constant 2432 : i32
    %dma_start3A_198 = tpu.memref_slice %arg5[%dma_start3A_197] : memref<2560xi32, #tpu.memory_space<vmem>> -> memref<128xi32, #tpu.memory_space<vmem>>
    %dma_start3A_199 = arith.constant 0 : i32
    %dma_start3A_200 = arith.constant 0 : i32
    %dma_start3A_201 = tpu.memref_slice %arg3[%dma_start3A_199, %dma_start3A_200] : memref<1000000x32xf32, #tpu.memory_space<hbm>> -> memref<1000000x32xf32, #tpu.memory_space<hbm>>
    tpu.enqueue_indirect_dma source(%dma_start3A_201 : memref<1000000x32xf32, #tpu.memory_space<hbm>>) target(%dma_start3A_196 : memref<128x32xf32, #tpu.memory_space<vmem>>) offsets(%dma_start3A_198 : memref<128xi32, #tpu.memory_space<vmem>>) semaphore(%arg7 : memref<!tpu.dma_semaphore, #tpu.memory_space<semaphore_mem>>)
    %dma_wait3A = arith.constant 0 : i32
    "tpu.trace_stop"() : () -> ()
    "tpu.trace_start"() <{level = 10 : i32, message = "item_drain"}> : () -> ()
    %dma_wait3A_202 = arith.constant 0 : i32
    %dma_wait3A_203 = arith.constant 0 : i32
    %dma_wait3A_204 = tpu.memref_slice %arg6[%dma_wait3A, %dma_wait3A_202, %dma_wait3A_203] : memref<20x128x32xf32, #tpu.memory_space<vmem>> -> memref<1x128x32xf32, #tpu.memory_space<vmem>>
    %dma_wait3A_205 = tpu.memref_squeeze %dma_wait3A_204 : memref<1x128x32xf32, #tpu.memory_space<vmem>> -> memref<128x32xf32, #tpu.memory_space<vmem>>
    %dma_wait3A_206 = arith.constant 0 : i32
    %dma_wait3A_207 = arith.constant 0 : i32
    %dma_wait3A_208 = tpu.memref_slice %arg3[%dma_wait3A_206, %dma_wait3A_207] : memref<1000000x32xf32, #tpu.memory_space<hbm>> -> memref<128x32xf32, #tpu.memory_space<hbm>>
    %dma_wait3A_209 = arith.constant 0 : i32
    %dma_wait3A_210 = arith.constant 0 : i32
    %dma_wait3A_211 = tpu.memref_slice %arg6[%dma_wait3A, %dma_wait3A_209, %dma_wait3A_210] : memref<20x128x32xf32, #tpu.memory_space<vmem>> -> memref<1x128x32xf32, #tpu.memory_space<vmem>>
    %dma_wait3A_212 = tpu.memref_squeeze %dma_wait3A_211 : memref<1x128x32xf32, #tpu.memory_space<vmem>> -> memref<128x32xf32, #tpu.memory_space<vmem>>
    %dma_wait3A_213 = arith.constant 0 : i32
    %dma_wait3A_214 = arith.constant 0 : i32
    %dma_wait3A_215 = tpu.memref_slice %arg3[%dma_wait3A_213, %dma_wait3A_214] : memref<1000000x32xf32, #tpu.memory_space<hbm>> -> memref<128x32xf32, #tpu.memory_space<hbm>>
    tpu.wait_dma2 semaphore(%arg7 : memref<!tpu.dma_semaphore, #tpu.memory_space<semaphore_mem>>) src(%dma_wait3A_215 : memref<128x32xf32, #tpu.memory_space<hbm>>) dst(%dma_wait3A_212 : memref<128x32xf32, #tpu.memory_space<vmem>>)
    %mul3A_216 = arith.constant 2560 : i32
    %mul3A_217 = arith.muli %add3A, %mul3A_216 : i32
    %add3A_218 = arith.constant 0 : i32
    %add3A_219 = arith.addi %mul3A_217, %add3A_218 : i32
    %dma_start3A_220 = arith.constant 0 : i32
    %dma_start3A_221 = arith.constant 0 : i32
    %dma_start3A_222 = arith.constant 0 : i32
    %dma_start3A_223 = tpu.memref_slice %arg6[%dma_start3A_220, %dma_start3A_221, %dma_start3A_222] : memref<20x128x32xf32, #tpu.memory_space<vmem>> -> memref<1x128x32xf32, #tpu.memory_space<vmem>>
    %dma_start3A_224 = tpu.memref_squeeze %dma_start3A_223 : memref<1x128x32xf32, #tpu.memory_space<vmem>> -> memref<128x32xf32, #tpu.memory_space<vmem>>
    %dma_start3A_225 = arith.constant 0 : i32
    %dma_start3A_226 = tpu.memref_slice %arg4[%add3A_219, %dma_start3A_225] : memref<81920x32xf32, #tpu.memory_space<hbm>> -> memref<128x32xf32, #tpu.memory_space<hbm>>
    %dma_start3A_227 = arith.constant 0 : i32
    %dma_start3A_228 = tpu.memref_slice %arg4[%add3A_219, %dma_start3A_227] : memref<81920x32xf32, #tpu.memory_space<hbm>> -> memref<128x32xf32, #tpu.memory_space<hbm>>
    %dma_start3A_229 = arith.constant 0 : i32
    %dma_start3A_230 = arith.constant 0 : i32
    %dma_start3A_231 = tpu.memref_slice %arg6[%dma_start3A_220, %dma_start3A_229, %dma_start3A_230] : memref<20x128x32xf32, #tpu.memory_space<vmem>> -> memref<1x128x32xf32, #tpu.memory_space<vmem>>
    %dma_start3A_232 = tpu.memref_squeeze %dma_start3A_231 : memref<1x128x32xf32, #tpu.memory_space<vmem>> -> memref<128x32xf32, #tpu.memory_space<vmem>>
    tpu.enqueue_dma source(%dma_start3A_232 : memref<128x32xf32, #tpu.memory_space<vmem>>) target(%dma_start3A_228 : memref<128x32xf32, #tpu.memory_space<hbm>>) target_semaphore(%arg8 : memref<!tpu.dma_semaphore, #tpu.memory_space<semaphore_mem>>)
    %dma_wait3A_233 = arith.constant 1 : i32
    %dma_wait3A_234 = arith.constant 0 : i32
    %dma_wait3A_235 = arith.constant 0 : i32
    %dma_wait3A_236 = tpu.memref_slice %arg6[%dma_wait3A_233, %dma_wait3A_234, %dma_wait3A_235] : memref<20x128x32xf32, #tpu.memory_space<vmem>> -> memref<1x128x32xf32, #tpu.memory_space<vmem>>
    %dma_wait3A_237 = tpu.memref_squeeze %dma_wait3A_236 : memref<1x128x32xf32, #tpu.memory_space<vmem>> -> memref<128x32xf32, #tpu.memory_space<vmem>>
    %dma_wait3A_238 = arith.constant 0 : i32
    %dma_wait3A_239 = arith.constant 0 : i32
    %dma_wait3A_240 = tpu.memref_slice %arg3[%dma_wait3A_238, %dma_wait3A_239] : memref<1000000x32xf32, #tpu.memory_space<hbm>> -> memref<128x32xf32, #tpu.memory_space<hbm>>
    %dma_wait3A_241 = arith.constant 0 : i32
    %dma_wait3A_242 = arith.constant 0 : i32
    %dma_wait3A_243 = tpu.memref_slice %arg6[%dma_wait3A_233, %dma_wait3A_241, %dma_wait3A_242] : memref<20x128x32xf32, #tpu.memory_space<vmem>> -> memref<1x128x32xf32, #tpu.memory_space<vmem>>
    %dma_wait3A_244 = tpu.memref_squeeze %dma_wait3A_243 : memref<1x128x32xf32, #tpu.memory_space<vmem>> -> memref<128x32xf32, #tpu.memory_space<vmem>>
    %dma_wait3A_245 = arith.constant 0 : i32
    %dma_wait3A_246 = arith.constant 0 : i32
    %dma_wait3A_247 = tpu.memref_slice %arg3[%dma_wait3A_245, %dma_wait3A_246] : memref<1000000x32xf32, #tpu.memory_space<hbm>> -> memref<128x32xf32, #tpu.memory_space<hbm>>
    tpu.wait_dma2 semaphore(%arg7 : memref<!tpu.dma_semaphore, #tpu.memory_space<semaphore_mem>>) src(%dma_wait3A_247 : memref<128x32xf32, #tpu.memory_space<hbm>>) dst(%dma_wait3A_244 : memref<128x32xf32, #tpu.memory_space<vmem>>)
    %mul3A_248 = arith.constant 2560 : i32
    %mul3A_249 = arith.muli %add3A, %mul3A_248 : i32
    %add3A_250 = arith.constant 128 : i32
    %add3A_251 = arith.addi %mul3A_249, %add3A_250 : i32
    %dma_start3A_252 = arith.constant 1 : i32
    %dma_start3A_253 = arith.constant 0 : i32
    %dma_start3A_254 = arith.constant 0 : i32
    %dma_start3A_255 = tpu.memref_slice %arg6[%dma_start3A_252, %dma_start3A_253, %dma_start3A_254] : memref<20x128x32xf32, #tpu.memory_space<vmem>> -> memref<1x128x32xf32, #tpu.memory_space<vmem>>
    %dma_start3A_256 = tpu.memref_squeeze %dma_start3A_255 : memref<1x128x32xf32, #tpu.memory_space<vmem>> -> memref<128x32xf32, #tpu.memory_space<vmem>>
    %dma_start3A_257 = arith.constant 0 : i32
    %dma_start3A_258 = tpu.memref_slice %arg4[%add3A_251, %dma_start3A_257] : memref<81920x32xf32, #tpu.memory_space<hbm>> -> memref<128x32xf32, #tpu.memory_space<hbm>>
    %dma_start3A_259 = arith.constant 0 : i32
    %dma_start3A_260 = tpu.memref_slice %arg4[%add3A_251, %dma_start3A_259] : memref<81920x32xf32, #tpu.memory_space<hbm>> -> memref<128x32xf32, #tpu.memory_space<hbm>>
    %dma_start3A_261 = arith.constant 0 : i32
    %dma_start3A_262 = arith.constant 0 : i32
    %dma_start3A_263 = tpu.memref_slice %arg6[%dma_start3A_252, %dma_start3A_261, %dma_start3A_262] : memref<20x128x32xf32, #tpu.memory_space<vmem>> -> memref<1x128x32xf32, #tpu.memory_space<vmem>>
    %dma_start3A_264 = tpu.memref_squeeze %dma_start3A_263 : memref<1x128x32xf32, #tpu.memory_space<vmem>> -> memref<128x32xf32, #tpu.memory_space<vmem>>
    tpu.enqueue_dma source(%dma_start3A_264 : memref<128x32xf32, #tpu.memory_space<vmem>>) target(%dma_start3A_260 : memref<128x32xf32, #tpu.memory_space<hbm>>) target_semaphore(%arg8 : memref<!tpu.dma_semaphore, #tpu.memory_space<semaphore_mem>>)
    %dma_wait3A_265 = arith.constant 2 : i32
    %dma_wait3A_266 = arith.constant 0 : i32
    %dma_wait3A_267 = arith.constant 0 : i32
    %dma_wait3A_268 = tpu.memref_slice %arg6[%dma_wait3A_265, %dma_wait3A_266, %dma_wait3A_267] : memref<20x128x32xf32, #tpu.memory_space<vmem>> -> memref<1x128x32xf32, #tpu.memory_space<vmem>>
    %dma_wait3A_269 = tpu.memref_squeeze %dma_wait3A_268 : memref<1x128x32xf32, #tpu.memory_space<vmem>> -> memref<128x32xf32, #tpu.memory_space<vmem>>
    %dma_wait3A_270 = arith.constant 0 : i32
    %dma_wait3A_271 = arith.constant 0 : i32
    %dma_wait3A_272 = tpu.memref_slice %arg3[%dma_wait3A_270, %dma_wait3A_271] : memref<1000000x32xf32, #tpu.memory_space<hbm>> -> memref<128x32xf32, #tpu.memory_space<hbm>>
    %dma_wait3A_273 = arith.constant 0 : i32
    %dma_wait3A_274 = arith.constant 0 : i32
    %dma_wait3A_275 = tpu.memref_slice %arg6[%dma_wait3A_265, %dma_wait3A_273, %dma_wait3A_274] : memref<20x128x32xf32, #tpu.memory_space<vmem>> -> memref<1x128x32xf32, #tpu.memory_space<vmem>>
    %dma_wait3A_276 = tpu.memref_squeeze %dma_wait3A_275 : memref<1x128x32xf32, #tpu.memory_space<vmem>> -> memref<128x32xf32, #tpu.memory_space<vmem>>
    %dma_wait3A_277 = arith.constant 0 : i32
    %dma_wait3A_278 = arith.constant 0 : i32
    %dma_wait3A_279 = tpu.memref_slice %arg3[%dma_wait3A_277, %dma_wait3A_278] : memref<1000000x32xf32, #tpu.memory_space<hbm>> -> memref<128x32xf32, #tpu.memory_space<hbm>>
    tpu.wait_dma2 semaphore(%arg7 : memref<!tpu.dma_semaphore, #tpu.memory_space<semaphore_mem>>) src(%dma_wait3A_279 : memref<128x32xf32, #tpu.memory_space<hbm>>) dst(%dma_wait3A_276 : memref<128x32xf32, #tpu.memory_space<vmem>>)
    %mul3A_280 = arith.constant 2560 : i32
    %mul3A_281 = arith.muli %add3A, %mul3A_280 : i32
    %add3A_282 = arith.constant 256 : i32
    %add3A_283 = arith.addi %mul3A_281, %add3A_282 : i32
    %dma_start3A_284 = arith.constant 2 : i32
    %dma_start3A_285 = arith.constant 0 : i32
    %dma_start3A_286 = arith.constant 0 : i32
    %dma_start3A_287 = tpu.memref_slice %arg6[%dma_start3A_284, %dma_start3A_285, %dma_start3A_286] : memref<20x128x32xf32, #tpu.memory_space<vmem>> -> memref<1x128x32xf32, #tpu.memory_space<vmem>>
    %dma_start3A_288 = tpu.memref_squeeze %dma_start3A_287 : memref<1x128x32xf32, #tpu.memory_space<vmem>> -> memref<128x32xf32, #tpu.memory_space<vmem>>
    %dma_start3A_289 = arith.constant 0 : i32
    %dma_start3A_290 = tpu.memref_slice %arg4[%add3A_283, %dma_start3A_289] : memref<81920x32xf32, #tpu.memory_space<hbm>> -> memref<128x32xf32, #tpu.memory_space<hbm>>
    %dma_start3A_291 = arith.constant 0 : i32
    %dma_start3A_292 = tpu.memref_slice %arg4[%add3A_283, %dma_start3A_291] : memref<81920x32xf32, #tpu.memory_space<hbm>> -> memref<128x32xf32, #tpu.memory_space<hbm>>
    %dma_start3A_293 = arith.constant 0 : i32
    %dma_start3A_294 = arith.constant 0 : i32
    %dma_start3A_295 = tpu.memref_slice %arg6[%dma_start3A_284, %dma_start3A_293, %dma_start3A_294] : memref<20x128x32xf32, #tpu.memory_space<vmem>> -> memref<1x128x32xf32, #tpu.memory_space<vmem>>
    %dma_start3A_296 = tpu.memref_squeeze %dma_start3A_295 : memref<1x128x32xf32, #tpu.memory_space<vmem>> -> memref<128x32xf32, #tpu.memory_space<vmem>>
    tpu.enqueue_dma source(%dma_start3A_296 : memref<128x32xf32, #tpu.memory_space<vmem>>) target(%dma_start3A_292 : memref<128x32xf32, #tpu.memory_space<hbm>>) target_semaphore(%arg8 : memref<!tpu.dma_semaphore, #tpu.memory_space<semaphore_mem>>)
    %dma_wait3A_297 = arith.constant 3 : i32
    %dma_wait3A_298 = arith.constant 0 : i32
    %dma_wait3A_299 = arith.constant 0 : i32
    %dma_wait3A_300 = tpu.memref_slice %arg6[%dma_wait3A_297, %dma_wait3A_298, %dma_wait3A_299] : memref<20x128x32xf32, #tpu.memory_space<vmem>> -> memref<1x128x32xf32, #tpu.memory_space<vmem>>
    %dma_wait3A_301 = tpu.memref_squeeze %dma_wait3A_300 : memref<1x128x32xf32, #tpu.memory_space<vmem>> -> memref<128x32xf32, #tpu.memory_space<vmem>>
    %dma_wait3A_302 = arith.constant 0 : i32
    %dma_wait3A_303 = arith.constant 0 : i32
    %dma_wait3A_304 = tpu.memref_slice %arg3[%dma_wait3A_302, %dma_wait3A_303] : memref<1000000x32xf32, #tpu.memory_space<hbm>> -> memref<128x32xf32, #tpu.memory_space<hbm>>
    %dma_wait3A_305 = arith.constant 0 : i32
    %dma_wait3A_306 = arith.constant 0 : i32
    %dma_wait3A_307 = tpu.memref_slice %arg6[%dma_wait3A_297, %dma_wait3A_305, %dma_wait3A_306] : memref<20x128x32xf32, #tpu.memory_space<vmem>> -> memref<1x128x32xf32, #tpu.memory_space<vmem>>
    %dma_wait3A_308 = tpu.memref_squeeze %dma_wait3A_307 : memref<1x128x32xf32, #tpu.memory_space<vmem>> -> memref<128x32xf32, #tpu.memory_space<vmem>>
    %dma_wait3A_309 = arith.constant 0 : i32
    %dma_wait3A_310 = arith.constant 0 : i32
    %dma_wait3A_311 = tpu.memref_slice %arg3[%dma_wait3A_309, %dma_wait3A_310] : memref<1000000x32xf32, #tpu.memory_space<hbm>> -> memref<128x32xf32, #tpu.memory_space<hbm>>
    tpu.wait_dma2 semaphore(%arg7 : memref<!tpu.dma_semaphore, #tpu.memory_space<semaphore_mem>>) src(%dma_wait3A_311 : memref<128x32xf32, #tpu.memory_space<hbm>>) dst(%dma_wait3A_308 : memref<128x32xf32, #tpu.memory_space<vmem>>)
    %mul3A_312 = arith.constant 2560 : i32
    %mul3A_313 = arith.muli %add3A, %mul3A_312 : i32
    %add3A_314 = arith.constant 384 : i32
    %add3A_315 = arith.addi %mul3A_313, %add3A_314 : i32
    %dma_start3A_316 = arith.constant 3 : i32
    %dma_start3A_317 = arith.constant 0 : i32
    %dma_start3A_318 = arith.constant 0 : i32
    %dma_start3A_319 = tpu.memref_slice %arg6[%dma_start3A_316, %dma_start3A_317, %dma_start3A_318] : memref<20x128x32xf32, #tpu.memory_space<vmem>> -> memref<1x128x32xf32, #tpu.memory_space<vmem>>
    %dma_start3A_320 = tpu.memref_squeeze %dma_start3A_319 : memref<1x128x32xf32, #tpu.memory_space<vmem>> -> memref<128x32xf32, #tpu.memory_space<vmem>>
    %dma_start3A_321 = arith.constant 0 : i32
    %dma_start3A_322 = tpu.memref_slice %arg4[%add3A_315, %dma_start3A_321] : memref<81920x32xf32, #tpu.memory_space<hbm>> -> memref<128x32xf32, #tpu.memory_space<hbm>>
    %dma_start3A_323 = arith.constant 0 : i32
    %dma_start3A_324 = tpu.memref_slice %arg4[%add3A_315, %dma_start3A_323] : memref<81920x32xf32, #tpu.memory_space<hbm>> -> memref<128x32xf32, #tpu.memory_space<hbm>>
    %dma_start3A_325 = arith.constant 0 : i32
    %dma_start3A_326 = arith.constant 0 : i32
    %dma_start3A_327 = tpu.memref_slice %arg6[%dma_start3A_316, %dma_start3A_325, %dma_start3A_326] : memref<20x128x32xf32, #tpu.memory_space<vmem>> -> memref<1x128x32xf32, #tpu.memory_space<vmem>>
    %dma_start3A_328 = tpu.memref_squeeze %dma_start3A_327 : memref<1x128x32xf32, #tpu.memory_space<vmem>> -> memref<128x32xf32, #tpu.memory_space<vmem>>
    tpu.enqueue_dma source(%dma_start3A_328 : memref<128x32xf32, #tpu.memory_space<vmem>>) target(%dma_start3A_324 : memref<128x32xf32, #tpu.memory_space<hbm>>) target_semaphore(%arg8 : memref<!tpu.dma_semaphore, #tpu.memory_space<semaphore_mem>>)
    %dma_wait3A_329 = arith.constant 4 : i32
    %dma_wait3A_330 = arith.constant 0 : i32
    %dma_wait3A_331 = arith.constant 0 : i32
    %dma_wait3A_332 = tpu.memref_slice %arg6[%dma_wait3A_329, %dma_wait3A_330, %dma_wait3A_331] : memref<20x128x32xf32, #tpu.memory_space<vmem>> -> memref<1x128x32xf32, #tpu.memory_space<vmem>>
    %dma_wait3A_333 = tpu.memref_squeeze %dma_wait3A_332 : memref<1x128x32xf32, #tpu.memory_space<vmem>> -> memref<128x32xf32, #tpu.memory_space<vmem>>
    %dma_wait3A_334 = arith.constant 0 : i32
    %dma_wait3A_335 = arith.constant 0 : i32
    %dma_wait3A_336 = tpu.memref_slice %arg3[%dma_wait3A_334, %dma_wait3A_335] : memref<1000000x32xf32, #tpu.memory_space<hbm>> -> memref<128x32xf32, #tpu.memory_space<hbm>>
    %dma_wait3A_337 = arith.constant 0 : i32
    %dma_wait3A_338 = arith.constant 0 : i32
    %dma_wait3A_339 = tpu.memref_slice %arg6[%dma_wait3A_329, %dma_wait3A_337, %dma_wait3A_338] : memref<20x128x32xf32, #tpu.memory_space<vmem>> -> memref<1x128x32xf32, #tpu.memory_space<vmem>>
    %dma_wait3A_340 = tpu.memref_squeeze %dma_wait3A_339 : memref<1x128x32xf32, #tpu.memory_space<vmem>> -> memref<128x32xf32, #tpu.memory_space<vmem>>
    %dma_wait3A_341 = arith.constant 0 : i32
    %dma_wait3A_342 = arith.constant 0 : i32
    %dma_wait3A_343 = tpu.memref_slice %arg3[%dma_wait3A_341, %dma_wait3A_342] : memref<1000000x32xf32, #tpu.memory_space<hbm>> -> memref<128x32xf32, #tpu.memory_space<hbm>>
    tpu.wait_dma2 semaphore(%arg7 : memref<!tpu.dma_semaphore, #tpu.memory_space<semaphore_mem>>) src(%dma_wait3A_343 : memref<128x32xf32, #tpu.memory_space<hbm>>) dst(%dma_wait3A_340 : memref<128x32xf32, #tpu.memory_space<vmem>>)
    %mul3A_344 = arith.constant 2560 : i32
    %mul3A_345 = arith.muli %add3A, %mul3A_344 : i32
    %add3A_346 = arith.constant 512 : i32
    %add3A_347 = arith.addi %mul3A_345, %add3A_346 : i32
    %dma_start3A_348 = arith.constant 4 : i32
    %dma_start3A_349 = arith.constant 0 : i32
    %dma_start3A_350 = arith.constant 0 : i32
    %dma_start3A_351 = tpu.memref_slice %arg6[%dma_start3A_348, %dma_start3A_349, %dma_start3A_350] : memref<20x128x32xf32, #tpu.memory_space<vmem>> -> memref<1x128x32xf32, #tpu.memory_space<vmem>>
    %dma_start3A_352 = tpu.memref_squeeze %dma_start3A_351 : memref<1x128x32xf32, #tpu.memory_space<vmem>> -> memref<128x32xf32, #tpu.memory_space<vmem>>
    %dma_start3A_353 = arith.constant 0 : i32
    %dma_start3A_354 = tpu.memref_slice %arg4[%add3A_347, %dma_start3A_353] : memref<81920x32xf32, #tpu.memory_space<hbm>> -> memref<128x32xf32, #tpu.memory_space<hbm>>
    %dma_start3A_355 = arith.constant 0 : i32
    %dma_start3A_356 = tpu.memref_slice %arg4[%add3A_347, %dma_start3A_355] : memref<81920x32xf32, #tpu.memory_space<hbm>> -> memref<128x32xf32, #tpu.memory_space<hbm>>
    %dma_start3A_357 = arith.constant 0 : i32
    %dma_start3A_358 = arith.constant 0 : i32
    %dma_start3A_359 = tpu.memref_slice %arg6[%dma_start3A_348, %dma_start3A_357, %dma_start3A_358] : memref<20x128x32xf32, #tpu.memory_space<vmem>> -> memref<1x128x32xf32, #tpu.memory_space<vmem>>
    %dma_start3A_360 = tpu.memref_squeeze %dma_start3A_359 : memref<1x128x32xf32, #tpu.memory_space<vmem>> -> memref<128x32xf32, #tpu.memory_space<vmem>>
    tpu.enqueue_dma source(%dma_start3A_360 : memref<128x32xf32, #tpu.memory_space<vmem>>) target(%dma_start3A_356 : memref<128x32xf32, #tpu.memory_space<hbm>>) target_semaphore(%arg8 : memref<!tpu.dma_semaphore, #tpu.memory_space<semaphore_mem>>)
    %dma_wait3A_361 = arith.constant 5 : i32
    %dma_wait3A_362 = arith.constant 0 : i32
    %dma_wait3A_363 = arith.constant 0 : i32
    %dma_wait3A_364 = tpu.memref_slice %arg6[%dma_wait3A_361, %dma_wait3A_362, %dma_wait3A_363] : memref<20x128x32xf32, #tpu.memory_space<vmem>> -> memref<1x128x32xf32, #tpu.memory_space<vmem>>
    %dma_wait3A_365 = tpu.memref_squeeze %dma_wait3A_364 : memref<1x128x32xf32, #tpu.memory_space<vmem>> -> memref<128x32xf32, #tpu.memory_space<vmem>>
    %dma_wait3A_366 = arith.constant 0 : i32
    %dma_wait3A_367 = arith.constant 0 : i32
    %dma_wait3A_368 = tpu.memref_slice %arg3[%dma_wait3A_366, %dma_wait3A_367] : memref<1000000x32xf32, #tpu.memory_space<hbm>> -> memref<128x32xf32, #tpu.memory_space<hbm>>
    %dma_wait3A_369 = arith.constant 0 : i32
    %dma_wait3A_370 = arith.constant 0 : i32
    %dma_wait3A_371 = tpu.memref_slice %arg6[%dma_wait3A_361, %dma_wait3A_369, %dma_wait3A_370] : memref<20x128x32xf32, #tpu.memory_space<vmem>> -> memref<1x128x32xf32, #tpu.memory_space<vmem>>
    %dma_wait3A_372 = tpu.memref_squeeze %dma_wait3A_371 : memref<1x128x32xf32, #tpu.memory_space<vmem>> -> memref<128x32xf32, #tpu.memory_space<vmem>>
    %dma_wait3A_373 = arith.constant 0 : i32
    %dma_wait3A_374 = arith.constant 0 : i32
    %dma_wait3A_375 = tpu.memref_slice %arg3[%dma_wait3A_373, %dma_wait3A_374] : memref<1000000x32xf32, #tpu.memory_space<hbm>> -> memref<128x32xf32, #tpu.memory_space<hbm>>
    tpu.wait_dma2 semaphore(%arg7 : memref<!tpu.dma_semaphore, #tpu.memory_space<semaphore_mem>>) src(%dma_wait3A_375 : memref<128x32xf32, #tpu.memory_space<hbm>>) dst(%dma_wait3A_372 : memref<128x32xf32, #tpu.memory_space<vmem>>)
    %mul3A_376 = arith.constant 2560 : i32
    %mul3A_377 = arith.muli %add3A, %mul3A_376 : i32
    %add3A_378 = arith.constant 640 : i32
    %add3A_379 = arith.addi %mul3A_377, %add3A_378 : i32
    %dma_start3A_380 = arith.constant 5 : i32
    %dma_start3A_381 = arith.constant 0 : i32
    %dma_start3A_382 = arith.constant 0 : i32
    %dma_start3A_383 = tpu.memref_slice %arg6[%dma_start3A_380, %dma_start3A_381, %dma_start3A_382] : memref<20x128x32xf32, #tpu.memory_space<vmem>> -> memref<1x128x32xf32, #tpu.memory_space<vmem>>
    %dma_start3A_384 = tpu.memref_squeeze %dma_start3A_383 : memref<1x128x32xf32, #tpu.memory_space<vmem>> -> memref<128x32xf32, #tpu.memory_space<vmem>>
    %dma_start3A_385 = arith.constant 0 : i32
    %dma_start3A_386 = tpu.memref_slice %arg4[%add3A_379, %dma_start3A_385] : memref<81920x32xf32, #tpu.memory_space<hbm>> -> memref<128x32xf32, #tpu.memory_space<hbm>>
    %dma_start3A_387 = arith.constant 0 : i32
    %dma_start3A_388 = tpu.memref_slice %arg4[%add3A_379, %dma_start3A_387] : memref<81920x32xf32, #tpu.memory_space<hbm>> -> memref<128x32xf32, #tpu.memory_space<hbm>>
    %dma_start3A_389 = arith.constant 0 : i32
    %dma_start3A_390 = arith.constant 0 : i32
    %dma_start3A_391 = tpu.memref_slice %arg6[%dma_start3A_380, %dma_start3A_389, %dma_start3A_390] : memref<20x128x32xf32, #tpu.memory_space<vmem>> -> memref<1x128x32xf32, #tpu.memory_space<vmem>>
    %dma_start3A_392 = tpu.memref_squeeze %dma_start3A_391 : memref<1x128x32xf32, #tpu.memory_space<vmem>> -> memref<128x32xf32, #tpu.memory_space<vmem>>
    tpu.enqueue_dma source(%dma_start3A_392 : memref<128x32xf32, #tpu.memory_space<vmem>>) target(%dma_start3A_388 : memref<128x32xf32, #tpu.memory_space<hbm>>) target_semaphore(%arg8 : memref<!tpu.dma_semaphore, #tpu.memory_space<semaphore_mem>>)
    %dma_wait3A_393 = arith.constant 6 : i32
    %dma_wait3A_394 = arith.constant 0 : i32
    %dma_wait3A_395 = arith.constant 0 : i32
    %dma_wait3A_396 = tpu.memref_slice %arg6[%dma_wait3A_393, %dma_wait3A_394, %dma_wait3A_395] : memref<20x128x32xf32, #tpu.memory_space<vmem>> -> memref<1x128x32xf32, #tpu.memory_space<vmem>>
    %dma_wait3A_397 = tpu.memref_squeeze %dma_wait3A_396 : memref<1x128x32xf32, #tpu.memory_space<vmem>> -> memref<128x32xf32, #tpu.memory_space<vmem>>
    %dma_wait3A_398 = arith.constant 0 : i32
    %dma_wait3A_399 = arith.constant 0 : i32
    %dma_wait3A_400 = tpu.memref_slice %arg3[%dma_wait3A_398, %dma_wait3A_399] : memref<1000000x32xf32, #tpu.memory_space<hbm>> -> memref<128x32xf32, #tpu.memory_space<hbm>>
    %dma_wait3A_401 = arith.constant 0 : i32
    %dma_wait3A_402 = arith.constant 0 : i32
    %dma_wait3A_403 = tpu.memref_slice %arg6[%dma_wait3A_393, %dma_wait3A_401, %dma_wait3A_402] : memref<20x128x32xf32, #tpu.memory_space<vmem>> -> memref<1x128x32xf32, #tpu.memory_space<vmem>>
    %dma_wait3A_404 = tpu.memref_squeeze %dma_wait3A_403 : memref<1x128x32xf32, #tpu.memory_space<vmem>> -> memref<128x32xf32, #tpu.memory_space<vmem>>
    %dma_wait3A_405 = arith.constant 0 : i32
    %dma_wait3A_406 = arith.constant 0 : i32
    %dma_wait3A_407 = tpu.memref_slice %arg3[%dma_wait3A_405, %dma_wait3A_406] : memref<1000000x32xf32, #tpu.memory_space<hbm>> -> memref<128x32xf32, #tpu.memory_space<hbm>>
    tpu.wait_dma2 semaphore(%arg7 : memref<!tpu.dma_semaphore, #tpu.memory_space<semaphore_mem>>) src(%dma_wait3A_407 : memref<128x32xf32, #tpu.memory_space<hbm>>) dst(%dma_wait3A_404 : memref<128x32xf32, #tpu.memory_space<vmem>>)
    %mul3A_408 = arith.constant 2560 : i32
    %mul3A_409 = arith.muli %add3A, %mul3A_408 : i32
    %add3A_410 = arith.constant 768 : i32
    %add3A_411 = arith.addi %mul3A_409, %add3A_410 : i32
    %dma_start3A_412 = arith.constant 6 : i32
    %dma_start3A_413 = arith.constant 0 : i32
    %dma_start3A_414 = arith.constant 0 : i32
    %dma_start3A_415 = tpu.memref_slice %arg6[%dma_start3A_412, %dma_start3A_413, %dma_start3A_414] : memref<20x128x32xf32, #tpu.memory_space<vmem>> -> memref<1x128x32xf32, #tpu.memory_space<vmem>>
    %dma_start3A_416 = tpu.memref_squeeze %dma_start3A_415 : memref<1x128x32xf32, #tpu.memory_space<vmem>> -> memref<128x32xf32, #tpu.memory_space<vmem>>
    %dma_start3A_417 = arith.constant 0 : i32
    %dma_start3A_418 = tpu.memref_slice %arg4[%add3A_411, %dma_start3A_417] : memref<81920x32xf32, #tpu.memory_space<hbm>> -> memref<128x32xf32, #tpu.memory_space<hbm>>
    %dma_start3A_419 = arith.constant 0 : i32
    %dma_start3A_420 = tpu.memref_slice %arg4[%add3A_411, %dma_start3A_419] : memref<81920x32xf32, #tpu.memory_space<hbm>> -> memref<128x32xf32, #tpu.memory_space<hbm>>
    %dma_start3A_421 = arith.constant 0 : i32
    %dma_start3A_422 = arith.constant 0 : i32
    %dma_start3A_423 = tpu.memref_slice %arg6[%dma_start3A_412, %dma_start3A_421, %dma_start3A_422] : memref<20x128x32xf32, #tpu.memory_space<vmem>> -> memref<1x128x32xf32, #tpu.memory_space<vmem>>
    %dma_start3A_424 = tpu.memref_squeeze %dma_start3A_423 : memref<1x128x32xf32, #tpu.memory_space<vmem>> -> memref<128x32xf32, #tpu.memory_space<vmem>>
    tpu.enqueue_dma source(%dma_start3A_424 : memref<128x32xf32, #tpu.memory_space<vmem>>) target(%dma_start3A_420 : memref<128x32xf32, #tpu.memory_space<hbm>>) target_semaphore(%arg8 : memref<!tpu.dma_semaphore, #tpu.memory_space<semaphore_mem>>)
    %dma_wait3A_425 = arith.constant 7 : i32
    %dma_wait3A_426 = arith.constant 0 : i32
    %dma_wait3A_427 = arith.constant 0 : i32
    %dma_wait3A_428 = tpu.memref_slice %arg6[%dma_wait3A_425, %dma_wait3A_426, %dma_wait3A_427] : memref<20x128x32xf32, #tpu.memory_space<vmem>> -> memref<1x128x32xf32, #tpu.memory_space<vmem>>
    %dma_wait3A_429 = tpu.memref_squeeze %dma_wait3A_428 : memref<1x128x32xf32, #tpu.memory_space<vmem>> -> memref<128x32xf32, #tpu.memory_space<vmem>>
    %dma_wait3A_430 = arith.constant 0 : i32
    %dma_wait3A_431 = arith.constant 0 : i32
    %dma_wait3A_432 = tpu.memref_slice %arg3[%dma_wait3A_430, %dma_wait3A_431] : memref<1000000x32xf32, #tpu.memory_space<hbm>> -> memref<128x32xf32, #tpu.memory_space<hbm>>
    %dma_wait3A_433 = arith.constant 0 : i32
    %dma_wait3A_434 = arith.constant 0 : i32
    %dma_wait3A_435 = tpu.memref_slice %arg6[%dma_wait3A_425, %dma_wait3A_433, %dma_wait3A_434] : memref<20x128x32xf32, #tpu.memory_space<vmem>> -> memref<1x128x32xf32, #tpu.memory_space<vmem>>
    %dma_wait3A_436 = tpu.memref_squeeze %dma_wait3A_435 : memref<1x128x32xf32, #tpu.memory_space<vmem>> -> memref<128x32xf32, #tpu.memory_space<vmem>>
    %dma_wait3A_437 = arith.constant 0 : i32
    %dma_wait3A_438 = arith.constant 0 : i32
    %dma_wait3A_439 = tpu.memref_slice %arg3[%dma_wait3A_437, %dma_wait3A_438] : memref<1000000x32xf32, #tpu.memory_space<hbm>> -> memref<128x32xf32, #tpu.memory_space<hbm>>
    tpu.wait_dma2 semaphore(%arg7 : memref<!tpu.dma_semaphore, #tpu.memory_space<semaphore_mem>>) src(%dma_wait3A_439 : memref<128x32xf32, #tpu.memory_space<hbm>>) dst(%dma_wait3A_436 : memref<128x32xf32, #tpu.memory_space<vmem>>)
    %mul3A_440 = arith.constant 2560 : i32
    %mul3A_441 = arith.muli %add3A, %mul3A_440 : i32
    %add3A_442 = arith.constant 896 : i32
    %add3A_443 = arith.addi %mul3A_441, %add3A_442 : i32
    %dma_start3A_444 = arith.constant 7 : i32
    %dma_start3A_445 = arith.constant 0 : i32
    %dma_start3A_446 = arith.constant 0 : i32
    %dma_start3A_447 = tpu.memref_slice %arg6[%dma_start3A_444, %dma_start3A_445, %dma_start3A_446] : memref<20x128x32xf32, #tpu.memory_space<vmem>> -> memref<1x128x32xf32, #tpu.memory_space<vmem>>
    %dma_start3A_448 = tpu.memref_squeeze %dma_start3A_447 : memref<1x128x32xf32, #tpu.memory_space<vmem>> -> memref<128x32xf32, #tpu.memory_space<vmem>>
    %dma_start3A_449 = arith.constant 0 : i32
    %dma_start3A_450 = tpu.memref_slice %arg4[%add3A_443, %dma_start3A_449] : memref<81920x32xf32, #tpu.memory_space<hbm>> -> memref<128x32xf32, #tpu.memory_space<hbm>>
    %dma_start3A_451 = arith.constant 0 : i32
    %dma_start3A_452 = tpu.memref_slice %arg4[%add3A_443, %dma_start3A_451] : memref<81920x32xf32, #tpu.memory_space<hbm>> -> memref<128x32xf32, #tpu.memory_space<hbm>>
    %dma_start3A_453 = arith.constant 0 : i32
    %dma_start3A_454 = arith.constant 0 : i32
    %dma_start3A_455 = tpu.memref_slice %arg6[%dma_start3A_444, %dma_start3A_453, %dma_start3A_454] : memref<20x128x32xf32, #tpu.memory_space<vmem>> -> memref<1x128x32xf32, #tpu.memory_space<vmem>>
    %dma_start3A_456 = tpu.memref_squeeze %dma_start3A_455 : memref<1x128x32xf32, #tpu.memory_space<vmem>> -> memref<128x32xf32, #tpu.memory_space<vmem>>
    tpu.enqueue_dma source(%dma_start3A_456 : memref<128x32xf32, #tpu.memory_space<vmem>>) target(%dma_start3A_452 : memref<128x32xf32, #tpu.memory_space<hbm>>) target_semaphore(%arg8 : memref<!tpu.dma_semaphore, #tpu.memory_space<semaphore_mem>>)
    %dma_wait3A_457 = arith.constant 8 : i32
    %dma_wait3A_458 = arith.constant 0 : i32
    %dma_wait3A_459 = arith.constant 0 : i32
    %dma_wait3A_460 = tpu.memref_slice %arg6[%dma_wait3A_457, %dma_wait3A_458, %dma_wait3A_459] : memref<20x128x32xf32, #tpu.memory_space<vmem>> -> memref<1x128x32xf32, #tpu.memory_space<vmem>>
    %dma_wait3A_461 = tpu.memref_squeeze %dma_wait3A_460 : memref<1x128x32xf32, #tpu.memory_space<vmem>> -> memref<128x32xf32, #tpu.memory_space<vmem>>
    %dma_wait3A_462 = arith.constant 0 : i32
    %dma_wait3A_463 = arith.constant 0 : i32
    %dma_wait3A_464 = tpu.memref_slice %arg3[%dma_wait3A_462, %dma_wait3A_463] : memref<1000000x32xf32, #tpu.memory_space<hbm>> -> memref<128x32xf32, #tpu.memory_space<hbm>>
    %dma_wait3A_465 = arith.constant 0 : i32
    %dma_wait3A_466 = arith.constant 0 : i32
    %dma_wait3A_467 = tpu.memref_slice %arg6[%dma_wait3A_457, %dma_wait3A_465, %dma_wait3A_466] : memref<20x128x32xf32, #tpu.memory_space<vmem>> -> memref<1x128x32xf32, #tpu.memory_space<vmem>>
    %dma_wait3A_468 = tpu.memref_squeeze %dma_wait3A_467 : memref<1x128x32xf32, #tpu.memory_space<vmem>> -> memref<128x32xf32, #tpu.memory_space<vmem>>
    %dma_wait3A_469 = arith.constant 0 : i32
    %dma_wait3A_470 = arith.constant 0 : i32
    %dma_wait3A_471 = tpu.memref_slice %arg3[%dma_wait3A_469, %dma_wait3A_470] : memref<1000000x32xf32, #tpu.memory_space<hbm>> -> memref<128x32xf32, #tpu.memory_space<hbm>>
    tpu.wait_dma2 semaphore(%arg7 : memref<!tpu.dma_semaphore, #tpu.memory_space<semaphore_mem>>) src(%dma_wait3A_471 : memref<128x32xf32, #tpu.memory_space<hbm>>) dst(%dma_wait3A_468 : memref<128x32xf32, #tpu.memory_space<vmem>>)
    %mul3A_472 = arith.constant 2560 : i32
    %mul3A_473 = arith.muli %add3A, %mul3A_472 : i32
    %add3A_474 = arith.constant 1024 : i32
    %add3A_475 = arith.addi %mul3A_473, %add3A_474 : i32
    %dma_start3A_476 = arith.constant 8 : i32
    %dma_start3A_477 = arith.constant 0 : i32
    %dma_start3A_478 = arith.constant 0 : i32
    %dma_start3A_479 = tpu.memref_slice %arg6[%dma_start3A_476, %dma_start3A_477, %dma_start3A_478] : memref<20x128x32xf32, #tpu.memory_space<vmem>> -> memref<1x128x32xf32, #tpu.memory_space<vmem>>
    %dma_start3A_480 = tpu.memref_squeeze %dma_start3A_479 : memref<1x128x32xf32, #tpu.memory_space<vmem>> -> memref<128x32xf32, #tpu.memory_space<vmem>>
    %dma_start3A_481 = arith.constant 0 : i32
    %dma_start3A_482 = tpu.memref_slice %arg4[%add3A_475, %dma_start3A_481] : memref<81920x32xf32, #tpu.memory_space<hbm>> -> memref<128x32xf32, #tpu.memory_space<hbm>>
    %dma_start3A_483 = arith.constant 0 : i32
    %dma_start3A_484 = tpu.memref_slice %arg4[%add3A_475, %dma_start3A_483] : memref<81920x32xf32, #tpu.memory_space<hbm>> -> memref<128x32xf32, #tpu.memory_space<hbm>>
    %dma_start3A_485 = arith.constant 0 : i32
    %dma_start3A_486 = arith.constant 0 : i32
    %dma_start3A_487 = tpu.memref_slice %arg6[%dma_start3A_476, %dma_start3A_485, %dma_start3A_486] : memref<20x128x32xf32, #tpu.memory_space<vmem>> -> memref<1x128x32xf32, #tpu.memory_space<vmem>>
    %dma_start3A_488 = tpu.memref_squeeze %dma_start3A_487 : memref<1x128x32xf32, #tpu.memory_space<vmem>> -> memref<128x32xf32, #tpu.memory_space<vmem>>
    tpu.enqueue_dma source(%dma_start3A_488 : memref<128x32xf32, #tpu.memory_space<vmem>>) target(%dma_start3A_484 : memref<128x32xf32, #tpu.memory_space<hbm>>) target_semaphore(%arg8 : memref<!tpu.dma_semaphore, #tpu.memory_space<semaphore_mem>>)
    %dma_wait3A_489 = arith.constant 9 : i32
    %dma_wait3A_490 = arith.constant 0 : i32
    %dma_wait3A_491 = arith.constant 0 : i32
    %dma_wait3A_492 = tpu.memref_slice %arg6[%dma_wait3A_489, %dma_wait3A_490, %dma_wait3A_491] : memref<20x128x32xf32, #tpu.memory_space<vmem>> -> memref<1x128x32xf32, #tpu.memory_space<vmem>>
    %dma_wait3A_493 = tpu.memref_squeeze %dma_wait3A_492 : memref<1x128x32xf32, #tpu.memory_space<vmem>> -> memref<128x32xf32, #tpu.memory_space<vmem>>
    %dma_wait3A_494 = arith.constant 0 : i32
    %dma_wait3A_495 = arith.constant 0 : i32
    %dma_wait3A_496 = tpu.memref_slice %arg3[%dma_wait3A_494, %dma_wait3A_495] : memref<1000000x32xf32, #tpu.memory_space<hbm>> -> memref<128x32xf32, #tpu.memory_space<hbm>>
    %dma_wait3A_497 = arith.constant 0 : i32
    %dma_wait3A_498 = arith.constant 0 : i32
    %dma_wait3A_499 = tpu.memref_slice %arg6[%dma_wait3A_489, %dma_wait3A_497, %dma_wait3A_498] : memref<20x128x32xf32, #tpu.memory_space<vmem>> -> memref<1x128x32xf32, #tpu.memory_space<vmem>>
    %dma_wait3A_500 = tpu.memref_squeeze %dma_wait3A_499 : memref<1x128x32xf32, #tpu.memory_space<vmem>> -> memref<128x32xf32, #tpu.memory_space<vmem>>
    %dma_wait3A_501 = arith.constant 0 : i32
    %dma_wait3A_502 = arith.constant 0 : i32
    %dma_wait3A_503 = tpu.memref_slice %arg3[%dma_wait3A_501, %dma_wait3A_502] : memref<1000000x32xf32, #tpu.memory_space<hbm>> -> memref<128x32xf32, #tpu.memory_space<hbm>>
    tpu.wait_dma2 semaphore(%arg7 : memref<!tpu.dma_semaphore, #tpu.memory_space<semaphore_mem>>) src(%dma_wait3A_503 : memref<128x32xf32, #tpu.memory_space<hbm>>) dst(%dma_wait3A_500 : memref<128x32xf32, #tpu.memory_space<vmem>>)
    %mul3A_504 = arith.constant 2560 : i32
    %mul3A_505 = arith.muli %add3A, %mul3A_504 : i32
    %add3A_506 = arith.constant 1152 : i32
    %add3A_507 = arith.addi %mul3A_505, %add3A_506 : i32
    %dma_start3A_508 = arith.constant 9 : i32
    %dma_start3A_509 = arith.constant 0 : i32
    %dma_start3A_510 = arith.constant 0 : i32
    %dma_start3A_511 = tpu.memref_slice %arg6[%dma_start3A_508, %dma_start3A_509, %dma_start3A_510] : memref<20x128x32xf32, #tpu.memory_space<vmem>> -> memref<1x128x32xf32, #tpu.memory_space<vmem>>
    %dma_start3A_512 = tpu.memref_squeeze %dma_start3A_511 : memref<1x128x32xf32, #tpu.memory_space<vmem>> -> memref<128x32xf32, #tpu.memory_space<vmem>>
    %dma_start3A_513 = arith.constant 0 : i32
    %dma_start3A_514 = tpu.memref_slice %arg4[%add3A_507, %dma_start3A_513] : memref<81920x32xf32, #tpu.memory_space<hbm>> -> memref<128x32xf32, #tpu.memory_space<hbm>>
    %dma_start3A_515 = arith.constant 0 : i32
    %dma_start3A_516 = tpu.memref_slice %arg4[%add3A_507, %dma_start3A_515] : memref<81920x32xf32, #tpu.memory_space<hbm>> -> memref<128x32xf32, #tpu.memory_space<hbm>>
    %dma_start3A_517 = arith.constant 0 : i32
    %dma_start3A_518 = arith.constant 0 : i32
    %dma_start3A_519 = tpu.memref_slice %arg6[%dma_start3A_508, %dma_start3A_517, %dma_start3A_518] : memref<20x128x32xf32, #tpu.memory_space<vmem>> -> memref<1x128x32xf32, #tpu.memory_space<vmem>>
    %dma_start3A_520 = tpu.memref_squeeze %dma_start3A_519 : memref<1x128x32xf32, #tpu.memory_space<vmem>> -> memref<128x32xf32, #tpu.memory_space<vmem>>
    tpu.enqueue_dma source(%dma_start3A_520 : memref<128x32xf32, #tpu.memory_space<vmem>>) target(%dma_start3A_516 : memref<128x32xf32, #tpu.memory_space<hbm>>) target_semaphore(%arg8 : memref<!tpu.dma_semaphore, #tpu.memory_space<semaphore_mem>>)
    %dma_wait3A_521 = arith.constant 10 : i32
    %dma_wait3A_522 = arith.constant 0 : i32
    %dma_wait3A_523 = arith.constant 0 : i32
    %dma_wait3A_524 = tpu.memref_slice %arg6[%dma_wait3A_521, %dma_wait3A_522, %dma_wait3A_523] : memref<20x128x32xf32, #tpu.memory_space<vmem>> -> memref<1x128x32xf32, #tpu.memory_space<vmem>>
    %dma_wait3A_525 = tpu.memref_squeeze %dma_wait3A_524 : memref<1x128x32xf32, #tpu.memory_space<vmem>> -> memref<128x32xf32, #tpu.memory_space<vmem>>
    %dma_wait3A_526 = arith.constant 0 : i32
    %dma_wait3A_527 = arith.constant 0 : i32
    %dma_wait3A_528 = tpu.memref_slice %arg3[%dma_wait3A_526, %dma_wait3A_527] : memref<1000000x32xf32, #tpu.memory_space<hbm>> -> memref<128x32xf32, #tpu.memory_space<hbm>>
    %dma_wait3A_529 = arith.constant 0 : i32
    %dma_wait3A_530 = arith.constant 0 : i32
    %dma_wait3A_531 = tpu.memref_slice %arg6[%dma_wait3A_521, %dma_wait3A_529, %dma_wait3A_530] : memref<20x128x32xf32, #tpu.memory_space<vmem>> -> memref<1x128x32xf32, #tpu.memory_space<vmem>>
    %dma_wait3A_532 = tpu.memref_squeeze %dma_wait3A_531 : memref<1x128x32xf32, #tpu.memory_space<vmem>> -> memref<128x32xf32, #tpu.memory_space<vmem>>
    %dma_wait3A_533 = arith.constant 0 : i32
    %dma_wait3A_534 = arith.constant 0 : i32
    %dma_wait3A_535 = tpu.memref_slice %arg3[%dma_wait3A_533, %dma_wait3A_534] : memref<1000000x32xf32, #tpu.memory_space<hbm>> -> memref<128x32xf32, #tpu.memory_space<hbm>>
    tpu.wait_dma2 semaphore(%arg7 : memref<!tpu.dma_semaphore, #tpu.memory_space<semaphore_mem>>) src(%dma_wait3A_535 : memref<128x32xf32, #tpu.memory_space<hbm>>) dst(%dma_wait3A_532 : memref<128x32xf32, #tpu.memory_space<vmem>>)
    %mul3A_536 = arith.constant 2560 : i32
    %mul3A_537 = arith.muli %add3A, %mul3A_536 : i32
    %add3A_538 = arith.constant 1280 : i32
    %add3A_539 = arith.addi %mul3A_537, %add3A_538 : i32
    %dma_start3A_540 = arith.constant 10 : i32
    %dma_start3A_541 = arith.constant 0 : i32
    %dma_start3A_542 = arith.constant 0 : i32
    %dma_start3A_543 = tpu.memref_slice %arg6[%dma_start3A_540, %dma_start3A_541, %dma_start3A_542] : memref<20x128x32xf32, #tpu.memory_space<vmem>> -> memref<1x128x32xf32, #tpu.memory_space<vmem>>
    %dma_start3A_544 = tpu.memref_squeeze %dma_start3A_543 : memref<1x128x32xf32, #tpu.memory_space<vmem>> -> memref<128x32xf32, #tpu.memory_space<vmem>>
    %dma_start3A_545 = arith.constant 0 : i32
    %dma_start3A_546 = tpu.memref_slice %arg4[%add3A_539, %dma_start3A_545] : memref<81920x32xf32, #tpu.memory_space<hbm>> -> memref<128x32xf32, #tpu.memory_space<hbm>>
    %dma_start3A_547 = arith.constant 0 : i32
    %dma_start3A_548 = tpu.memref_slice %arg4[%add3A_539, %dma_start3A_547] : memref<81920x32xf32, #tpu.memory_space<hbm>> -> memref<128x32xf32, #tpu.memory_space<hbm>>
    %dma_start3A_549 = arith.constant 0 : i32
    %dma_start3A_550 = arith.constant 0 : i32
    %dma_start3A_551 = tpu.memref_slice %arg6[%dma_start3A_540, %dma_start3A_549, %dma_start3A_550] : memref<20x128x32xf32, #tpu.memory_space<vmem>> -> memref<1x128x32xf32, #tpu.memory_space<vmem>>
    %dma_start3A_552 = tpu.memref_squeeze %dma_start3A_551 : memref<1x128x32xf32, #tpu.memory_space<vmem>> -> memref<128x32xf32, #tpu.memory_space<vmem>>
    tpu.enqueue_dma source(%dma_start3A_552 : memref<128x32xf32, #tpu.memory_space<vmem>>) target(%dma_start3A_548 : memref<128x32xf32, #tpu.memory_space<hbm>>) target_semaphore(%arg8 : memref<!tpu.dma_semaphore, #tpu.memory_space<semaphore_mem>>)
    %dma_wait3A_553 = arith.constant 11 : i32
    %dma_wait3A_554 = arith.constant 0 : i32
    %dma_wait3A_555 = arith.constant 0 : i32
    %dma_wait3A_556 = tpu.memref_slice %arg6[%dma_wait3A_553, %dma_wait3A_554, %dma_wait3A_555] : memref<20x128x32xf32, #tpu.memory_space<vmem>> -> memref<1x128x32xf32, #tpu.memory_space<vmem>>
    %dma_wait3A_557 = tpu.memref_squeeze %dma_wait3A_556 : memref<1x128x32xf32, #tpu.memory_space<vmem>> -> memref<128x32xf32, #tpu.memory_space<vmem>>
    %dma_wait3A_558 = arith.constant 0 : i32
    %dma_wait3A_559 = arith.constant 0 : i32
    %dma_wait3A_560 = tpu.memref_slice %arg3[%dma_wait3A_558, %dma_wait3A_559] : memref<1000000x32xf32, #tpu.memory_space<hbm>> -> memref<128x32xf32, #tpu.memory_space<hbm>>
    %dma_wait3A_561 = arith.constant 0 : i32
    %dma_wait3A_562 = arith.constant 0 : i32
    %dma_wait3A_563 = tpu.memref_slice %arg6[%dma_wait3A_553, %dma_wait3A_561, %dma_wait3A_562] : memref<20x128x32xf32, #tpu.memory_space<vmem>> -> memref<1x128x32xf32, #tpu.memory_space<vmem>>
    %dma_wait3A_564 = tpu.memref_squeeze %dma_wait3A_563 : memref<1x128x32xf32, #tpu.memory_space<vmem>> -> memref<128x32xf32, #tpu.memory_space<vmem>>
    %dma_wait3A_565 = arith.constant 0 : i32
    %dma_wait3A_566 = arith.constant 0 : i32
    %dma_wait3A_567 = tpu.memref_slice %arg3[%dma_wait3A_565, %dma_wait3A_566] : memref<1000000x32xf32, #tpu.memory_space<hbm>> -> memref<128x32xf32, #tpu.memory_space<hbm>>
    tpu.wait_dma2 semaphore(%arg7 : memref<!tpu.dma_semaphore, #tpu.memory_space<semaphore_mem>>) src(%dma_wait3A_567 : memref<128x32xf32, #tpu.memory_space<hbm>>) dst(%dma_wait3A_564 : memref<128x32xf32, #tpu.memory_space<vmem>>)
    %mul3A_568 = arith.constant 2560 : i32
    %mul3A_569 = arith.muli %add3A, %mul3A_568 : i32
    %add3A_570 = arith.constant 1408 : i32
    %add3A_571 = arith.addi %mul3A_569, %add3A_570 : i32
    %dma_start3A_572 = arith.constant 11 : i32
    %dma_start3A_573 = arith.constant 0 : i32
    %dma_start3A_574 = arith.constant 0 : i32
    %dma_start3A_575 = tpu.memref_slice %arg6[%dma_start3A_572, %dma_start3A_573, %dma_start3A_574] : memref<20x128x32xf32, #tpu.memory_space<vmem>> -> memref<1x128x32xf32, #tpu.memory_space<vmem>>
    %dma_start3A_576 = tpu.memref_squeeze %dma_start3A_575 : memref<1x128x32xf32, #tpu.memory_space<vmem>> -> memref<128x32xf32, #tpu.memory_space<vmem>>
    %dma_start3A_577 = arith.constant 0 : i32
    %dma_start3A_578 = tpu.memref_slice %arg4[%add3A_571, %dma_start3A_577] : memref<81920x32xf32, #tpu.memory_space<hbm>> -> memref<128x32xf32, #tpu.memory_space<hbm>>
    %dma_start3A_579 = arith.constant 0 : i32
    %dma_start3A_580 = tpu.memref_slice %arg4[%add3A_571, %dma_start3A_579] : memref<81920x32xf32, #tpu.memory_space<hbm>> -> memref<128x32xf32, #tpu.memory_space<hbm>>
    %dma_start3A_581 = arith.constant 0 : i32
    %dma_start3A_582 = arith.constant 0 : i32
    %dma_start3A_583 = tpu.memref_slice %arg6[%dma_start3A_572, %dma_start3A_581, %dma_start3A_582] : memref<20x128x32xf32, #tpu.memory_space<vmem>> -> memref<1x128x32xf32, #tpu.memory_space<vmem>>
    %dma_start3A_584 = tpu.memref_squeeze %dma_start3A_583 : memref<1x128x32xf32, #tpu.memory_space<vmem>> -> memref<128x32xf32, #tpu.memory_space<vmem>>
    tpu.enqueue_dma source(%dma_start3A_584 : memref<128x32xf32, #tpu.memory_space<vmem>>) target(%dma_start3A_580 : memref<128x32xf32, #tpu.memory_space<hbm>>) target_semaphore(%arg8 : memref<!tpu.dma_semaphore, #tpu.memory_space<semaphore_mem>>)
    %dma_wait3A_585 = arith.constant 12 : i32
    %dma_wait3A_586 = arith.constant 0 : i32
    %dma_wait3A_587 = arith.constant 0 : i32
    %dma_wait3A_588 = tpu.memref_slice %arg6[%dma_wait3A_585, %dma_wait3A_586, %dma_wait3A_587] : memref<20x128x32xf32, #tpu.memory_space<vmem>> -> memref<1x128x32xf32, #tpu.memory_space<vmem>>
    %dma_wait3A_589 = tpu.memref_squeeze %dma_wait3A_588 : memref<1x128x32xf32, #tpu.memory_space<vmem>> -> memref<128x32xf32, #tpu.memory_space<vmem>>
    %dma_wait3A_590 = arith.constant 0 : i32
    %dma_wait3A_591 = arith.constant 0 : i32
    %dma_wait3A_592 = tpu.memref_slice %arg3[%dma_wait3A_590, %dma_wait3A_591] : memref<1000000x32xf32, #tpu.memory_space<hbm>> -> memref<128x32xf32, #tpu.memory_space<hbm>>
    %dma_wait3A_593 = arith.constant 0 : i32
    %dma_wait3A_594 = arith.constant 0 : i32
    %dma_wait3A_595 = tpu.memref_slice %arg6[%dma_wait3A_585, %dma_wait3A_593, %dma_wait3A_594] : memref<20x128x32xf32, #tpu.memory_space<vmem>> -> memref<1x128x32xf32, #tpu.memory_space<vmem>>
    %dma_wait3A_596 = tpu.memref_squeeze %dma_wait3A_595 : memref<1x128x32xf32, #tpu.memory_space<vmem>> -> memref<128x32xf32, #tpu.memory_space<vmem>>
    %dma_wait3A_597 = arith.constant 0 : i32
    %dma_wait3A_598 = arith.constant 0 : i32
    %dma_wait3A_599 = tpu.memref_slice %arg3[%dma_wait3A_597, %dma_wait3A_598] : memref<1000000x32xf32, #tpu.memory_space<hbm>> -> memref<128x32xf32, #tpu.memory_space<hbm>>
    tpu.wait_dma2 semaphore(%arg7 : memref<!tpu.dma_semaphore, #tpu.memory_space<semaphore_mem>>) src(%dma_wait3A_599 : memref<128x32xf32, #tpu.memory_space<hbm>>) dst(%dma_wait3A_596 : memref<128x32xf32, #tpu.memory_space<vmem>>)
    %mul3A_600 = arith.constant 2560 : i32
    %mul3A_601 = arith.muli %add3A, %mul3A_600 : i32
    %add3A_602 = arith.constant 1536 : i32
    %add3A_603 = arith.addi %mul3A_601, %add3A_602 : i32
    %dma_start3A_604 = arith.constant 12 : i32
    %dma_start3A_605 = arith.constant 0 : i32
    %dma_start3A_606 = arith.constant 0 : i32
    %dma_start3A_607 = tpu.memref_slice %arg6[%dma_start3A_604, %dma_start3A_605, %dma_start3A_606] : memref<20x128x32xf32, #tpu.memory_space<vmem>> -> memref<1x128x32xf32, #tpu.memory_space<vmem>>
    %dma_start3A_608 = tpu.memref_squeeze %dma_start3A_607 : memref<1x128x32xf32, #tpu.memory_space<vmem>> -> memref<128x32xf32, #tpu.memory_space<vmem>>
    %dma_start3A_609 = arith.constant 0 : i32
    %dma_start3A_610 = tpu.memref_slice %arg4[%add3A_603, %dma_start3A_609] : memref<81920x32xf32, #tpu.memory_space<hbm>> -> memref<128x32xf32, #tpu.memory_space<hbm>>
    %dma_start3A_611 = arith.constant 0 : i32
    %dma_start3A_612 = tpu.memref_slice %arg4[%add3A_603, %dma_start3A_611] : memref<81920x32xf32, #tpu.memory_space<hbm>> -> memref<128x32xf32, #tpu.memory_space<hbm>>
    %dma_start3A_613 = arith.constant 0 : i32
    %dma_start3A_614 = arith.constant 0 : i32
    %dma_start3A_615 = tpu.memref_slice %arg6[%dma_start3A_604, %dma_start3A_613, %dma_start3A_614] : memref<20x128x32xf32, #tpu.memory_space<vmem>> -> memref<1x128x32xf32, #tpu.memory_space<vmem>>
    %dma_start3A_616 = tpu.memref_squeeze %dma_start3A_615 : memref<1x128x32xf32, #tpu.memory_space<vmem>> -> memref<128x32xf32, #tpu.memory_space<vmem>>
    tpu.enqueue_dma source(%dma_start3A_616 : memref<128x32xf32, #tpu.memory_space<vmem>>) target(%dma_start3A_612 : memref<128x32xf32, #tpu.memory_space<hbm>>) target_semaphore(%arg8 : memref<!tpu.dma_semaphore, #tpu.memory_space<semaphore_mem>>)
    %dma_wait3A_617 = arith.constant 13 : i32
    %dma_wait3A_618 = arith.constant 0 : i32
    %dma_wait3A_619 = arith.constant 0 : i32
    %dma_wait3A_620 = tpu.memref_slice %arg6[%dma_wait3A_617, %dma_wait3A_618, %dma_wait3A_619] : memref<20x128x32xf32, #tpu.memory_space<vmem>> -> memref<1x128x32xf32, #tpu.memory_space<vmem>>
    %dma_wait3A_621 = tpu.memref_squeeze %dma_wait3A_620 : memref<1x128x32xf32, #tpu.memory_space<vmem>> -> memref<128x32xf32, #tpu.memory_space<vmem>>
    %dma_wait3A_622 = arith.constant 0 : i32
    %dma_wait3A_623 = arith.constant 0 : i32
    %dma_wait3A_624 = tpu.memref_slice %arg3[%dma_wait3A_622, %dma_wait3A_623] : memref<1000000x32xf32, #tpu.memory_space<hbm>> -> memref<128x32xf32, #tpu.memory_space<hbm>>
    %dma_wait3A_625 = arith.constant 0 : i32
    %dma_wait3A_626 = arith.constant 0 : i32
    %dma_wait3A_627 = tpu.memref_slice %arg6[%dma_wait3A_617, %dma_wait3A_625, %dma_wait3A_626] : memref<20x128x32xf32, #tpu.memory_space<vmem>> -> memref<1x128x32xf32, #tpu.memory_space<vmem>>
    %dma_wait3A_628 = tpu.memref_squeeze %dma_wait3A_627 : memref<1x128x32xf32, #tpu.memory_space<vmem>> -> memref<128x32xf32, #tpu.memory_space<vmem>>
    %dma_wait3A_629 = arith.constant 0 : i32
    %dma_wait3A_630 = arith.constant 0 : i32
    %dma_wait3A_631 = tpu.memref_slice %arg3[%dma_wait3A_629, %dma_wait3A_630] : memref<1000000x32xf32, #tpu.memory_space<hbm>> -> memref<128x32xf32, #tpu.memory_space<hbm>>
    tpu.wait_dma2 semaphore(%arg7 : memref<!tpu.dma_semaphore, #tpu.memory_space<semaphore_mem>>) src(%dma_wait3A_631 : memref<128x32xf32, #tpu.memory_space<hbm>>) dst(%dma_wait3A_628 : memref<128x32xf32, #tpu.memory_space<vmem>>)
    %mul3A_632 = arith.constant 2560 : i32
    %mul3A_633 = arith.muli %add3A, %mul3A_632 : i32
    %add3A_634 = arith.constant 1664 : i32
    %add3A_635 = arith.addi %mul3A_633, %add3A_634 : i32
    %dma_start3A_636 = arith.constant 13 : i32
    %dma_start3A_637 = arith.constant 0 : i32
    %dma_start3A_638 = arith.constant 0 : i32
    %dma_start3A_639 = tpu.memref_slice %arg6[%dma_start3A_636, %dma_start3A_637, %dma_start3A_638] : memref<20x128x32xf32, #tpu.memory_space<vmem>> -> memref<1x128x32xf32, #tpu.memory_space<vmem>>
    %dma_start3A_640 = tpu.memref_squeeze %dma_start3A_639 : memref<1x128x32xf32, #tpu.memory_space<vmem>> -> memref<128x32xf32, #tpu.memory_space<vmem>>
    %dma_start3A_641 = arith.constant 0 : i32
    %dma_start3A_642 = tpu.memref_slice %arg4[%add3A_635, %dma_start3A_641] : memref<81920x32xf32, #tpu.memory_space<hbm>> -> memref<128x32xf32, #tpu.memory_space<hbm>>
    %dma_start3A_643 = arith.constant 0 : i32
    %dma_start3A_644 = tpu.memref_slice %arg4[%add3A_635, %dma_start3A_643] : memref<81920x32xf32, #tpu.memory_space<hbm>> -> memref<128x32xf32, #tpu.memory_space<hbm>>
    %dma_start3A_645 = arith.constant 0 : i32
    %dma_start3A_646 = arith.constant 0 : i32
    %dma_start3A_647 = tpu.memref_slice %arg6[%dma_start3A_636, %dma_start3A_645, %dma_start3A_646] : memref<20x128x32xf32, #tpu.memory_space<vmem>> -> memref<1x128x32xf32, #tpu.memory_space<vmem>>
    %dma_start3A_648 = tpu.memref_squeeze %dma_start3A_647 : memref<1x128x32xf32, #tpu.memory_space<vmem>> -> memref<128x32xf32, #tpu.memory_space<vmem>>
    tpu.enqueue_dma source(%dma_start3A_648 : memref<128x32xf32, #tpu.memory_space<vmem>>) target(%dma_start3A_644 : memref<128x32xf32, #tpu.memory_space<hbm>>) target_semaphore(%arg8 : memref<!tpu.dma_semaphore, #tpu.memory_space<semaphore_mem>>)
    %dma_wait3A_649 = arith.constant 14 : i32
    %dma_wait3A_650 = arith.constant 0 : i32
    %dma_wait3A_651 = arith.constant 0 : i32
    %dma_wait3A_652 = tpu.memref_slice %arg6[%dma_wait3A_649, %dma_wait3A_650, %dma_wait3A_651] : memref<20x128x32xf32, #tpu.memory_space<vmem>> -> memref<1x128x32xf32, #tpu.memory_space<vmem>>
    %dma_wait3A_653 = tpu.memref_squeeze %dma_wait3A_652 : memref<1x128x32xf32, #tpu.memory_space<vmem>> -> memref<128x32xf32, #tpu.memory_space<vmem>>
    %dma_wait3A_654 = arith.constant 0 : i32
    %dma_wait3A_655 = arith.constant 0 : i32
    %dma_wait3A_656 = tpu.memref_slice %arg3[%dma_wait3A_654, %dma_wait3A_655] : memref<1000000x32xf32, #tpu.memory_space<hbm>> -> memref<128x32xf32, #tpu.memory_space<hbm>>
    %dma_wait3A_657 = arith.constant 0 : i32
    %dma_wait3A_658 = arith.constant 0 : i32
    %dma_wait3A_659 = tpu.memref_slice %arg6[%dma_wait3A_649, %dma_wait3A_657, %dma_wait3A_658] : memref<20x128x32xf32, #tpu.memory_space<vmem>> -> memref<1x128x32xf32, #tpu.memory_space<vmem>>
    %dma_wait3A_660 = tpu.memref_squeeze %dma_wait3A_659 : memref<1x128x32xf32, #tpu.memory_space<vmem>> -> memref<128x32xf32, #tpu.memory_space<vmem>>
    %dma_wait3A_661 = arith.constant 0 : i32
    %dma_wait3A_662 = arith.constant 0 : i32
    %dma_wait3A_663 = tpu.memref_slice %arg3[%dma_wait3A_661, %dma_wait3A_662] : memref<1000000x32xf32, #tpu.memory_space<hbm>> -> memref<128x32xf32, #tpu.memory_space<hbm>>
    tpu.wait_dma2 semaphore(%arg7 : memref<!tpu.dma_semaphore, #tpu.memory_space<semaphore_mem>>) src(%dma_wait3A_663 : memref<128x32xf32, #tpu.memory_space<hbm>>) dst(%dma_wait3A_660 : memref<128x32xf32, #tpu.memory_space<vmem>>)
    %mul3A_664 = arith.constant 2560 : i32
    %mul3A_665 = arith.muli %add3A, %mul3A_664 : i32
    %add3A_666 = arith.constant 1792 : i32
    %add3A_667 = arith.addi %mul3A_665, %add3A_666 : i32
    %dma_start3A_668 = arith.constant 14 : i32
    %dma_start3A_669 = arith.constant 0 : i32
    %dma_start3A_670 = arith.constant 0 : i32
    %dma_start3A_671 = tpu.memref_slice %arg6[%dma_start3A_668, %dma_start3A_669, %dma_start3A_670] : memref<20x128x32xf32, #tpu.memory_space<vmem>> -> memref<1x128x32xf32, #tpu.memory_space<vmem>>
    %dma_start3A_672 = tpu.memref_squeeze %dma_start3A_671 : memref<1x128x32xf32, #tpu.memory_space<vmem>> -> memref<128x32xf32, #tpu.memory_space<vmem>>
    %dma_start3A_673 = arith.constant 0 : i32
    %dma_start3A_674 = tpu.memref_slice %arg4[%add3A_667, %dma_start3A_673] : memref<81920x32xf32, #tpu.memory_space<hbm>> -> memref<128x32xf32, #tpu.memory_space<hbm>>
    %dma_start3A_675 = arith.constant 0 : i32
    %dma_start3A_676 = tpu.memref_slice %arg4[%add3A_667, %dma_start3A_675] : memref<81920x32xf32, #tpu.memory_space<hbm>> -> memref<128x32xf32, #tpu.memory_space<hbm>>
    %dma_start3A_677 = arith.constant 0 : i32
    %dma_start3A_678 = arith.constant 0 : i32
    %dma_start3A_679 = tpu.memref_slice %arg6[%dma_start3A_668, %dma_start3A_677, %dma_start3A_678] : memref<20x128x32xf32, #tpu.memory_space<vmem>> -> memref<1x128x32xf32, #tpu.memory_space<vmem>>
    %dma_start3A_680 = tpu.memref_squeeze %dma_start3A_679 : memref<1x128x32xf32, #tpu.memory_space<vmem>> -> memref<128x32xf32, #tpu.memory_space<vmem>>
    tpu.enqueue_dma source(%dma_start3A_680 : memref<128x32xf32, #tpu.memory_space<vmem>>) target(%dma_start3A_676 : memref<128x32xf32, #tpu.memory_space<hbm>>) target_semaphore(%arg8 : memref<!tpu.dma_semaphore, #tpu.memory_space<semaphore_mem>>)
    %dma_wait3A_681 = arith.constant 15 : i32
    %dma_wait3A_682 = arith.constant 0 : i32
    %dma_wait3A_683 = arith.constant 0 : i32
    %dma_wait3A_684 = tpu.memref_slice %arg6[%dma_wait3A_681, %dma_wait3A_682, %dma_wait3A_683] : memref<20x128x32xf32, #tpu.memory_space<vmem>> -> memref<1x128x32xf32, #tpu.memory_space<vmem>>
    %dma_wait3A_685 = tpu.memref_squeeze %dma_wait3A_684 : memref<1x128x32xf32, #tpu.memory_space<vmem>> -> memref<128x32xf32, #tpu.memory_space<vmem>>
    %dma_wait3A_686 = arith.constant 0 : i32
    %dma_wait3A_687 = arith.constant 0 : i32
    %dma_wait3A_688 = tpu.memref_slice %arg3[%dma_wait3A_686, %dma_wait3A_687] : memref<1000000x32xf32, #tpu.memory_space<hbm>> -> memref<128x32xf32, #tpu.memory_space<hbm>>
    %dma_wait3A_689 = arith.constant 0 : i32
    %dma_wait3A_690 = arith.constant 0 : i32
    %dma_wait3A_691 = tpu.memref_slice %arg6[%dma_wait3A_681, %dma_wait3A_689, %dma_wait3A_690] : memref<20x128x32xf32, #tpu.memory_space<vmem>> -> memref<1x128x32xf32, #tpu.memory_space<vmem>>
    %dma_wait3A_692 = tpu.memref_squeeze %dma_wait3A_691 : memref<1x128x32xf32, #tpu.memory_space<vmem>> -> memref<128x32xf32, #tpu.memory_space<vmem>>
    %dma_wait3A_693 = arith.constant 0 : i32
    %dma_wait3A_694 = arith.constant 0 : i32
    %dma_wait3A_695 = tpu.memref_slice %arg3[%dma_wait3A_693, %dma_wait3A_694] : memref<1000000x32xf32, #tpu.memory_space<hbm>> -> memref<128x32xf32, #tpu.memory_space<hbm>>
    tpu.wait_dma2 semaphore(%arg7 : memref<!tpu.dma_semaphore, #tpu.memory_space<semaphore_mem>>) src(%dma_wait3A_695 : memref<128x32xf32, #tpu.memory_space<hbm>>) dst(%dma_wait3A_692 : memref<128x32xf32, #tpu.memory_space<vmem>>)
    %mul3A_696 = arith.constant 2560 : i32
    %mul3A_697 = arith.muli %add3A, %mul3A_696 : i32
    %add3A_698 = arith.constant 1920 : i32
    %add3A_699 = arith.addi %mul3A_697, %add3A_698 : i32
    %dma_start3A_700 = arith.constant 15 : i32
    %dma_start3A_701 = arith.constant 0 : i32
    %dma_start3A_702 = arith.constant 0 : i32
    %dma_start3A_703 = tpu.memref_slice %arg6[%dma_start3A_700, %dma_start3A_701, %dma_start3A_702] : memref<20x128x32xf32, #tpu.memory_space<vmem>> -> memref<1x128x32xf32, #tpu.memory_space<vmem>>
    %dma_start3A_704 = tpu.memref_squeeze %dma_start3A_703 : memref<1x128x32xf32, #tpu.memory_space<vmem>> -> memref<128x32xf32, #tpu.memory_space<vmem>>
    %dma_start3A_705 = arith.constant 0 : i32
    %dma_start3A_706 = tpu.memref_slice %arg4[%add3A_699, %dma_start3A_705] : memref<81920x32xf32, #tpu.memory_space<hbm>> -> memref<128x32xf32, #tpu.memory_space<hbm>>
    %dma_start3A_707 = arith.constant 0 : i32
    %dma_start3A_708 = tpu.memref_slice %arg4[%add3A_699, %dma_start3A_707] : memref<81920x32xf32, #tpu.memory_space<hbm>> -> memref<128x32xf32, #tpu.memory_space<hbm>>
    %dma_start3A_709 = arith.constant 0 : i32
    %dma_start3A_710 = arith.constant 0 : i32
    %dma_start3A_711 = tpu.memref_slice %arg6[%dma_start3A_700, %dma_start3A_709, %dma_start3A_710] : memref<20x128x32xf32, #tpu.memory_space<vmem>> -> memref<1x128x32xf32, #tpu.memory_space<vmem>>
    %dma_start3A_712 = tpu.memref_squeeze %dma_start3A_711 : memref<1x128x32xf32, #tpu.memory_space<vmem>> -> memref<128x32xf32, #tpu.memory_space<vmem>>
    tpu.enqueue_dma source(%dma_start3A_712 : memref<128x32xf32, #tpu.memory_space<vmem>>) target(%dma_start3A_708 : memref<128x32xf32, #tpu.memory_space<hbm>>) target_semaphore(%arg8 : memref<!tpu.dma_semaphore, #tpu.memory_space<semaphore_mem>>)
    %dma_wait3A_713 = arith.constant 16 : i32
    %dma_wait3A_714 = arith.constant 0 : i32
    %dma_wait3A_715 = arith.constant 0 : i32
    %dma_wait3A_716 = tpu.memref_slice %arg6[%dma_wait3A_713, %dma_wait3A_714, %dma_wait3A_715] : memref<20x128x32xf32, #tpu.memory_space<vmem>> -> memref<1x128x32xf32, #tpu.memory_space<vmem>>
    %dma_wait3A_717 = tpu.memref_squeeze %dma_wait3A_716 : memref<1x128x32xf32, #tpu.memory_space<vmem>> -> memref<128x32xf32, #tpu.memory_space<vmem>>
    %dma_wait3A_718 = arith.constant 0 : i32
    %dma_wait3A_719 = arith.constant 0 : i32
    %dma_wait3A_720 = tpu.memref_slice %arg3[%dma_wait3A_718, %dma_wait3A_719] : memref<1000000x32xf32, #tpu.memory_space<hbm>> -> memref<128x32xf32, #tpu.memory_space<hbm>>
    %dma_wait3A_721 = arith.constant 0 : i32
    %dma_wait3A_722 = arith.constant 0 : i32
    %dma_wait3A_723 = tpu.memref_slice %arg6[%dma_wait3A_713, %dma_wait3A_721, %dma_wait3A_722] : memref<20x128x32xf32, #tpu.memory_space<vmem>> -> memref<1x128x32xf32, #tpu.memory_space<vmem>>
    %dma_wait3A_724 = tpu.memref_squeeze %dma_wait3A_723 : memref<1x128x32xf32, #tpu.memory_space<vmem>> -> memref<128x32xf32, #tpu.memory_space<vmem>>
    %dma_wait3A_725 = arith.constant 0 : i32
    %dma_wait3A_726 = arith.constant 0 : i32
    %dma_wait3A_727 = tpu.memref_slice %arg3[%dma_wait3A_725, %dma_wait3A_726] : memref<1000000x32xf32, #tpu.memory_space<hbm>> -> memref<128x32xf32, #tpu.memory_space<hbm>>
    tpu.wait_dma2 semaphore(%arg7 : memref<!tpu.dma_semaphore, #tpu.memory_space<semaphore_mem>>) src(%dma_wait3A_727 : memref<128x32xf32, #tpu.memory_space<hbm>>) dst(%dma_wait3A_724 : memref<128x32xf32, #tpu.memory_space<vmem>>)
    %mul3A_728 = arith.constant 2560 : i32
    %mul3A_729 = arith.muli %add3A, %mul3A_728 : i32
    %add3A_730 = arith.constant 2048 : i32
    %add3A_731 = arith.addi %mul3A_729, %add3A_730 : i32
    %dma_start3A_732 = arith.constant 16 : i32
    %dma_start3A_733 = arith.constant 0 : i32
    %dma_start3A_734 = arith.constant 0 : i32
    %dma_start3A_735 = tpu.memref_slice %arg6[%dma_start3A_732, %dma_start3A_733, %dma_start3A_734] : memref<20x128x32xf32, #tpu.memory_space<vmem>> -> memref<1x128x32xf32, #tpu.memory_space<vmem>>
    %dma_start3A_736 = tpu.memref_squeeze %dma_start3A_735 : memref<1x128x32xf32, #tpu.memory_space<vmem>> -> memref<128x32xf32, #tpu.memory_space<vmem>>
    %dma_start3A_737 = arith.constant 0 : i32
    %dma_start3A_738 = tpu.memref_slice %arg4[%add3A_731, %dma_start3A_737] : memref<81920x32xf32, #tpu.memory_space<hbm>> -> memref<128x32xf32, #tpu.memory_space<hbm>>
    %dma_start3A_739 = arith.constant 0 : i32
    %dma_start3A_740 = tpu.memref_slice %arg4[%add3A_731, %dma_start3A_739] : memref<81920x32xf32, #tpu.memory_space<hbm>> -> memref<128x32xf32, #tpu.memory_space<hbm>>
    %dma_start3A_741 = arith.constant 0 : i32
    %dma_start3A_742 = arith.constant 0 : i32
    %dma_start3A_743 = tpu.memref_slice %arg6[%dma_start3A_732, %dma_start3A_741, %dma_start3A_742] : memref<20x128x32xf32, #tpu.memory_space<vmem>> -> memref<1x128x32xf32, #tpu.memory_space<vmem>>
    %dma_start3A_744 = tpu.memref_squeeze %dma_start3A_743 : memref<1x128x32xf32, #tpu.memory_space<vmem>> -> memref<128x32xf32, #tpu.memory_space<vmem>>
    tpu.enqueue_dma source(%dma_start3A_744 : memref<128x32xf32, #tpu.memory_space<vmem>>) target(%dma_start3A_740 : memref<128x32xf32, #tpu.memory_space<hbm>>) target_semaphore(%arg8 : memref<!tpu.dma_semaphore, #tpu.memory_space<semaphore_mem>>)
    %dma_wait3A_745 = arith.constant 17 : i32
    %dma_wait3A_746 = arith.constant 0 : i32
    %dma_wait3A_747 = arith.constant 0 : i32
    %dma_wait3A_748 = tpu.memref_slice %arg6[%dma_wait3A_745, %dma_wait3A_746, %dma_wait3A_747] : memref<20x128x32xf32, #tpu.memory_space<vmem>> -> memref<1x128x32xf32, #tpu.memory_space<vmem>>
    %dma_wait3A_749 = tpu.memref_squeeze %dma_wait3A_748 : memref<1x128x32xf32, #tpu.memory_space<vmem>> -> memref<128x32xf32, #tpu.memory_space<vmem>>
    %dma_wait3A_750 = arith.constant 0 : i32
    %dma_wait3A_751 = arith.constant 0 : i32
    %dma_wait3A_752 = tpu.memref_slice %arg3[%dma_wait3A_750, %dma_wait3A_751] : memref<1000000x32xf32, #tpu.memory_space<hbm>> -> memref<128x32xf32, #tpu.memory_space<hbm>>
    %dma_wait3A_753 = arith.constant 0 : i32
    %dma_wait3A_754 = arith.constant 0 : i32
    %dma_wait3A_755 = tpu.memref_slice %arg6[%dma_wait3A_745, %dma_wait3A_753, %dma_wait3A_754] : memref<20x128x32xf32, #tpu.memory_space<vmem>> -> memref<1x128x32xf32, #tpu.memory_space<vmem>>
    %dma_wait3A_756 = tpu.memref_squeeze %dma_wait3A_755 : memref<1x128x32xf32, #tpu.memory_space<vmem>> -> memref<128x32xf32, #tpu.memory_space<vmem>>
    %dma_wait3A_757 = arith.constant 0 : i32
    %dma_wait3A_758 = arith.constant 0 : i32
    %dma_wait3A_759 = tpu.memref_slice %arg3[%dma_wait3A_757, %dma_wait3A_758] : memref<1000000x32xf32, #tpu.memory_space<hbm>> -> memref<128x32xf32, #tpu.memory_space<hbm>>
    tpu.wait_dma2 semaphore(%arg7 : memref<!tpu.dma_semaphore, #tpu.memory_space<semaphore_mem>>) src(%dma_wait3A_759 : memref<128x32xf32, #tpu.memory_space<hbm>>) dst(%dma_wait3A_756 : memref<128x32xf32, #tpu.memory_space<vmem>>)
    %mul3A_760 = arith.constant 2560 : i32
    %mul3A_761 = arith.muli %add3A, %mul3A_760 : i32
    %add3A_762 = arith.constant 2176 : i32
    %add3A_763 = arith.addi %mul3A_761, %add3A_762 : i32
    %dma_start3A_764 = arith.constant 17 : i32
    %dma_start3A_765 = arith.constant 0 : i32
    %dma_start3A_766 = arith.constant 0 : i32
    %dma_start3A_767 = tpu.memref_slice %arg6[%dma_start3A_764, %dma_start3A_765, %dma_start3A_766] : memref<20x128x32xf32, #tpu.memory_space<vmem>> -> memref<1x128x32xf32, #tpu.memory_space<vmem>>
    %dma_start3A_768 = tpu.memref_squeeze %dma_start3A_767 : memref<1x128x32xf32, #tpu.memory_space<vmem>> -> memref<128x32xf32, #tpu.memory_space<vmem>>
    %dma_start3A_769 = arith.constant 0 : i32
    %dma_start3A_770 = tpu.memref_slice %arg4[%add3A_763, %dma_start3A_769] : memref<81920x32xf32, #tpu.memory_space<hbm>> -> memref<128x32xf32, #tpu.memory_space<hbm>>
    %dma_start3A_771 = arith.constant 0 : i32
    %dma_start3A_772 = tpu.memref_slice %arg4[%add3A_763, %dma_start3A_771] : memref<81920x32xf32, #tpu.memory_space<hbm>> -> memref<128x32xf32, #tpu.memory_space<hbm>>
    %dma_start3A_773 = arith.constant 0 : i32
    %dma_start3A_774 = arith.constant 0 : i32
    %dma_start3A_775 = tpu.memref_slice %arg6[%dma_start3A_764, %dma_start3A_773, %dma_start3A_774] : memref<20x128x32xf32, #tpu.memory_space<vmem>> -> memref<1x128x32xf32, #tpu.memory_space<vmem>>
    %dma_start3A_776 = tpu.memref_squeeze %dma_start3A_775 : memref<1x128x32xf32, #tpu.memory_space<vmem>> -> memref<128x32xf32, #tpu.memory_space<vmem>>
    tpu.enqueue_dma source(%dma_start3A_776 : memref<128x32xf32, #tpu.memory_space<vmem>>) target(%dma_start3A_772 : memref<128x32xf32, #tpu.memory_space<hbm>>) target_semaphore(%arg8 : memref<!tpu.dma_semaphore, #tpu.memory_space<semaphore_mem>>)
    %dma_wait3A_777 = arith.constant 18 : i32
    %dma_wait3A_778 = arith.constant 0 : i32
    %dma_wait3A_779 = arith.constant 0 : i32
    %dma_wait3A_780 = tpu.memref_slice %arg6[%dma_wait3A_777, %dma_wait3A_778, %dma_wait3A_779] : memref<20x128x32xf32, #tpu.memory_space<vmem>> -> memref<1x128x32xf32, #tpu.memory_space<vmem>>
    %dma_wait3A_781 = tpu.memref_squeeze %dma_wait3A_780 : memref<1x128x32xf32, #tpu.memory_space<vmem>> -> memref<128x32xf32, #tpu.memory_space<vmem>>
    %dma_wait3A_782 = arith.constant 0 : i32
    %dma_wait3A_783 = arith.constant 0 : i32
    %dma_wait3A_784 = tpu.memref_slice %arg3[%dma_wait3A_782, %dma_wait3A_783] : memref<1000000x32xf32, #tpu.memory_space<hbm>> -> memref<128x32xf32, #tpu.memory_space<hbm>>
    %dma_wait3A_785 = arith.constant 0 : i32
    %dma_wait3A_786 = arith.constant 0 : i32
    %dma_wait3A_787 = tpu.memref_slice %arg6[%dma_wait3A_777, %dma_wait3A_785, %dma_wait3A_786] : memref<20x128x32xf32, #tpu.memory_space<vmem>> -> memref<1x128x32xf32, #tpu.memory_space<vmem>>
    %dma_wait3A_788 = tpu.memref_squeeze %dma_wait3A_787 : memref<1x128x32xf32, #tpu.memory_space<vmem>> -> memref<128x32xf32, #tpu.memory_space<vmem>>
    %dma_wait3A_789 = arith.constant 0 : i32
    %dma_wait3A_790 = arith.constant 0 : i32
    %dma_wait3A_791 = tpu.memref_slice %arg3[%dma_wait3A_789, %dma_wait3A_790] : memref<1000000x32xf32, #tpu.memory_space<hbm>> -> memref<128x32xf32, #tpu.memory_space<hbm>>
    tpu.wait_dma2 semaphore(%arg7 : memref<!tpu.dma_semaphore, #tpu.memory_space<semaphore_mem>>) src(%dma_wait3A_791 : memref<128x32xf32, #tpu.memory_space<hbm>>) dst(%dma_wait3A_788 : memref<128x32xf32, #tpu.memory_space<vmem>>)
    %mul3A_792 = arith.constant 2560 : i32
    %mul3A_793 = arith.muli %add3A, %mul3A_792 : i32
    %add3A_794 = arith.constant 2304 : i32
    %add3A_795 = arith.addi %mul3A_793, %add3A_794 : i32
    %dma_start3A_796 = arith.constant 18 : i32
    %dma_start3A_797 = arith.constant 0 : i32
    %dma_start3A_798 = arith.constant 0 : i32
    %dma_start3A_799 = tpu.memref_slice %arg6[%dma_start3A_796, %dma_start3A_797, %dma_start3A_798] : memref<20x128x32xf32, #tpu.memory_space<vmem>> -> memref<1x128x32xf32, #tpu.memory_space<vmem>>
    %dma_start3A_800 = tpu.memref_squeeze %dma_start3A_799 : memref<1x128x32xf32, #tpu.memory_space<vmem>> -> memref<128x32xf32, #tpu.memory_space<vmem>>
    %dma_start3A_801 = arith.constant 0 : i32
    %dma_start3A_802 = tpu.memref_slice %arg4[%add3A_795, %dma_start3A_801] : memref<81920x32xf32, #tpu.memory_space<hbm>> -> memref<128x32xf32, #tpu.memory_space<hbm>>
    %dma_start3A_803 = arith.constant 0 : i32
    %dma_start3A_804 = tpu.memref_slice %arg4[%add3A_795, %dma_start3A_803] : memref<81920x32xf32, #tpu.memory_space<hbm>> -> memref<128x32xf32, #tpu.memory_space<hbm>>
    %dma_start3A_805 = arith.constant 0 : i32
    %dma_start3A_806 = arith.constant 0 : i32
    %dma_start3A_807 = tpu.memref_slice %arg6[%dma_start3A_796, %dma_start3A_805, %dma_start3A_806] : memref<20x128x32xf32, #tpu.memory_space<vmem>> -> memref<1x128x32xf32, #tpu.memory_space<vmem>>
    %dma_start3A_808 = tpu.memref_squeeze %dma_start3A_807 : memref<1x128x32xf32, #tpu.memory_space<vmem>> -> memref<128x32xf32, #tpu.memory_space<vmem>>
    tpu.enqueue_dma source(%dma_start3A_808 : memref<128x32xf32, #tpu.memory_space<vmem>>) target(%dma_start3A_804 : memref<128x32xf32, #tpu.memory_space<hbm>>) target_semaphore(%arg8 : memref<!tpu.dma_semaphore, #tpu.memory_space<semaphore_mem>>)
    %dma_wait3A_809 = arith.constant 19 : i32
    %dma_wait3A_810 = arith.constant 0 : i32
    %dma_wait3A_811 = arith.constant 0 : i32
    %dma_wait3A_812 = tpu.memref_slice %arg6[%dma_wait3A_809, %dma_wait3A_810, %dma_wait3A_811] : memref<20x128x32xf32, #tpu.memory_space<vmem>> -> memref<1x128x32xf32, #tpu.memory_space<vmem>>
    %dma_wait3A_813 = tpu.memref_squeeze %dma_wait3A_812 : memref<1x128x32xf32, #tpu.memory_space<vmem>> -> memref<128x32xf32, #tpu.memory_space<vmem>>
    %dma_wait3A_814 = arith.constant 0 : i32
    %dma_wait3A_815 = arith.constant 0 : i32
    %dma_wait3A_816 = tpu.memref_slice %arg3[%dma_wait3A_814, %dma_wait3A_815] : memref<1000000x32xf32, #tpu.memory_space<hbm>> -> memref<128x32xf32, #tpu.memory_space<hbm>>
    %dma_wait3A_817 = arith.constant 0 : i32
    %dma_wait3A_818 = arith.constant 0 : i32
    %dma_wait3A_819 = tpu.memref_slice %arg6[%dma_wait3A_809, %dma_wait3A_817, %dma_wait3A_818] : memref<20x128x32xf32, #tpu.memory_space<vmem>> -> memref<1x128x32xf32, #tpu.memory_space<vmem>>
    %dma_wait3A_820 = tpu.memref_squeeze %dma_wait3A_819 : memref<1x128x32xf32, #tpu.memory_space<vmem>> -> memref<128x32xf32, #tpu.memory_space<vmem>>
    %dma_wait3A_821 = arith.constant 0 : i32
    %dma_wait3A_822 = arith.constant 0 : i32
    %dma_wait3A_823 = tpu.memref_slice %arg3[%dma_wait3A_821, %dma_wait3A_822] : memref<1000000x32xf32, #tpu.memory_space<hbm>> -> memref<128x32xf32, #tpu.memory_space<hbm>>
    tpu.wait_dma2 semaphore(%arg7 : memref<!tpu.dma_semaphore, #tpu.memory_space<semaphore_mem>>) src(%dma_wait3A_823 : memref<128x32xf32, #tpu.memory_space<hbm>>) dst(%dma_wait3A_820 : memref<128x32xf32, #tpu.memory_space<vmem>>)
    %mul3A_824 = arith.constant 2560 : i32
    %mul3A_825 = arith.muli %add3A, %mul3A_824 : i32
    %add3A_826 = arith.constant 2432 : i32
    %add3A_827 = arith.addi %mul3A_825, %add3A_826 : i32
    %dma_start3A_828 = arith.constant 19 : i32
    %dma_start3A_829 = arith.constant 0 : i32
    %dma_start3A_830 = arith.constant 0 : i32
    %dma_start3A_831 = tpu.memref_slice %arg6[%dma_start3A_828, %dma_start3A_829, %dma_start3A_830] : memref<20x128x32xf32, #tpu.memory_space<vmem>> -> memref<1x128x32xf32, #tpu.memory_space<vmem>>
    %dma_start3A_832 = tpu.memref_squeeze %dma_start3A_831 : memref<1x128x32xf32, #tpu.memory_space<vmem>> -> memref<128x32xf32, #tpu.memory_space<vmem>>
    %dma_start3A_833 = arith.constant 0 : i32
    %dma_start3A_834 = tpu.memref_slice %arg4[%add3A_827, %dma_start3A_833] : memref<81920x32xf32, #tpu.memory_space<hbm>> -> memref<128x32xf32, #tpu.memory_space<hbm>>
    %dma_start3A_835 = arith.constant 0 : i32
    %dma_start3A_836 = tpu.memref_slice %arg4[%add3A_827, %dma_start3A_835] : memref<81920x32xf32, #tpu.memory_space<hbm>> -> memref<128x32xf32, #tpu.memory_space<hbm>>
    %dma_start3A_837 = arith.constant 0 : i32
    %dma_start3A_838 = arith.constant 0 : i32
    %dma_start3A_839 = tpu.memref_slice %arg6[%dma_start3A_828, %dma_start3A_837, %dma_start3A_838] : memref<20x128x32xf32, #tpu.memory_space<vmem>> -> memref<1x128x32xf32, #tpu.memory_space<vmem>>
    %dma_start3A_840 = tpu.memref_squeeze %dma_start3A_839 : memref<1x128x32xf32, #tpu.memory_space<vmem>> -> memref<128x32xf32, #tpu.memory_space<vmem>>
    tpu.enqueue_dma source(%dma_start3A_840 : memref<128x32xf32, #tpu.memory_space<vmem>>) target(%dma_start3A_836 : memref<128x32xf32, #tpu.memory_space<hbm>>) target_semaphore(%arg8 : memref<!tpu.dma_semaphore, #tpu.memory_space<semaphore_mem>>)
    %mul3A_841 = arith.constant 2560 : i32
    %mul3A_842 = arith.muli %add3A, %mul3A_841 : i32
    %add3A_843 = arith.constant 0 : i32
    %add3A_844 = arith.addi %mul3A_842, %add3A_843 : i32
    %dma_wait3A_845 = arith.constant 0 : i32
    %dma_wait3A_846 = arith.constant 0 : i32
    %dma_wait3A_847 = arith.constant 0 : i32
    %dma_wait3A_848 = tpu.memref_slice %arg6[%dma_wait3A_845, %dma_wait3A_846, %dma_wait3A_847] : memref<20x128x32xf32, #tpu.memory_space<vmem>> -> memref<1x128x32xf32, #tpu.memory_space<vmem>>
    %dma_wait3A_849 = tpu.memref_squeeze %dma_wait3A_848 : memref<1x128x32xf32, #tpu.memory_space<vmem>> -> memref<128x32xf32, #tpu.memory_space<vmem>>
    %dma_wait3A_850 = arith.constant 0 : i32
    %dma_wait3A_851 = tpu.memref_slice %arg4[%add3A_844, %dma_wait3A_850] : memref<81920x32xf32, #tpu.memory_space<hbm>> -> memref<128x32xf32, #tpu.memory_space<hbm>>
    %dma_wait3A_852 = arith.constant 0 : i32
    %dma_wait3A_853 = tpu.memref_slice %arg4[%add3A_844, %dma_wait3A_852] : memref<81920x32xf32, #tpu.memory_space<hbm>> -> memref<128x32xf32, #tpu.memory_space<hbm>>
    %dma_wait3A_854 = arith.constant 0 : i32
    %dma_wait3A_855 = arith.constant 0 : i32
    %dma_wait3A_856 = tpu.memref_slice %arg6[%dma_wait3A_845, %dma_wait3A_854, %dma_wait3A_855] : memref<20x128x32xf32, #tpu.memory_space<vmem>> -> memref<1x128x32xf32, #tpu.memory_space<vmem>>
    %dma_wait3A_857 = tpu.memref_squeeze %dma_wait3A_856 : memref<1x128x32xf32, #tpu.memory_space<vmem>> -> memref<128x32xf32, #tpu.memory_space<vmem>>
    tpu.wait_dma2 semaphore(%arg8 : memref<!tpu.dma_semaphore, #tpu.memory_space<semaphore_mem>>) src(%dma_wait3A_857 : memref<128x32xf32, #tpu.memory_space<vmem>>) dst(%dma_wait3A_853 : memref<128x32xf32, #tpu.memory_space<hbm>>)
    %mul3A_858 = arith.constant 2560 : i32
    %mul3A_859 = arith.muli %add3A, %mul3A_858 : i32
    %add3A_860 = arith.constant 128 : i32
    %add3A_861 = arith.addi %mul3A_859, %add3A_860 : i32
    %dma_wait3A_862 = arith.constant 1 : i32
    %dma_wait3A_863 = arith.constant 0 : i32
    %dma_wait3A_864 = arith.constant 0 : i32
    %dma_wait3A_865 = tpu.memref_slice %arg6[%dma_wait3A_862, %dma_wait3A_863, %dma_wait3A_864] : memref<20x128x32xf32, #tpu.memory_space<vmem>> -> memref<1x128x32xf32, #tpu.memory_space<vmem>>
    %dma_wait3A_866 = tpu.memref_squeeze %dma_wait3A_865 : memref<1x128x32xf32, #tpu.memory_space<vmem>> -> memref<128x32xf32, #tpu.memory_space<vmem>>
    %dma_wait3A_867 = arith.constant 0 : i32
    %dma_wait3A_868 = tpu.memref_slice %arg4[%add3A_861, %dma_wait3A_867] : memref<81920x32xf32, #tpu.memory_space<hbm>> -> memref<128x32xf32, #tpu.memory_space<hbm>>
    %dma_wait3A_869 = arith.constant 0 : i32
    %dma_wait3A_870 = tpu.memref_slice %arg4[%add3A_861, %dma_wait3A_869] : memref<81920x32xf32, #tpu.memory_space<hbm>> -> memref<128x32xf32, #tpu.memory_space<hbm>>
    %dma_wait3A_871 = arith.constant 0 : i32
    %dma_wait3A_872 = arith.constant 0 : i32
    %dma_wait3A_873 = tpu.memref_slice %arg6[%dma_wait3A_862, %dma_wait3A_871, %dma_wait3A_872] : memref<20x128x32xf32, #tpu.memory_space<vmem>> -> memref<1x128x32xf32, #tpu.memory_space<vmem>>
    %dma_wait3A_874 = tpu.memref_squeeze %dma_wait3A_873 : memref<1x128x32xf32, #tpu.memory_space<vmem>> -> memref<128x32xf32, #tpu.memory_space<vmem>>
    tpu.wait_dma2 semaphore(%arg8 : memref<!tpu.dma_semaphore, #tpu.memory_space<semaphore_mem>>) src(%dma_wait3A_874 : memref<128x32xf32, #tpu.memory_space<vmem>>) dst(%dma_wait3A_870 : memref<128x32xf32, #tpu.memory_space<hbm>>)
    %mul3A_875 = arith.constant 2560 : i32
    %mul3A_876 = arith.muli %add3A, %mul3A_875 : i32
    %add3A_877 = arith.constant 256 : i32
    %add3A_878 = arith.addi %mul3A_876, %add3A_877 : i32
    %dma_wait3A_879 = arith.constant 2 : i32
    %dma_wait3A_880 = arith.constant 0 : i32
    %dma_wait3A_881 = arith.constant 0 : i32
    %dma_wait3A_882 = tpu.memref_slice %arg6[%dma_wait3A_879, %dma_wait3A_880, %dma_wait3A_881] : memref<20x128x32xf32, #tpu.memory_space<vmem>> -> memref<1x128x32xf32, #tpu.memory_space<vmem>>
    %dma_wait3A_883 = tpu.memref_squeeze %dma_wait3A_882 : memref<1x128x32xf32, #tpu.memory_space<vmem>> -> memref<128x32xf32, #tpu.memory_space<vmem>>
    %dma_wait3A_884 = arith.constant 0 : i32
    %dma_wait3A_885 = tpu.memref_slice %arg4[%add3A_878, %dma_wait3A_884] : memref<81920x32xf32, #tpu.memory_space<hbm>> -> memref<128x32xf32, #tpu.memory_space<hbm>>
    %dma_wait3A_886 = arith.constant 0 : i32
    %dma_wait3A_887 = tpu.memref_slice %arg4[%add3A_878, %dma_wait3A_886] : memref<81920x32xf32, #tpu.memory_space<hbm>> -> memref<128x32xf32, #tpu.memory_space<hbm>>
    %dma_wait3A_888 = arith.constant 0 : i32
    %dma_wait3A_889 = arith.constant 0 : i32
    %dma_wait3A_890 = tpu.memref_slice %arg6[%dma_wait3A_879, %dma_wait3A_888, %dma_wait3A_889] : memref<20x128x32xf32, #tpu.memory_space<vmem>> -> memref<1x128x32xf32, #tpu.memory_space<vmem>>
    %dma_wait3A_891 = tpu.memref_squeeze %dma_wait3A_890 : memref<1x128x32xf32, #tpu.memory_space<vmem>> -> memref<128x32xf32, #tpu.memory_space<vmem>>
    tpu.wait_dma2 semaphore(%arg8 : memref<!tpu.dma_semaphore, #tpu.memory_space<semaphore_mem>>) src(%dma_wait3A_891 : memref<128x32xf32, #tpu.memory_space<vmem>>) dst(%dma_wait3A_887 : memref<128x32xf32, #tpu.memory_space<hbm>>)
    %mul3A_892 = arith.constant 2560 : i32
    %mul3A_893 = arith.muli %add3A, %mul3A_892 : i32
    %add3A_894 = arith.constant 384 : i32
    %add3A_895 = arith.addi %mul3A_893, %add3A_894 : i32
    %dma_wait3A_896 = arith.constant 3 : i32
    %dma_wait3A_897 = arith.constant 0 : i32
    %dma_wait3A_898 = arith.constant 0 : i32
    %dma_wait3A_899 = tpu.memref_slice %arg6[%dma_wait3A_896, %dma_wait3A_897, %dma_wait3A_898] : memref<20x128x32xf32, #tpu.memory_space<vmem>> -> memref<1x128x32xf32, #tpu.memory_space<vmem>>
    %dma_wait3A_900 = tpu.memref_squeeze %dma_wait3A_899 : memref<1x128x32xf32, #tpu.memory_space<vmem>> -> memref<128x32xf32, #tpu.memory_space<vmem>>
    %dma_wait3A_901 = arith.constant 0 : i32
    %dma_wait3A_902 = tpu.memref_slice %arg4[%add3A_895, %dma_wait3A_901] : memref<81920x32xf32, #tpu.memory_space<hbm>> -> memref<128x32xf32, #tpu.memory_space<hbm>>
    %dma_wait3A_903 = arith.constant 0 : i32
    %dma_wait3A_904 = tpu.memref_slice %arg4[%add3A_895, %dma_wait3A_903] : memref<81920x32xf32, #tpu.memory_space<hbm>> -> memref<128x32xf32, #tpu.memory_space<hbm>>
    %dma_wait3A_905 = arith.constant 0 : i32
    %dma_wait3A_906 = arith.constant 0 : i32
    %dma_wait3A_907 = tpu.memref_slice %arg6[%dma_wait3A_896, %dma_wait3A_905, %dma_wait3A_906] : memref<20x128x32xf32, #tpu.memory_space<vmem>> -> memref<1x128x32xf32, #tpu.memory_space<vmem>>
    %dma_wait3A_908 = tpu.memref_squeeze %dma_wait3A_907 : memref<1x128x32xf32, #tpu.memory_space<vmem>> -> memref<128x32xf32, #tpu.memory_space<vmem>>
    tpu.wait_dma2 semaphore(%arg8 : memref<!tpu.dma_semaphore, #tpu.memory_space<semaphore_mem>>) src(%dma_wait3A_908 : memref<128x32xf32, #tpu.memory_space<vmem>>) dst(%dma_wait3A_904 : memref<128x32xf32, #tpu.memory_space<hbm>>)
    %mul3A_909 = arith.constant 2560 : i32
    %mul3A_910 = arith.muli %add3A, %mul3A_909 : i32
    %add3A_911 = arith.constant 512 : i32
    %add3A_912 = arith.addi %mul3A_910, %add3A_911 : i32
    %dma_wait3A_913 = arith.constant 4 : i32
    %dma_wait3A_914 = arith.constant 0 : i32
    %dma_wait3A_915 = arith.constant 0 : i32
    %dma_wait3A_916 = tpu.memref_slice %arg6[%dma_wait3A_913, %dma_wait3A_914, %dma_wait3A_915] : memref<20x128x32xf32, #tpu.memory_space<vmem>> -> memref<1x128x32xf32, #tpu.memory_space<vmem>>
    %dma_wait3A_917 = tpu.memref_squeeze %dma_wait3A_916 : memref<1x128x32xf32, #tpu.memory_space<vmem>> -> memref<128x32xf32, #tpu.memory_space<vmem>>
    %dma_wait3A_918 = arith.constant 0 : i32
    %dma_wait3A_919 = tpu.memref_slice %arg4[%add3A_912, %dma_wait3A_918] : memref<81920x32xf32, #tpu.memory_space<hbm>> -> memref<128x32xf32, #tpu.memory_space<hbm>>
    %dma_wait3A_920 = arith.constant 0 : i32
    %dma_wait3A_921 = tpu.memref_slice %arg4[%add3A_912, %dma_wait3A_920] : memref<81920x32xf32, #tpu.memory_space<hbm>> -> memref<128x32xf32, #tpu.memory_space<hbm>>
    %dma_wait3A_922 = arith.constant 0 : i32
    %dma_wait3A_923 = arith.constant 0 : i32
    %dma_wait3A_924 = tpu.memref_slice %arg6[%dma_wait3A_913, %dma_wait3A_922, %dma_wait3A_923] : memref<20x128x32xf32, #tpu.memory_space<vmem>> -> memref<1x128x32xf32, #tpu.memory_space<vmem>>
    %dma_wait3A_925 = tpu.memref_squeeze %dma_wait3A_924 : memref<1x128x32xf32, #tpu.memory_space<vmem>> -> memref<128x32xf32, #tpu.memory_space<vmem>>
    tpu.wait_dma2 semaphore(%arg8 : memref<!tpu.dma_semaphore, #tpu.memory_space<semaphore_mem>>) src(%dma_wait3A_925 : memref<128x32xf32, #tpu.memory_space<vmem>>) dst(%dma_wait3A_921 : memref<128x32xf32, #tpu.memory_space<hbm>>)
    %mul3A_926 = arith.constant 2560 : i32
    %mul3A_927 = arith.muli %add3A, %mul3A_926 : i32
    %add3A_928 = arith.constant 640 : i32
    %add3A_929 = arith.addi %mul3A_927, %add3A_928 : i32
    %dma_wait3A_930 = arith.constant 5 : i32
    %dma_wait3A_931 = arith.constant 0 : i32
    %dma_wait3A_932 = arith.constant 0 : i32
    %dma_wait3A_933 = tpu.memref_slice %arg6[%dma_wait3A_930, %dma_wait3A_931, %dma_wait3A_932] : memref<20x128x32xf32, #tpu.memory_space<vmem>> -> memref<1x128x32xf32, #tpu.memory_space<vmem>>
    %dma_wait3A_934 = tpu.memref_squeeze %dma_wait3A_933 : memref<1x128x32xf32, #tpu.memory_space<vmem>> -> memref<128x32xf32, #tpu.memory_space<vmem>>
    %dma_wait3A_935 = arith.constant 0 : i32
    %dma_wait3A_936 = tpu.memref_slice %arg4[%add3A_929, %dma_wait3A_935] : memref<81920x32xf32, #tpu.memory_space<hbm>> -> memref<128x32xf32, #tpu.memory_space<hbm>>
    %dma_wait3A_937 = arith.constant 0 : i32
    %dma_wait3A_938 = tpu.memref_slice %arg4[%add3A_929, %dma_wait3A_937] : memref<81920x32xf32, #tpu.memory_space<hbm>> -> memref<128x32xf32, #tpu.memory_space<hbm>>
    %dma_wait3A_939 = arith.constant 0 : i32
    %dma_wait3A_940 = arith.constant 0 : i32
    %dma_wait3A_941 = tpu.memref_slice %arg6[%dma_wait3A_930, %dma_wait3A_939, %dma_wait3A_940] : memref<20x128x32xf32, #tpu.memory_space<vmem>> -> memref<1x128x32xf32, #tpu.memory_space<vmem>>
    %dma_wait3A_942 = tpu.memref_squeeze %dma_wait3A_941 : memref<1x128x32xf32, #tpu.memory_space<vmem>> -> memref<128x32xf32, #tpu.memory_space<vmem>>
    tpu.wait_dma2 semaphore(%arg8 : memref<!tpu.dma_semaphore, #tpu.memory_space<semaphore_mem>>) src(%dma_wait3A_942 : memref<128x32xf32, #tpu.memory_space<vmem>>) dst(%dma_wait3A_938 : memref<128x32xf32, #tpu.memory_space<hbm>>)
    %mul3A_943 = arith.constant 2560 : i32
    %mul3A_944 = arith.muli %add3A, %mul3A_943 : i32
    %add3A_945 = arith.constant 768 : i32
    %add3A_946 = arith.addi %mul3A_944, %add3A_945 : i32
    %dma_wait3A_947 = arith.constant 6 : i32
    %dma_wait3A_948 = arith.constant 0 : i32
    %dma_wait3A_949 = arith.constant 0 : i32
    %dma_wait3A_950 = tpu.memref_slice %arg6[%dma_wait3A_947, %dma_wait3A_948, %dma_wait3A_949] : memref<20x128x32xf32, #tpu.memory_space<vmem>> -> memref<1x128x32xf32, #tpu.memory_space<vmem>>
    %dma_wait3A_951 = tpu.memref_squeeze %dma_wait3A_950 : memref<1x128x32xf32, #tpu.memory_space<vmem>> -> memref<128x32xf32, #tpu.memory_space<vmem>>
    %dma_wait3A_952 = arith.constant 0 : i32
    %dma_wait3A_953 = tpu.memref_slice %arg4[%add3A_946, %dma_wait3A_952] : memref<81920x32xf32, #tpu.memory_space<hbm>> -> memref<128x32xf32, #tpu.memory_space<hbm>>
    %dma_wait3A_954 = arith.constant 0 : i32
    %dma_wait3A_955 = tpu.memref_slice %arg4[%add3A_946, %dma_wait3A_954] : memref<81920x32xf32, #tpu.memory_space<hbm>> -> memref<128x32xf32, #tpu.memory_space<hbm>>
    %dma_wait3A_956 = arith.constant 0 : i32
    %dma_wait3A_957 = arith.constant 0 : i32
    %dma_wait3A_958 = tpu.memref_slice %arg6[%dma_wait3A_947, %dma_wait3A_956, %dma_wait3A_957] : memref<20x128x32xf32, #tpu.memory_space<vmem>> -> memref<1x128x32xf32, #tpu.memory_space<vmem>>
    %dma_wait3A_959 = tpu.memref_squeeze %dma_wait3A_958 : memref<1x128x32xf32, #tpu.memory_space<vmem>> -> memref<128x32xf32, #tpu.memory_space<vmem>>
    tpu.wait_dma2 semaphore(%arg8 : memref<!tpu.dma_semaphore, #tpu.memory_space<semaphore_mem>>) src(%dma_wait3A_959 : memref<128x32xf32, #tpu.memory_space<vmem>>) dst(%dma_wait3A_955 : memref<128x32xf32, #tpu.memory_space<hbm>>)
    %mul3A_960 = arith.constant 2560 : i32
    %mul3A_961 = arith.muli %add3A, %mul3A_960 : i32
    %add3A_962 = arith.constant 896 : i32
    %add3A_963 = arith.addi %mul3A_961, %add3A_962 : i32
    %dma_wait3A_964 = arith.constant 7 : i32
    %dma_wait3A_965 = arith.constant 0 : i32
    %dma_wait3A_966 = arith.constant 0 : i32
    %dma_wait3A_967 = tpu.memref_slice %arg6[%dma_wait3A_964, %dma_wait3A_965, %dma_wait3A_966] : memref<20x128x32xf32, #tpu.memory_space<vmem>> -> memref<1x128x32xf32, #tpu.memory_space<vmem>>
    %dma_wait3A_968 = tpu.memref_squeeze %dma_wait3A_967 : memref<1x128x32xf32, #tpu.memory_space<vmem>> -> memref<128x32xf32, #tpu.memory_space<vmem>>
    %dma_wait3A_969 = arith.constant 0 : i32
    %dma_wait3A_970 = tpu.memref_slice %arg4[%add3A_963, %dma_wait3A_969] : memref<81920x32xf32, #tpu.memory_space<hbm>> -> memref<128x32xf32, #tpu.memory_space<hbm>>
    %dma_wait3A_971 = arith.constant 0 : i32
    %dma_wait3A_972 = tpu.memref_slice %arg4[%add3A_963, %dma_wait3A_971] : memref<81920x32xf32, #tpu.memory_space<hbm>> -> memref<128x32xf32, #tpu.memory_space<hbm>>
    %dma_wait3A_973 = arith.constant 0 : i32
    %dma_wait3A_974 = arith.constant 0 : i32
    %dma_wait3A_975 = tpu.memref_slice %arg6[%dma_wait3A_964, %dma_wait3A_973, %dma_wait3A_974] : memref<20x128x32xf32, #tpu.memory_space<vmem>> -> memref<1x128x32xf32, #tpu.memory_space<vmem>>
    %dma_wait3A_976 = tpu.memref_squeeze %dma_wait3A_975 : memref<1x128x32xf32, #tpu.memory_space<vmem>> -> memref<128x32xf32, #tpu.memory_space<vmem>>
    tpu.wait_dma2 semaphore(%arg8 : memref<!tpu.dma_semaphore, #tpu.memory_space<semaphore_mem>>) src(%dma_wait3A_976 : memref<128x32xf32, #tpu.memory_space<vmem>>) dst(%dma_wait3A_972 : memref<128x32xf32, #tpu.memory_space<hbm>>)
    %mul3A_977 = arith.constant 2560 : i32
    %mul3A_978 = arith.muli %add3A, %mul3A_977 : i32
    %add3A_979 = arith.constant 1024 : i32
    %add3A_980 = arith.addi %mul3A_978, %add3A_979 : i32
    %dma_wait3A_981 = arith.constant 8 : i32
    %dma_wait3A_982 = arith.constant 0 : i32
    %dma_wait3A_983 = arith.constant 0 : i32
    %dma_wait3A_984 = tpu.memref_slice %arg6[%dma_wait3A_981, %dma_wait3A_982, %dma_wait3A_983] : memref<20x128x32xf32, #tpu.memory_space<vmem>> -> memref<1x128x32xf32, #tpu.memory_space<vmem>>
    %dma_wait3A_985 = tpu.memref_squeeze %dma_wait3A_984 : memref<1x128x32xf32, #tpu.memory_space<vmem>> -> memref<128x32xf32, #tpu.memory_space<vmem>>
    %dma_wait3A_986 = arith.constant 0 : i32
    %dma_wait3A_987 = tpu.memref_slice %arg4[%add3A_980, %dma_wait3A_986] : memref<81920x32xf32, #tpu.memory_space<hbm>> -> memref<128x32xf32, #tpu.memory_space<hbm>>
    %dma_wait3A_988 = arith.constant 0 : i32
    %dma_wait3A_989 = tpu.memref_slice %arg4[%add3A_980, %dma_wait3A_988] : memref<81920x32xf32, #tpu.memory_space<hbm>> -> memref<128x32xf32, #tpu.memory_space<hbm>>
    %dma_wait3A_990 = arith.constant 0 : i32
    %dma_wait3A_991 = arith.constant 0 : i32
    %dma_wait3A_992 = tpu.memref_slice %arg6[%dma_wait3A_981, %dma_wait3A_990, %dma_wait3A_991] : memref<20x128x32xf32, #tpu.memory_space<vmem>> -> memref<1x128x32xf32, #tpu.memory_space<vmem>>
    %dma_wait3A_993 = tpu.memref_squeeze %dma_wait3A_992 : memref<1x128x32xf32, #tpu.memory_space<vmem>> -> memref<128x32xf32, #tpu.memory_space<vmem>>
    tpu.wait_dma2 semaphore(%arg8 : memref<!tpu.dma_semaphore, #tpu.memory_space<semaphore_mem>>) src(%dma_wait3A_993 : memref<128x32xf32, #tpu.memory_space<vmem>>) dst(%dma_wait3A_989 : memref<128x32xf32, #tpu.memory_space<hbm>>)
    %mul3A_994 = arith.constant 2560 : i32
    %mul3A_995 = arith.muli %add3A, %mul3A_994 : i32
    %add3A_996 = arith.constant 1152 : i32
    %add3A_997 = arith.addi %mul3A_995, %add3A_996 : i32
    %dma_wait3A_998 = arith.constant 9 : i32
    %dma_wait3A_999 = arith.constant 0 : i32
    %dma_wait3A_1000 = arith.constant 0 : i32
    %dma_wait3A_1001 = tpu.memref_slice %arg6[%dma_wait3A_998, %dma_wait3A_999, %dma_wait3A_1000] : memref<20x128x32xf32, #tpu.memory_space<vmem>> -> memref<1x128x32xf32, #tpu.memory_space<vmem>>
    %dma_wait3A_1002 = tpu.memref_squeeze %dma_wait3A_1001 : memref<1x128x32xf32, #tpu.memory_space<vmem>> -> memref<128x32xf32, #tpu.memory_space<vmem>>
    %dma_wait3A_1003 = arith.constant 0 : i32
    %dma_wait3A_1004 = tpu.memref_slice %arg4[%add3A_997, %dma_wait3A_1003] : memref<81920x32xf32, #tpu.memory_space<hbm>> -> memref<128x32xf32, #tpu.memory_space<hbm>>
    %dma_wait3A_1005 = arith.constant 0 : i32
    %dma_wait3A_1006 = tpu.memref_slice %arg4[%add3A_997, %dma_wait3A_1005] : memref<81920x32xf32, #tpu.memory_space<hbm>> -> memref<128x32xf32, #tpu.memory_space<hbm>>
    %dma_wait3A_1007 = arith.constant 0 : i32
    %dma_wait3A_1008 = arith.constant 0 : i32
    %dma_wait3A_1009 = tpu.memref_slice %arg6[%dma_wait3A_998, %dma_wait3A_1007, %dma_wait3A_1008] : memref<20x128x32xf32, #tpu.memory_space<vmem>> -> memref<1x128x32xf32, #tpu.memory_space<vmem>>
    %dma_wait3A_1010 = tpu.memref_squeeze %dma_wait3A_1009 : memref<1x128x32xf32, #tpu.memory_space<vmem>> -> memref<128x32xf32, #tpu.memory_space<vmem>>
    tpu.wait_dma2 semaphore(%arg8 : memref<!tpu.dma_semaphore, #tpu.memory_space<semaphore_mem>>) src(%dma_wait3A_1010 : memref<128x32xf32, #tpu.memory_space<vmem>>) dst(%dma_wait3A_1006 : memref<128x32xf32, #tpu.memory_space<hbm>>)
    %mul3A_1011 = arith.constant 2560 : i32
    %mul3A_1012 = arith.muli %add3A, %mul3A_1011 : i32
    %add3A_1013 = arith.constant 1280 : i32
    %add3A_1014 = arith.addi %mul3A_1012, %add3A_1013 : i32
    %dma_wait3A_1015 = arith.constant 10 : i32
    %dma_wait3A_1016 = arith.constant 0 : i32
    %dma_wait3A_1017 = arith.constant 0 : i32
    %dma_wait3A_1018 = tpu.memref_slice %arg6[%dma_wait3A_1015, %dma_wait3A_1016, %dma_wait3A_1017] : memref<20x128x32xf32, #tpu.memory_space<vmem>> -> memref<1x128x32xf32, #tpu.memory_space<vmem>>
    %dma_wait3A_1019 = tpu.memref_squeeze %dma_wait3A_1018 : memref<1x128x32xf32, #tpu.memory_space<vmem>> -> memref<128x32xf32, #tpu.memory_space<vmem>>
    %dma_wait3A_1020 = arith.constant 0 : i32
    %dma_wait3A_1021 = tpu.memref_slice %arg4[%add3A_1014, %dma_wait3A_1020] : memref<81920x32xf32, #tpu.memory_space<hbm>> -> memref<128x32xf32, #tpu.memory_space<hbm>>
    %dma_wait3A_1022 = arith.constant 0 : i32
    %dma_wait3A_1023 = tpu.memref_slice %arg4[%add3A_1014, %dma_wait3A_1022] : memref<81920x32xf32, #tpu.memory_space<hbm>> -> memref<128x32xf32, #tpu.memory_space<hbm>>
    %dma_wait3A_1024 = arith.constant 0 : i32
    %dma_wait3A_1025 = arith.constant 0 : i32
    %dma_wait3A_1026 = tpu.memref_slice %arg6[%dma_wait3A_1015, %dma_wait3A_1024, %dma_wait3A_1025] : memref<20x128x32xf32, #tpu.memory_space<vmem>> -> memref<1x128x32xf32, #tpu.memory_space<vmem>>
    %dma_wait3A_1027 = tpu.memref_squeeze %dma_wait3A_1026 : memref<1x128x32xf32, #tpu.memory_space<vmem>> -> memref<128x32xf32, #tpu.memory_space<vmem>>
    tpu.wait_dma2 semaphore(%arg8 : memref<!tpu.dma_semaphore, #tpu.memory_space<semaphore_mem>>) src(%dma_wait3A_1027 : memref<128x32xf32, #tpu.memory_space<vmem>>) dst(%dma_wait3A_1023 : memref<128x32xf32, #tpu.memory_space<hbm>>)
    %mul3A_1028 = arith.constant 2560 : i32
    %mul3A_1029 = arith.muli %add3A, %mul3A_1028 : i32
    %add3A_1030 = arith.constant 1408 : i32
    %add3A_1031 = arith.addi %mul3A_1029, %add3A_1030 : i32
    %dma_wait3A_1032 = arith.constant 11 : i32
    %dma_wait3A_1033 = arith.constant 0 : i32
    %dma_wait3A_1034 = arith.constant 0 : i32
    %dma_wait3A_1035 = tpu.memref_slice %arg6[%dma_wait3A_1032, %dma_wait3A_1033, %dma_wait3A_1034] : memref<20x128x32xf32, #tpu.memory_space<vmem>> -> memref<1x128x32xf32, #tpu.memory_space<vmem>>
    %dma_wait3A_1036 = tpu.memref_squeeze %dma_wait3A_1035 : memref<1x128x32xf32, #tpu.memory_space<vmem>> -> memref<128x32xf32, #tpu.memory_space<vmem>>
    %dma_wait3A_1037 = arith.constant 0 : i32
    %dma_wait3A_1038 = tpu.memref_slice %arg4[%add3A_1031, %dma_wait3A_1037] : memref<81920x32xf32, #tpu.memory_space<hbm>> -> memref<128x32xf32, #tpu.memory_space<hbm>>
    %dma_wait3A_1039 = arith.constant 0 : i32
    %dma_wait3A_1040 = tpu.memref_slice %arg4[%add3A_1031, %dma_wait3A_1039] : memref<81920x32xf32, #tpu.memory_space<hbm>> -> memref<128x32xf32, #tpu.memory_space<hbm>>
    %dma_wait3A_1041 = arith.constant 0 : i32
    %dma_wait3A_1042 = arith.constant 0 : i32
    %dma_wait3A_1043 = tpu.memref_slice %arg6[%dma_wait3A_1032, %dma_wait3A_1041, %dma_wait3A_1042] : memref<20x128x32xf32, #tpu.memory_space<vmem>> -> memref<1x128x32xf32, #tpu.memory_space<vmem>>
    %dma_wait3A_1044 = tpu.memref_squeeze %dma_wait3A_1043 : memref<1x128x32xf32, #tpu.memory_space<vmem>> -> memref<128x32xf32, #tpu.memory_space<vmem>>
    tpu.wait_dma2 semaphore(%arg8 : memref<!tpu.dma_semaphore, #tpu.memory_space<semaphore_mem>>) src(%dma_wait3A_1044 : memref<128x32xf32, #tpu.memory_space<vmem>>) dst(%dma_wait3A_1040 : memref<128x32xf32, #tpu.memory_space<hbm>>)
    %mul3A_1045 = arith.constant 2560 : i32
    %mul3A_1046 = arith.muli %add3A, %mul3A_1045 : i32
    %add3A_1047 = arith.constant 1536 : i32
    %add3A_1048 = arith.addi %mul3A_1046, %add3A_1047 : i32
    %dma_wait3A_1049 = arith.constant 12 : i32
    %dma_wait3A_1050 = arith.constant 0 : i32
    %dma_wait3A_1051 = arith.constant 0 : i32
    %dma_wait3A_1052 = tpu.memref_slice %arg6[%dma_wait3A_1049, %dma_wait3A_1050, %dma_wait3A_1051] : memref<20x128x32xf32, #tpu.memory_space<vmem>> -> memref<1x128x32xf32, #tpu.memory_space<vmem>>
    %dma_wait3A_1053 = tpu.memref_squeeze %dma_wait3A_1052 : memref<1x128x32xf32, #tpu.memory_space<vmem>> -> memref<128x32xf32, #tpu.memory_space<vmem>>
    %dma_wait3A_1054 = arith.constant 0 : i32
    %dma_wait3A_1055 = tpu.memref_slice %arg4[%add3A_1048, %dma_wait3A_1054] : memref<81920x32xf32, #tpu.memory_space<hbm>> -> memref<128x32xf32, #tpu.memory_space<hbm>>
    %dma_wait3A_1056 = arith.constant 0 : i32
    %dma_wait3A_1057 = tpu.memref_slice %arg4[%add3A_1048, %dma_wait3A_1056] : memref<81920x32xf32, #tpu.memory_space<hbm>> -> memref<128x32xf32, #tpu.memory_space<hbm>>
    %dma_wait3A_1058 = arith.constant 0 : i32
    %dma_wait3A_1059 = arith.constant 0 : i32
    %dma_wait3A_1060 = tpu.memref_slice %arg6[%dma_wait3A_1049, %dma_wait3A_1058, %dma_wait3A_1059] : memref<20x128x32xf32, #tpu.memory_space<vmem>> -> memref<1x128x32xf32, #tpu.memory_space<vmem>>
    %dma_wait3A_1061 = tpu.memref_squeeze %dma_wait3A_1060 : memref<1x128x32xf32, #tpu.memory_space<vmem>> -> memref<128x32xf32, #tpu.memory_space<vmem>>
    tpu.wait_dma2 semaphore(%arg8 : memref<!tpu.dma_semaphore, #tpu.memory_space<semaphore_mem>>) src(%dma_wait3A_1061 : memref<128x32xf32, #tpu.memory_space<vmem>>) dst(%dma_wait3A_1057 : memref<128x32xf32, #tpu.memory_space<hbm>>)
    %mul3A_1062 = arith.constant 2560 : i32
    %mul3A_1063 = arith.muli %add3A, %mul3A_1062 : i32
    %add3A_1064 = arith.constant 1664 : i32
    %add3A_1065 = arith.addi %mul3A_1063, %add3A_1064 : i32
    %dma_wait3A_1066 = arith.constant 13 : i32
    %dma_wait3A_1067 = arith.constant 0 : i32
    %dma_wait3A_1068 = arith.constant 0 : i32
    %dma_wait3A_1069 = tpu.memref_slice %arg6[%dma_wait3A_1066, %dma_wait3A_1067, %dma_wait3A_1068] : memref<20x128x32xf32, #tpu.memory_space<vmem>> -> memref<1x128x32xf32, #tpu.memory_space<vmem>>
    %dma_wait3A_1070 = tpu.memref_squeeze %dma_wait3A_1069 : memref<1x128x32xf32, #tpu.memory_space<vmem>> -> memref<128x32xf32, #tpu.memory_space<vmem>>
    %dma_wait3A_1071 = arith.constant 0 : i32
    %dma_wait3A_1072 = tpu.memref_slice %arg4[%add3A_1065, %dma_wait3A_1071] : memref<81920x32xf32, #tpu.memory_space<hbm>> -> memref<128x32xf32, #tpu.memory_space<hbm>>
    %dma_wait3A_1073 = arith.constant 0 : i32
    %dma_wait3A_1074 = tpu.memref_slice %arg4[%add3A_1065, %dma_wait3A_1073] : memref<81920x32xf32, #tpu.memory_space<hbm>> -> memref<128x32xf32, #tpu.memory_space<hbm>>
    %dma_wait3A_1075 = arith.constant 0 : i32
    %dma_wait3A_1076 = arith.constant 0 : i32
    %dma_wait3A_1077 = tpu.memref_slice %arg6[%dma_wait3A_1066, %dma_wait3A_1075, %dma_wait3A_1076] : memref<20x128x32xf32, #tpu.memory_space<vmem>> -> memref<1x128x32xf32, #tpu.memory_space<vmem>>
    %dma_wait3A_1078 = tpu.memref_squeeze %dma_wait3A_1077 : memref<1x128x32xf32, #tpu.memory_space<vmem>> -> memref<128x32xf32, #tpu.memory_space<vmem>>
    tpu.wait_dma2 semaphore(%arg8 : memref<!tpu.dma_semaphore, #tpu.memory_space<semaphore_mem>>) src(%dma_wait3A_1078 : memref<128x32xf32, #tpu.memory_space<vmem>>) dst(%dma_wait3A_1074 : memref<128x32xf32, #tpu.memory_space<hbm>>)
    %mul3A_1079 = arith.constant 2560 : i32
    %mul3A_1080 = arith.muli %add3A, %mul3A_1079 : i32
    %add3A_1081 = arith.constant 1792 : i32
    %add3A_1082 = arith.addi %mul3A_1080, %add3A_1081 : i32
    %dma_wait3A_1083 = arith.constant 14 : i32
    %dma_wait3A_1084 = arith.constant 0 : i32
    %dma_wait3A_1085 = arith.constant 0 : i32
    %dma_wait3A_1086 = tpu.memref_slice %arg6[%dma_wait3A_1083, %dma_wait3A_1084, %dma_wait3A_1085] : memref<20x128x32xf32, #tpu.memory_space<vmem>> -> memref<1x128x32xf32, #tpu.memory_space<vmem>>
    %dma_wait3A_1087 = tpu.memref_squeeze %dma_wait3A_1086 : memref<1x128x32xf32, #tpu.memory_space<vmem>> -> memref<128x32xf32, #tpu.memory_space<vmem>>
    %dma_wait3A_1088 = arith.constant 0 : i32
    %dma_wait3A_1089 = tpu.memref_slice %arg4[%add3A_1082, %dma_wait3A_1088] : memref<81920x32xf32, #tpu.memory_space<hbm>> -> memref<128x32xf32, #tpu.memory_space<hbm>>
    %dma_wait3A_1090 = arith.constant 0 : i32
    %dma_wait3A_1091 = tpu.memref_slice %arg4[%add3A_1082, %dma_wait3A_1090] : memref<81920x32xf32, #tpu.memory_space<hbm>> -> memref<128x32xf32, #tpu.memory_space<hbm>>
    %dma_wait3A_1092 = arith.constant 0 : i32
    %dma_wait3A_1093 = arith.constant 0 : i32
    %dma_wait3A_1094 = tpu.memref_slice %arg6[%dma_wait3A_1083, %dma_wait3A_1092, %dma_wait3A_1093] : memref<20x128x32xf32, #tpu.memory_space<vmem>> -> memref<1x128x32xf32, #tpu.memory_space<vmem>>
    %dma_wait3A_1095 = tpu.memref_squeeze %dma_wait3A_1094 : memref<1x128x32xf32, #tpu.memory_space<vmem>> -> memref<128x32xf32, #tpu.memory_space<vmem>>
    tpu.wait_dma2 semaphore(%arg8 : memref<!tpu.dma_semaphore, #tpu.memory_space<semaphore_mem>>) src(%dma_wait3A_1095 : memref<128x32xf32, #tpu.memory_space<vmem>>) dst(%dma_wait3A_1091 : memref<128x32xf32, #tpu.memory_space<hbm>>)
    %mul3A_1096 = arith.constant 2560 : i32
    %mul3A_1097 = arith.muli %add3A, %mul3A_1096 : i32
    %add3A_1098 = arith.constant 1920 : i32
    %add3A_1099 = arith.addi %mul3A_1097, %add3A_1098 : i32
    %dma_wait3A_1100 = arith.constant 15 : i32
    %dma_wait3A_1101 = arith.constant 0 : i32
    %dma_wait3A_1102 = arith.constant 0 : i32
    %dma_wait3A_1103 = tpu.memref_slice %arg6[%dma_wait3A_1100, %dma_wait3A_1101, %dma_wait3A_1102] : memref<20x128x32xf32, #tpu.memory_space<vmem>> -> memref<1x128x32xf32, #tpu.memory_space<vmem>>
    %dma_wait3A_1104 = tpu.memref_squeeze %dma_wait3A_1103 : memref<1x128x32xf32, #tpu.memory_space<vmem>> -> memref<128x32xf32, #tpu.memory_space<vmem>>
    %dma_wait3A_1105 = arith.constant 0 : i32
    %dma_wait3A_1106 = tpu.memref_slice %arg4[%add3A_1099, %dma_wait3A_1105] : memref<81920x32xf32, #tpu.memory_space<hbm>> -> memref<128x32xf32, #tpu.memory_space<hbm>>
    %dma_wait3A_1107 = arith.constant 0 : i32
    %dma_wait3A_1108 = tpu.memref_slice %arg4[%add3A_1099, %dma_wait3A_1107] : memref<81920x32xf32, #tpu.memory_space<hbm>> -> memref<128x32xf32, #tpu.memory_space<hbm>>
    %dma_wait3A_1109 = arith.constant 0 : i32
    %dma_wait3A_1110 = arith.constant 0 : i32
    %dma_wait3A_1111 = tpu.memref_slice %arg6[%dma_wait3A_1100, %dma_wait3A_1109, %dma_wait3A_1110] : memref<20x128x32xf32, #tpu.memory_space<vmem>> -> memref<1x128x32xf32, #tpu.memory_space<vmem>>
    %dma_wait3A_1112 = tpu.memref_squeeze %dma_wait3A_1111 : memref<1x128x32xf32, #tpu.memory_space<vmem>> -> memref<128x32xf32, #tpu.memory_space<vmem>>
    tpu.wait_dma2 semaphore(%arg8 : memref<!tpu.dma_semaphore, #tpu.memory_space<semaphore_mem>>) src(%dma_wait3A_1112 : memref<128x32xf32, #tpu.memory_space<vmem>>) dst(%dma_wait3A_1108 : memref<128x32xf32, #tpu.memory_space<hbm>>)
    %mul3A_1113 = arith.constant 2560 : i32
    %mul3A_1114 = arith.muli %add3A, %mul3A_1113 : i32
    %add3A_1115 = arith.constant 2048 : i32
    %add3A_1116 = arith.addi %mul3A_1114, %add3A_1115 : i32
    %dma_wait3A_1117 = arith.constant 16 : i32
    %dma_wait3A_1118 = arith.constant 0 : i32
    %dma_wait3A_1119 = arith.constant 0 : i32
    %dma_wait3A_1120 = tpu.memref_slice %arg6[%dma_wait3A_1117, %dma_wait3A_1118, %dma_wait3A_1119] : memref<20x128x32xf32, #tpu.memory_space<vmem>> -> memref<1x128x32xf32, #tpu.memory_space<vmem>>
    %dma_wait3A_1121 = tpu.memref_squeeze %dma_wait3A_1120 : memref<1x128x32xf32, #tpu.memory_space<vmem>> -> memref<128x32xf32, #tpu.memory_space<vmem>>
    %dma_wait3A_1122 = arith.constant 0 : i32
    %dma_wait3A_1123 = tpu.memref_slice %arg4[%add3A_1116, %dma_wait3A_1122] : memref<81920x32xf32, #tpu.memory_space<hbm>> -> memref<128x32xf32, #tpu.memory_space<hbm>>
    %dma_wait3A_1124 = arith.constant 0 : i32
    %dma_wait3A_1125 = tpu.memref_slice %arg4[%add3A_1116, %dma_wait3A_1124] : memref<81920x32xf32, #tpu.memory_space<hbm>> -> memref<128x32xf32, #tpu.memory_space<hbm>>
    %dma_wait3A_1126 = arith.constant 0 : i32
    %dma_wait3A_1127 = arith.constant 0 : i32
    %dma_wait3A_1128 = tpu.memref_slice %arg6[%dma_wait3A_1117, %dma_wait3A_1126, %dma_wait3A_1127] : memref<20x128x32xf32, #tpu.memory_space<vmem>> -> memref<1x128x32xf32, #tpu.memory_space<vmem>>
    %dma_wait3A_1129 = tpu.memref_squeeze %dma_wait3A_1128 : memref<1x128x32xf32, #tpu.memory_space<vmem>> -> memref<128x32xf32, #tpu.memory_space<vmem>>
    tpu.wait_dma2 semaphore(%arg8 : memref<!tpu.dma_semaphore, #tpu.memory_space<semaphore_mem>>) src(%dma_wait3A_1129 : memref<128x32xf32, #tpu.memory_space<vmem>>) dst(%dma_wait3A_1125 : memref<128x32xf32, #tpu.memory_space<hbm>>)
    %mul3A_1130 = arith.constant 2560 : i32
    %mul3A_1131 = arith.muli %add3A, %mul3A_1130 : i32
    %add3A_1132 = arith.constant 2176 : i32
    %add3A_1133 = arith.addi %mul3A_1131, %add3A_1132 : i32
    %dma_wait3A_1134 = arith.constant 17 : i32
    %dma_wait3A_1135 = arith.constant 0 : i32
    %dma_wait3A_1136 = arith.constant 0 : i32
    %dma_wait3A_1137 = tpu.memref_slice %arg6[%dma_wait3A_1134, %dma_wait3A_1135, %dma_wait3A_1136] : memref<20x128x32xf32, #tpu.memory_space<vmem>> -> memref<1x128x32xf32, #tpu.memory_space<vmem>>
    %dma_wait3A_1138 = tpu.memref_squeeze %dma_wait3A_1137 : memref<1x128x32xf32, #tpu.memory_space<vmem>> -> memref<128x32xf32, #tpu.memory_space<vmem>>
    %dma_wait3A_1139 = arith.constant 0 : i32
    %dma_wait3A_1140 = tpu.memref_slice %arg4[%add3A_1133, %dma_wait3A_1139] : memref<81920x32xf32, #tpu.memory_space<hbm>> -> memref<128x32xf32, #tpu.memory_space<hbm>>
    %dma_wait3A_1141 = arith.constant 0 : i32
    %dma_wait3A_1142 = tpu.memref_slice %arg4[%add3A_1133, %dma_wait3A_1141] : memref<81920x32xf32, #tpu.memory_space<hbm>> -> memref<128x32xf32, #tpu.memory_space<hbm>>
    %dma_wait3A_1143 = arith.constant 0 : i32
    %dma_wait3A_1144 = arith.constant 0 : i32
    %dma_wait3A_1145 = tpu.memref_slice %arg6[%dma_wait3A_1134, %dma_wait3A_1143, %dma_wait3A_1144] : memref<20x128x32xf32, #tpu.memory_space<vmem>> -> memref<1x128x32xf32, #tpu.memory_space<vmem>>
    %dma_wait3A_1146 = tpu.memref_squeeze %dma_wait3A_1145 : memref<1x128x32xf32, #tpu.memory_space<vmem>> -> memref<128x32xf32, #tpu.memory_space<vmem>>
    tpu.wait_dma2 semaphore(%arg8 : memref<!tpu.dma_semaphore, #tpu.memory_space<semaphore_mem>>) src(%dma_wait3A_1146 : memref<128x32xf32, #tpu.memory_space<vmem>>) dst(%dma_wait3A_1142 : memref<128x32xf32, #tpu.memory_space<hbm>>)
    %mul3A_1147 = arith.constant 2560 : i32
    %mul3A_1148 = arith.muli %add3A, %mul3A_1147 : i32
    %add3A_1149 = arith.constant 2304 : i32
    %add3A_1150 = arith.addi %mul3A_1148, %add3A_1149 : i32
    %dma_wait3A_1151 = arith.constant 18 : i32
    %dma_wait3A_1152 = arith.constant 0 : i32
    %dma_wait3A_1153 = arith.constant 0 : i32
    %dma_wait3A_1154 = tpu.memref_slice %arg6[%dma_wait3A_1151, %dma_wait3A_1152, %dma_wait3A_1153] : memref<20x128x32xf32, #tpu.memory_space<vmem>> -> memref<1x128x32xf32, #tpu.memory_space<vmem>>
    %dma_wait3A_1155 = tpu.memref_squeeze %dma_wait3A_1154 : memref<1x128x32xf32, #tpu.memory_space<vmem>> -> memref<128x32xf32, #tpu.memory_space<vmem>>
    %dma_wait3A_1156 = arith.constant 0 : i32
    %dma_wait3A_1157 = tpu.memref_slice %arg4[%add3A_1150, %dma_wait3A_1156] : memref<81920x32xf32, #tpu.memory_space<hbm>> -> memref<128x32xf32, #tpu.memory_space<hbm>>
    %dma_wait3A_1158 = arith.constant 0 : i32
    %dma_wait3A_1159 = tpu.memref_slice %arg4[%add3A_1150, %dma_wait3A_1158] : memref<81920x32xf32, #tpu.memory_space<hbm>> -> memref<128x32xf32, #tpu.memory_space<hbm>>
    %dma_wait3A_1160 = arith.constant 0 : i32
    %dma_wait3A_1161 = arith.constant 0 : i32
    %dma_wait3A_1162 = tpu.memref_slice %arg6[%dma_wait3A_1151, %dma_wait3A_1160, %dma_wait3A_1161] : memref<20x128x32xf32, #tpu.memory_space<vmem>> -> memref<1x128x32xf32, #tpu.memory_space<vmem>>
    %dma_wait3A_1163 = tpu.memref_squeeze %dma_wait3A_1162 : memref<1x128x32xf32, #tpu.memory_space<vmem>> -> memref<128x32xf32, #tpu.memory_space<vmem>>
    tpu.wait_dma2 semaphore(%arg8 : memref<!tpu.dma_semaphore, #tpu.memory_space<semaphore_mem>>) src(%dma_wait3A_1163 : memref<128x32xf32, #tpu.memory_space<vmem>>) dst(%dma_wait3A_1159 : memref<128x32xf32, #tpu.memory_space<hbm>>)
    %mul3A_1164 = arith.constant 2560 : i32
    %mul3A_1165 = arith.muli %add3A, %mul3A_1164 : i32
    %add3A_1166 = arith.constant 2432 : i32
    %add3A_1167 = arith.addi %mul3A_1165, %add3A_1166 : i32
    %dma_wait3A_1168 = arith.constant 19 : i32
    %dma_wait3A_1169 = arith.constant 0 : i32
    %dma_wait3A_1170 = arith.constant 0 : i32
    %dma_wait3A_1171 = tpu.memref_slice %arg6[%dma_wait3A_1168, %dma_wait3A_1169, %dma_wait3A_1170] : memref<20x128x32xf32, #tpu.memory_space<vmem>> -> memref<1x128x32xf32, #tpu.memory_space<vmem>>
    %dma_wait3A_1172 = tpu.memref_squeeze %dma_wait3A_1171 : memref<1x128x32xf32, #tpu.memory_space<vmem>> -> memref<128x32xf32, #tpu.memory_space<vmem>>
    %dma_wait3A_1173 = arith.constant 0 : i32
    %dma_wait3A_1174 = tpu.memref_slice %arg4[%add3A_1167, %dma_wait3A_1173] : memref<81920x32xf32, #tpu.memory_space<hbm>> -> memref<128x32xf32, #tpu.memory_space<hbm>>
    %dma_wait3A_1175 = arith.constant 0 : i32
    %dma_wait3A_1176 = tpu.memref_slice %arg4[%add3A_1167, %dma_wait3A_1175] : memref<81920x32xf32, #tpu.memory_space<hbm>> -> memref<128x32xf32, #tpu.memory_space<hbm>>
    %dma_wait3A_1177 = arith.constant 0 : i32
    %dma_wait3A_1178 = arith.constant 0 : i32
    %dma_wait3A_1179 = tpu.memref_slice %arg6[%dma_wait3A_1168, %dma_wait3A_1177, %dma_wait3A_1178] : memref<20x128x32xf32, #tpu.memory_space<vmem>> -> memref<1x128x32xf32, #tpu.memory_space<vmem>>
    %dma_wait3A_1180 = tpu.memref_squeeze %dma_wait3A_1179 : memref<1x128x32xf32, #tpu.memory_space<vmem>> -> memref<128x32xf32, #tpu.memory_space<vmem>>
    tpu.wait_dma2 semaphore(%arg8 : memref<!tpu.dma_semaphore, #tpu.memory_space<semaphore_mem>>) src(%dma_wait3A_1180 : memref<128x32xf32, #tpu.memory_space<vmem>>) dst(%dma_wait3A_1176 : memref<128x32xf32, #tpu.memory_space<hbm>>)
    "tpu.trace_stop"() : () -> ()
    return
  }
}

#map = affine_map<(d0, d1) -> (0)>
#map1 = affine_map<(d0, d1) -> (0, 0)>
module attributes {stable_mosaic.version = 14 : i64} {
  func.func @_sc_ctx(%arg0: i32, %arg1: i32, %arg2: memref<262144xi32, #tpu.memory_space<hbm>>, %arg3: memref<999999x32xf32, #tpu.memory_space<hbm>>, %arg4: memref<4096x32xf32, #tpu.memory_space<hbm>>, %arg5: memref<8192xi32, #tpu.memory_space<vmem>>, %arg6: memref<16x128x32xf32, #tpu.memory_space<vmem>>, %arg7: memref<16x128xi32, #tpu.memory_space<vmem>>, %arg8: memref<2048x32xf32, #tpu.memory_space<vmem_shared>>, %arg9: memref<!tpu.dma_semaphore, #tpu.memory_space<semaphore_mem>>, %arg10: memref<!tpu.dma_semaphore, #tpu.memory_space<semaphore_mem>>) attributes {dimension_semantics = [#tpu.dimension_semantics<core_parallel>, #tpu.dimension_semantics<subcore_parallel>], iteration_bounds = array<i64: 2, 16>, scalar_prefetch = 0 : i64, scratch_operands = 6 : i64, tpu.core_type = #tpu.core_type<sc_vector_subcore>, window_params = [{transform_indices = #map}, {transform_indices = #map1}, {transform_indices = #map1}]} {
    %mul3A = arith.constant 2 : i32
    %mul3A_0 = arith.muli %arg1, %mul3A : i32
    %add3A = arith.addi %mul3A_0, %arg0 : i32
    "tpu.trace_start"() <{level = 10 : i32, message = "adjust"}> : () -> ()
    %mul3A_1 = arith.constant 8192 : i32
    %mul3A_2 = arith.muli %add3A, %mul3A_1 : i32
    "tpu.region"() ({
      %run_scoped3A_209 = tpu.sem_alloc : memref<!tpu.dma_semaphore, #tpu.memory_space<semaphore_mem>>
      %dma_start3A_210 = tpu.memref_slice %arg2[%mul3A_2] : memref<262144xi32, #tpu.memory_space<hbm>> -> memref<8192xi32, #tpu.memory_space<hbm>>
      %dma_start3A_211 = tpu.memref_slice %arg2[%mul3A_2] : memref<262144xi32, #tpu.memory_space<hbm>> -> memref<8192xi32, #tpu.memory_space<hbm>>
      tpu.enqueue_dma source(%dma_start3A_211 : memref<8192xi32, #tpu.memory_space<hbm>>) target(%arg5 : memref<8192xi32, #tpu.memory_space<vmem>>) target_semaphore(%run_scoped3A_209 : memref<!tpu.dma_semaphore, #tpu.memory_space<semaphore_mem>>)
      %dma_wait3A_212 = tpu.memref_slice %arg2[%mul3A_2] : memref<262144xi32, #tpu.memory_space<hbm>> -> memref<8192xi32, #tpu.memory_space<hbm>>
      %dma_wait3A_213 = tpu.memref_slice %arg2[%mul3A_2] : memref<262144xi32, #tpu.memory_space<hbm>> -> memref<8192xi32, #tpu.memory_space<hbm>>
      tpu.wait_dma2 semaphore(%run_scoped3A_209 : memref<!tpu.dma_semaphore, #tpu.memory_space<semaphore_mem>>) src(%dma_wait3A_213 : memref<8192xi32, #tpu.memory_space<hbm>>) dst(%arg5 : memref<8192xi32, #tpu.memory_space<vmem>>)
      tpu.yield
    }) : () -> ()
    %scan3A = arith.constant 0 : i32
    %scan3A_3 = arith.constant 0 : i32
    %scan3A_4 = arith.constant 512 : i32
    %scan3A_5 = arith.addi %scan3A_3, %scan3A_4 : i32
    %scan3A_6 = arith.constant 1 : i32
    scf.for %scan3A_209 = %scan3A_3 to %scan3A_5 step %scan3A_6  : i32 {
      %mul3A_210 = arith.constant 16 : i32
      %mul3A_211 = arith.muli %scan3A_209, %mul3A_210 : i32
      %get3A = arith.index_cast %mul3A_211 : i32 to index
      %get3A_212 = tpu.vector_load %arg5[%get3A] {strides = array<i32>} : memref<8192xi32, #tpu.memory_space<vmem>>, vector<16xi32>,
      %get3A_213 = vector.shape_cast %get3A_212 : vector<16xi32> to vector<16xi32>
      %sub3A = arith.constant 1 : i32
      %sub3A_214 = vector.broadcast %sub3A : i32 to vector<16xi32>
      %sub3A_215 = arith.subi %get3A_213, %sub3A_214 : vector<16xi32>
      %max3A = arith.constant 0 : i32
      %max3A_216 = vector.broadcast %max3A : i32 to vector<16xi32>
      %max3A_217 = arith.maxsi %sub3A_215, %max3A_216 : vector<16xi32>
      %mul3A_218 = arith.constant 16 : i32
      %mul3A_219 = arith.muli %scan3A_209, %mul3A_218 : i32
      %swap3A = arith.index_cast %mul3A_219 : i32 to index
      %swap3A_220 = tpu.vector_load %arg5[%swap3A] {strides = array<i32>} : memref<8192xi32, #tpu.memory_space<vmem>>, vector<16xi32>,
      %swap3A_221 = vector.shape_cast %swap3A_220 : vector<16xi32> to vector<16xi32>
      %swap3A_222 = vector.shape_cast %max3A_217 : vector<16xi32> to vector<16xi32>
      tpu.vector_store %arg5[%swap3A], %swap3A_222 {strides = array<i32>} : memref<8192xi32, #tpu.memory_space<vmem>>, vector<16xi32>,
    }
    %scan3A_7 = arith.constant 512 : i32
    "tpu.trace_stop"() : () -> ()
    "tpu.trace_start"() <{level = 10 : i32, message = "zero_acc"}> : () -> ()
    %scan3A_8 = arith.constant 0 : i32
    %scan3A_9 = arith.constant 0 : i32
    %scan3A_10 = arith.constant 128 : i32
    %scan3A_11 = arith.addi %scan3A_9, %scan3A_10 : i32
    %scan3A_12 = arith.constant 1 : i32
    scf.for %scan3A_209 = %scan3A_9 to %scan3A_11 step %scan3A_12  : i32 {
      %broadcast_in_dim3A = arith.constant 0.000000e+00 : f32
      %broadcast_in_dim3A_210 = vector.broadcast %broadcast_in_dim3A : f32 to vector<16xf32>
      %swap3A = arith.constant 0 : i32
      %swap3A_211 = arith.index_cast %swap3A : i32 to index
      %swap3A_212 = arith.index_cast %scan3A_209 : i32 to index
      %swap3A_213 = arith.constant 0 : index
      %swap3A_214 = tpu.vector_load %arg6[%swap3A_211, %swap3A_212, %swap3A_213] {strides = array<i32>} : memref<16x128x32xf32, #tpu.memory_space<vmem>>, vector<1x1x16xf32>,
      %swap3A_215 = vector.shape_cast %swap3A_214 : vector<1x1x16xf32> to vector<16xf32>
      %swap3A_216 = vector.shape_cast %broadcast_in_dim3A_210 : vector<16xf32> to vector<1x1x16xf32>
      tpu.vector_store %arg6[%swap3A_211, %swap3A_212, %swap3A_213], %swap3A_216 {strides = array<i32>} : memref<16x128x32xf32, #tpu.memory_space<vmem>>, vector<1x1x16xf32>,
      %broadcast_in_dim3A_217 = arith.constant 0.000000e+00 : f32
      %broadcast_in_dim3A_218 = vector.broadcast %broadcast_in_dim3A_217 : f32 to vector<16xf32>
      %swap3A_219 = arith.constant 0 : i32
      %swap3A_220 = arith.index_cast %swap3A_219 : i32 to index
      %swap3A_221 = arith.index_cast %scan3A_209 : i32 to index
      %swap3A_222 = arith.constant 16 : index
      %swap3A_223 = tpu.vector_load %arg6[%swap3A_220, %swap3A_221, %swap3A_222] {strides = array<i32>} : memref<16x128x32xf32, #tpu.memory_space<vmem>>, vector<1x1x16xf32>,
      %swap3A_224 = vector.shape_cast %swap3A_223 : vector<1x1x16xf32> to vector<16xf32>
      %swap3A_225 = vector.shape_cast %broadcast_in_dim3A_218 : vector<16xf32> to vector<1x1x16xf32>
      tpu.vector_store %arg6[%swap3A_220, %swap3A_221, %swap3A_222], %swap3A_225 {strides = array<i32>} : memref<16x128x32xf32, #tpu.memory_space<vmem>>, vector<1x1x16xf32>,
    }
    %scan3A_13 = arith.constant 128 : i32
    %mul3A_14 = arith.constant 128 : i32
    %mul3A_15 = arith.muli %arg1, %mul3A_14 : i32
    %run_scoped3A = arith.constant 0 : i32
    "tpu.region"() ({
      %run_scoped3A_209 = tpu.sem_alloc : memref<!tpu.dma_semaphore, #tpu.memory_space<semaphore_mem>>
      %dma_start3A_210 = arith.constant 0 : i32
      %dma_start3A_211 = arith.constant 0 : i32
      %dma_start3A_212 = tpu.memref_slice %arg6[%run_scoped3A, %dma_start3A_210, %dma_start3A_211] : memref<16x128x32xf32, #tpu.memory_space<vmem>> -> memref<1x128x32xf32, #tpu.memory_space<vmem>>
      %dma_start3A_213 = tpu.memref_squeeze %dma_start3A_212 : memref<1x128x32xf32, #tpu.memory_space<vmem>> -> memref<128x32xf32, #tpu.memory_space<vmem>>
      %dma_start3A_214 = arith.constant 0 : i32
      %dma_start3A_215 = tpu.memref_slice %arg8[%mul3A_15, %dma_start3A_214] : memref<2048x32xf32, #tpu.memory_space<vmem_shared>> -> memref<128x32xf32, #tpu.memory_space<vmem_shared>>
      %dma_start3A_216 = arith.constant 0 : i32
      %dma_start3A_217 = tpu.memref_slice %arg8[%mul3A_15, %dma_start3A_216] : memref<2048x32xf32, #tpu.memory_space<vmem_shared>> -> memref<128x32xf32, #tpu.memory_space<vmem_shared>>
      %dma_start3A_218 = arith.constant 0 : i32
      %dma_start3A_219 = arith.constant 0 : i32
      %dma_start3A_220 = tpu.memref_slice %arg6[%run_scoped3A, %dma_start3A_218, %dma_start3A_219] : memref<16x128x32xf32, #tpu.memory_space<vmem>> -> memref<1x128x32xf32, #tpu.memory_space<vmem>>
      %dma_start3A_221 = tpu.memref_squeeze %dma_start3A_220 : memref<1x128x32xf32, #tpu.memory_space<vmem>> -> memref<128x32xf32, #tpu.memory_space<vmem>>
      tpu.enqueue_dma source(%dma_start3A_221 : memref<128x32xf32, #tpu.memory_space<vmem>>) target(%dma_start3A_217 : memref<128x32xf32, #tpu.memory_space<vmem_shared>>) target_semaphore(%run_scoped3A_209 : memref<!tpu.dma_semaphore, #tpu.memory_space<semaphore_mem>>)
      %dma_wait3A_222 = arith.constant 0 : i32
      %dma_wait3A_223 = arith.constant 0 : i32
      %dma_wait3A_224 = tpu.memref_slice %arg6[%run_scoped3A, %dma_wait3A_222, %dma_wait3A_223] : memref<16x128x32xf32, #tpu.memory_space<vmem>> -> memref<1x128x32xf32, #tpu.memory_space<vmem>>
      %dma_wait3A_225 = tpu.memref_squeeze %dma_wait3A_224 : memref<1x128x32xf32, #tpu.memory_space<vmem>> -> memref<128x32xf32, #tpu.memory_space<vmem>>
      %dma_wait3A_226 = arith.constant 0 : i32
      %dma_wait3A_227 = tpu.memref_slice %arg8[%mul3A_15, %dma_wait3A_226] : memref<2048x32xf32, #tpu.memory_space<vmem_shared>> -> memref<128x32xf32, #tpu.memory_space<vmem_shared>>
      %dma_wait3A_228 = arith.constant 0 : i32
      %dma_wait3A_229 = tpu.memref_slice %arg8[%mul3A_15, %dma_wait3A_228] : memref<2048x32xf32, #tpu.memory_space<vmem_shared>> -> memref<128x32xf32, #tpu.memory_space<vmem_shared>>
      %dma_wait3A_230 = arith.constant 0 : i32
      %dma_wait3A_231 = arith.constant 0 : i32
      %dma_wait3A_232 = tpu.memref_slice %arg6[%run_scoped3A, %dma_wait3A_230, %dma_wait3A_231] : memref<16x128x32xf32, #tpu.memory_space<vmem>> -> memref<1x128x32xf32, #tpu.memory_space<vmem>>
      %dma_wait3A_233 = tpu.memref_squeeze %dma_wait3A_232 : memref<1x128x32xf32, #tpu.memory_space<vmem>> -> memref<128x32xf32, #tpu.memory_space<vmem>>
      tpu.wait_dma2 semaphore(%run_scoped3A_209 : memref<!tpu.dma_semaphore, #tpu.memory_space<semaphore_mem>>) src(%dma_wait3A_233 : memref<128x32xf32, #tpu.memory_space<vmem>>) dst(%dma_wait3A_229 : memref<128x32xf32, #tpu.memory_space<vmem_shared>>)
      tpu.yield
    }) : () -> ()
    %dma_start3A = arith.constant 0 : i32
    "tpu.trace_stop"() : () -> ()
    "tpu.trace_start"() <{level = 10 : i32, message = "ctx_prime"}> : () -> ()
    %dma_start3A_16 = arith.constant 0 : i32
    %dma_start3A_17 = arith.constant 0 : i32
    %dma_start3A_18 = tpu.memref_slice %arg6[%dma_start3A, %dma_start3A_16, %dma_start3A_17] : memref<16x128x32xf32, #tpu.memory_space<vmem>> -> memref<1x128x32xf32, #tpu.memory_space<vmem>>
    %dma_start3A_19 = tpu.memref_squeeze %dma_start3A_18 : memref<1x128x32xf32, #tpu.memory_space<vmem>> -> memref<128x32xf32, #tpu.memory_space<vmem>>
    %dma_start3A_20 = arith.constant 0 : i32
    %dma_start3A_21 = tpu.memref_slice %arg5[%dma_start3A_20] : memref<8192xi32, #tpu.memory_space<vmem>> -> memref<128xi32, #tpu.memory_space<vmem>>
    %dma_start3A_22 = arith.constant 0 : i32
    %dma_start3A_23 = arith.constant 0 : i32
    %dma_start3A_24 = tpu.memref_slice %arg3[%dma_start3A_22, %dma_start3A_23] : memref<999999x32xf32, #tpu.memory_space<hbm>> -> memref<999999x32xf32, #tpu.memory_space<hbm>>
    tpu.enqueue_indirect_dma source(%dma_start3A_24 : memref<999999x32xf32, #tpu.memory_space<hbm>>) target(%dma_start3A_19 : memref<128x32xf32, #tpu.memory_space<vmem>>) offsets(%dma_start3A_21 : memref<128xi32, #tpu.memory_space<vmem>>) semaphore(%arg9 : memref<!tpu.dma_semaphore, #tpu.memory_space<semaphore_mem>>)
    %dma_start3A_25 = arith.constant 1 : i32
    %dma_start3A_26 = arith.constant 0 : i32
    %dma_start3A_27 = arith.constant 0 : i32
    %dma_start3A_28 = tpu.memref_slice %arg6[%dma_start3A_25, %dma_start3A_26, %dma_start3A_27] : memref<16x128x32xf32, #tpu.memory_space<vmem>> -> memref<1x128x32xf32, #tpu.memory_space<vmem>>
    %dma_start3A_29 = tpu.memref_squeeze %dma_start3A_28 : memref<1x128x32xf32, #tpu.memory_space<vmem>> -> memref<128x32xf32, #tpu.memory_space<vmem>>
    %dma_start3A_30 = arith.constant 128 : i32
    %dma_start3A_31 = tpu.memref_slice %arg5[%dma_start3A_30] : memref<8192xi32, #tpu.memory_space<vmem>> -> memref<128xi32, #tpu.memory_space<vmem>>
    %dma_start3A_32 = arith.constant 0 : i32
    %dma_start3A_33 = arith.constant 0 : i32
    %dma_start3A_34 = tpu.memref_slice %arg3[%dma_start3A_32, %dma_start3A_33] : memref<999999x32xf32, #tpu.memory_space<hbm>> -> memref<999999x32xf32, #tpu.memory_space<hbm>>
    tpu.enqueue_indirect_dma source(%dma_start3A_34 : memref<999999x32xf32, #tpu.memory_space<hbm>>) target(%dma_start3A_29 : memref<128x32xf32, #tpu.memory_space<vmem>>) offsets(%dma_start3A_31 : memref<128xi32, #tpu.memory_space<vmem>>) semaphore(%arg9 : memref<!tpu.dma_semaphore, #tpu.memory_space<semaphore_mem>>)
    %dma_start3A_35 = arith.constant 2 : i32
    %dma_start3A_36 = arith.constant 0 : i32
    %dma_start3A_37 = arith.constant 0 : i32
    %dma_start3A_38 = tpu.memref_slice %arg6[%dma_start3A_35, %dma_start3A_36, %dma_start3A_37] : memref<16x128x32xf32, #tpu.memory_space<vmem>> -> memref<1x128x32xf32, #tpu.memory_space<vmem>>
    %dma_start3A_39 = tpu.memref_squeeze %dma_start3A_38 : memref<1x128x32xf32, #tpu.memory_space<vmem>> -> memref<128x32xf32, #tpu.memory_space<vmem>>
    %dma_start3A_40 = arith.constant 256 : i32
    %dma_start3A_41 = tpu.memref_slice %arg5[%dma_start3A_40] : memref<8192xi32, #tpu.memory_space<vmem>> -> memref<128xi32, #tpu.memory_space<vmem>>
    %dma_start3A_42 = arith.constant 0 : i32
    %dma_start3A_43 = arith.constant 0 : i32
    %dma_start3A_44 = tpu.memref_slice %arg3[%dma_start3A_42, %dma_start3A_43] : memref<999999x32xf32, #tpu.memory_space<hbm>> -> memref<999999x32xf32, #tpu.memory_space<hbm>>
    tpu.enqueue_indirect_dma source(%dma_start3A_44 : memref<999999x32xf32, #tpu.memory_space<hbm>>) target(%dma_start3A_39 : memref<128x32xf32, #tpu.memory_space<vmem>>) offsets(%dma_start3A_41 : memref<128xi32, #tpu.memory_space<vmem>>) semaphore(%arg9 : memref<!tpu.dma_semaphore, #tpu.memory_space<semaphore_mem>>)
    %dma_start3A_45 = arith.constant 3 : i32
    %dma_start3A_46 = arith.constant 0 : i32
    %dma_start3A_47 = arith.constant 0 : i32
    %dma_start3A_48 = tpu.memref_slice %arg6[%dma_start3A_45, %dma_start3A_46, %dma_start3A_47] : memref<16x128x32xf32, #tpu.memory_space<vmem>> -> memref<1x128x32xf32, #tpu.memory_space<vmem>>
    %dma_start3A_49 = tpu.memref_squeeze %dma_start3A_48 : memref<1x128x32xf32, #tpu.memory_space<vmem>> -> memref<128x32xf32, #tpu.memory_space<vmem>>
    %dma_start3A_50 = arith.constant 384 : i32
    %dma_start3A_51 = tpu.memref_slice %arg5[%dma_start3A_50] : memref<8192xi32, #tpu.memory_space<vmem>> -> memref<128xi32, #tpu.memory_space<vmem>>
    %dma_start3A_52 = arith.constant 0 : i32
    %dma_start3A_53 = arith.constant 0 : i32
    %dma_start3A_54 = tpu.memref_slice %arg3[%dma_start3A_52, %dma_start3A_53] : memref<999999x32xf32, #tpu.memory_space<hbm>> -> memref<999999x32xf32, #tpu.memory_space<hbm>>
    tpu.enqueue_indirect_dma source(%dma_start3A_54 : memref<999999x32xf32, #tpu.memory_space<hbm>>) target(%dma_start3A_49 : memref<128x32xf32, #tpu.memory_space<vmem>>) offsets(%dma_start3A_51 : memref<128xi32, #tpu.memory_space<vmem>>) semaphore(%arg9 : memref<!tpu.dma_semaphore, #tpu.memory_space<semaphore_mem>>)
    %dma_start3A_55 = arith.constant 4 : i32
    %dma_start3A_56 = arith.constant 0 : i32
    %dma_start3A_57 = arith.constant 0 : i32
    %dma_start3A_58 = tpu.memref_slice %arg6[%dma_start3A_55, %dma_start3A_56, %dma_start3A_57] : memref<16x128x32xf32, #tpu.memory_space<vmem>> -> memref<1x128x32xf32, #tpu.memory_space<vmem>>
    %dma_start3A_59 = tpu.memref_squeeze %dma_start3A_58 : memref<1x128x32xf32, #tpu.memory_space<vmem>> -> memref<128x32xf32, #tpu.memory_space<vmem>>
    %dma_start3A_60 = arith.constant 512 : i32
    %dma_start3A_61 = tpu.memref_slice %arg5[%dma_start3A_60] : memref<8192xi32, #tpu.memory_space<vmem>> -> memref<128xi32, #tpu.memory_space<vmem>>
    %dma_start3A_62 = arith.constant 0 : i32
    %dma_start3A_63 = arith.constant 0 : i32
    %dma_start3A_64 = tpu.memref_slice %arg3[%dma_start3A_62, %dma_start3A_63] : memref<999999x32xf32, #tpu.memory_space<hbm>> -> memref<999999x32xf32, #tpu.memory_space<hbm>>
    tpu.enqueue_indirect_dma source(%dma_start3A_64 : memref<999999x32xf32, #tpu.memory_space<hbm>>) target(%dma_start3A_59 : memref<128x32xf32, #tpu.memory_space<vmem>>) offsets(%dma_start3A_61 : memref<128xi32, #tpu.memory_space<vmem>>) semaphore(%arg9 : memref<!tpu.dma_semaphore, #tpu.memory_space<semaphore_mem>>)
    %dma_start3A_65 = arith.constant 5 : i32
    %dma_start3A_66 = arith.constant 0 : i32
    %dma_start3A_67 = arith.constant 0 : i32
    %dma_start3A_68 = tpu.memref_slice %arg6[%dma_start3A_65, %dma_start3A_66, %dma_start3A_67] : memref<16x128x32xf32, #tpu.memory_space<vmem>> -> memref<1x128x32xf32, #tpu.memory_space<vmem>>
    %dma_start3A_69 = tpu.memref_squeeze %dma_start3A_68 : memref<1x128x32xf32, #tpu.memory_space<vmem>> -> memref<128x32xf32, #tpu.memory_space<vmem>>
    %dma_start3A_70 = arith.constant 640 : i32
    %dma_start3A_71 = tpu.memref_slice %arg5[%dma_start3A_70] : memref<8192xi32, #tpu.memory_space<vmem>> -> memref<128xi32, #tpu.memory_space<vmem>>
    %dma_start3A_72 = arith.constant 0 : i32
    %dma_start3A_73 = arith.constant 0 : i32
    %dma_start3A_74 = tpu.memref_slice %arg3[%dma_start3A_72, %dma_start3A_73] : memref<999999x32xf32, #tpu.memory_space<hbm>> -> memref<999999x32xf32, #tpu.memory_space<hbm>>
    tpu.enqueue_indirect_dma source(%dma_start3A_74 : memref<999999x32xf32, #tpu.memory_space<hbm>>) target(%dma_start3A_69 : memref<128x32xf32, #tpu.memory_space<vmem>>) offsets(%dma_start3A_71 : memref<128xi32, #tpu.memory_space<vmem>>) semaphore(%arg9 : memref<!tpu.dma_semaphore, #tpu.memory_space<semaphore_mem>>)
    %dma_start3A_75 = arith.constant 6 : i32
    %dma_start3A_76 = arith.constant 0 : i32
    %dma_start3A_77 = arith.constant 0 : i32
    %dma_start3A_78 = tpu.memref_slice %arg6[%dma_start3A_75, %dma_start3A_76, %dma_start3A_77] : memref<16x128x32xf32, #tpu.memory_space<vmem>> -> memref<1x128x32xf32, #tpu.memory_space<vmem>>
    %dma_start3A_79 = tpu.memref_squeeze %dma_start3A_78 : memref<1x128x32xf32, #tpu.memory_space<vmem>> -> memref<128x32xf32, #tpu.memory_space<vmem>>
    %dma_start3A_80 = arith.constant 768 : i32
    %dma_start3A_81 = tpu.memref_slice %arg5[%dma_start3A_80] : memref<8192xi32, #tpu.memory_space<vmem>> -> memref<128xi32, #tpu.memory_space<vmem>>
    %dma_start3A_82 = arith.constant 0 : i32
    %dma_start3A_83 = arith.constant 0 : i32
    %dma_start3A_84 = tpu.memref_slice %arg3[%dma_start3A_82, %dma_start3A_83] : memref<999999x32xf32, #tpu.memory_space<hbm>> -> memref<999999x32xf32, #tpu.memory_space<hbm>>
    tpu.enqueue_indirect_dma source(%dma_start3A_84 : memref<999999x32xf32, #tpu.memory_space<hbm>>) target(%dma_start3A_79 : memref<128x32xf32, #tpu.memory_space<vmem>>) offsets(%dma_start3A_81 : memref<128xi32, #tpu.memory_space<vmem>>) semaphore(%arg9 : memref<!tpu.dma_semaphore, #tpu.memory_space<semaphore_mem>>)
    %dma_start3A_85 = arith.constant 7 : i32
    %dma_start3A_86 = arith.constant 0 : i32
    %dma_start3A_87 = arith.constant 0 : i32
    %dma_start3A_88 = tpu.memref_slice %arg6[%dma_start3A_85, %dma_start3A_86, %dma_start3A_87] : memref<16x128x32xf32, #tpu.memory_space<vmem>> -> memref<1x128x32xf32, #tpu.memory_space<vmem>>
    %dma_start3A_89 = tpu.memref_squeeze %dma_start3A_88 : memref<1x128x32xf32, #tpu.memory_space<vmem>> -> memref<128x32xf32, #tpu.memory_space<vmem>>
    %dma_start3A_90 = arith.constant 896 : i32
    %dma_start3A_91 = tpu.memref_slice %arg5[%dma_start3A_90] : memref<8192xi32, #tpu.memory_space<vmem>> -> memref<128xi32, #tpu.memory_space<vmem>>
    %dma_start3A_92 = arith.constant 0 : i32
    %dma_start3A_93 = arith.constant 0 : i32
    %dma_start3A_94 = tpu.memref_slice %arg3[%dma_start3A_92, %dma_start3A_93] : memref<999999x32xf32, #tpu.memory_space<hbm>> -> memref<999999x32xf32, #tpu.memory_space<hbm>>
    tpu.enqueue_indirect_dma source(%dma_start3A_94 : memref<999999x32xf32, #tpu.memory_space<hbm>>) target(%dma_start3A_89 : memref<128x32xf32, #tpu.memory_space<vmem>>) offsets(%dma_start3A_91 : memref<128xi32, #tpu.memory_space<vmem>>) semaphore(%arg9 : memref<!tpu.dma_semaphore, #tpu.memory_space<semaphore_mem>>)
    %dma_start3A_95 = arith.constant 8 : i32
    %dma_start3A_96 = arith.constant 0 : i32
    %dma_start3A_97 = arith.constant 0 : i32
    %dma_start3A_98 = tpu.memref_slice %arg6[%dma_start3A_95, %dma_start3A_96, %dma_start3A_97] : memref<16x128x32xf32, #tpu.memory_space<vmem>> -> memref<1x128x32xf32, #tpu.memory_space<vmem>>
    %dma_start3A_99 = tpu.memref_squeeze %dma_start3A_98 : memref<1x128x32xf32, #tpu.memory_space<vmem>> -> memref<128x32xf32, #tpu.memory_space<vmem>>
    %dma_start3A_100 = arith.constant 1024 : i32
    %dma_start3A_101 = tpu.memref_slice %arg5[%dma_start3A_100] : memref<8192xi32, #tpu.memory_space<vmem>> -> memref<128xi32, #tpu.memory_space<vmem>>
    %dma_start3A_102 = arith.constant 0 : i32
    %dma_start3A_103 = arith.constant 0 : i32
    %dma_start3A_104 = tpu.memref_slice %arg3[%dma_start3A_102, %dma_start3A_103] : memref<999999x32xf32, #tpu.memory_space<hbm>> -> memref<999999x32xf32, #tpu.memory_space<hbm>>
    tpu.enqueue_indirect_dma source(%dma_start3A_104 : memref<999999x32xf32, #tpu.memory_space<hbm>>) target(%dma_start3A_99 : memref<128x32xf32, #tpu.memory_space<vmem>>) offsets(%dma_start3A_101 : memref<128xi32, #tpu.memory_space<vmem>>) semaphore(%arg9 : memref<!tpu.dma_semaphore, #tpu.memory_space<semaphore_mem>>)
    %dma_start3A_105 = arith.constant 9 : i32
    %dma_start3A_106 = arith.constant 0 : i32
    %dma_start3A_107 = arith.constant 0 : i32
    %dma_start3A_108 = tpu.memref_slice %arg6[%dma_start3A_105, %dma_start3A_106, %dma_start3A_107] : memref<16x128x32xf32, #tpu.memory_space<vmem>> -> memref<1x128x32xf32, #tpu.memory_space<vmem>>
    %dma_start3A_109 = tpu.memref_squeeze %dma_start3A_108 : memref<1x128x32xf32, #tpu.memory_space<vmem>> -> memref<128x32xf32, #tpu.memory_space<vmem>>
    %dma_start3A_110 = arith.constant 1152 : i32
    %dma_start3A_111 = tpu.memref_slice %arg5[%dma_start3A_110] : memref<8192xi32, #tpu.memory_space<vmem>> -> memref<128xi32, #tpu.memory_space<vmem>>
    %dma_start3A_112 = arith.constant 0 : i32
    %dma_start3A_113 = arith.constant 0 : i32
    %dma_start3A_114 = tpu.memref_slice %arg3[%dma_start3A_112, %dma_start3A_113] : memref<999999x32xf32, #tpu.memory_space<hbm>> -> memref<999999x32xf32, #tpu.memory_space<hbm>>
    tpu.enqueue_indirect_dma source(%dma_start3A_114 : memref<999999x32xf32, #tpu.memory_space<hbm>>) target(%dma_start3A_109 : memref<128x32xf32, #tpu.memory_space<vmem>>) offsets(%dma_start3A_111 : memref<128xi32, #tpu.memory_space<vmem>>) semaphore(%arg9 : memref<!tpu.dma_semaphore, #tpu.memory_space<semaphore_mem>>)
    %dma_start3A_115 = arith.constant 10 : i32
    %dma_start3A_116 = arith.constant 0 : i32
    %dma_start3A_117 = arith.constant 0 : i32
    %dma_start3A_118 = tpu.memref_slice %arg6[%dma_start3A_115, %dma_start3A_116, %dma_start3A_117] : memref<16x128x32xf32, #tpu.memory_space<vmem>> -> memref<1x128x32xf32, #tpu.memory_space<vmem>>
    %dma_start3A_119 = tpu.memref_squeeze %dma_start3A_118 : memref<1x128x32xf32, #tpu.memory_space<vmem>> -> memref<128x32xf32, #tpu.memory_space<vmem>>
    %dma_start3A_120 = arith.constant 1280 : i32
    %dma_start3A_121 = tpu.memref_slice %arg5[%dma_start3A_120] : memref<8192xi32, #tpu.memory_space<vmem>> -> memref<128xi32, #tpu.memory_space<vmem>>
    %dma_start3A_122 = arith.constant 0 : i32
    %dma_start3A_123 = arith.constant 0 : i32
    %dma_start3A_124 = tpu.memref_slice %arg3[%dma_start3A_122, %dma_start3A_123] : memref<999999x32xf32, #tpu.memory_space<hbm>> -> memref<999999x32xf32, #tpu.memory_space<hbm>>
    tpu.enqueue_indirect_dma source(%dma_start3A_124 : memref<999999x32xf32, #tpu.memory_space<hbm>>) target(%dma_start3A_119 : memref<128x32xf32, #tpu.memory_space<vmem>>) offsets(%dma_start3A_121 : memref<128xi32, #tpu.memory_space<vmem>>) semaphore(%arg9 : memref<!tpu.dma_semaphore, #tpu.memory_space<semaphore_mem>>)
    "tpu.trace_stop"() : () -> ()
    "tpu.trace_start"() <{level = 10 : i32, message = "ctx_loop"}> : () -> ()
    %scan3A_125 = arith.constant 0 : i32
    %scan3A_126 = arith.constant 0 : i32
    %scan3A_127 = arith.constant 4 : i32
    %scan3A_128 = arith.addi %scan3A_126, %scan3A_127 : i32
    %scan3A_129 = arith.constant 1 : i32
    scf.for %scan3A_209 = %scan3A_126 to %scan3A_128 step %scan3A_129  : i32 {
      %mul3A_210 = arith.constant 16 : i32
      %mul3A_211 = arith.muli %scan3A_209, %mul3A_210 : i32
      %add3A_212 = arith.constant 0 : i32
      %add3A_213 = arith.addi %mul3A_211, %add3A_212 : i32
      %dma_wait3A_214 = arith.constant 0 : i32
      %dma_wait3A_215 = arith.constant 0 : i32
      %dma_wait3A_216 = arith.constant 0 : i32
      %dma_wait3A_217 = tpu.memref_slice %arg6[%dma_wait3A_214, %dma_wait3A_215, %dma_wait3A_216] : memref<16x128x32xf32, #tpu.memory_space<vmem>> -> memref<1x128x32xf32, #tpu.memory_space<vmem>>
      %dma_wait3A_218 = tpu.memref_squeeze %dma_wait3A_217 : memref<1x128x32xf32, #tpu.memory_space<vmem>> -> memref<128x32xf32, #tpu.memory_space<vmem>>
      %dma_wait3A_219 = arith.constant 0 : i32
      %dma_wait3A_220 = arith.constant 0 : i32
      %dma_wait3A_221 = tpu.memref_slice %arg3[%dma_wait3A_219, %dma_wait3A_220] : memref<999999x32xf32, #tpu.memory_space<hbm>> -> memref<128x32xf32, #tpu.memory_space<hbm>>
      %dma_wait3A_222 = arith.constant 0 : i32
      %dma_wait3A_223 = arith.constant 0 : i32
      %dma_wait3A_224 = tpu.memref_slice %arg6[%dma_wait3A_214, %dma_wait3A_222, %dma_wait3A_223] : memref<16x128x32xf32, #tpu.memory_space<vmem>> -> memref<1x128x32xf32, #tpu.memory_space<vmem>>
      %dma_wait3A_225 = tpu.memref_squeeze %dma_wait3A_224 : memref<1x128x32xf32, #tpu.memory_space<vmem>> -> memref<128x32xf32, #tpu.memory_space<vmem>>
      %dma_wait3A_226 = arith.constant 0 : i32
      %dma_wait3A_227 = arith.constant 0 : i32
      %dma_wait3A_228 = tpu.memref_slice %arg3[%dma_wait3A_226, %dma_wait3A_227] : memref<999999x32xf32, #tpu.memory_space<hbm>> -> memref<128x32xf32, #tpu.memory_space<hbm>>
      tpu.wait_dma2 semaphore(%arg9 : memref<!tpu.dma_semaphore, #tpu.memory_space<semaphore_mem>>) src(%dma_wait3A_228 : memref<128x32xf32, #tpu.memory_space<hbm>>) dst(%dma_wait3A_225 : memref<128x32xf32, #tpu.memory_space<vmem>>)
      %mul3A_229 = arith.constant 128 : i32
      %mul3A_230 = arith.muli %arg1, %mul3A_229 : i32
      %mul3A_231 = arith.constant 2 : i32
      %mul3A_232 = arith.muli %mul3A_231, %add3A_213 : i32
      %add3A_233 = arith.addi %mul3A_230, %mul3A_232 : i32
      %broadcast_in_dim3A = arith.constant 0 : i32
      %broadcast_in_dim3A_234 = vector.broadcast %broadcast_in_dim3A : i32 to vector<16xi32>
      %add3A_235 = arith.constant 0 : i32
      %add3A_236 = arith.addi %add3A_233, %add3A_235 : i32
      %add3A_237 = vector.broadcast %add3A_236 : i32 to vector<16xi32>
      %add3A_238 = arith.addi %broadcast_in_dim3A_234, %add3A_237 : vector<16xi32>
      %swap3A = arith.constant 0 : i32
      %swap3A_239 = arith.index_cast %swap3A : i32 to index
      %swap3A_240 = arith.constant 0 : index
      %swap3A_241 = tpu.vector_load %arg7[%swap3A_239, %swap3A_240] {strides = array<i32>} : memref<16x128xi32, #tpu.memory_space<vmem>>, vector<1x16xi32>,
      %swap3A_242 = vector.shape_cast %swap3A_241 : vector<1x16xi32> to vector<16xi32>
      %swap3A_243 = vector.shape_cast %add3A_238 : vector<16xi32> to vector<1x16xi32>
      tpu.vector_store %arg7[%swap3A_239, %swap3A_240], %swap3A_243 {strides = array<i32>} : memref<16x128xi32, #tpu.memory_space<vmem>>, vector<1x16xi32>,
      %broadcast_in_dim3A_244 = arith.constant 0 : i32
      %broadcast_in_dim3A_245 = vector.broadcast %broadcast_in_dim3A_244 : i32 to vector<16xi32>
      %add3A_246 = arith.constant 0 : i32
      %add3A_247 = arith.addi %add3A_233, %add3A_246 : i32
      %add3A_248 = vector.broadcast %add3A_247 : i32 to vector<16xi32>
      %add3A_249 = arith.addi %broadcast_in_dim3A_245, %add3A_248 : vector<16xi32>
      %swap3A_250 = arith.constant 0 : i32
      %swap3A_251 = arith.index_cast %swap3A_250 : i32 to index
      %swap3A_252 = arith.constant 16 : index
      %swap3A_253 = tpu.vector_load %arg7[%swap3A_251, %swap3A_252] {strides = array<i32>} : memref<16x128xi32, #tpu.memory_space<vmem>>, vector<1x16xi32>,
      %swap3A_254 = vector.shape_cast %swap3A_253 : vector<1x16xi32> to vector<16xi32>
      %swap3A_255 = vector.shape_cast %add3A_249 : vector<16xi32> to vector<1x16xi32>
      tpu.vector_store %arg7[%swap3A_251, %swap3A_252], %swap3A_255 {strides = array<i32>} : memref<16x128xi32, #tpu.memory_space<vmem>>, vector<1x16xi32>,
      %broadcast_in_dim3A_256 = arith.constant 0 : i32
      %broadcast_in_dim3A_257 = vector.broadcast %broadcast_in_dim3A_256 : i32 to vector<16xi32>
      %add3A_258 = arith.constant 0 : i32
      %add3A_259 = arith.addi %add3A_233, %add3A_258 : i32
      %add3A_260 = vector.broadcast %add3A_259 : i32 to vector<16xi32>
      %add3A_261 = arith.addi %broadcast_in_dim3A_257, %add3A_260 : vector<16xi32>
      %swap3A_262 = arith.constant 0 : i32
      %swap3A_263 = arith.index_cast %swap3A_262 : i32 to index
      %swap3A_264 = arith.constant 32 : index
      %swap3A_265 = tpu.vector_load %arg7[%swap3A_263, %swap3A_264] {strides = array<i32>} : memref<16x128xi32, #tpu.memory_space<vmem>>, vector<1x16xi32>,
      %swap3A_266 = vector.shape_cast %swap3A_265 : vector<1x16xi32> to vector<16xi32>
      %swap3A_267 = vector.shape_cast %add3A_261 : vector<16xi32> to vector<1x16xi32>
      tpu.vector_store %arg7[%swap3A_263, %swap3A_264], %swap3A_267 {strides = array<i32>} : memref<16x128xi32, #tpu.memory_space<vmem>>, vector<1x16xi32>,
      %broadcast_in_dim3A_268 = arith.constant 0 : i32
      %broadcast_in_dim3A_269 = vector.broadcast %broadcast_in_dim3A_268 : i32 to vector<16xi32>
      %add3A_270 = arith.constant 0 : i32
      %add3A_271 = arith.addi %add3A_233, %add3A_270 : i32
      %add3A_272 = vector.broadcast %add3A_271 : i32 to vector<16xi32>
      %add3A_273 = arith.addi %broadcast_in_dim3A_269, %add3A_272 : vector<16xi32>
      %swap3A_274 = arith.constant 0 : i32
      %swap3A_275 = arith.index_cast %swap3A_274 : i32 to index
      %swap3A_276 = arith.constant 48 : index
      %swap3A_277 = tpu.vector_load %arg7[%swap3A_275, %swap3A_276] {strides = array<i32>} : memref<16x128xi32, #tpu.memory_space<vmem>>, vector<1x16xi32>,
      %swap3A_278 = vector.shape_cast %swap3A_277 : vector<1x16xi32> to vector<16xi32>
      %swap3A_279 = vector.shape_cast %add3A_273 : vector<16xi32> to vector<1x16xi32>
      tpu.vector_store %arg7[%swap3A_275, %swap3A_276], %swap3A_279 {strides = array<i32>} : memref<16x128xi32, #tpu.memory_space<vmem>>, vector<1x16xi32>,
      %broadcast_in_dim3A_280 = arith.constant 0 : i32
      %broadcast_in_dim3A_281 = vector.broadcast %broadcast_in_dim3A_280 : i32 to vector<16xi32>
      %add3A_282 = arith.constant 1 : i32
      %add3A_283 = arith.addi %add3A_233, %add3A_282 : i32
      %add3A_284 = vector.broadcast %add3A_283 : i32 to vector<16xi32>
      %add3A_285 = arith.addi %broadcast_in_dim3A_281, %add3A_284 : vector<16xi32>
      %swap3A_286 = arith.constant 0 : i32
      %swap3A_287 = arith.index_cast %swap3A_286 : i32 to index
      %swap3A_288 = arith.constant 64 : index
      %swap3A_289 = tpu.vector_load %arg7[%swap3A_287, %swap3A_288] {strides = array<i32>} : memref<16x128xi32, #tpu.memory_space<vmem>>, vector<1x16xi32>,
      %swap3A_290 = vector.shape_cast %swap3A_289 : vector<1x16xi32> to vector<16xi32>
      %swap3A_291 = vector.shape_cast %add3A_285 : vector<16xi32> to vector<1x16xi32>
      tpu.vector_store %arg7[%swap3A_287, %swap3A_288], %swap3A_291 {strides = array<i32>} : memref<16x128xi32, #tpu.memory_space<vmem>>, vector<1x16xi32>,
      %broadcast_in_dim3A_292 = arith.constant 0 : i32
      %broadcast_in_dim3A_293 = vector.broadcast %broadcast_in_dim3A_292 : i32 to vector<16xi32>
      %add3A_294 = arith.constant 1 : i32
      %add3A_295 = arith.addi %add3A_233, %add3A_294 : i32
      %add3A_296 = vector.broadcast %add3A_295 : i32 to vector<16xi32>
      %add3A_297 = arith.addi %broadcast_in_dim3A_293, %add3A_296 : vector<16xi32>
      %swap3A_298 = arith.constant 0 : i32
      %swap3A_299 = arith.index_cast %swap3A_298 : i32 to index
      %swap3A_300 = arith.constant 80 : index
      %swap3A_301 = tpu.vector_load %arg7[%swap3A_299, %swap3A_300] {strides = array<i32>} : memref<16x128xi32, #tpu.memory_space<vmem>>, vector<1x16xi32>,
      %swap3A_302 = vector.shape_cast %swap3A_301 : vector<1x16xi32> to vector<16xi32>
      %swap3A_303 = vector.shape_cast %add3A_297 : vector<16xi32> to vector<1x16xi32>
      tpu.vector_store %arg7[%swap3A_299, %swap3A_300], %swap3A_303 {strides = array<i32>} : memref<16x128xi32, #tpu.memory_space<vmem>>, vector<1x16xi32>,
      %broadcast_in_dim3A_304 = arith.constant 0 : i32
      %broadcast_in_dim3A_305 = vector.broadcast %broadcast_in_dim3A_304 : i32 to vector<16xi32>
      %add3A_306 = arith.constant 1 : i32
      %add3A_307 = arith.addi %add3A_233, %add3A_306 : i32
      %add3A_308 = vector.broadcast %add3A_307 : i32 to vector<16xi32>
      %add3A_309 = arith.addi %broadcast_in_dim3A_305, %add3A_308 : vector<16xi32>
      %swap3A_310 = arith.constant 0 : i32
      %swap3A_311 = arith.index_cast %swap3A_310 : i32 to index
      %swap3A_312 = arith.constant 96 : index
      %swap3A_313 = tpu.vector_load %arg7[%swap3A_311, %swap3A_312] {strides = array<i32>} : memref<16x128xi32, #tpu.memory_space<vmem>>, vector<1x16xi32>,
      %swap3A_314 = vector.shape_cast %swap3A_313 : vector<1x16xi32> to vector<16xi32>
      %swap3A_315 = vector.shape_cast %add3A_309 : vector<16xi32> to vector<1x16xi32>
      tpu.vector_store %arg7[%swap3A_311, %swap3A_312], %swap3A_315 {strides = array<i32>} : memref<16x128xi32, #tpu.memory_space<vmem>>, vector<1x16xi32>,
      %broadcast_in_dim3A_316 = arith.constant 0 : i32
      %broadcast_in_dim3A_317 = vector.broadcast %broadcast_in_dim3A_316 : i32 to vector<16xi32>
      %add3A_318 = arith.constant 1 : i32
      %add3A_319 = arith.addi %add3A_233, %add3A_318 : i32
      %add3A_320 = vector.broadcast %add3A_319 : i32 to vector<16xi32>
      %add3A_321 = arith.addi %broadcast_in_dim3A_317, %add3A_320 : vector<16xi32>
      %swap3A_322 = arith.constant 0 : i32
      %swap3A_323 = arith.index_cast %swap3A_322 : i32 to index
      %swap3A_324 = arith.constant 112 : index
      %swap3A_325 = tpu.vector_load %arg7[%swap3A_323, %swap3A_324] {strides = array<i32>} : memref<16x128xi32, #tpu.memory_space<vmem>>, vector<1x16xi32>,
      %swap3A_326 = vector.shape_cast %swap3A_325 : vector<1x16xi32> to vector<16xi32>
      %swap3A_327 = vector.shape_cast %add3A_321 : vector<16xi32> to vector<1x16xi32>
      tpu.vector_store %arg7[%swap3A_323, %swap3A_324], %swap3A_327 {strides = array<i32>} : memref<16x128xi32, #tpu.memory_space<vmem>>, vector<1x16xi32>,
      %dma_start3A_328 = arith.constant 0 : i32
      %dma_start3A_329 = arith.constant 0 : i32
      %dma_start3A_330 = arith.constant 0 : i32
      %dma_start3A_331 = arith.constant 0 : i32
      %dma_start3A_332 = tpu.memref_slice %arg6[%dma_start3A_328, %dma_start3A_330, %dma_start3A_331] : memref<16x128x32xf32, #tpu.memory_space<vmem>> -> memref<1x128x32xf32, #tpu.memory_space<vmem>>
      %dma_start3A_333 = tpu.memref_squeeze %dma_start3A_332 : memref<1x128x32xf32, #tpu.memory_space<vmem>> -> memref<128x32xf32, #tpu.memory_space<vmem>>
      %dma_start3A_334 = arith.constant 0 : i32
      %dma_start3A_335 = tpu.memref_slice %arg7[%dma_start3A_329, %dma_start3A_334] : memref<16x128xi32, #tpu.memory_space<vmem>> -> memref<1x128xi32, #tpu.memory_space<vmem>>
      %dma_start3A_336 = tpu.memref_squeeze %dma_start3A_335 : memref<1x128xi32, #tpu.memory_space<vmem>> -> memref<128xi32, #tpu.memory_space<vmem>>
      %dma_start3A_337 = arith.constant 0 : i32
      %dma_start3A_338 = arith.constant 0 : i32
      %dma_start3A_339 = tpu.memref_slice %arg8[%dma_start3A_337, %dma_start3A_338] : memref<2048x32xf32, #tpu.memory_space<vmem_shared>> -> memref<2048x32xf32, #tpu.memory_space<vmem_shared>>
      tpu.enqueue_indirect_dma source(%dma_start3A_333 : memref<128x32xf32, #tpu.memory_space<vmem>>) target(%dma_start3A_339 : memref<2048x32xf32, #tpu.memory_space<vmem_shared>>) offsets(%dma_start3A_336 : memref<128xi32, #tpu.memory_space<vmem>>) semaphore(%arg10 : memref<!tpu.dma_semaphore, #tpu.memory_space<semaphore_mem>>) {add = true}
      %ge3A = arith.constant 5 : i32
      %ge3A_340 = arith.cmpi sge, %add3A_213, %ge3A : i32
      %convert_element_type3A = arith.extui %ge3A_340 : i1 to i32
      %cond3A = arith.constant 0 : i32
      %cond3A_341 = arith.cmpi ne, %convert_element_type3A, %cond3A : i32
      scf.if %cond3A_341 {
        %dma_wait3A_2508 = arith.constant 0 : i32
        %dma_wait3A_2509 = arith.constant 0 : i32
        %dma_wait3A_2510 = arith.constant 0 : i32
        %dma_wait3A_2511 = tpu.memref_slice %arg6[%dma_wait3A_2508, %dma_wait3A_2509, %dma_wait3A_2510] : memref<16x128x32xf32, #tpu.memory_space<vmem>> -> memref<1x128x32xf32, #tpu.memory_space<vmem>>
        %dma_wait3A_2512 = tpu.memref_squeeze %dma_wait3A_2511 : memref<1x128x32xf32, #tpu.memory_space<vmem>> -> memref<128x32xf32, #tpu.memory_space<vmem>>
        %dma_wait3A_2513 = arith.constant 0 : i32
        %dma_wait3A_2514 = arith.constant 0 : i32
        %dma_wait3A_2515 = tpu.memref_slice %arg8[%dma_wait3A_2513, %dma_wait3A_2514] : memref<2048x32xf32, #tpu.memory_space<vmem_shared>> -> memref<128x32xf32, #tpu.memory_space<vmem_shared>>
        %dma_wait3A_2516 = arith.constant 0 : i32
        %dma_wait3A_2517 = arith.constant 0 : i32
        %dma_wait3A_2518 = tpu.memref_slice %arg8[%dma_wait3A_2516, %dma_wait3A_2517] : memref<2048x32xf32, #tpu.memory_space<vmem_shared>> -> memref<128x32xf32, #tpu.memory_space<vmem_shared>>
        %dma_wait3A_2519 = arith.constant 0 : i32
        %dma_wait3A_2520 = arith.constant 0 : i32
        %dma_wait3A_2521 = tpu.memref_slice %arg6[%dma_wait3A_2508, %dma_wait3A_2519, %dma_wait3A_2520] : memref<16x128x32xf32, #tpu.memory_space<vmem>> -> memref<1x128x32xf32, #tpu.memory_space<vmem>>
        %dma_wait3A_2522 = tpu.memref_squeeze %dma_wait3A_2521 : memref<1x128x32xf32, #tpu.memory_space<vmem>> -> memref<128x32xf32, #tpu.memory_space<vmem>>
        tpu.wait_dma2 semaphore(%arg10 : memref<!tpu.dma_semaphore, #tpu.memory_space<semaphore_mem>>) src(%dma_wait3A_2522 : memref<128x32xf32, #tpu.memory_space<vmem>>) dst(%dma_wait3A_2518 : memref<128x32xf32, #tpu.memory_space<vmem_shared>>)
      } else {
      }
      %add3A_342 = arith.constant 11 : i32
      %add3A_343 = arith.addi %add3A_213, %add3A_342 : i32
      %lt3A = arith.constant 64 : i32
      %lt3A_344 = arith.cmpi slt, %add3A_343, %lt3A : i32
      %convert_element_type3A_345 = arith.extui %lt3A_344 : i1 to i32
      %cond3A_346 = arith.constant 0 : i32
      %cond3A_347 = arith.cmpi ne, %convert_element_type3A_345, %cond3A_346 : i32
      scf.if %cond3A_347 {
        %add3A_2508 = arith.constant 11 : i32
        %add3A_2509 = arith.addi %add3A_213, %add3A_2508 : i32
        %mul3A_2510 = arith.constant 128 : i32
        %mul3A_2511 = arith.muli %add3A_2509, %mul3A_2510 : i32
        %dma_start3A_2512 = arith.constant 11 : i32
        %dma_start3A_2513 = arith.constant 0 : i32
        %dma_start3A_2514 = arith.constant 0 : i32
        %dma_start3A_2515 = tpu.memref_slice %arg6[%dma_start3A_2512, %dma_start3A_2513, %dma_start3A_2514] : memref<16x128x32xf32, #tpu.memory_space<vmem>> -> memref<1x128x32xf32, #tpu.memory_space<vmem>>
        %dma_start3A_2516 = tpu.memref_squeeze %dma_start3A_2515 : memref<1x128x32xf32, #tpu.memory_space<vmem>> -> memref<128x32xf32, #tpu.memory_space<vmem>>
        %dma_start3A_2517 = tpu.memref_slice %arg5[%mul3A_2511] : memref<8192xi32, #tpu.memory_space<vmem>> -> memref<128xi32, #tpu.memory_space<vmem>>
        %dma_start3A_2518 = arith.constant 0 : i32
        %dma_start3A_2519 = arith.constant 0 : i32
        %dma_start3A_2520 = tpu.memref_slice %arg3[%dma_start3A_2518, %dma_start3A_2519] : memref<999999x32xf32, #tpu.memory_space<hbm>> -> memref<999999x32xf32, #tpu.memory_space<hbm>>
        tpu.enqueue_indirect_dma source(%dma_start3A_2520 : memref<999999x32xf32, #tpu.memory_space<hbm>>) target(%dma_start3A_2516 : memref<128x32xf32, #tpu.memory_space<vmem>>) offsets(%dma_start3A_2517 : memref<128xi32, #tpu.memory_space<vmem>>) semaphore(%arg9 : memref<!tpu.dma_semaphore, #tpu.memory_space<semaphore_mem>>)
      } else {
      }
      %mul3A_348 = arith.constant 16 : i32
      %mul3A_349 = arith.muli %scan3A_209, %mul3A_348 : i32
      %add3A_350 = arith.constant 1 : i32
      %add3A_351 = arith.addi %mul3A_349, %add3A_350 : i32
      %dma_wait3A_352 = arith.constant 1 : i32
      %dma_wait3A_353 = arith.constant 0 : i32
      %dma_wait3A_354 = arith.constant 0 : i32
      %dma_wait3A_355 = tpu.memref_slice %arg6[%dma_wait3A_352, %dma_wait3A_353, %dma_wait3A_354] : memref<16x128x32xf32, #tpu.memory_space<vmem>> -> memref<1x128x32xf32, #tpu.memory_space<vmem>>
      %dma_wait3A_356 = tpu.memref_squeeze %dma_wait3A_355 : memref<1x128x32xf32, #tpu.memory_space<vmem>> -> memref<128x32xf32, #tpu.memory_space<vmem>>
      %dma_wait3A_357 = arith.constant 0 : i32
      %dma_wait3A_358 = arith.constant 0 : i32
      %dma_wait3A_359 = tpu.memref_slice %arg3[%dma_wait3A_357, %dma_wait3A_358] : memref<999999x32xf32, #tpu.memory_space<hbm>> -> memref<128x32xf32, #tpu.memory_space<hbm>>
      %dma_wait3A_360 = arith.constant 0 : i32
      %dma_wait3A_361 = arith.constant 0 : i32
      %dma_wait3A_362 = tpu.memref_slice %arg6[%dma_wait3A_352, %dma_wait3A_360, %dma_wait3A_361] : memref<16x128x32xf32, #tpu.memory_space<vmem>> -> memref<1x128x32xf32, #tpu.memory_space<vmem>>
      %dma_wait3A_363 = tpu.memref_squeeze %dma_wait3A_362 : memref<1x128x32xf32, #tpu.memory_space<vmem>> -> memref<128x32xf32, #tpu.memory_space<vmem>>
      %dma_wait3A_364 = arith.constant 0 : i32
      %dma_wait3A_365 = arith.constant 0 : i32
      %dma_wait3A_366 = tpu.memref_slice %arg3[%dma_wait3A_364, %dma_wait3A_365] : memref<999999x32xf32, #tpu.memory_space<hbm>> -> memref<128x32xf32, #tpu.memory_space<hbm>>
      tpu.wait_dma2 semaphore(%arg9 : memref<!tpu.dma_semaphore, #tpu.memory_space<semaphore_mem>>) src(%dma_wait3A_366 : memref<128x32xf32, #tpu.memory_space<hbm>>) dst(%dma_wait3A_363 : memref<128x32xf32, #tpu.memory_space<vmem>>)
      %mul3A_367 = arith.constant 128 : i32
      %mul3A_368 = arith.muli %arg1, %mul3A_367 : i32
      %mul3A_369 = arith.constant 2 : i32
      %mul3A_370 = arith.muli %mul3A_369, %add3A_351 : i32
      %add3A_371 = arith.addi %mul3A_368, %mul3A_370 : i32
      %broadcast_in_dim3A_372 = arith.constant 0 : i32
      %broadcast_in_dim3A_373 = vector.broadcast %broadcast_in_dim3A_372 : i32 to vector<16xi32>
      %add3A_374 = arith.constant 0 : i32
      %add3A_375 = arith.addi %add3A_371, %add3A_374 : i32
      %add3A_376 = vector.broadcast %add3A_375 : i32 to vector<16xi32>
      %add3A_377 = arith.addi %broadcast_in_dim3A_373, %add3A_376 : vector<16xi32>
      %swap3A_378 = arith.constant 1 : i32
      %swap3A_379 = arith.index_cast %swap3A_378 : i32 to index
      %swap3A_380 = arith.constant 0 : index
      %swap3A_381 = tpu.vector_load %arg7[%swap3A_379, %swap3A_380] {strides = array<i32>} : memref<16x128xi32, #tpu.memory_space<vmem>>, vector<1x16xi32>,
      %swap3A_382 = vector.shape_cast %swap3A_381 : vector<1x16xi32> to vector<16xi32>
      %swap3A_383 = vector.shape_cast %add3A_377 : vector<16xi32> to vector<1x16xi32>
      tpu.vector_store %arg7[%swap3A_379, %swap3A_380], %swap3A_383 {strides = array<i32>} : memref<16x128xi32, #tpu.memory_space<vmem>>, vector<1x16xi32>,
      %broadcast_in_dim3A_384 = arith.constant 0 : i32
      %broadcast_in_dim3A_385 = vector.broadcast %broadcast_in_dim3A_384 : i32 to vector<16xi32>
      %add3A_386 = arith.constant 0 : i32
      %add3A_387 = arith.addi %add3A_371, %add3A_386 : i32
      %add3A_388 = vector.broadcast %add3A_387 : i32 to vector<16xi32>
      %add3A_389 = arith.addi %broadcast_in_dim3A_385, %add3A_388 : vector<16xi32>
      %swap3A_390 = arith.constant 1 : i32
      %swap3A_391 = arith.index_cast %swap3A_390 : i32 to index
      %swap3A_392 = arith.constant 16 : index
      %swap3A_393 = tpu.vector_load %arg7[%swap3A_391, %swap3A_392] {strides = array<i32>} : memref<16x128xi32, #tpu.memory_space<vmem>>, vector<1x16xi32>,
      %swap3A_394 = vector.shape_cast %swap3A_393 : vector<1x16xi32> to vector<16xi32>
      %swap3A_395 = vector.shape_cast %add3A_389 : vector<16xi32> to vector<1x16xi32>
      tpu.vector_store %arg7[%swap3A_391, %swap3A_392], %swap3A_395 {strides = array<i32>} : memref<16x128xi32, #tpu.memory_space<vmem>>, vector<1x16xi32>,
      %broadcast_in_dim3A_396 = arith.constant 0 : i32
      %broadcast_in_dim3A_397 = vector.broadcast %broadcast_in_dim3A_396 : i32 to vector<16xi32>
      %add3A_398 = arith.constant 0 : i32
      %add3A_399 = arith.addi %add3A_371, %add3A_398 : i32
      %add3A_400 = vector.broadcast %add3A_399 : i32 to vector<16xi32>
      %add3A_401 = arith.addi %broadcast_in_dim3A_397, %add3A_400 : vector<16xi32>
      %swap3A_402 = arith.constant 1 : i32
      %swap3A_403 = arith.index_cast %swap3A_402 : i32 to index
      %swap3A_404 = arith.constant 32 : index
      %swap3A_405 = tpu.vector_load %arg7[%swap3A_403, %swap3A_404] {strides = array<i32>} : memref<16x128xi32, #tpu.memory_space<vmem>>, vector<1x16xi32>,
      %swap3A_406 = vector.shape_cast %swap3A_405 : vector<1x16xi32> to vector<16xi32>
      %swap3A_407 = vector.shape_cast %add3A_401 : vector<16xi32> to vector<1x16xi32>
      tpu.vector_store %arg7[%swap3A_403, %swap3A_404], %swap3A_407 {strides = array<i32>} : memref<16x128xi32, #tpu.memory_space<vmem>>, vector<1x16xi32>,
      %broadcast_in_dim3A_408 = arith.constant 0 : i32
      %broadcast_in_dim3A_409 = vector.broadcast %broadcast_in_dim3A_408 : i32 to vector<16xi32>
      %add3A_410 = arith.constant 0 : i32
      %add3A_411 = arith.addi %add3A_371, %add3A_410 : i32
      %add3A_412 = vector.broadcast %add3A_411 : i32 to vector<16xi32>
      %add3A_413 = arith.addi %broadcast_in_dim3A_409, %add3A_412 : vector<16xi32>
      %swap3A_414 = arith.constant 1 : i32
      %swap3A_415 = arith.index_cast %swap3A_414 : i32 to index
      %swap3A_416 = arith.constant 48 : index
      %swap3A_417 = tpu.vector_load %arg7[%swap3A_415, %swap3A_416] {strides = array<i32>} : memref<16x128xi32, #tpu.memory_space<vmem>>, vector<1x16xi32>,
      %swap3A_418 = vector.shape_cast %swap3A_417 : vector<1x16xi32> to vector<16xi32>
      %swap3A_419 = vector.shape_cast %add3A_413 : vector<16xi32> to vector<1x16xi32>
      tpu.vector_store %arg7[%swap3A_415, %swap3A_416], %swap3A_419 {strides = array<i32>} : memref<16x128xi32, #tpu.memory_space<vmem>>, vector<1x16xi32>,
      %broadcast_in_dim3A_420 = arith.constant 0 : i32
      %broadcast_in_dim3A_421 = vector.broadcast %broadcast_in_dim3A_420 : i32 to vector<16xi32>
      %add3A_422 = arith.constant 1 : i32
      %add3A_423 = arith.addi %add3A_371, %add3A_422 : i32
      %add3A_424 = vector.broadcast %add3A_423 : i32 to vector<16xi32>
      %add3A_425 = arith.addi %broadcast_in_dim3A_421, %add3A_424 : vector<16xi32>
      %swap3A_426 = arith.constant 1 : i32
      %swap3A_427 = arith.index_cast %swap3A_426 : i32 to index
      %swap3A_428 = arith.constant 64 : index
      %swap3A_429 = tpu.vector_load %arg7[%swap3A_427, %swap3A_428] {strides = array<i32>} : memref<16x128xi32, #tpu.memory_space<vmem>>, vector<1x16xi32>,
      %swap3A_430 = vector.shape_cast %swap3A_429 : vector<1x16xi32> to vector<16xi32>
      %swap3A_431 = vector.shape_cast %add3A_425 : vector<16xi32> to vector<1x16xi32>
      tpu.vector_store %arg7[%swap3A_427, %swap3A_428], %swap3A_431 {strides = array<i32>} : memref<16x128xi32, #tpu.memory_space<vmem>>, vector<1x16xi32>,
      %broadcast_in_dim3A_432 = arith.constant 0 : i32
      %broadcast_in_dim3A_433 = vector.broadcast %broadcast_in_dim3A_432 : i32 to vector<16xi32>
      %add3A_434 = arith.constant 1 : i32
      %add3A_435 = arith.addi %add3A_371, %add3A_434 : i32
      %add3A_436 = vector.broadcast %add3A_435 : i32 to vector<16xi32>
      %add3A_437 = arith.addi %broadcast_in_dim3A_433, %add3A_436 : vector<16xi32>
      %swap3A_438 = arith.constant 1 : i32
      %swap3A_439 = arith.index_cast %swap3A_438 : i32 to index
      %swap3A_440 = arith.constant 80 : index
      %swap3A_441 = tpu.vector_load %arg7[%swap3A_439, %swap3A_440] {strides = array<i32>} : memref<16x128xi32, #tpu.memory_space<vmem>>, vector<1x16xi32>,
      %swap3A_442 = vector.shape_cast %swap3A_441 : vector<1x16xi32> to vector<16xi32>
      %swap3A_443 = vector.shape_cast %add3A_437 : vector<16xi32> to vector<1x16xi32>
      tpu.vector_store %arg7[%swap3A_439, %swap3A_440], %swap3A_443 {strides = array<i32>} : memref<16x128xi32, #tpu.memory_space<vmem>>, vector<1x16xi32>,
      %broadcast_in_dim3A_444 = arith.constant 0 : i32
      %broadcast_in_dim3A_445 = vector.broadcast %broadcast_in_dim3A_444 : i32 to vector<16xi32>
      %add3A_446 = arith.constant 1 : i32
      %add3A_447 = arith.addi %add3A_371, %add3A_446 : i32
      %add3A_448 = vector.broadcast %add3A_447 : i32 to vector<16xi32>
      %add3A_449 = arith.addi %broadcast_in_dim3A_445, %add3A_448 : vector<16xi32>
      %swap3A_450 = arith.constant 1 : i32
      %swap3A_451 = arith.index_cast %swap3A_450 : i32 to index
      %swap3A_452 = arith.constant 96 : index
      %swap3A_453 = tpu.vector_load %arg7[%swap3A_451, %swap3A_452] {strides = array<i32>} : memref<16x128xi32, #tpu.memory_space<vmem>>, vector<1x16xi32>,
      %swap3A_454 = vector.shape_cast %swap3A_453 : vector<1x16xi32> to vector<16xi32>
      %swap3A_455 = vector.shape_cast %add3A_449 : vector<16xi32> to vector<1x16xi32>
      tpu.vector_store %arg7[%swap3A_451, %swap3A_452], %swap3A_455 {strides = array<i32>} : memref<16x128xi32, #tpu.memory_space<vmem>>, vector<1x16xi32>,
      %broadcast_in_dim3A_456 = arith.constant 0 : i32
      %broadcast_in_dim3A_457 = vector.broadcast %broadcast_in_dim3A_456 : i32 to vector<16xi32>
      %add3A_458 = arith.constant 1 : i32
      %add3A_459 = arith.addi %add3A_371, %add3A_458 : i32
      %add3A_460 = vector.broadcast %add3A_459 : i32 to vector<16xi32>
      %add3A_461 = arith.addi %broadcast_in_dim3A_457, %add3A_460 : vector<16xi32>
      %swap3A_462 = arith.constant 1 : i32
      %swap3A_463 = arith.index_cast %swap3A_462 : i32 to index
      %swap3A_464 = arith.constant 112 : index
      %swap3A_465 = tpu.vector_load %arg7[%swap3A_463, %swap3A_464] {strides = array<i32>} : memref<16x128xi32, #tpu.memory_space<vmem>>, vector<1x16xi32>,
      %swap3A_466 = vector.shape_cast %swap3A_465 : vector<1x16xi32> to vector<16xi32>
      %swap3A_467 = vector.shape_cast %add3A_461 : vector<16xi32> to vector<1x16xi32>
      tpu.vector_store %arg7[%swap3A_463, %swap3A_464], %swap3A_467 {strides = array<i32>} : memref<16x128xi32, #tpu.memory_space<vmem>>, vector<1x16xi32>,
      %dma_start3A_468 = arith.constant 1 : i32
      %dma_start3A_469 = arith.constant 1 : i32
      %dma_start3A_470 = arith.constant 0 : i32
      %dma_start3A_471 = arith.constant 0 : i32
      %dma_start3A_472 = tpu.memref_slice %arg6[%dma_start3A_468, %dma_start3A_470, %dma_start3A_471] : memref<16x128x32xf32, #tpu.memory_space<vmem>> -> memref<1x128x32xf32, #tpu.memory_space<vmem>>
      %dma_start3A_473 = tpu.memref_squeeze %dma_start3A_472 : memref<1x128x32xf32, #tpu.memory_space<vmem>> -> memref<128x32xf32, #tpu.memory_space<vmem>>
      %dma_start3A_474 = arith.constant 0 : i32
      %dma_start3A_475 = tpu.memref_slice %arg7[%dma_start3A_469, %dma_start3A_474] : memref<16x128xi32, #tpu.memory_space<vmem>> -> memref<1x128xi32, #tpu.memory_space<vmem>>
      %dma_start3A_476 = tpu.memref_squeeze %dma_start3A_475 : memref<1x128xi32, #tpu.memory_space<vmem>> -> memref<128xi32, #tpu.memory_space<vmem>>
      %dma_start3A_477 = arith.constant 0 : i32
      %dma_start3A_478 = arith.constant 0 : i32
      %dma_start3A_479 = tpu.memref_slice %arg8[%dma_start3A_477, %dma_start3A_478] : memref<2048x32xf32, #tpu.memory_space<vmem_shared>> -> memref<2048x32xf32, #tpu.memory_space<vmem_shared>>
      tpu.enqueue_indirect_dma source(%dma_start3A_473 : memref<128x32xf32, #tpu.memory_space<vmem>>) target(%dma_start3A_479 : memref<2048x32xf32, #tpu.memory_space<vmem_shared>>) offsets(%dma_start3A_476 : memref<128xi32, #tpu.memory_space<vmem>>) semaphore(%arg10 : memref<!tpu.dma_semaphore, #tpu.memory_space<semaphore_mem>>) {add = true}
      %ge3A_480 = arith.constant 5 : i32
      %ge3A_481 = arith.cmpi sge, %add3A_351, %ge3A_480 : i32
      %convert_element_type3A_482 = arith.extui %ge3A_481 : i1 to i32
      %cond3A_483 = arith.constant 0 : i32
      %cond3A_484 = arith.cmpi ne, %convert_element_type3A_482, %cond3A_483 : i32
      scf.if %cond3A_484 {
        %dma_wait3A_2508 = arith.constant 1 : i32
        %dma_wait3A_2509 = arith.constant 0 : i32
        %dma_wait3A_2510 = arith.constant 0 : i32
        %dma_wait3A_2511 = tpu.memref_slice %arg6[%dma_wait3A_2508, %dma_wait3A_2509, %dma_wait3A_2510] : memref<16x128x32xf32, #tpu.memory_space<vmem>> -> memref<1x128x32xf32, #tpu.memory_space<vmem>>
        %dma_wait3A_2512 = tpu.memref_squeeze %dma_wait3A_2511 : memref<1x128x32xf32, #tpu.memory_space<vmem>> -> memref<128x32xf32, #tpu.memory_space<vmem>>
        %dma_wait3A_2513 = arith.constant 0 : i32
        %dma_wait3A_2514 = arith.constant 0 : i32
        %dma_wait3A_2515 = tpu.memref_slice %arg8[%dma_wait3A_2513, %dma_wait3A_2514] : memref<2048x32xf32, #tpu.memory_space<vmem_shared>> -> memref<128x32xf32, #tpu.memory_space<vmem_shared>>
        %dma_wait3A_2516 = arith.constant 0 : i32
        %dma_wait3A_2517 = arith.constant 0 : i32
        %dma_wait3A_2518 = tpu.memref_slice %arg8[%dma_wait3A_2516, %dma_wait3A_2517] : memref<2048x32xf32, #tpu.memory_space<vmem_shared>> -> memref<128x32xf32, #tpu.memory_space<vmem_shared>>
        %dma_wait3A_2519 = arith.constant 0 : i32
        %dma_wait3A_2520 = arith.constant 0 : i32
        %dma_wait3A_2521 = tpu.memref_slice %arg6[%dma_wait3A_2508, %dma_wait3A_2519, %dma_wait3A_2520] : memref<16x128x32xf32, #tpu.memory_space<vmem>> -> memref<1x128x32xf32, #tpu.memory_space<vmem>>
        %dma_wait3A_2522 = tpu.memref_squeeze %dma_wait3A_2521 : memref<1x128x32xf32, #tpu.memory_space<vmem>> -> memref<128x32xf32, #tpu.memory_space<vmem>>
        tpu.wait_dma2 semaphore(%arg10 : memref<!tpu.dma_semaphore, #tpu.memory_space<semaphore_mem>>) src(%dma_wait3A_2522 : memref<128x32xf32, #tpu.memory_space<vmem>>) dst(%dma_wait3A_2518 : memref<128x32xf32, #tpu.memory_space<vmem_shared>>)
      } else {
      }
      %add3A_485 = arith.constant 11 : i32
      %add3A_486 = arith.addi %add3A_351, %add3A_485 : i32
      %lt3A_487 = arith.constant 64 : i32
      %lt3A_488 = arith.cmpi slt, %add3A_486, %lt3A_487 : i32
      %convert_element_type3A_489 = arith.extui %lt3A_488 : i1 to i32
      %cond3A_490 = arith.constant 0 : i32
      %cond3A_491 = arith.cmpi ne, %convert_element_type3A_489, %cond3A_490 : i32
      scf.if %cond3A_491 {
        %add3A_2508 = arith.constant 11 : i32
        %add3A_2509 = arith.addi %add3A_351, %add3A_2508 : i32
        %mul3A_2510 = arith.constant 128 : i32
        %mul3A_2511 = arith.muli %add3A_2509, %mul3A_2510 : i32
        %dma_start3A_2512 = arith.constant 12 : i32
        %dma_start3A_2513 = arith.constant 0 : i32
        %dma_start3A_2514 = arith.constant 0 : i32
        %dma_start3A_2515 = tpu.memref_slice %arg6[%dma_start3A_2512, %dma_start3A_2513, %dma_start3A_2514] : memref<16x128x32xf32, #tpu.memory_space<vmem>> -> memref<1x128x32xf32, #tpu.memory_space<vmem>>
        %dma_start3A_2516 = tpu.memref_squeeze %dma_start3A_2515 : memref<1x128x32xf32, #tpu.memory_space<vmem>> -> memref<128x32xf32, #tpu.memory_space<vmem>>
        %dma_start3A_2517 = tpu.memref_slice %arg5[%mul3A_2511] : memref<8192xi32, #tpu.memory_space<vmem>> -> memref<128xi32, #tpu.memory_space<vmem>>
        %dma_start3A_2518 = arith.constant 0 : i32
        %dma_start3A_2519 = arith.constant 0 : i32
        %dma_start3A_2520 = tpu.memref_slice %arg3[%dma_start3A_2518, %dma_start3A_2519] : memref<999999x32xf32, #tpu.memory_space<hbm>> -> memref<999999x32xf32, #tpu.memory_space<hbm>>
        tpu.enqueue_indirect_dma source(%dma_start3A_2520 : memref<999999x32xf32, #tpu.memory_space<hbm>>) target(%dma_start3A_2516 : memref<128x32xf32, #tpu.memory_space<vmem>>) offsets(%dma_start3A_2517 : memref<128xi32, #tpu.memory_space<vmem>>) semaphore(%arg9 : memref<!tpu.dma_semaphore, #tpu.memory_space<semaphore_mem>>)
      } else {
      }
      %mul3A_492 = arith.constant 16 : i32
      %mul3A_493 = arith.muli %scan3A_209, %mul3A_492 : i32
      %add3A_494 = arith.constant 2 : i32
      %add3A_495 = arith.addi %mul3A_493, %add3A_494 : i32
      %dma_wait3A_496 = arith.constant 2 : i32
      %dma_wait3A_497 = arith.constant 0 : i32
      %dma_wait3A_498 = arith.constant 0 : i32
      %dma_wait3A_499 = tpu.memref_slice %arg6[%dma_wait3A_496, %dma_wait3A_497, %dma_wait3A_498] : memref<16x128x32xf32, #tpu.memory_space<vmem>> -> memref<1x128x32xf32, #tpu.memory_space<vmem>>
      %dma_wait3A_500 = tpu.memref_squeeze %dma_wait3A_499 : memref<1x128x32xf32, #tpu.memory_space<vmem>> -> memref<128x32xf32, #tpu.memory_space<vmem>>
      %dma_wait3A_501 = arith.constant 0 : i32
      %dma_wait3A_502 = arith.constant 0 : i32
      %dma_wait3A_503 = tpu.memref_slice %arg3[%dma_wait3A_501, %dma_wait3A_502] : memref<999999x32xf32, #tpu.memory_space<hbm>> -> memref<128x32xf32, #tpu.memory_space<hbm>>
      %dma_wait3A_504 = arith.constant 0 : i32
      %dma_wait3A_505 = arith.constant 0 : i32
      %dma_wait3A_506 = tpu.memref_slice %arg6[%dma_wait3A_496, %dma_wait3A_504, %dma_wait3A_505] : memref<16x128x32xf32, #tpu.memory_space<vmem>> -> memref<1x128x32xf32, #tpu.memory_space<vmem>>
      %dma_wait3A_507 = tpu.memref_squeeze %dma_wait3A_506 : memref<1x128x32xf32, #tpu.memory_space<vmem>> -> memref<128x32xf32, #tpu.memory_space<vmem>>
      %dma_wait3A_508 = arith.constant 0 : i32
      %dma_wait3A_509 = arith.constant 0 : i32
      %dma_wait3A_510 = tpu.memref_slice %arg3[%dma_wait3A_508, %dma_wait3A_509] : memref<999999x32xf32, #tpu.memory_space<hbm>> -> memref<128x32xf32, #tpu.memory_space<hbm>>
      tpu.wait_dma2 semaphore(%arg9 : memref<!tpu.dma_semaphore, #tpu.memory_space<semaphore_mem>>) src(%dma_wait3A_510 : memref<128x32xf32, #tpu.memory_space<hbm>>) dst(%dma_wait3A_507 : memref<128x32xf32, #tpu.memory_space<vmem>>)
      %mul3A_511 = arith.constant 128 : i32
      %mul3A_512 = arith.muli %arg1, %mul3A_511 : i32
      %mul3A_513 = arith.constant 2 : i32
      %mul3A_514 = arith.muli %mul3A_513, %add3A_495 : i32
      %add3A_515 = arith.addi %mul3A_512, %mul3A_514 : i32
      %broadcast_in_dim3A_516 = arith.constant 0 : i32
      %broadcast_in_dim3A_517 = vector.broadcast %broadcast_in_dim3A_516 : i32 to vector<16xi32>
      %add3A_518 = arith.constant 0 : i32
      %add3A_519 = arith.addi %add3A_515, %add3A_518 : i32
      %add3A_520 = vector.broadcast %add3A_519 : i32 to vector<16xi32>
      %add3A_521 = arith.addi %broadcast_in_dim3A_517, %add3A_520 : vector<16xi32>
      %swap3A_522 = arith.constant 2 : i32
      %swap3A_523 = arith.index_cast %swap3A_522 : i32 to index
      %swap3A_524 = arith.constant 0 : index
      %swap3A_525 = tpu.vector_load %arg7[%swap3A_523, %swap3A_524] {strides = array<i32>} : memref<16x128xi32, #tpu.memory_space<vmem>>, vector<1x16xi32>,
      %swap3A_526 = vector.shape_cast %swap3A_525 : vector<1x16xi32> to vector<16xi32>
      %swap3A_527 = vector.shape_cast %add3A_521 : vector<16xi32> to vector<1x16xi32>
      tpu.vector_store %arg7[%swap3A_523, %swap3A_524], %swap3A_527 {strides = array<i32>} : memref<16x128xi32, #tpu.memory_space<vmem>>, vector<1x16xi32>,
      %broadcast_in_dim3A_528 = arith.constant 0 : i32
      %broadcast_in_dim3A_529 = vector.broadcast %broadcast_in_dim3A_528 : i32 to vector<16xi32>
      %add3A_530 = arith.constant 0 : i32
      %add3A_531 = arith.addi %add3A_515, %add3A_530 : i32
      %add3A_532 = vector.broadcast %add3A_531 : i32 to vector<16xi32>
      %add3A_533 = arith.addi %broadcast_in_dim3A_529, %add3A_532 : vector<16xi32>
      %swap3A_534 = arith.constant 2 : i32
      %swap3A_535 = arith.index_cast %swap3A_534 : i32 to index
      %swap3A_536 = arith.constant 16 : index
      %swap3A_537 = tpu.vector_load %arg7[%swap3A_535, %swap3A_536] {strides = array<i32>} : memref<16x128xi32, #tpu.memory_space<vmem>>, vector<1x16xi32>,
      %swap3A_538 = vector.shape_cast %swap3A_537 : vector<1x16xi32> to vector<16xi32>
      %swap3A_539 = vector.shape_cast %add3A_533 : vector<16xi32> to vector<1x16xi32>
      tpu.vector_store %arg7[%swap3A_535, %swap3A_536], %swap3A_539 {strides = array<i32>} : memref<16x128xi32, #tpu.memory_space<vmem>>, vector<1x16xi32>,
      %broadcast_in_dim3A_540 = arith.constant 0 : i32
      %broadcast_in_dim3A_541 = vector.broadcast %broadcast_in_dim3A_540 : i32 to vector<16xi32>
      %add3A_542 = arith.constant 0 : i32
      %add3A_543 = arith.addi %add3A_515, %add3A_542 : i32
      %add3A_544 = vector.broadcast %add3A_543 : i32 to vector<16xi32>
      %add3A_545 = arith.addi %broadcast_in_dim3A_541, %add3A_544 : vector<16xi32>
      %swap3A_546 = arith.constant 2 : i32
      %swap3A_547 = arith.index_cast %swap3A_546 : i32 to index
      %swap3A_548 = arith.constant 32 : index
      %swap3A_549 = tpu.vector_load %arg7[%swap3A_547, %swap3A_548] {strides = array<i32>} : memref<16x128xi32, #tpu.memory_space<vmem>>, vector<1x16xi32>,
      %swap3A_550 = vector.shape_cast %swap3A_549 : vector<1x16xi32> to vector<16xi32>
      %swap3A_551 = vector.shape_cast %add3A_545 : vector<16xi32> to vector<1x16xi32>
      tpu.vector_store %arg7[%swap3A_547, %swap3A_548], %swap3A_551 {strides = array<i32>} : memref<16x128xi32, #tpu.memory_space<vmem>>, vector<1x16xi32>,
      %broadcast_in_dim3A_552 = arith.constant 0 : i32
      %broadcast_in_dim3A_553 = vector.broadcast %broadcast_in_dim3A_552 : i32 to vector<16xi32>
      %add3A_554 = arith.constant 0 : i32
      %add3A_555 = arith.addi %add3A_515, %add3A_554 : i32
      %add3A_556 = vector.broadcast %add3A_555 : i32 to vector<16xi32>
      %add3A_557 = arith.addi %broadcast_in_dim3A_553, %add3A_556 : vector<16xi32>
      %swap3A_558 = arith.constant 2 : i32
      %swap3A_559 = arith.index_cast %swap3A_558 : i32 to index
      %swap3A_560 = arith.constant 48 : index
      %swap3A_561 = tpu.vector_load %arg7[%swap3A_559, %swap3A_560] {strides = array<i32>} : memref<16x128xi32, #tpu.memory_space<vmem>>, vector<1x16xi32>,
      %swap3A_562 = vector.shape_cast %swap3A_561 : vector<1x16xi32> to vector<16xi32>
      %swap3A_563 = vector.shape_cast %add3A_557 : vector<16xi32> to vector<1x16xi32>
      tpu.vector_store %arg7[%swap3A_559, %swap3A_560], %swap3A_563 {strides = array<i32>} : memref<16x128xi32, #tpu.memory_space<vmem>>, vector<1x16xi32>,
      %broadcast_in_dim3A_564 = arith.constant 0 : i32
      %broadcast_in_dim3A_565 = vector.broadcast %broadcast_in_dim3A_564 : i32 to vector<16xi32>
      %add3A_566 = arith.constant 1 : i32
      %add3A_567 = arith.addi %add3A_515, %add3A_566 : i32
      %add3A_568 = vector.broadcast %add3A_567 : i32 to vector<16xi32>
      %add3A_569 = arith.addi %broadcast_in_dim3A_565, %add3A_568 : vector<16xi32>
      %swap3A_570 = arith.constant 2 : i32
      %swap3A_571 = arith.index_cast %swap3A_570 : i32 to index
      %swap3A_572 = arith.constant 64 : index
      %swap3A_573 = tpu.vector_load %arg7[%swap3A_571, %swap3A_572] {strides = array<i32>} : memref<16x128xi32, #tpu.memory_space<vmem>>, vector<1x16xi32>,
      %swap3A_574 = vector.shape_cast %swap3A_573 : vector<1x16xi32> to vector<16xi32>
      %swap3A_575 = vector.shape_cast %add3A_569 : vector<16xi32> to vector<1x16xi32>
      tpu.vector_store %arg7[%swap3A_571, %swap3A_572], %swap3A_575 {strides = array<i32>} : memref<16x128xi32, #tpu.memory_space<vmem>>, vector<1x16xi32>,
      %broadcast_in_dim3A_576 = arith.constant 0 : i32
      %broadcast_in_dim3A_577 = vector.broadcast %broadcast_in_dim3A_576 : i32 to vector<16xi32>
      %add3A_578 = arith.constant 1 : i32
      %add3A_579 = arith.addi %add3A_515, %add3A_578 : i32
      %add3A_580 = vector.broadcast %add3A_579 : i32 to vector<16xi32>
      %add3A_581 = arith.addi %broadcast_in_dim3A_577, %add3A_580 : vector<16xi32>
      %swap3A_582 = arith.constant 2 : i32
      %swap3A_583 = arith.index_cast %swap3A_582 : i32 to index
      %swap3A_584 = arith.constant 80 : index
      %swap3A_585 = tpu.vector_load %arg7[%swap3A_583, %swap3A_584] {strides = array<i32>} : memref<16x128xi32, #tpu.memory_space<vmem>>, vector<1x16xi32>,
      %swap3A_586 = vector.shape_cast %swap3A_585 : vector<1x16xi32> to vector<16xi32>
      %swap3A_587 = vector.shape_cast %add3A_581 : vector<16xi32> to vector<1x16xi32>
      tpu.vector_store %arg7[%swap3A_583, %swap3A_584], %swap3A_587 {strides = array<i32>} : memref<16x128xi32, #tpu.memory_space<vmem>>, vector<1x16xi32>,
      %broadcast_in_dim3A_588 = arith.constant 0 : i32
      %broadcast_in_dim3A_589 = vector.broadcast %broadcast_in_dim3A_588 : i32 to vector<16xi32>
      %add3A_590 = arith.constant 1 : i32
      %add3A_591 = arith.addi %add3A_515, %add3A_590 : i32
      %add3A_592 = vector.broadcast %add3A_591 : i32 to vector<16xi32>
      %add3A_593 = arith.addi %broadcast_in_dim3A_589, %add3A_592 : vector<16xi32>
      %swap3A_594 = arith.constant 2 : i32
      %swap3A_595 = arith.index_cast %swap3A_594 : i32 to index
      %swap3A_596 = arith.constant 96 : index
      %swap3A_597 = tpu.vector_load %arg7[%swap3A_595, %swap3A_596] {strides = array<i32>} : memref<16x128xi32, #tpu.memory_space<vmem>>, vector<1x16xi32>,
      %swap3A_598 = vector.shape_cast %swap3A_597 : vector<1x16xi32> to vector<16xi32>
      %swap3A_599 = vector.shape_cast %add3A_593 : vector<16xi32> to vector<1x16xi32>
      tpu.vector_store %arg7[%swap3A_595, %swap3A_596], %swap3A_599 {strides = array<i32>} : memref<16x128xi32, #tpu.memory_space<vmem>>, vector<1x16xi32>,
      %broadcast_in_dim3A_600 = arith.constant 0 : i32
      %broadcast_in_dim3A_601 = vector.broadcast %broadcast_in_dim3A_600 : i32 to vector<16xi32>
      %add3A_602 = arith.constant 1 : i32
      %add3A_603 = arith.addi %add3A_515, %add3A_602 : i32
      %add3A_604 = vector.broadcast %add3A_603 : i32 to vector<16xi32>
      %add3A_605 = arith.addi %broadcast_in_dim3A_601, %add3A_604 : vector<16xi32>
      %swap3A_606 = arith.constant 2 : i32
      %swap3A_607 = arith.index_cast %swap3A_606 : i32 to index
      %swap3A_608 = arith.constant 112 : index
      %swap3A_609 = tpu.vector_load %arg7[%swap3A_607, %swap3A_608] {strides = array<i32>} : memref<16x128xi32, #tpu.memory_space<vmem>>, vector<1x16xi32>,
      %swap3A_610 = vector.shape_cast %swap3A_609 : vector<1x16xi32> to vector<16xi32>
      %swap3A_611 = vector.shape_cast %add3A_605 : vector<16xi32> to vector<1x16xi32>
      tpu.vector_store %arg7[%swap3A_607, %swap3A_608], %swap3A_611 {strides = array<i32>} : memref<16x128xi32, #tpu.memory_space<vmem>>, vector<1x16xi32>,
      %dma_start3A_612 = arith.constant 2 : i32
      %dma_start3A_613 = arith.constant 2 : i32
      %dma_start3A_614 = arith.constant 0 : i32
      %dma_start3A_615 = arith.constant 0 : i32
      %dma_start3A_616 = tpu.memref_slice %arg6[%dma_start3A_612, %dma_start3A_614, %dma_start3A_615] : memref<16x128x32xf32, #tpu.memory_space<vmem>> -> memref<1x128x32xf32, #tpu.memory_space<vmem>>
      %dma_start3A_617 = tpu.memref_squeeze %dma_start3A_616 : memref<1x128x32xf32, #tpu.memory_space<vmem>> -> memref<128x32xf32, #tpu.memory_space<vmem>>
      %dma_start3A_618 = arith.constant 0 : i32
      %dma_start3A_619 = tpu.memref_slice %arg7[%dma_start3A_613, %dma_start3A_618] : memref<16x128xi32, #tpu.memory_space<vmem>> -> memref<1x128xi32, #tpu.memory_space<vmem>>
      %dma_start3A_620 = tpu.memref_squeeze %dma_start3A_619 : memref<1x128xi32, #tpu.memory_space<vmem>> -> memref<128xi32, #tpu.memory_space<vmem>>
      %dma_start3A_621 = arith.constant 0 : i32
      %dma_start3A_622 = arith.constant 0 : i32
      %dma_start3A_623 = tpu.memref_slice %arg8[%dma_start3A_621, %dma_start3A_622] : memref<2048x32xf32, #tpu.memory_space<vmem_shared>> -> memref<2048x32xf32, #tpu.memory_space<vmem_shared>>
      tpu.enqueue_indirect_dma source(%dma_start3A_617 : memref<128x32xf32, #tpu.memory_space<vmem>>) target(%dma_start3A_623 : memref<2048x32xf32, #tpu.memory_space<vmem_shared>>) offsets(%dma_start3A_620 : memref<128xi32, #tpu.memory_space<vmem>>) semaphore(%arg10 : memref<!tpu.dma_semaphore, #tpu.memory_space<semaphore_mem>>) {add = true}
      %ge3A_624 = arith.constant 5 : i32
      %ge3A_625 = arith.cmpi sge, %add3A_495, %ge3A_624 : i32
      %convert_element_type3A_626 = arith.extui %ge3A_625 : i1 to i32
      %cond3A_627 = arith.constant 0 : i32
      %cond3A_628 = arith.cmpi ne, %convert_element_type3A_626, %cond3A_627 : i32
      scf.if %cond3A_628 {
        %dma_wait3A_2508 = arith.constant 2 : i32
        %dma_wait3A_2509 = arith.constant 0 : i32
        %dma_wait3A_2510 = arith.constant 0 : i32
        %dma_wait3A_2511 = tpu.memref_slice %arg6[%dma_wait3A_2508, %dma_wait3A_2509, %dma_wait3A_2510] : memref<16x128x32xf32, #tpu.memory_space<vmem>> -> memref<1x128x32xf32, #tpu.memory_space<vmem>>
        %dma_wait3A_2512 = tpu.memref_squeeze %dma_wait3A_2511 : memref<1x128x32xf32, #tpu.memory_space<vmem>> -> memref<128x32xf32, #tpu.memory_space<vmem>>
        %dma_wait3A_2513 = arith.constant 0 : i32
        %dma_wait3A_2514 = arith.constant 0 : i32
        %dma_wait3A_2515 = tpu.memref_slice %arg8[%dma_wait3A_2513, %dma_wait3A_2514] : memref<2048x32xf32, #tpu.memory_space<vmem_shared>> -> memref<128x32xf32, #tpu.memory_space<vmem_shared>>
        %dma_wait3A_2516 = arith.constant 0 : i32
        %dma_wait3A_2517 = arith.constant 0 : i32
        %dma_wait3A_2518 = tpu.memref_slice %arg8[%dma_wait3A_2516, %dma_wait3A_2517] : memref<2048x32xf32, #tpu.memory_space<vmem_shared>> -> memref<128x32xf32, #tpu.memory_space<vmem_shared>>
        %dma_wait3A_2519 = arith.constant 0 : i32
        %dma_wait3A_2520 = arith.constant 0 : i32
        %dma_wait3A_2521 = tpu.memref_slice %arg6[%dma_wait3A_2508, %dma_wait3A_2519, %dma_wait3A_2520] : memref<16x128x32xf32, #tpu.memory_space<vmem>> -> memref<1x128x32xf32, #tpu.memory_space<vmem>>
        %dma_wait3A_2522 = tpu.memref_squeeze %dma_wait3A_2521 : memref<1x128x32xf32, #tpu.memory_space<vmem>> -> memref<128x32xf32, #tpu.memory_space<vmem>>
        tpu.wait_dma2 semaphore(%arg10 : memref<!tpu.dma_semaphore, #tpu.memory_space<semaphore_mem>>) src(%dma_wait3A_2522 : memref<128x32xf32, #tpu.memory_space<vmem>>) dst(%dma_wait3A_2518 : memref<128x32xf32, #tpu.memory_space<vmem_shared>>)
      } else {
      }
      %add3A_629 = arith.constant 11 : i32
      %add3A_630 = arith.addi %add3A_495, %add3A_629 : i32
      %lt3A_631 = arith.constant 64 : i32
      %lt3A_632 = arith.cmpi slt, %add3A_630, %lt3A_631 : i32
      %convert_element_type3A_633 = arith.extui %lt3A_632 : i1 to i32
      %cond3A_634 = arith.constant 0 : i32
      %cond3A_635 = arith.cmpi ne, %convert_element_type3A_633, %cond3A_634 : i32
      scf.if %cond3A_635 {
        %add3A_2508 = arith.constant 11 : i32
        %add3A_2509 = arith.addi %add3A_495, %add3A_2508 : i32
        %mul3A_2510 = arith.constant 128 : i32
        %mul3A_2511 = arith.muli %add3A_2509, %mul3A_2510 : i32
        %dma_start3A_2512 = arith.constant 13 : i32
        %dma_start3A_2513 = arith.constant 0 : i32
        %dma_start3A_2514 = arith.constant 0 : i32
        %dma_start3A_2515 = tpu.memref_slice %arg6[%dma_start3A_2512, %dma_start3A_2513, %dma_start3A_2514] : memref<16x128x32xf32, #tpu.memory_space<vmem>> -> memref<1x128x32xf32, #tpu.memory_space<vmem>>
        %dma_start3A_2516 = tpu.memref_squeeze %dma_start3A_2515 : memref<1x128x32xf32, #tpu.memory_space<vmem>> -> memref<128x32xf32, #tpu.memory_space<vmem>>
        %dma_start3A_2517 = tpu.memref_slice %arg5[%mul3A_2511] : memref<8192xi32, #tpu.memory_space<vmem>> -> memref<128xi32, #tpu.memory_space<vmem>>
        %dma_start3A_2518 = arith.constant 0 : i32
        %dma_start3A_2519 = arith.constant 0 : i32
        %dma_start3A_2520 = tpu.memref_slice %arg3[%dma_start3A_2518, %dma_start3A_2519] : memref<999999x32xf32, #tpu.memory_space<hbm>> -> memref<999999x32xf32, #tpu.memory_space<hbm>>
        tpu.enqueue_indirect_dma source(%dma_start3A_2520 : memref<999999x32xf32, #tpu.memory_space<hbm>>) target(%dma_start3A_2516 : memref<128x32xf32, #tpu.memory_space<vmem>>) offsets(%dma_start3A_2517 : memref<128xi32, #tpu.memory_space<vmem>>) semaphore(%arg9 : memref<!tpu.dma_semaphore, #tpu.memory_space<semaphore_mem>>)
      } else {
      }
      %mul3A_636 = arith.constant 16 : i32
      %mul3A_637 = arith.muli %scan3A_209, %mul3A_636 : i32
      %add3A_638 = arith.constant 3 : i32
      %add3A_639 = arith.addi %mul3A_637, %add3A_638 : i32
      %dma_wait3A_640 = arith.constant 3 : i32
      %dma_wait3A_641 = arith.constant 0 : i32
      %dma_wait3A_642 = arith.constant 0 : i32
      %dma_wait3A_643 = tpu.memref_slice %arg6[%dma_wait3A_640, %dma_wait3A_641, %dma_wait3A_642] : memref<16x128x32xf32, #tpu.memory_space<vmem>> -> memref<1x128x32xf32, #tpu.memory_space<vmem>>
      %dma_wait3A_644 = tpu.memref_squeeze %dma_wait3A_643 : memref<1x128x32xf32, #tpu.memory_space<vmem>> -> memref<128x32xf32, #tpu.memory_space<vmem>>
      %dma_wait3A_645 = arith.constant 0 : i32
      %dma_wait3A_646 = arith.constant 0 : i32
      %dma_wait3A_647 = tpu.memref_slice %arg3[%dma_wait3A_645, %dma_wait3A_646] : memref<999999x32xf32, #tpu.memory_space<hbm>> -> memref<128x32xf32, #tpu.memory_space<hbm>>
      %dma_wait3A_648 = arith.constant 0 : i32
      %dma_wait3A_649 = arith.constant 0 : i32
      %dma_wait3A_650 = tpu.memref_slice %arg6[%dma_wait3A_640, %dma_wait3A_648, %dma_wait3A_649] : memref<16x128x32xf32, #tpu.memory_space<vmem>> -> memref<1x128x32xf32, #tpu.memory_space<vmem>>
      %dma_wait3A_651 = tpu.memref_squeeze %dma_wait3A_650 : memref<1x128x32xf32, #tpu.memory_space<vmem>> -> memref<128x32xf32, #tpu.memory_space<vmem>>
      %dma_wait3A_652 = arith.constant 0 : i32
      %dma_wait3A_653 = arith.constant 0 : i32
      %dma_wait3A_654 = tpu.memref_slice %arg3[%dma_wait3A_652, %dma_wait3A_653] : memref<999999x32xf32, #tpu.memory_space<hbm>> -> memref<128x32xf32, #tpu.memory_space<hbm>>
      tpu.wait_dma2 semaphore(%arg9 : memref<!tpu.dma_semaphore, #tpu.memory_space<semaphore_mem>>) src(%dma_wait3A_654 : memref<128x32xf32, #tpu.memory_space<hbm>>) dst(%dma_wait3A_651 : memref<128x32xf32, #tpu.memory_space<vmem>>)
      %mul3A_655 = arith.constant 128 : i32
      %mul3A_656 = arith.muli %arg1, %mul3A_655 : i32
      %mul3A_657 = arith.constant 2 : i32
      %mul3A_658 = arith.muli %mul3A_657, %add3A_639 : i32
      %add3A_659 = arith.addi %mul3A_656, %mul3A_658 : i32
      %broadcast_in_dim3A_660 = arith.constant 0 : i32
      %broadcast_in_dim3A_661 = vector.broadcast %broadcast_in_dim3A_660 : i32 to vector<16xi32>
      %add3A_662 = arith.constant 0 : i32
      %add3A_663 = arith.addi %add3A_659, %add3A_662 : i32
      %add3A_664 = vector.broadcast %add3A_663 : i32 to vector<16xi32>
      %add3A_665 = arith.addi %broadcast_in_dim3A_661, %add3A_664 : vector<16xi32>
      %swap3A_666 = arith.constant 3 : i32
      %swap3A_667 = arith.index_cast %swap3A_666 : i32 to index
      %swap3A_668 = arith.constant 0 : index
      %swap3A_669 = tpu.vector_load %arg7[%swap3A_667, %swap3A_668] {strides = array<i32>} : memref<16x128xi32, #tpu.memory_space<vmem>>, vector<1x16xi32>,
      %swap3A_670 = vector.shape_cast %swap3A_669 : vector<1x16xi32> to vector<16xi32>
      %swap3A_671 = vector.shape_cast %add3A_665 : vector<16xi32> to vector<1x16xi32>
      tpu.vector_store %arg7[%swap3A_667, %swap3A_668], %swap3A_671 {strides = array<i32>} : memref<16x128xi32, #tpu.memory_space<vmem>>, vector<1x16xi32>,
      %broadcast_in_dim3A_672 = arith.constant 0 : i32
      %broadcast_in_dim3A_673 = vector.broadcast %broadcast_in_dim3A_672 : i32 to vector<16xi32>
      %add3A_674 = arith.constant 0 : i32
      %add3A_675 = arith.addi %add3A_659, %add3A_674 : i32
      %add3A_676 = vector.broadcast %add3A_675 : i32 to vector<16xi32>
      %add3A_677 = arith.addi %broadcast_in_dim3A_673, %add3A_676 : vector<16xi32>
      %swap3A_678 = arith.constant 3 : i32
      %swap3A_679 = arith.index_cast %swap3A_678 : i32 to index
      %swap3A_680 = arith.constant 16 : index
      %swap3A_681 = tpu.vector_load %arg7[%swap3A_679, %swap3A_680] {strides = array<i32>} : memref<16x128xi32, #tpu.memory_space<vmem>>, vector<1x16xi32>,
      %swap3A_682 = vector.shape_cast %swap3A_681 : vector<1x16xi32> to vector<16xi32>
      %swap3A_683 = vector.shape_cast %add3A_677 : vector<16xi32> to vector<1x16xi32>
      tpu.vector_store %arg7[%swap3A_679, %swap3A_680], %swap3A_683 {strides = array<i32>} : memref<16x128xi32, #tpu.memory_space<vmem>>, vector<1x16xi32>,
      %broadcast_in_dim3A_684 = arith.constant 0 : i32
      %broadcast_in_dim3A_685 = vector.broadcast %broadcast_in_dim3A_684 : i32 to vector<16xi32>
      %add3A_686 = arith.constant 0 : i32
      %add3A_687 = arith.addi %add3A_659, %add3A_686 : i32
      %add3A_688 = vector.broadcast %add3A_687 : i32 to vector<16xi32>
      %add3A_689 = arith.addi %broadcast_in_dim3A_685, %add3A_688 : vector<16xi32>
      %swap3A_690 = arith.constant 3 : i32
      %swap3A_691 = arith.index_cast %swap3A_690 : i32 to index
      %swap3A_692 = arith.constant 32 : index
      %swap3A_693 = tpu.vector_load %arg7[%swap3A_691, %swap3A_692] {strides = array<i32>} : memref<16x128xi32, #tpu.memory_space<vmem>>, vector<1x16xi32>,
      %swap3A_694 = vector.shape_cast %swap3A_693 : vector<1x16xi32> to vector<16xi32>
      %swap3A_695 = vector.shape_cast %add3A_689 : vector<16xi32> to vector<1x16xi32>
      tpu.vector_store %arg7[%swap3A_691, %swap3A_692], %swap3A_695 {strides = array<i32>} : memref<16x128xi32, #tpu.memory_space<vmem>>, vector<1x16xi32>,
      %broadcast_in_dim3A_696 = arith.constant 0 : i32
      %broadcast_in_dim3A_697 = vector.broadcast %broadcast_in_dim3A_696 : i32 to vector<16xi32>
      %add3A_698 = arith.constant 0 : i32
      %add3A_699 = arith.addi %add3A_659, %add3A_698 : i32
      %add3A_700 = vector.broadcast %add3A_699 : i32 to vector<16xi32>
      %add3A_701 = arith.addi %broadcast_in_dim3A_697, %add3A_700 : vector<16xi32>
      %swap3A_702 = arith.constant 3 : i32
      %swap3A_703 = arith.index_cast %swap3A_702 : i32 to index
      %swap3A_704 = arith.constant 48 : index
      %swap3A_705 = tpu.vector_load %arg7[%swap3A_703, %swap3A_704] {strides = array<i32>} : memref<16x128xi32, #tpu.memory_space<vmem>>, vector<1x16xi32>,
      %swap3A_706 = vector.shape_cast %swap3A_705 : vector<1x16xi32> to vector<16xi32>
      %swap3A_707 = vector.shape_cast %add3A_701 : vector<16xi32> to vector<1x16xi32>
      tpu.vector_store %arg7[%swap3A_703, %swap3A_704], %swap3A_707 {strides = array<i32>} : memref<16x128xi32, #tpu.memory_space<vmem>>, vector<1x16xi32>,
      %broadcast_in_dim3A_708 = arith.constant 0 : i32
      %broadcast_in_dim3A_709 = vector.broadcast %broadcast_in_dim3A_708 : i32 to vector<16xi32>
      %add3A_710 = arith.constant 1 : i32
      %add3A_711 = arith.addi %add3A_659, %add3A_710 : i32
      %add3A_712 = vector.broadcast %add3A_711 : i32 to vector<16xi32>
      %add3A_713 = arith.addi %broadcast_in_dim3A_709, %add3A_712 : vector<16xi32>
      %swap3A_714 = arith.constant 3 : i32
      %swap3A_715 = arith.index_cast %swap3A_714 : i32 to index
      %swap3A_716 = arith.constant 64 : index
      %swap3A_717 = tpu.vector_load %arg7[%swap3A_715, %swap3A_716] {strides = array<i32>} : memref<16x128xi32, #tpu.memory_space<vmem>>, vector<1x16xi32>,
      %swap3A_718 = vector.shape_cast %swap3A_717 : vector<1x16xi32> to vector<16xi32>
      %swap3A_719 = vector.shape_cast %add3A_713 : vector<16xi32> to vector<1x16xi32>
      tpu.vector_store %arg7[%swap3A_715, %swap3A_716], %swap3A_719 {strides = array<i32>} : memref<16x128xi32, #tpu.memory_space<vmem>>, vector<1x16xi32>,
      %broadcast_in_dim3A_720 = arith.constant 0 : i32
      %broadcast_in_dim3A_721 = vector.broadcast %broadcast_in_dim3A_720 : i32 to vector<16xi32>
      %add3A_722 = arith.constant 1 : i32
      %add3A_723 = arith.addi %add3A_659, %add3A_722 : i32
      %add3A_724 = vector.broadcast %add3A_723 : i32 to vector<16xi32>
      %add3A_725 = arith.addi %broadcast_in_dim3A_721, %add3A_724 : vector<16xi32>
      %swap3A_726 = arith.constant 3 : i32
      %swap3A_727 = arith.index_cast %swap3A_726 : i32 to index
      %swap3A_728 = arith.constant 80 : index
      %swap3A_729 = tpu.vector_load %arg7[%swap3A_727, %swap3A_728] {strides = array<i32>} : memref<16x128xi32, #tpu.memory_space<vmem>>, vector<1x16xi32>,
      %swap3A_730 = vector.shape_cast %swap3A_729 : vector<1x16xi32> to vector<16xi32>
      %swap3A_731 = vector.shape_cast %add3A_725 : vector<16xi32> to vector<1x16xi32>
      tpu.vector_store %arg7[%swap3A_727, %swap3A_728], %swap3A_731 {strides = array<i32>} : memref<16x128xi32, #tpu.memory_space<vmem>>, vector<1x16xi32>,
      %broadcast_in_dim3A_732 = arith.constant 0 : i32
      %broadcast_in_dim3A_733 = vector.broadcast %broadcast_in_dim3A_732 : i32 to vector<16xi32>
      %add3A_734 = arith.constant 1 : i32
      %add3A_735 = arith.addi %add3A_659, %add3A_734 : i32
      %add3A_736 = vector.broadcast %add3A_735 : i32 to vector<16xi32>
      %add3A_737 = arith.addi %broadcast_in_dim3A_733, %add3A_736 : vector<16xi32>
      %swap3A_738 = arith.constant 3 : i32
      %swap3A_739 = arith.index_cast %swap3A_738 : i32 to index
      %swap3A_740 = arith.constant 96 : index
      %swap3A_741 = tpu.vector_load %arg7[%swap3A_739, %swap3A_740] {strides = array<i32>} : memref<16x128xi32, #tpu.memory_space<vmem>>, vector<1x16xi32>,
      %swap3A_742 = vector.shape_cast %swap3A_741 : vector<1x16xi32> to vector<16xi32>
      %swap3A_743 = vector.shape_cast %add3A_737 : vector<16xi32> to vector<1x16xi32>
      tpu.vector_store %arg7[%swap3A_739, %swap3A_740], %swap3A_743 {strides = array<i32>} : memref<16x128xi32, #tpu.memory_space<vmem>>, vector<1x16xi32>,
      %broadcast_in_dim3A_744 = arith.constant 0 : i32
      %broadcast_in_dim3A_745 = vector.broadcast %broadcast_in_dim3A_744 : i32 to vector<16xi32>
      %add3A_746 = arith.constant 1 : i32
      %add3A_747 = arith.addi %add3A_659, %add3A_746 : i32
      %add3A_748 = vector.broadcast %add3A_747 : i32 to vector<16xi32>
      %add3A_749 = arith.addi %broadcast_in_dim3A_745, %add3A_748 : vector<16xi32>
      %swap3A_750 = arith.constant 3 : i32
      %swap3A_751 = arith.index_cast %swap3A_750 : i32 to index
      %swap3A_752 = arith.constant 112 : index
      %swap3A_753 = tpu.vector_load %arg7[%swap3A_751, %swap3A_752] {strides = array<i32>} : memref<16x128xi32, #tpu.memory_space<vmem>>, vector<1x16xi32>,
      %swap3A_754 = vector.shape_cast %swap3A_753 : vector<1x16xi32> to vector<16xi32>
      %swap3A_755 = vector.shape_cast %add3A_749 : vector<16xi32> to vector<1x16xi32>
      tpu.vector_store %arg7[%swap3A_751, %swap3A_752], %swap3A_755 {strides = array<i32>} : memref<16x128xi32, #tpu.memory_space<vmem>>, vector<1x16xi32>,
      %dma_start3A_756 = arith.constant 3 : i32
      %dma_start3A_757 = arith.constant 3 : i32
      %dma_start3A_758 = arith.constant 0 : i32
      %dma_start3A_759 = arith.constant 0 : i32
      %dma_start3A_760 = tpu.memref_slice %arg6[%dma_start3A_756, %dma_start3A_758, %dma_start3A_759] : memref<16x128x32xf32, #tpu.memory_space<vmem>> -> memref<1x128x32xf32, #tpu.memory_space<vmem>>
      %dma_start3A_761 = tpu.memref_squeeze %dma_start3A_760 : memref<1x128x32xf32, #tpu.memory_space<vmem>> -> memref<128x32xf32, #tpu.memory_space<vmem>>
      %dma_start3A_762 = arith.constant 0 : i32
      %dma_start3A_763 = tpu.memref_slice %arg7[%dma_start3A_757, %dma_start3A_762] : memref<16x128xi32, #tpu.memory_space<vmem>> -> memref<1x128xi32, #tpu.memory_space<vmem>>
      %dma_start3A_764 = tpu.memref_squeeze %dma_start3A_763 : memref<1x128xi32, #tpu.memory_space<vmem>> -> memref<128xi32, #tpu.memory_space<vmem>>
      %dma_start3A_765 = arith.constant 0 : i32
      %dma_start3A_766 = arith.constant 0 : i32
      %dma_start3A_767 = tpu.memref_slice %arg8[%dma_start3A_765, %dma_start3A_766] : memref<2048x32xf32, #tpu.memory_space<vmem_shared>> -> memref<2048x32xf32, #tpu.memory_space<vmem_shared>>
      tpu.enqueue_indirect_dma source(%dma_start3A_761 : memref<128x32xf32, #tpu.memory_space<vmem>>) target(%dma_start3A_767 : memref<2048x32xf32, #tpu.memory_space<vmem_shared>>) offsets(%dma_start3A_764 : memref<128xi32, #tpu.memory_space<vmem>>) semaphore(%arg10 : memref<!tpu.dma_semaphore, #tpu.memory_space<semaphore_mem>>) {add = true}
      %ge3A_768 = arith.constant 5 : i32
      %ge3A_769 = arith.cmpi sge, %add3A_639, %ge3A_768 : i32
      %convert_element_type3A_770 = arith.extui %ge3A_769 : i1 to i32
      %cond3A_771 = arith.constant 0 : i32
      %cond3A_772 = arith.cmpi ne, %convert_element_type3A_770, %cond3A_771 : i32
      scf.if %cond3A_772 {
        %dma_wait3A_2508 = arith.constant 3 : i32
        %dma_wait3A_2509 = arith.constant 0 : i32
        %dma_wait3A_2510 = arith.constant 0 : i32
        %dma_wait3A_2511 = tpu.memref_slice %arg6[%dma_wait3A_2508, %dma_wait3A_2509, %dma_wait3A_2510] : memref<16x128x32xf32, #tpu.memory_space<vmem>> -> memref<1x128x32xf32, #tpu.memory_space<vmem>>
        %dma_wait3A_2512 = tpu.memref_squeeze %dma_wait3A_2511 : memref<1x128x32xf32, #tpu.memory_space<vmem>> -> memref<128x32xf32, #tpu.memory_space<vmem>>
        %dma_wait3A_2513 = arith.constant 0 : i32
        %dma_wait3A_2514 = arith.constant 0 : i32
        %dma_wait3A_2515 = tpu.memref_slice %arg8[%dma_wait3A_2513, %dma_wait3A_2514] : memref<2048x32xf32, #tpu.memory_space<vmem_shared>> -> memref<128x32xf32, #tpu.memory_space<vmem_shared>>
        %dma_wait3A_2516 = arith.constant 0 : i32
        %dma_wait3A_2517 = arith.constant 0 : i32
        %dma_wait3A_2518 = tpu.memref_slice %arg8[%dma_wait3A_2516, %dma_wait3A_2517] : memref<2048x32xf32, #tpu.memory_space<vmem_shared>> -> memref<128x32xf32, #tpu.memory_space<vmem_shared>>
        %dma_wait3A_2519 = arith.constant 0 : i32
        %dma_wait3A_2520 = arith.constant 0 : i32
        %dma_wait3A_2521 = tpu.memref_slice %arg6[%dma_wait3A_2508, %dma_wait3A_2519, %dma_wait3A_2520] : memref<16x128x32xf32, #tpu.memory_space<vmem>> -> memref<1x128x32xf32, #tpu.memory_space<vmem>>
        %dma_wait3A_2522 = tpu.memref_squeeze %dma_wait3A_2521 : memref<1x128x32xf32, #tpu.memory_space<vmem>> -> memref<128x32xf32, #tpu.memory_space<vmem>>
        tpu.wait_dma2 semaphore(%arg10 : memref<!tpu.dma_semaphore, #tpu.memory_space<semaphore_mem>>) src(%dma_wait3A_2522 : memref<128x32xf32, #tpu.memory_space<vmem>>) dst(%dma_wait3A_2518 : memref<128x32xf32, #tpu.memory_space<vmem_shared>>)
      } else {
      }
      %add3A_773 = arith.constant 11 : i32
      %add3A_774 = arith.addi %add3A_639, %add3A_773 : i32
      %lt3A_775 = arith.constant 64 : i32
      %lt3A_776 = arith.cmpi slt, %add3A_774, %lt3A_775 : i32
      %convert_element_type3A_777 = arith.extui %lt3A_776 : i1 to i32
      %cond3A_778 = arith.constant 0 : i32
      %cond3A_779 = arith.cmpi ne, %convert_element_type3A_777, %cond3A_778 : i32
      scf.if %cond3A_779 {
        %add3A_2508 = arith.constant 11 : i32
        %add3A_2509 = arith.addi %add3A_639, %add3A_2508 : i32
        %mul3A_2510 = arith.constant 128 : i32
        %mul3A_2511 = arith.muli %add3A_2509, %mul3A_2510 : i32
        %dma_start3A_2512 = arith.constant 14 : i32
        %dma_start3A_2513 = arith.constant 0 : i32
        %dma_start3A_2514 = arith.constant 0 : i32
        %dma_start3A_2515 = tpu.memref_slice %arg6[%dma_start3A_2512, %dma_start3A_2513, %dma_start3A_2514] : memref<16x128x32xf32, #tpu.memory_space<vmem>> -> memref<1x128x32xf32, #tpu.memory_space<vmem>>
        %dma_start3A_2516 = tpu.memref_squeeze %dma_start3A_2515 : memref<1x128x32xf32, #tpu.memory_space<vmem>> -> memref<128x32xf32, #tpu.memory_space<vmem>>
        %dma_start3A_2517 = tpu.memref_slice %arg5[%mul3A_2511] : memref<8192xi32, #tpu.memory_space<vmem>> -> memref<128xi32, #tpu.memory_space<vmem>>
        %dma_start3A_2518 = arith.constant 0 : i32
        %dma_start3A_2519 = arith.constant 0 : i32
        %dma_start3A_2520 = tpu.memref_slice %arg3[%dma_start3A_2518, %dma_start3A_2519] : memref<999999x32xf32, #tpu.memory_space<hbm>> -> memref<999999x32xf32, #tpu.memory_space<hbm>>
        tpu.enqueue_indirect_dma source(%dma_start3A_2520 : memref<999999x32xf32, #tpu.memory_space<hbm>>) target(%dma_start3A_2516 : memref<128x32xf32, #tpu.memory_space<vmem>>) offsets(%dma_start3A_2517 : memref<128xi32, #tpu.memory_space<vmem>>) semaphore(%arg9 : memref<!tpu.dma_semaphore, #tpu.memory_space<semaphore_mem>>)
      } else {
      }
      %mul3A_780 = arith.constant 16 : i32
      %mul3A_781 = arith.muli %scan3A_209, %mul3A_780 : i32
      %add3A_782 = arith.constant 4 : i32
      %add3A_783 = arith.addi %mul3A_781, %add3A_782 : i32
      %dma_wait3A_784 = arith.constant 4 : i32
      %dma_wait3A_785 = arith.constant 0 : i32
      %dma_wait3A_786 = arith.constant 0 : i32
      %dma_wait3A_787 = tpu.memref_slice %arg6[%dma_wait3A_784, %dma_wait3A_785, %dma_wait3A_786] : memref<16x128x32xf32, #tpu.memory_space<vmem>> -> memref<1x128x32xf32, #tpu.memory_space<vmem>>
      %dma_wait3A_788 = tpu.memref_squeeze %dma_wait3A_787 : memref<1x128x32xf32, #tpu.memory_space<vmem>> -> memref<128x32xf32, #tpu.memory_space<vmem>>
      %dma_wait3A_789 = arith.constant 0 : i32
      %dma_wait3A_790 = arith.constant 0 : i32
      %dma_wait3A_791 = tpu.memref_slice %arg3[%dma_wait3A_789, %dma_wait3A_790] : memref<999999x32xf32, #tpu.memory_space<hbm>> -> memref<128x32xf32, #tpu.memory_space<hbm>>
      %dma_wait3A_792 = arith.constant 0 : i32
      %dma_wait3A_793 = arith.constant 0 : i32
      %dma_wait3A_794 = tpu.memref_slice %arg6[%dma_wait3A_784, %dma_wait3A_792, %dma_wait3A_793] : memref<16x128x32xf32, #tpu.memory_space<vmem>> -> memref<1x128x32xf32, #tpu.memory_space<vmem>>
      %dma_wait3A_795 = tpu.memref_squeeze %dma_wait3A_794 : memref<1x128x32xf32, #tpu.memory_space<vmem>> -> memref<128x32xf32, #tpu.memory_space<vmem>>
      %dma_wait3A_796 = arith.constant 0 : i32
      %dma_wait3A_797 = arith.constant 0 : i32
      %dma_wait3A_798 = tpu.memref_slice %arg3[%dma_wait3A_796, %dma_wait3A_797] : memref<999999x32xf32, #tpu.memory_space<hbm>> -> memref<128x32xf32, #tpu.memory_space<hbm>>
      tpu.wait_dma2 semaphore(%arg9 : memref<!tpu.dma_semaphore, #tpu.memory_space<semaphore_mem>>) src(%dma_wait3A_798 : memref<128x32xf32, #tpu.memory_space<hbm>>) dst(%dma_wait3A_795 : memref<128x32xf32, #tpu.memory_space<vmem>>)
      %mul3A_799 = arith.constant 128 : i32
      %mul3A_800 = arith.muli %arg1, %mul3A_799 : i32
      %mul3A_801 = arith.constant 2 : i32
      %mul3A_802 = arith.muli %mul3A_801, %add3A_783 : i32
      %add3A_803 = arith.addi %mul3A_800, %mul3A_802 : i32
      %broadcast_in_dim3A_804 = arith.constant 0 : i32
      %broadcast_in_dim3A_805 = vector.broadcast %broadcast_in_dim3A_804 : i32 to vector<16xi32>
      %add3A_806 = arith.constant 0 : i32
      %add3A_807 = arith.addi %add3A_803, %add3A_806 : i32
      %add3A_808 = vector.broadcast %add3A_807 : i32 to vector<16xi32>
      %add3A_809 = arith.addi %broadcast_in_dim3A_805, %add3A_808 : vector<16xi32>
      %swap3A_810 = arith.constant 4 : i32
      %swap3A_811 = arith.index_cast %swap3A_810 : i32 to index
      %swap3A_812 = arith.constant 0 : index
      %swap3A_813 = tpu.vector_load %arg7[%swap3A_811, %swap3A_812] {strides = array<i32>} : memref<16x128xi32, #tpu.memory_space<vmem>>, vector<1x16xi32>,
      %swap3A_814 = vector.shape_cast %swap3A_813 : vector<1x16xi32> to vector<16xi32>
      %swap3A_815 = vector.shape_cast %add3A_809 : vector<16xi32> to vector<1x16xi32>
      tpu.vector_store %arg7[%swap3A_811, %swap3A_812], %swap3A_815 {strides = array<i32>} : memref<16x128xi32, #tpu.memory_space<vmem>>, vector<1x16xi32>,
      %broadcast_in_dim3A_816 = arith.constant 0 : i32
      %broadcast_in_dim3A_817 = vector.broadcast %broadcast_in_dim3A_816 : i32 to vector<16xi32>
      %add3A_818 = arith.constant 0 : i32
      %add3A_819 = arith.addi %add3A_803, %add3A_818 : i32
      %add3A_820 = vector.broadcast %add3A_819 : i32 to vector<16xi32>
      %add3A_821 = arith.addi %broadcast_in_dim3A_817, %add3A_820 : vector<16xi32>
      %swap3A_822 = arith.constant 4 : i32
      %swap3A_823 = arith.index_cast %swap3A_822 : i32 to index
      %swap3A_824 = arith.constant 16 : index
      %swap3A_825 = tpu.vector_load %arg7[%swap3A_823, %swap3A_824] {strides = array<i32>} : memref<16x128xi32, #tpu.memory_space<vmem>>, vector<1x16xi32>,
      %swap3A_826 = vector.shape_cast %swap3A_825 : vector<1x16xi32> to vector<16xi32>
      %swap3A_827 = vector.shape_cast %add3A_821 : vector<16xi32> to vector<1x16xi32>
      tpu.vector_store %arg7[%swap3A_823, %swap3A_824], %swap3A_827 {strides = array<i32>} : memref<16x128xi32, #tpu.memory_space<vmem>>, vector<1x16xi32>,
      %broadcast_in_dim3A_828 = arith.constant 0 : i32
      %broadcast_in_dim3A_829 = vector.broadcast %broadcast_in_dim3A_828 : i32 to vector<16xi32>
      %add3A_830 = arith.constant 0 : i32
      %add3A_831 = arith.addi %add3A_803, %add3A_830 : i32
      %add3A_832 = vector.broadcast %add3A_831 : i32 to vector<16xi32>
      %add3A_833 = arith.addi %broadcast_in_dim3A_829, %add3A_832 : vector<16xi32>
      %swap3A_834 = arith.constant 4 : i32
      %swap3A_835 = arith.index_cast %swap3A_834 : i32 to index
      %swap3A_836 = arith.constant 32 : index
      %swap3A_837 = tpu.vector_load %arg7[%swap3A_835, %swap3A_836] {strides = array<i32>} : memref<16x128xi32, #tpu.memory_space<vmem>>, vector<1x16xi32>,
      %swap3A_838 = vector.shape_cast %swap3A_837 : vector<1x16xi32> to vector<16xi32>
      %swap3A_839 = vector.shape_cast %add3A_833 : vector<16xi32> to vector<1x16xi32>
      tpu.vector_store %arg7[%swap3A_835, %swap3A_836], %swap3A_839 {strides = array<i32>} : memref<16x128xi32, #tpu.memory_space<vmem>>, vector<1x16xi32>,
      %broadcast_in_dim3A_840 = arith.constant 0 : i32
      %broadcast_in_dim3A_841 = vector.broadcast %broadcast_in_dim3A_840 : i32 to vector<16xi32>
      %add3A_842 = arith.constant 0 : i32
      %add3A_843 = arith.addi %add3A_803, %add3A_842 : i32
      %add3A_844 = vector.broadcast %add3A_843 : i32 to vector<16xi32>
      %add3A_845 = arith.addi %broadcast_in_dim3A_841, %add3A_844 : vector<16xi32>
      %swap3A_846 = arith.constant 4 : i32
      %swap3A_847 = arith.index_cast %swap3A_846 : i32 to index
      %swap3A_848 = arith.constant 48 : index
      %swap3A_849 = tpu.vector_load %arg7[%swap3A_847, %swap3A_848] {strides = array<i32>} : memref<16x128xi32, #tpu.memory_space<vmem>>, vector<1x16xi32>,
      %swap3A_850 = vector.shape_cast %swap3A_849 : vector<1x16xi32> to vector<16xi32>
      %swap3A_851 = vector.shape_cast %add3A_845 : vector<16xi32> to vector<1x16xi32>
      tpu.vector_store %arg7[%swap3A_847, %swap3A_848], %swap3A_851 {strides = array<i32>} : memref<16x128xi32, #tpu.memory_space<vmem>>, vector<1x16xi32>,
      %broadcast_in_dim3A_852 = arith.constant 0 : i32
      %broadcast_in_dim3A_853 = vector.broadcast %broadcast_in_dim3A_852 : i32 to vector<16xi32>
      %add3A_854 = arith.constant 1 : i32
      %add3A_855 = arith.addi %add3A_803, %add3A_854 : i32
      %add3A_856 = vector.broadcast %add3A_855 : i32 to vector<16xi32>
      %add3A_857 = arith.addi %broadcast_in_dim3A_853, %add3A_856 : vector<16xi32>
      %swap3A_858 = arith.constant 4 : i32
      %swap3A_859 = arith.index_cast %swap3A_858 : i32 to index
      %swap3A_860 = arith.constant 64 : index
      %swap3A_861 = tpu.vector_load %arg7[%swap3A_859, %swap3A_860] {strides = array<i32>} : memref<16x128xi32, #tpu.memory_space<vmem>>, vector<1x16xi32>,
      %swap3A_862 = vector.shape_cast %swap3A_861 : vector<1x16xi32> to vector<16xi32>
      %swap3A_863 = vector.shape_cast %add3A_857 : vector<16xi32> to vector<1x16xi32>
      tpu.vector_store %arg7[%swap3A_859, %swap3A_860], %swap3A_863 {strides = array<i32>} : memref<16x128xi32, #tpu.memory_space<vmem>>, vector<1x16xi32>,
      %broadcast_in_dim3A_864 = arith.constant 0 : i32
      %broadcast_in_dim3A_865 = vector.broadcast %broadcast_in_dim3A_864 : i32 to vector<16xi32>
      %add3A_866 = arith.constant 1 : i32
      %add3A_867 = arith.addi %add3A_803, %add3A_866 : i32
      %add3A_868 = vector.broadcast %add3A_867 : i32 to vector<16xi32>
      %add3A_869 = arith.addi %broadcast_in_dim3A_865, %add3A_868 : vector<16xi32>
      %swap3A_870 = arith.constant 4 : i32
      %swap3A_871 = arith.index_cast %swap3A_870 : i32 to index
      %swap3A_872 = arith.constant 80 : index
      %swap3A_873 = tpu.vector_load %arg7[%swap3A_871, %swap3A_872] {strides = array<i32>} : memref<16x128xi32, #tpu.memory_space<vmem>>, vector<1x16xi32>,
      %swap3A_874 = vector.shape_cast %swap3A_873 : vector<1x16xi32> to vector<16xi32>
      %swap3A_875 = vector.shape_cast %add3A_869 : vector<16xi32> to vector<1x16xi32>
      tpu.vector_store %arg7[%swap3A_871, %swap3A_872], %swap3A_875 {strides = array<i32>} : memref<16x128xi32, #tpu.memory_space<vmem>>, vector<1x16xi32>,
      %broadcast_in_dim3A_876 = arith.constant 0 : i32
      %broadcast_in_dim3A_877 = vector.broadcast %broadcast_in_dim3A_876 : i32 to vector<16xi32>
      %add3A_878 = arith.constant 1 : i32
      %add3A_879 = arith.addi %add3A_803, %add3A_878 : i32
      %add3A_880 = vector.broadcast %add3A_879 : i32 to vector<16xi32>
      %add3A_881 = arith.addi %broadcast_in_dim3A_877, %add3A_880 : vector<16xi32>
      %swap3A_882 = arith.constant 4 : i32
      %swap3A_883 = arith.index_cast %swap3A_882 : i32 to index
      %swap3A_884 = arith.constant 96 : index
      %swap3A_885 = tpu.vector_load %arg7[%swap3A_883, %swap3A_884] {strides = array<i32>} : memref<16x128xi32, #tpu.memory_space<vmem>>, vector<1x16xi32>,
      %swap3A_886 = vector.shape_cast %swap3A_885 : vector<1x16xi32> to vector<16xi32>
      %swap3A_887 = vector.shape_cast %add3A_881 : vector<16xi32> to vector<1x16xi32>
      tpu.vector_store %arg7[%swap3A_883, %swap3A_884], %swap3A_887 {strides = array<i32>} : memref<16x128xi32, #tpu.memory_space<vmem>>, vector<1x16xi32>,
      %broadcast_in_dim3A_888 = arith.constant 0 : i32
      %broadcast_in_dim3A_889 = vector.broadcast %broadcast_in_dim3A_888 : i32 to vector<16xi32>
      %add3A_890 = arith.constant 1 : i32
      %add3A_891 = arith.addi %add3A_803, %add3A_890 : i32
      %add3A_892 = vector.broadcast %add3A_891 : i32 to vector<16xi32>
      %add3A_893 = arith.addi %broadcast_in_dim3A_889, %add3A_892 : vector<16xi32>
      %swap3A_894 = arith.constant 4 : i32
      %swap3A_895 = arith.index_cast %swap3A_894 : i32 to index
      %swap3A_896 = arith.constant 112 : index
      %swap3A_897 = tpu.vector_load %arg7[%swap3A_895, %swap3A_896] {strides = array<i32>} : memref<16x128xi32, #tpu.memory_space<vmem>>, vector<1x16xi32>,
      %swap3A_898 = vector.shape_cast %swap3A_897 : vector<1x16xi32> to vector<16xi32>
      %swap3A_899 = vector.shape_cast %add3A_893 : vector<16xi32> to vector<1x16xi32>
      tpu.vector_store %arg7[%swap3A_895, %swap3A_896], %swap3A_899 {strides = array<i32>} : memref<16x128xi32, #tpu.memory_space<vmem>>, vector<1x16xi32>,
      %dma_start3A_900 = arith.constant 4 : i32
      %dma_start3A_901 = arith.constant 4 : i32
      %dma_start3A_902 = arith.constant 0 : i32
      %dma_start3A_903 = arith.constant 0 : i32
      %dma_start3A_904 = tpu.memref_slice %arg6[%dma_start3A_900, %dma_start3A_902, %dma_start3A_903] : memref<16x128x32xf32, #tpu.memory_space<vmem>> -> memref<1x128x32xf32, #tpu.memory_space<vmem>>
      %dma_start3A_905 = tpu.memref_squeeze %dma_start3A_904 : memref<1x128x32xf32, #tpu.memory_space<vmem>> -> memref<128x32xf32, #tpu.memory_space<vmem>>
      %dma_start3A_906 = arith.constant 0 : i32
      %dma_start3A_907 = tpu.memref_slice %arg7[%dma_start3A_901, %dma_start3A_906] : memref<16x128xi32, #tpu.memory_space<vmem>> -> memref<1x128xi32, #tpu.memory_space<vmem>>
      %dma_start3A_908 = tpu.memref_squeeze %dma_start3A_907 : memref<1x128xi32, #tpu.memory_space<vmem>> -> memref<128xi32, #tpu.memory_space<vmem>>
      %dma_start3A_909 = arith.constant 0 : i32
      %dma_start3A_910 = arith.constant 0 : i32
      %dma_start3A_911 = tpu.memref_slice %arg8[%dma_start3A_909, %dma_start3A_910] : memref<2048x32xf32, #tpu.memory_space<vmem_shared>> -> memref<2048x32xf32, #tpu.memory_space<vmem_shared>>
      tpu.enqueue_indirect_dma source(%dma_start3A_905 : memref<128x32xf32, #tpu.memory_space<vmem>>) target(%dma_start3A_911 : memref<2048x32xf32, #tpu.memory_space<vmem_shared>>) offsets(%dma_start3A_908 : memref<128xi32, #tpu.memory_space<vmem>>) semaphore(%arg10 : memref<!tpu.dma_semaphore, #tpu.memory_space<semaphore_mem>>) {add = true}
      %ge3A_912 = arith.constant 5 : i32
      %ge3A_913 = arith.cmpi sge, %add3A_783, %ge3A_912 : i32
      %convert_element_type3A_914 = arith.extui %ge3A_913 : i1 to i32
      %cond3A_915 = arith.constant 0 : i32
      %cond3A_916 = arith.cmpi ne, %convert_element_type3A_914, %cond3A_915 : i32
      scf.if %cond3A_916 {
        %dma_wait3A_2508 = arith.constant 4 : i32
        %dma_wait3A_2509 = arith.constant 0 : i32
        %dma_wait3A_2510 = arith.constant 0 : i32
        %dma_wait3A_2511 = tpu.memref_slice %arg6[%dma_wait3A_2508, %dma_wait3A_2509, %dma_wait3A_2510] : memref<16x128x32xf32, #tpu.memory_space<vmem>> -> memref<1x128x32xf32, #tpu.memory_space<vmem>>
        %dma_wait3A_2512 = tpu.memref_squeeze %dma_wait3A_2511 : memref<1x128x32xf32, #tpu.memory_space<vmem>> -> memref<128x32xf32, #tpu.memory_space<vmem>>
        %dma_wait3A_2513 = arith.constant 0 : i32
        %dma_wait3A_2514 = arith.constant 0 : i32
        %dma_wait3A_2515 = tpu.memref_slice %arg8[%dma_wait3A_2513, %dma_wait3A_2514] : memref<2048x32xf32, #tpu.memory_space<vmem_shared>> -> memref<128x32xf32, #tpu.memory_space<vmem_shared>>
        %dma_wait3A_2516 = arith.constant 0 : i32
        %dma_wait3A_2517 = arith.constant 0 : i32
        %dma_wait3A_2518 = tpu.memref_slice %arg8[%dma_wait3A_2516, %dma_wait3A_2517] : memref<2048x32xf32, #tpu.memory_space<vmem_shared>> -> memref<128x32xf32, #tpu.memory_space<vmem_shared>>
        %dma_wait3A_2519 = arith.constant 0 : i32
        %dma_wait3A_2520 = arith.constant 0 : i32
        %dma_wait3A_2521 = tpu.memref_slice %arg6[%dma_wait3A_2508, %dma_wait3A_2519, %dma_wait3A_2520] : memref<16x128x32xf32, #tpu.memory_space<vmem>> -> memref<1x128x32xf32, #tpu.memory_space<vmem>>
        %dma_wait3A_2522 = tpu.memref_squeeze %dma_wait3A_2521 : memref<1x128x32xf32, #tpu.memory_space<vmem>> -> memref<128x32xf32, #tpu.memory_space<vmem>>
        tpu.wait_dma2 semaphore(%arg10 : memref<!tpu.dma_semaphore, #tpu.memory_space<semaphore_mem>>) src(%dma_wait3A_2522 : memref<128x32xf32, #tpu.memory_space<vmem>>) dst(%dma_wait3A_2518 : memref<128x32xf32, #tpu.memory_space<vmem_shared>>)
      } else {
      }
      %add3A_917 = arith.constant 11 : i32
      %add3A_918 = arith.addi %add3A_783, %add3A_917 : i32
      %lt3A_919 = arith.constant 64 : i32
      %lt3A_920 = arith.cmpi slt, %add3A_918, %lt3A_919 : i32
      %convert_element_type3A_921 = arith.extui %lt3A_920 : i1 to i32
      %cond3A_922 = arith.constant 0 : i32
      %cond3A_923 = arith.cmpi ne, %convert_element_type3A_921, %cond3A_922 : i32
      scf.if %cond3A_923 {
        %add3A_2508 = arith.constant 11 : i32
        %add3A_2509 = arith.addi %add3A_783, %add3A_2508 : i32
        %mul3A_2510 = arith.constant 128 : i32
        %mul3A_2511 = arith.muli %add3A_2509, %mul3A_2510 : i32
        %dma_start3A_2512 = arith.constant 15 : i32
        %dma_start3A_2513 = arith.constant 0 : i32
        %dma_start3A_2514 = arith.constant 0 : i32
        %dma_start3A_2515 = tpu.memref_slice %arg6[%dma_start3A_2512, %dma_start3A_2513, %dma_start3A_2514] : memref<16x128x32xf32, #tpu.memory_space<vmem>> -> memref<1x128x32xf32, #tpu.memory_space<vmem>>
        %dma_start3A_2516 = tpu.memref_squeeze %dma_start3A_2515 : memref<1x128x32xf32, #tpu.memory_space<vmem>> -> memref<128x32xf32, #tpu.memory_space<vmem>>
        %dma_start3A_2517 = tpu.memref_slice %arg5[%mul3A_2511] : memref<8192xi32, #tpu.memory_space<vmem>> -> memref<128xi32, #tpu.memory_space<vmem>>
        %dma_start3A_2518 = arith.constant 0 : i32
        %dma_start3A_2519 = arith.constant 0 : i32
        %dma_start3A_2520 = tpu.memref_slice %arg3[%dma_start3A_2518, %dma_start3A_2519] : memref<999999x32xf32, #tpu.memory_space<hbm>> -> memref<999999x32xf32, #tpu.memory_space<hbm>>
        tpu.enqueue_indirect_dma source(%dma_start3A_2520 : memref<999999x32xf32, #tpu.memory_space<hbm>>) target(%dma_start3A_2516 : memref<128x32xf32, #tpu.memory_space<vmem>>) offsets(%dma_start3A_2517 : memref<128xi32, #tpu.memory_space<vmem>>) semaphore(%arg9 : memref<!tpu.dma_semaphore, #tpu.memory_space<semaphore_mem>>)
      } else {
      }
      %mul3A_924 = arith.constant 16 : i32
      %mul3A_925 = arith.muli %scan3A_209, %mul3A_924 : i32
      %add3A_926 = arith.constant 5 : i32
      %add3A_927 = arith.addi %mul3A_925, %add3A_926 : i32
      %dma_wait3A_928 = arith.constant 5 : i32
      %dma_wait3A_929 = arith.constant 0 : i32
      %dma_wait3A_930 = arith.constant 0 : i32
      %dma_wait3A_931 = tpu.memref_slice %arg6[%dma_wait3A_928, %dma_wait3A_929, %dma_wait3A_930] : memref<16x128x32xf32, #tpu.memory_space<vmem>> -> memref<1x128x32xf32, #tpu.memory_space<vmem>>
      %dma_wait3A_932 = tpu.memref_squeeze %dma_wait3A_931 : memref<1x128x32xf32, #tpu.memory_space<vmem>> -> memref<128x32xf32, #tpu.memory_space<vmem>>
      %dma_wait3A_933 = arith.constant 0 : i32
      %dma_wait3A_934 = arith.constant 0 : i32
      %dma_wait3A_935 = tpu.memref_slice %arg3[%dma_wait3A_933, %dma_wait3A_934] : memref<999999x32xf32, #tpu.memory_space<hbm>> -> memref<128x32xf32, #tpu.memory_space<hbm>>
      %dma_wait3A_936 = arith.constant 0 : i32
      %dma_wait3A_937 = arith.constant 0 : i32
      %dma_wait3A_938 = tpu.memref_slice %arg6[%dma_wait3A_928, %dma_wait3A_936, %dma_wait3A_937] : memref<16x128x32xf32, #tpu.memory_space<vmem>> -> memref<1x128x32xf32, #tpu.memory_space<vmem>>
      %dma_wait3A_939 = tpu.memref_squeeze %dma_wait3A_938 : memref<1x128x32xf32, #tpu.memory_space<vmem>> -> memref<128x32xf32, #tpu.memory_space<vmem>>
      %dma_wait3A_940 = arith.constant 0 : i32
      %dma_wait3A_941 = arith.constant 0 : i32
      %dma_wait3A_942 = tpu.memref_slice %arg3[%dma_wait3A_940, %dma_wait3A_941] : memref<999999x32xf32, #tpu.memory_space<hbm>> -> memref<128x32xf32, #tpu.memory_space<hbm>>
      tpu.wait_dma2 semaphore(%arg9 : memref<!tpu.dma_semaphore, #tpu.memory_space<semaphore_mem>>) src(%dma_wait3A_942 : memref<128x32xf32, #tpu.memory_space<hbm>>) dst(%dma_wait3A_939 : memref<128x32xf32, #tpu.memory_space<vmem>>)
      %mul3A_943 = arith.constant 128 : i32
      %mul3A_944 = arith.muli %arg1, %mul3A_943 : i32
      %mul3A_945 = arith.constant 2 : i32
      %mul3A_946 = arith.muli %mul3A_945, %add3A_927 : i32
      %add3A_947 = arith.addi %mul3A_944, %mul3A_946 : i32
      %broadcast_in_dim3A_948 = arith.constant 0 : i32
      %broadcast_in_dim3A_949 = vector.broadcast %broadcast_in_dim3A_948 : i32 to vector<16xi32>
      %add3A_950 = arith.constant 0 : i32
      %add3A_951 = arith.addi %add3A_947, %add3A_950 : i32
      %add3A_952 = vector.broadcast %add3A_951 : i32 to vector<16xi32>
      %add3A_953 = arith.addi %broadcast_in_dim3A_949, %add3A_952 : vector<16xi32>
      %swap3A_954 = arith.constant 5 : i32
      %swap3A_955 = arith.index_cast %swap3A_954 : i32 to index
      %swap3A_956 = arith.constant 0 : index
      %swap3A_957 = tpu.vector_load %arg7[%swap3A_955, %swap3A_956] {strides = array<i32>} : memref<16x128xi32, #tpu.memory_space<vmem>>, vector<1x16xi32>,
      %swap3A_958 = vector.shape_cast %swap3A_957 : vector<1x16xi32> to vector<16xi32>
      %swap3A_959 = vector.shape_cast %add3A_953 : vector<16xi32> to vector<1x16xi32>
      tpu.vector_store %arg7[%swap3A_955, %swap3A_956], %swap3A_959 {strides = array<i32>} : memref<16x128xi32, #tpu.memory_space<vmem>>, vector<1x16xi32>,
      %broadcast_in_dim3A_960 = arith.constant 0 : i32
      %broadcast_in_dim3A_961 = vector.broadcast %broadcast_in_dim3A_960 : i32 to vector<16xi32>
      %add3A_962 = arith.constant 0 : i32
      %add3A_963 = arith.addi %add3A_947, %add3A_962 : i32
      %add3A_964 = vector.broadcast %add3A_963 : i32 to vector<16xi32>
      %add3A_965 = arith.addi %broadcast_in_dim3A_961, %add3A_964 : vector<16xi32>
      %swap3A_966 = arith.constant 5 : i32
      %swap3A_967 = arith.index_cast %swap3A_966 : i32 to index
      %swap3A_968 = arith.constant 16 : index
      %swap3A_969 = tpu.vector_load %arg7[%swap3A_967, %swap3A_968] {strides = array<i32>} : memref<16x128xi32, #tpu.memory_space<vmem>>, vector<1x16xi32>,
      %swap3A_970 = vector.shape_cast %swap3A_969 : vector<1x16xi32> to vector<16xi32>
      %swap3A_971 = vector.shape_cast %add3A_965 : vector<16xi32> to vector<1x16xi32>
      tpu.vector_store %arg7[%swap3A_967, %swap3A_968], %swap3A_971 {strides = array<i32>} : memref<16x128xi32, #tpu.memory_space<vmem>>, vector<1x16xi32>,
      %broadcast_in_dim3A_972 = arith.constant 0 : i32
      %broadcast_in_dim3A_973 = vector.broadcast %broadcast_in_dim3A_972 : i32 to vector<16xi32>
      %add3A_974 = arith.constant 0 : i32
      %add3A_975 = arith.addi %add3A_947, %add3A_974 : i32
      %add3A_976 = vector.broadcast %add3A_975 : i32 to vector<16xi32>
      %add3A_977 = arith.addi %broadcast_in_dim3A_973, %add3A_976 : vector<16xi32>
      %swap3A_978 = arith.constant 5 : i32
      %swap3A_979 = arith.index_cast %swap3A_978 : i32 to index
      %swap3A_980 = arith.constant 32 : index
      %swap3A_981 = tpu.vector_load %arg7[%swap3A_979, %swap3A_980] {strides = array<i32>} : memref<16x128xi32, #tpu.memory_space<vmem>>, vector<1x16xi32>,
      %swap3A_982 = vector.shape_cast %swap3A_981 : vector<1x16xi32> to vector<16xi32>
      %swap3A_983 = vector.shape_cast %add3A_977 : vector<16xi32> to vector<1x16xi32>
      tpu.vector_store %arg7[%swap3A_979, %swap3A_980], %swap3A_983 {strides = array<i32>} : memref<16x128xi32, #tpu.memory_space<vmem>>, vector<1x16xi32>,
      %broadcast_in_dim3A_984 = arith.constant 0 : i32
      %broadcast_in_dim3A_985 = vector.broadcast %broadcast_in_dim3A_984 : i32 to vector<16xi32>
      %add3A_986 = arith.constant 0 : i32
      %add3A_987 = arith.addi %add3A_947, %add3A_986 : i32
      %add3A_988 = vector.broadcast %add3A_987 : i32 to vector<16xi32>
      %add3A_989 = arith.addi %broadcast_in_dim3A_985, %add3A_988 : vector<16xi32>
      %swap3A_990 = arith.constant 5 : i32
      %swap3A_991 = arith.index_cast %swap3A_990 : i32 to index
      %swap3A_992 = arith.constant 48 : index
      %swap3A_993 = tpu.vector_load %arg7[%swap3A_991, %swap3A_992] {strides = array<i32>} : memref<16x128xi32, #tpu.memory_space<vmem>>, vector<1x16xi32>,
      %swap3A_994 = vector.shape_cast %swap3A_993 : vector<1x16xi32> to vector<16xi32>
      %swap3A_995 = vector.shape_cast %add3A_989 : vector<16xi32> to vector<1x16xi32>
      tpu.vector_store %arg7[%swap3A_991, %swap3A_992], %swap3A_995 {strides = array<i32>} : memref<16x128xi32, #tpu.memory_space<vmem>>, vector<1x16xi32>,
      %broadcast_in_dim3A_996 = arith.constant 0 : i32
      %broadcast_in_dim3A_997 = vector.broadcast %broadcast_in_dim3A_996 : i32 to vector<16xi32>
      %add3A_998 = arith.constant 1 : i32
      %add3A_999 = arith.addi %add3A_947, %add3A_998 : i32
      %add3A_1000 = vector.broadcast %add3A_999 : i32 to vector<16xi32>
      %add3A_1001 = arith.addi %broadcast_in_dim3A_997, %add3A_1000 : vector<16xi32>
      %swap3A_1002 = arith.constant 5 : i32
      %swap3A_1003 = arith.index_cast %swap3A_1002 : i32 to index
      %swap3A_1004 = arith.constant 64 : index
      %swap3A_1005 = tpu.vector_load %arg7[%swap3A_1003, %swap3A_1004] {strides = array<i32>} : memref<16x128xi32, #tpu.memory_space<vmem>>, vector<1x16xi32>,
      %swap3A_1006 = vector.shape_cast %swap3A_1005 : vector<1x16xi32> to vector<16xi32>
      %swap3A_1007 = vector.shape_cast %add3A_1001 : vector<16xi32> to vector<1x16xi32>
      tpu.vector_store %arg7[%swap3A_1003, %swap3A_1004], %swap3A_1007 {strides = array<i32>} : memref<16x128xi32, #tpu.memory_space<vmem>>, vector<1x16xi32>,
      %broadcast_in_dim3A_1008 = arith.constant 0 : i32
      %broadcast_in_dim3A_1009 = vector.broadcast %broadcast_in_dim3A_1008 : i32 to vector<16xi32>
      %add3A_1010 = arith.constant 1 : i32
      %add3A_1011 = arith.addi %add3A_947, %add3A_1010 : i32
      %add3A_1012 = vector.broadcast %add3A_1011 : i32 to vector<16xi32>
      %add3A_1013 = arith.addi %broadcast_in_dim3A_1009, %add3A_1012 : vector<16xi32>
      %swap3A_1014 = arith.constant 5 : i32
      %swap3A_1015 = arith.index_cast %swap3A_1014 : i32 to index
      %swap3A_1016 = arith.constant 80 : index
      %swap3A_1017 = tpu.vector_load %arg7[%swap3A_1015, %swap3A_1016] {strides = array<i32>} : memref<16x128xi32, #tpu.memory_space<vmem>>, vector<1x16xi32>,
      %swap3A_1018 = vector.shape_cast %swap3A_1017 : vector<1x16xi32> to vector<16xi32>
      %swap3A_1019 = vector.shape_cast %add3A_1013 : vector<16xi32> to vector<1x16xi32>
      tpu.vector_store %arg7[%swap3A_1015, %swap3A_1016], %swap3A_1019 {strides = array<i32>} : memref<16x128xi32, #tpu.memory_space<vmem>>, vector<1x16xi32>,
      %broadcast_in_dim3A_1020 = arith.constant 0 : i32
      %broadcast_in_dim3A_1021 = vector.broadcast %broadcast_in_dim3A_1020 : i32 to vector<16xi32>
      %add3A_1022 = arith.constant 1 : i32
      %add3A_1023 = arith.addi %add3A_947, %add3A_1022 : i32
      %add3A_1024 = vector.broadcast %add3A_1023 : i32 to vector<16xi32>
      %add3A_1025 = arith.addi %broadcast_in_dim3A_1021, %add3A_1024 : vector<16xi32>
      %swap3A_1026 = arith.constant 5 : i32
      %swap3A_1027 = arith.index_cast %swap3A_1026 : i32 to index
      %swap3A_1028 = arith.constant 96 : index
      %swap3A_1029 = tpu.vector_load %arg7[%swap3A_1027, %swap3A_1028] {strides = array<i32>} : memref<16x128xi32, #tpu.memory_space<vmem>>, vector<1x16xi32>,
      %swap3A_1030 = vector.shape_cast %swap3A_1029 : vector<1x16xi32> to vector<16xi32>
      %swap3A_1031 = vector.shape_cast %add3A_1025 : vector<16xi32> to vector<1x16xi32>
      tpu.vector_store %arg7[%swap3A_1027, %swap3A_1028], %swap3A_1031 {strides = array<i32>} : memref<16x128xi32, #tpu.memory_space<vmem>>, vector<1x16xi32>,
      %broadcast_in_dim3A_1032 = arith.constant 0 : i32
      %broadcast_in_dim3A_1033 = vector.broadcast %broadcast_in_dim3A_1032 : i32 to vector<16xi32>
      %add3A_1034 = arith.constant 1 : i32
      %add3A_1035 = arith.addi %add3A_947, %add3A_1034 : i32
      %add3A_1036 = vector.broadcast %add3A_1035 : i32 to vector<16xi32>
      %add3A_1037 = arith.addi %broadcast_in_dim3A_1033, %add3A_1036 : vector<16xi32>
      %swap3A_1038 = arith.constant 5 : i32
      %swap3A_1039 = arith.index_cast %swap3A_1038 : i32 to index
      %swap3A_1040 = arith.constant 112 : index
      %swap3A_1041 = tpu.vector_load %arg7[%swap3A_1039, %swap3A_1040] {strides = array<i32>} : memref<16x128xi32, #tpu.memory_space<vmem>>, vector<1x16xi32>,
      %swap3A_1042 = vector.shape_cast %swap3A_1041 : vector<1x16xi32> to vector<16xi32>
      %swap3A_1043 = vector.shape_cast %add3A_1037 : vector<16xi32> to vector<1x16xi32>
      tpu.vector_store %arg7[%swap3A_1039, %swap3A_1040], %swap3A_1043 {strides = array<i32>} : memref<16x128xi32, #tpu.memory_space<vmem>>, vector<1x16xi32>,
      %dma_start3A_1044 = arith.constant 5 : i32
      %dma_start3A_1045 = arith.constant 5 : i32
      %dma_start3A_1046 = arith.constant 0 : i32
      %dma_start3A_1047 = arith.constant 0 : i32
      %dma_start3A_1048 = tpu.memref_slice %arg6[%dma_start3A_1044, %dma_start3A_1046, %dma_start3A_1047] : memref<16x128x32xf32, #tpu.memory_space<vmem>> -> memref<1x128x32xf32, #tpu.memory_space<vmem>>
      %dma_start3A_1049 = tpu.memref_squeeze %dma_start3A_1048 : memref<1x128x32xf32, #tpu.memory_space<vmem>> -> memref<128x32xf32, #tpu.memory_space<vmem>>
      %dma_start3A_1050 = arith.constant 0 : i32
      %dma_start3A_1051 = tpu.memref_slice %arg7[%dma_start3A_1045, %dma_start3A_1050] : memref<16x128xi32, #tpu.memory_space<vmem>> -> memref<1x128xi32, #tpu.memory_space<vmem>>
      %dma_start3A_1052 = tpu.memref_squeeze %dma_start3A_1051 : memref<1x128xi32, #tpu.memory_space<vmem>> -> memref<128xi32, #tpu.memory_space<vmem>>
      %dma_start3A_1053 = arith.constant 0 : i32
      %dma_start3A_1054 = arith.constant 0 : i32
      %dma_start3A_1055 = tpu.memref_slice %arg8[%dma_start3A_1053, %dma_start3A_1054] : memref<2048x32xf32, #tpu.memory_space<vmem_shared>> -> memref<2048x32xf32, #tpu.memory_space<vmem_shared>>
      tpu.enqueue_indirect_dma source(%dma_start3A_1049 : memref<128x32xf32, #tpu.memory_space<vmem>>) target(%dma_start3A_1055 : memref<2048x32xf32, #tpu.memory_space<vmem_shared>>) offsets(%dma_start3A_1052 : memref<128xi32, #tpu.memory_space<vmem>>) semaphore(%arg10 : memref<!tpu.dma_semaphore, #tpu.memory_space<semaphore_mem>>) {add = true}
      %ge3A_1056 = arith.constant 5 : i32
      %ge3A_1057 = arith.cmpi sge, %add3A_927, %ge3A_1056 : i32
      %convert_element_type3A_1058 = arith.extui %ge3A_1057 : i1 to i32
      %cond3A_1059 = arith.constant 0 : i32
      %cond3A_1060 = arith.cmpi ne, %convert_element_type3A_1058, %cond3A_1059 : i32
      scf.if %cond3A_1060 {
        %dma_wait3A_2508 = arith.constant 5 : i32
        %dma_wait3A_2509 = arith.constant 0 : i32
        %dma_wait3A_2510 = arith.constant 0 : i32
        %dma_wait3A_2511 = tpu.memref_slice %arg6[%dma_wait3A_2508, %dma_wait3A_2509, %dma_wait3A_2510] : memref<16x128x32xf32, #tpu.memory_space<vmem>> -> memref<1x128x32xf32, #tpu.memory_space<vmem>>
        %dma_wait3A_2512 = tpu.memref_squeeze %dma_wait3A_2511 : memref<1x128x32xf32, #tpu.memory_space<vmem>> -> memref<128x32xf32, #tpu.memory_space<vmem>>
        %dma_wait3A_2513 = arith.constant 0 : i32
        %dma_wait3A_2514 = arith.constant 0 : i32
        %dma_wait3A_2515 = tpu.memref_slice %arg8[%dma_wait3A_2513, %dma_wait3A_2514] : memref<2048x32xf32, #tpu.memory_space<vmem_shared>> -> memref<128x32xf32, #tpu.memory_space<vmem_shared>>
        %dma_wait3A_2516 = arith.constant 0 : i32
        %dma_wait3A_2517 = arith.constant 0 : i32
        %dma_wait3A_2518 = tpu.memref_slice %arg8[%dma_wait3A_2516, %dma_wait3A_2517] : memref<2048x32xf32, #tpu.memory_space<vmem_shared>> -> memref<128x32xf32, #tpu.memory_space<vmem_shared>>
        %dma_wait3A_2519 = arith.constant 0 : i32
        %dma_wait3A_2520 = arith.constant 0 : i32
        %dma_wait3A_2521 = tpu.memref_slice %arg6[%dma_wait3A_2508, %dma_wait3A_2519, %dma_wait3A_2520] : memref<16x128x32xf32, #tpu.memory_space<vmem>> -> memref<1x128x32xf32, #tpu.memory_space<vmem>>
        %dma_wait3A_2522 = tpu.memref_squeeze %dma_wait3A_2521 : memref<1x128x32xf32, #tpu.memory_space<vmem>> -> memref<128x32xf32, #tpu.memory_space<vmem>>
        tpu.wait_dma2 semaphore(%arg10 : memref<!tpu.dma_semaphore, #tpu.memory_space<semaphore_mem>>) src(%dma_wait3A_2522 : memref<128x32xf32, #tpu.memory_space<vmem>>) dst(%dma_wait3A_2518 : memref<128x32xf32, #tpu.memory_space<vmem_shared>>)
      } else {
      }
      %add3A_1061 = arith.constant 11 : i32
      %add3A_1062 = arith.addi %add3A_927, %add3A_1061 : i32
      %lt3A_1063 = arith.constant 64 : i32
      %lt3A_1064 = arith.cmpi slt, %add3A_1062, %lt3A_1063 : i32
      %convert_element_type3A_1065 = arith.extui %lt3A_1064 : i1 to i32
      %cond3A_1066 = arith.constant 0 : i32
      %cond3A_1067 = arith.cmpi ne, %convert_element_type3A_1065, %cond3A_1066 : i32
      scf.if %cond3A_1067 {
        %add3A_2508 = arith.constant 11 : i32
        %add3A_2509 = arith.addi %add3A_927, %add3A_2508 : i32
        %mul3A_2510 = arith.constant 128 : i32
        %mul3A_2511 = arith.muli %add3A_2509, %mul3A_2510 : i32
        %dma_start3A_2512 = arith.constant 0 : i32
        %dma_start3A_2513 = arith.constant 0 : i32
        %dma_start3A_2514 = arith.constant 0 : i32
        %dma_start3A_2515 = tpu.memref_slice %arg6[%dma_start3A_2512, %dma_start3A_2513, %dma_start3A_2514] : memref<16x128x32xf32, #tpu.memory_space<vmem>> -> memref<1x128x32xf32, #tpu.memory_space<vmem>>
        %dma_start3A_2516 = tpu.memref_squeeze %dma_start3A_2515 : memref<1x128x32xf32, #tpu.memory_space<vmem>> -> memref<128x32xf32, #tpu.memory_space<vmem>>
        %dma_start3A_2517 = tpu.memref_slice %arg5[%mul3A_2511] : memref<8192xi32, #tpu.memory_space<vmem>> -> memref<128xi32, #tpu.memory_space<vmem>>
        %dma_start3A_2518 = arith.constant 0 : i32
        %dma_start3A_2519 = arith.constant 0 : i32
        %dma_start3A_2520 = tpu.memref_slice %arg3[%dma_start3A_2518, %dma_start3A_2519] : memref<999999x32xf32, #tpu.memory_space<hbm>> -> memref<999999x32xf32, #tpu.memory_space<hbm>>
        tpu.enqueue_indirect_dma source(%dma_start3A_2520 : memref<999999x32xf32, #tpu.memory_space<hbm>>) target(%dma_start3A_2516 : memref<128x32xf32, #tpu.memory_space<vmem>>) offsets(%dma_start3A_2517 : memref<128xi32, #tpu.memory_space<vmem>>) semaphore(%arg9 : memref<!tpu.dma_semaphore, #tpu.memory_space<semaphore_mem>>)
      } else {
      }
      %mul3A_1068 = arith.constant 16 : i32
      %mul3A_1069 = arith.muli %scan3A_209, %mul3A_1068 : i32
      %add3A_1070 = arith.constant 6 : i32
      %add3A_1071 = arith.addi %mul3A_1069, %add3A_1070 : i32
      %dma_wait3A_1072 = arith.constant 6 : i32
      %dma_wait3A_1073 = arith.constant 0 : i32
      %dma_wait3A_1074 = arith.constant 0 : i32
      %dma_wait3A_1075 = tpu.memref_slice %arg6[%dma_wait3A_1072, %dma_wait3A_1073, %dma_wait3A_1074] : memref<16x128x32xf32, #tpu.memory_space<vmem>> -> memref<1x128x32xf32, #tpu.memory_space<vmem>>
      %dma_wait3A_1076 = tpu.memref_squeeze %dma_wait3A_1075 : memref<1x128x32xf32, #tpu.memory_space<vmem>> -> memref<128x32xf32, #tpu.memory_space<vmem>>
      %dma_wait3A_1077 = arith.constant 0 : i32
      %dma_wait3A_1078 = arith.constant 0 : i32
      %dma_wait3A_1079 = tpu.memref_slice %arg3[%dma_wait3A_1077, %dma_wait3A_1078] : memref<999999x32xf32, #tpu.memory_space<hbm>> -> memref<128x32xf32, #tpu.memory_space<hbm>>
      %dma_wait3A_1080 = arith.constant 0 : i32
      %dma_wait3A_1081 = arith.constant 0 : i32
      %dma_wait3A_1082 = tpu.memref_slice %arg6[%dma_wait3A_1072, %dma_wait3A_1080, %dma_wait3A_1081] : memref<16x128x32xf32, #tpu.memory_space<vmem>> -> memref<1x128x32xf32, #tpu.memory_space<vmem>>
      %dma_wait3A_1083 = tpu.memref_squeeze %dma_wait3A_1082 : memref<1x128x32xf32, #tpu.memory_space<vmem>> -> memref<128x32xf32, #tpu.memory_space<vmem>>
      %dma_wait3A_1084 = arith.constant 0 : i32
      %dma_wait3A_1085 = arith.constant 0 : i32
      %dma_wait3A_1086 = tpu.memref_slice %arg3[%dma_wait3A_1084, %dma_wait3A_1085] : memref<999999x32xf32, #tpu.memory_space<hbm>> -> memref<128x32xf32, #tpu.memory_space<hbm>>
      tpu.wait_dma2 semaphore(%arg9 : memref<!tpu.dma_semaphore, #tpu.memory_space<semaphore_mem>>) src(%dma_wait3A_1086 : memref<128x32xf32, #tpu.memory_space<hbm>>) dst(%dma_wait3A_1083 : memref<128x32xf32, #tpu.memory_space<vmem>>)
      %mul3A_1087 = arith.constant 128 : i32
      %mul3A_1088 = arith.muli %arg1, %mul3A_1087 : i32
      %mul3A_1089 = arith.constant 2 : i32
      %mul3A_1090 = arith.muli %mul3A_1089, %add3A_1071 : i32
      %add3A_1091 = arith.addi %mul3A_1088, %mul3A_1090 : i32
      %broadcast_in_dim3A_1092 = arith.constant 0 : i32
      %broadcast_in_dim3A_1093 = vector.broadcast %broadcast_in_dim3A_1092 : i32 to vector<16xi32>
      %add3A_1094 = arith.constant 0 : i32
      %add3A_1095 = arith.addi %add3A_1091, %add3A_1094 : i32
      %add3A_1096 = vector.broadcast %add3A_1095 : i32 to vector<16xi32>
      %add3A_1097 = arith.addi %broadcast_in_dim3A_1093, %add3A_1096 : vector<16xi32>
      %swap3A_1098 = arith.constant 6 : i32
      %swap3A_1099 = arith.index_cast %swap3A_1098 : i32 to index
      %swap3A_1100 = arith.constant 0 : index
      %swap3A_1101 = tpu.vector_load %arg7[%swap3A_1099, %swap3A_1100] {strides = array<i32>} : memref<16x128xi32, #tpu.memory_space<vmem>>, vector<1x16xi32>,
      %swap3A_1102 = vector.shape_cast %swap3A_1101 : vector<1x16xi32> to vector<16xi32>
      %swap3A_1103 = vector.shape_cast %add3A_1097 : vector<16xi32> to vector<1x16xi32>
      tpu.vector_store %arg7[%swap3A_1099, %swap3A_1100], %swap3A_1103 {strides = array<i32>} : memref<16x128xi32, #tpu.memory_space<vmem>>, vector<1x16xi32>,
      %broadcast_in_dim3A_1104 = arith.constant 0 : i32
      %broadcast_in_dim3A_1105 = vector.broadcast %broadcast_in_dim3A_1104 : i32 to vector<16xi32>
      %add3A_1106 = arith.constant 0 : i32
      %add3A_1107 = arith.addi %add3A_1091, %add3A_1106 : i32
      %add3A_1108 = vector.broadcast %add3A_1107 : i32 to vector<16xi32>
      %add3A_1109 = arith.addi %broadcast_in_dim3A_1105, %add3A_1108 : vector<16xi32>
      %swap3A_1110 = arith.constant 6 : i32
      %swap3A_1111 = arith.index_cast %swap3A_1110 : i32 to index
      %swap3A_1112 = arith.constant 16 : index
      %swap3A_1113 = tpu.vector_load %arg7[%swap3A_1111, %swap3A_1112] {strides = array<i32>} : memref<16x128xi32, #tpu.memory_space<vmem>>, vector<1x16xi32>,
      %swap3A_1114 = vector.shape_cast %swap3A_1113 : vector<1x16xi32> to vector<16xi32>
      %swap3A_1115 = vector.shape_cast %add3A_1109 : vector<16xi32> to vector<1x16xi32>
      tpu.vector_store %arg7[%swap3A_1111, %swap3A_1112], %swap3A_1115 {strides = array<i32>} : memref<16x128xi32, #tpu.memory_space<vmem>>, vector<1x16xi32>,
      %broadcast_in_dim3A_1116 = arith.constant 0 : i32
      %broadcast_in_dim3A_1117 = vector.broadcast %broadcast_in_dim3A_1116 : i32 to vector<16xi32>
      %add3A_1118 = arith.constant 0 : i32
      %add3A_1119 = arith.addi %add3A_1091, %add3A_1118 : i32
      %add3A_1120 = vector.broadcast %add3A_1119 : i32 to vector<16xi32>
      %add3A_1121 = arith.addi %broadcast_in_dim3A_1117, %add3A_1120 : vector<16xi32>
      %swap3A_1122 = arith.constant 6 : i32
      %swap3A_1123 = arith.index_cast %swap3A_1122 : i32 to index
      %swap3A_1124 = arith.constant 32 : index
      %swap3A_1125 = tpu.vector_load %arg7[%swap3A_1123, %swap3A_1124] {strides = array<i32>} : memref<16x128xi32, #tpu.memory_space<vmem>>, vector<1x16xi32>,
      %swap3A_1126 = vector.shape_cast %swap3A_1125 : vector<1x16xi32> to vector<16xi32>
      %swap3A_1127 = vector.shape_cast %add3A_1121 : vector<16xi32> to vector<1x16xi32>
      tpu.vector_store %arg7[%swap3A_1123, %swap3A_1124], %swap3A_1127 {strides = array<i32>} : memref<16x128xi32, #tpu.memory_space<vmem>>, vector<1x16xi32>,
      %broadcast_in_dim3A_1128 = arith.constant 0 : i32
      %broadcast_in_dim3A_1129 = vector.broadcast %broadcast_in_dim3A_1128 : i32 to vector<16xi32>
      %add3A_1130 = arith.constant 0 : i32
      %add3A_1131 = arith.addi %add3A_1091, %add3A_1130 : i32
      %add3A_1132 = vector.broadcast %add3A_1131 : i32 to vector<16xi32>
      %add3A_1133 = arith.addi %broadcast_in_dim3A_1129, %add3A_1132 : vector<16xi32>
      %swap3A_1134 = arith.constant 6 : i32
      %swap3A_1135 = arith.index_cast %swap3A_1134 : i32 to index
      %swap3A_1136 = arith.constant 48 : index
      %swap3A_1137 = tpu.vector_load %arg7[%swap3A_1135, %swap3A_1136] {strides = array<i32>} : memref<16x128xi32, #tpu.memory_space<vmem>>, vector<1x16xi32>,
      %swap3A_1138 = vector.shape_cast %swap3A_1137 : vector<1x16xi32> to vector<16xi32>
      %swap3A_1139 = vector.shape_cast %add3A_1133 : vector<16xi32> to vector<1x16xi32>
      tpu.vector_store %arg7[%swap3A_1135, %swap3A_1136], %swap3A_1139 {strides = array<i32>} : memref<16x128xi32, #tpu.memory_space<vmem>>, vector<1x16xi32>,
      %broadcast_in_dim3A_1140 = arith.constant 0 : i32
      %broadcast_in_dim3A_1141 = vector.broadcast %broadcast_in_dim3A_1140 : i32 to vector<16xi32>
      %add3A_1142 = arith.constant 1 : i32
      %add3A_1143 = arith.addi %add3A_1091, %add3A_1142 : i32
      %add3A_1144 = vector.broadcast %add3A_1143 : i32 to vector<16xi32>
      %add3A_1145 = arith.addi %broadcast_in_dim3A_1141, %add3A_1144 : vector<16xi32>
      %swap3A_1146 = arith.constant 6 : i32
      %swap3A_1147 = arith.index_cast %swap3A_1146 : i32 to index
      %swap3A_1148 = arith.constant 64 : index
      %swap3A_1149 = tpu.vector_load %arg7[%swap3A_1147, %swap3A_1148] {strides = array<i32>} : memref<16x128xi32, #tpu.memory_space<vmem>>, vector<1x16xi32>,
      %swap3A_1150 = vector.shape_cast %swap3A_1149 : vector<1x16xi32> to vector<16xi32>
      %swap3A_1151 = vector.shape_cast %add3A_1145 : vector<16xi32> to vector<1x16xi32>
      tpu.vector_store %arg7[%swap3A_1147, %swap3A_1148], %swap3A_1151 {strides = array<i32>} : memref<16x128xi32, #tpu.memory_space<vmem>>, vector<1x16xi32>,
      %broadcast_in_dim3A_1152 = arith.constant 0 : i32
      %broadcast_in_dim3A_1153 = vector.broadcast %broadcast_in_dim3A_1152 : i32 to vector<16xi32>
      %add3A_1154 = arith.constant 1 : i32
      %add3A_1155 = arith.addi %add3A_1091, %add3A_1154 : i32
      %add3A_1156 = vector.broadcast %add3A_1155 : i32 to vector<16xi32>
      %add3A_1157 = arith.addi %broadcast_in_dim3A_1153, %add3A_1156 : vector<16xi32>
      %swap3A_1158 = arith.constant 6 : i32
      %swap3A_1159 = arith.index_cast %swap3A_1158 : i32 to index
      %swap3A_1160 = arith.constant 80 : index
      %swap3A_1161 = tpu.vector_load %arg7[%swap3A_1159, %swap3A_1160] {strides = array<i32>} : memref<16x128xi32, #tpu.memory_space<vmem>>, vector<1x16xi32>,
      %swap3A_1162 = vector.shape_cast %swap3A_1161 : vector<1x16xi32> to vector<16xi32>
      %swap3A_1163 = vector.shape_cast %add3A_1157 : vector<16xi32> to vector<1x16xi32>
      tpu.vector_store %arg7[%swap3A_1159, %swap3A_1160], %swap3A_1163 {strides = array<i32>} : memref<16x128xi32, #tpu.memory_space<vmem>>, vector<1x16xi32>,
      %broadcast_in_dim3A_1164 = arith.constant 0 : i32
      %broadcast_in_dim3A_1165 = vector.broadcast %broadcast_in_dim3A_1164 : i32 to vector<16xi32>
      %add3A_1166 = arith.constant 1 : i32
      %add3A_1167 = arith.addi %add3A_1091, %add3A_1166 : i32
      %add3A_1168 = vector.broadcast %add3A_1167 : i32 to vector<16xi32>
      %add3A_1169 = arith.addi %broadcast_in_dim3A_1165, %add3A_1168 : vector<16xi32>
      %swap3A_1170 = arith.constant 6 : i32
      %swap3A_1171 = arith.index_cast %swap3A_1170 : i32 to index
      %swap3A_1172 = arith.constant 96 : index
      %swap3A_1173 = tpu.vector_load %arg7[%swap3A_1171, %swap3A_1172] {strides = array<i32>} : memref<16x128xi32, #tpu.memory_space<vmem>>, vector<1x16xi32>,
      %swap3A_1174 = vector.shape_cast %swap3A_1173 : vector<1x16xi32> to vector<16xi32>
      %swap3A_1175 = vector.shape_cast %add3A_1169 : vector<16xi32> to vector<1x16xi32>
      tpu.vector_store %arg7[%swap3A_1171, %swap3A_1172], %swap3A_1175 {strides = array<i32>} : memref<16x128xi32, #tpu.memory_space<vmem>>, vector<1x16xi32>,
      %broadcast_in_dim3A_1176 = arith.constant 0 : i32
      %broadcast_in_dim3A_1177 = vector.broadcast %broadcast_in_dim3A_1176 : i32 to vector<16xi32>
      %add3A_1178 = arith.constant 1 : i32
      %add3A_1179 = arith.addi %add3A_1091, %add3A_1178 : i32
      %add3A_1180 = vector.broadcast %add3A_1179 : i32 to vector<16xi32>
      %add3A_1181 = arith.addi %broadcast_in_dim3A_1177, %add3A_1180 : vector<16xi32>
      %swap3A_1182 = arith.constant 6 : i32
      %swap3A_1183 = arith.index_cast %swap3A_1182 : i32 to index
      %swap3A_1184 = arith.constant 112 : index
      %swap3A_1185 = tpu.vector_load %arg7[%swap3A_1183, %swap3A_1184] {strides = array<i32>} : memref<16x128xi32, #tpu.memory_space<vmem>>, vector<1x16xi32>,
      %swap3A_1186 = vector.shape_cast %swap3A_1185 : vector<1x16xi32> to vector<16xi32>
      %swap3A_1187 = vector.shape_cast %add3A_1181 : vector<16xi32> to vector<1x16xi32>
      tpu.vector_store %arg7[%swap3A_1183, %swap3A_1184], %swap3A_1187 {strides = array<i32>} : memref<16x128xi32, #tpu.memory_space<vmem>>, vector<1x16xi32>,
      %dma_start3A_1188 = arith.constant 6 : i32
      %dma_start3A_1189 = arith.constant 6 : i32
      %dma_start3A_1190 = arith.constant 0 : i32
      %dma_start3A_1191 = arith.constant 0 : i32
      %dma_start3A_1192 = tpu.memref_slice %arg6[%dma_start3A_1188, %dma_start3A_1190, %dma_start3A_1191] : memref<16x128x32xf32, #tpu.memory_space<vmem>> -> memref<1x128x32xf32, #tpu.memory_space<vmem>>
      %dma_start3A_1193 = tpu.memref_squeeze %dma_start3A_1192 : memref<1x128x32xf32, #tpu.memory_space<vmem>> -> memref<128x32xf32, #tpu.memory_space<vmem>>
      %dma_start3A_1194 = arith.constant 0 : i32
      %dma_start3A_1195 = tpu.memref_slice %arg7[%dma_start3A_1189, %dma_start3A_1194] : memref<16x128xi32, #tpu.memory_space<vmem>> -> memref<1x128xi32, #tpu.memory_space<vmem>>
      %dma_start3A_1196 = tpu.memref_squeeze %dma_start3A_1195 : memref<1x128xi32, #tpu.memory_space<vmem>> -> memref<128xi32, #tpu.memory_space<vmem>>
      %dma_start3A_1197 = arith.constant 0 : i32
      %dma_start3A_1198 = arith.constant 0 : i32
      %dma_start3A_1199 = tpu.memref_slice %arg8[%dma_start3A_1197, %dma_start3A_1198] : memref<2048x32xf32, #tpu.memory_space<vmem_shared>> -> memref<2048x32xf32, #tpu.memory_space<vmem_shared>>
      tpu.enqueue_indirect_dma source(%dma_start3A_1193 : memref<128x32xf32, #tpu.memory_space<vmem>>) target(%dma_start3A_1199 : memref<2048x32xf32, #tpu.memory_space<vmem_shared>>) offsets(%dma_start3A_1196 : memref<128xi32, #tpu.memory_space<vmem>>) semaphore(%arg10 : memref<!tpu.dma_semaphore, #tpu.memory_space<semaphore_mem>>) {add = true}
      %ge3A_1200 = arith.constant 5 : i32
      %ge3A_1201 = arith.cmpi sge, %add3A_1071, %ge3A_1200 : i32
      %convert_element_type3A_1202 = arith.extui %ge3A_1201 : i1 to i32
      %cond3A_1203 = arith.constant 0 : i32
      %cond3A_1204 = arith.cmpi ne, %convert_element_type3A_1202, %cond3A_1203 : i32
      scf.if %cond3A_1204 {
        %dma_wait3A_2508 = arith.constant 6 : i32
        %dma_wait3A_2509 = arith.constant 0 : i32
        %dma_wait3A_2510 = arith.constant 0 : i32
        %dma_wait3A_2511 = tpu.memref_slice %arg6[%dma_wait3A_2508, %dma_wait3A_2509, %dma_wait3A_2510] : memref<16x128x32xf32, #tpu.memory_space<vmem>> -> memref<1x128x32xf32, #tpu.memory_space<vmem>>
        %dma_wait3A_2512 = tpu.memref_squeeze %dma_wait3A_2511 : memref<1x128x32xf32, #tpu.memory_space<vmem>> -> memref<128x32xf32, #tpu.memory_space<vmem>>
        %dma_wait3A_2513 = arith.constant 0 : i32
        %dma_wait3A_2514 = arith.constant 0 : i32
        %dma_wait3A_2515 = tpu.memref_slice %arg8[%dma_wait3A_2513, %dma_wait3A_2514] : memref<2048x32xf32, #tpu.memory_space<vmem_shared>> -> memref<128x32xf32, #tpu.memory_space<vmem_shared>>
        %dma_wait3A_2516 = arith.constant 0 : i32
        %dma_wait3A_2517 = arith.constant 0 : i32
        %dma_wait3A_2518 = tpu.memref_slice %arg8[%dma_wait3A_2516, %dma_wait3A_2517] : memref<2048x32xf32, #tpu.memory_space<vmem_shared>> -> memref<128x32xf32, #tpu.memory_space<vmem_shared>>
        %dma_wait3A_2519 = arith.constant 0 : i32
        %dma_wait3A_2520 = arith.constant 0 : i32
        %dma_wait3A_2521 = tpu.memref_slice %arg6[%dma_wait3A_2508, %dma_wait3A_2519, %dma_wait3A_2520] : memref<16x128x32xf32, #tpu.memory_space<vmem>> -> memref<1x128x32xf32, #tpu.memory_space<vmem>>
        %dma_wait3A_2522 = tpu.memref_squeeze %dma_wait3A_2521 : memref<1x128x32xf32, #tpu.memory_space<vmem>> -> memref<128x32xf32, #tpu.memory_space<vmem>>
        tpu.wait_dma2 semaphore(%arg10 : memref<!tpu.dma_semaphore, #tpu.memory_space<semaphore_mem>>) src(%dma_wait3A_2522 : memref<128x32xf32, #tpu.memory_space<vmem>>) dst(%dma_wait3A_2518 : memref<128x32xf32, #tpu.memory_space<vmem_shared>>)
      } else {
      }
      %add3A_1205 = arith.constant 11 : i32
      %add3A_1206 = arith.addi %add3A_1071, %add3A_1205 : i32
      %lt3A_1207 = arith.constant 64 : i32
      %lt3A_1208 = arith.cmpi slt, %add3A_1206, %lt3A_1207 : i32
      %convert_element_type3A_1209 = arith.extui %lt3A_1208 : i1 to i32
      %cond3A_1210 = arith.constant 0 : i32
      %cond3A_1211 = arith.cmpi ne, %convert_element_type3A_1209, %cond3A_1210 : i32
      scf.if %cond3A_1211 {
        %add3A_2508 = arith.constant 11 : i32
        %add3A_2509 = arith.addi %add3A_1071, %add3A_2508 : i32
        %mul3A_2510 = arith.constant 128 : i32
        %mul3A_2511 = arith.muli %add3A_2509, %mul3A_2510 : i32
        %dma_start3A_2512 = arith.constant 1 : i32
        %dma_start3A_2513 = arith.constant 0 : i32
        %dma_start3A_2514 = arith.constant 0 : i32
        %dma_start3A_2515 = tpu.memref_slice %arg6[%dma_start3A_2512, %dma_start3A_2513, %dma_start3A_2514] : memref<16x128x32xf32, #tpu.memory_space<vmem>> -> memref<1x128x32xf32, #tpu.memory_space<vmem>>
        %dma_start3A_2516 = tpu.memref_squeeze %dma_start3A_2515 : memref<1x128x32xf32, #tpu.memory_space<vmem>> -> memref<128x32xf32, #tpu.memory_space<vmem>>
        %dma_start3A_2517 = tpu.memref_slice %arg5[%mul3A_2511] : memref<8192xi32, #tpu.memory_space<vmem>> -> memref<128xi32, #tpu.memory_space<vmem>>
        %dma_start3A_2518 = arith.constant 0 : i32
        %dma_start3A_2519 = arith.constant 0 : i32
        %dma_start3A_2520 = tpu.memref_slice %arg3[%dma_start3A_2518, %dma_start3A_2519] : memref<999999x32xf32, #tpu.memory_space<hbm>> -> memref<999999x32xf32, #tpu.memory_space<hbm>>
        tpu.enqueue_indirect_dma source(%dma_start3A_2520 : memref<999999x32xf32, #tpu.memory_space<hbm>>) target(%dma_start3A_2516 : memref<128x32xf32, #tpu.memory_space<vmem>>) offsets(%dma_start3A_2517 : memref<128xi32, #tpu.memory_space<vmem>>) semaphore(%arg9 : memref<!tpu.dma_semaphore, #tpu.memory_space<semaphore_mem>>)
      } else {
      }
      %mul3A_1212 = arith.constant 16 : i32
      %mul3A_1213 = arith.muli %scan3A_209, %mul3A_1212 : i32
      %add3A_1214 = arith.constant 7 : i32
      %add3A_1215 = arith.addi %mul3A_1213, %add3A_1214 : i32
      %dma_wait3A_1216 = arith.constant 7 : i32
      %dma_wait3A_1217 = arith.constant 0 : i32
      %dma_wait3A_1218 = arith.constant 0 : i32
      %dma_wait3A_1219 = tpu.memref_slice %arg6[%dma_wait3A_1216, %dma_wait3A_1217, %dma_wait3A_1218] : memref<16x128x32xf32, #tpu.memory_space<vmem>> -> memref<1x128x32xf32, #tpu.memory_space<vmem>>
      %dma_wait3A_1220 = tpu.memref_squeeze %dma_wait3A_1219 : memref<1x128x32xf32, #tpu.memory_space<vmem>> -> memref<128x32xf32, #tpu.memory_space<vmem>>
      %dma_wait3A_1221 = arith.constant 0 : i32
      %dma_wait3A_1222 = arith.constant 0 : i32
      %dma_wait3A_1223 = tpu.memref_slice %arg3[%dma_wait3A_1221, %dma_wait3A_1222] : memref<999999x32xf32, #tpu.memory_space<hbm>> -> memref<128x32xf32, #tpu.memory_space<hbm>>
      %dma_wait3A_1224 = arith.constant 0 : i32
      %dma_wait3A_1225 = arith.constant 0 : i32
      %dma_wait3A_1226 = tpu.memref_slice %arg6[%dma_wait3A_1216, %dma_wait3A_1224, %dma_wait3A_1225] : memref<16x128x32xf32, #tpu.memory_space<vmem>> -> memref<1x128x32xf32, #tpu.memory_space<vmem>>
      %dma_wait3A_1227 = tpu.memref_squeeze %dma_wait3A_1226 : memref<1x128x32xf32, #tpu.memory_space<vmem>> -> memref<128x32xf32, #tpu.memory_space<vmem>>
      %dma_wait3A_1228 = arith.constant 0 : i32
      %dma_wait3A_1229 = arith.constant 0 : i32
      %dma_wait3A_1230 = tpu.memref_slice %arg3[%dma_wait3A_1228, %dma_wait3A_1229] : memref<999999x32xf32, #tpu.memory_space<hbm>> -> memref<128x32xf32, #tpu.memory_space<hbm>>
      tpu.wait_dma2 semaphore(%arg9 : memref<!tpu.dma_semaphore, #tpu.memory_space<semaphore_mem>>) src(%dma_wait3A_1230 : memref<128x32xf32, #tpu.memory_space<hbm>>) dst(%dma_wait3A_1227 : memref<128x32xf32, #tpu.memory_space<vmem>>)
      %mul3A_1231 = arith.constant 128 : i32
      %mul3A_1232 = arith.muli %arg1, %mul3A_1231 : i32
      %mul3A_1233 = arith.constant 2 : i32
      %mul3A_1234 = arith.muli %mul3A_1233, %add3A_1215 : i32
      %add3A_1235 = arith.addi %mul3A_1232, %mul3A_1234 : i32
      %broadcast_in_dim3A_1236 = arith.constant 0 : i32
      %broadcast_in_dim3A_1237 = vector.broadcast %broadcast_in_dim3A_1236 : i32 to vector<16xi32>
      %add3A_1238 = arith.constant 0 : i32
      %add3A_1239 = arith.addi %add3A_1235, %add3A_1238 : i32
      %add3A_1240 = vector.broadcast %add3A_1239 : i32 to vector<16xi32>
      %add3A_1241 = arith.addi %broadcast_in_dim3A_1237, %add3A_1240 : vector<16xi32>
      %swap3A_1242 = arith.constant 7 : i32
      %swap3A_1243 = arith.index_cast %swap3A_1242 : i32 to index
      %swap3A_1244 = arith.constant 0 : index
      %swap3A_1245 = tpu.vector_load %arg7[%swap3A_1243, %swap3A_1244] {strides = array<i32>} : memref<16x128xi32, #tpu.memory_space<vmem>>, vector<1x16xi32>,
      %swap3A_1246 = vector.shape_cast %swap3A_1245 : vector<1x16xi32> to vector<16xi32>
      %swap3A_1247 = vector.shape_cast %add3A_1241 : vector<16xi32> to vector<1x16xi32>
      tpu.vector_store %arg7[%swap3A_1243, %swap3A_1244], %swap3A_1247 {strides = array<i32>} : memref<16x128xi32, #tpu.memory_space<vmem>>, vector<1x16xi32>,
      %broadcast_in_dim3A_1248 = arith.constant 0 : i32
      %broadcast_in_dim3A_1249 = vector.broadcast %broadcast_in_dim3A_1248 : i32 to vector<16xi32>
      %add3A_1250 = arith.constant 0 : i32
      %add3A_1251 = arith.addi %add3A_1235, %add3A_1250 : i32
      %add3A_1252 = vector.broadcast %add3A_1251 : i32 to vector<16xi32>
      %add3A_1253 = arith.addi %broadcast_in_dim3A_1249, %add3A_1252 : vector<16xi32>
      %swap3A_1254 = arith.constant 7 : i32
      %swap3A_1255 = arith.index_cast %swap3A_1254 : i32 to index
      %swap3A_1256 = arith.constant 16 : index
      %swap3A_1257 = tpu.vector_load %arg7[%swap3A_1255, %swap3A_1256] {strides = array<i32>} : memref<16x128xi32, #tpu.memory_space<vmem>>, vector<1x16xi32>,
      %swap3A_1258 = vector.shape_cast %swap3A_1257 : vector<1x16xi32> to vector<16xi32>
      %swap3A_1259 = vector.shape_cast %add3A_1253 : vector<16xi32> to vector<1x16xi32>
      tpu.vector_store %arg7[%swap3A_1255, %swap3A_1256], %swap3A_1259 {strides = array<i32>} : memref<16x128xi32, #tpu.memory_space<vmem>>, vector<1x16xi32>,
      %broadcast_in_dim3A_1260 = arith.constant 0 : i32
      %broadcast_in_dim3A_1261 = vector.broadcast %broadcast_in_dim3A_1260 : i32 to vector<16xi32>
      %add3A_1262 = arith.constant 0 : i32
      %add3A_1263 = arith.addi %add3A_1235, %add3A_1262 : i32
      %add3A_1264 = vector.broadcast %add3A_1263 : i32 to vector<16xi32>
      %add3A_1265 = arith.addi %broadcast_in_dim3A_1261, %add3A_1264 : vector<16xi32>
      %swap3A_1266 = arith.constant 7 : i32
      %swap3A_1267 = arith.index_cast %swap3A_1266 : i32 to index
      %swap3A_1268 = arith.constant 32 : index
      %swap3A_1269 = tpu.vector_load %arg7[%swap3A_1267, %swap3A_1268] {strides = array<i32>} : memref<16x128xi32, #tpu.memory_space<vmem>>, vector<1x16xi32>,
      %swap3A_1270 = vector.shape_cast %swap3A_1269 : vector<1x16xi32> to vector<16xi32>
      %swap3A_1271 = vector.shape_cast %add3A_1265 : vector<16xi32> to vector<1x16xi32>
      tpu.vector_store %arg7[%swap3A_1267, %swap3A_1268], %swap3A_1271 {strides = array<i32>} : memref<16x128xi32, #tpu.memory_space<vmem>>, vector<1x16xi32>,
      %broadcast_in_dim3A_1272 = arith.constant 0 : i32
      %broadcast_in_dim3A_1273 = vector.broadcast %broadcast_in_dim3A_1272 : i32 to vector<16xi32>
      %add3A_1274 = arith.constant 0 : i32
      %add3A_1275 = arith.addi %add3A_1235, %add3A_1274 : i32
      %add3A_1276 = vector.broadcast %add3A_1275 : i32 to vector<16xi32>
      %add3A_1277 = arith.addi %broadcast_in_dim3A_1273, %add3A_1276 : vector<16xi32>
      %swap3A_1278 = arith.constant 7 : i32
      %swap3A_1279 = arith.index_cast %swap3A_1278 : i32 to index
      %swap3A_1280 = arith.constant 48 : index
      %swap3A_1281 = tpu.vector_load %arg7[%swap3A_1279, %swap3A_1280] {strides = array<i32>} : memref<16x128xi32, #tpu.memory_space<vmem>>, vector<1x16xi32>,
      %swap3A_1282 = vector.shape_cast %swap3A_1281 : vector<1x16xi32> to vector<16xi32>
      %swap3A_1283 = vector.shape_cast %add3A_1277 : vector<16xi32> to vector<1x16xi32>
      tpu.vector_store %arg7[%swap3A_1279, %swap3A_1280], %swap3A_1283 {strides = array<i32>} : memref<16x128xi32, #tpu.memory_space<vmem>>, vector<1x16xi32>,
      %broadcast_in_dim3A_1284 = arith.constant 0 : i32
      %broadcast_in_dim3A_1285 = vector.broadcast %broadcast_in_dim3A_1284 : i32 to vector<16xi32>
      %add3A_1286 = arith.constant 1 : i32
      %add3A_1287 = arith.addi %add3A_1235, %add3A_1286 : i32
      %add3A_1288 = vector.broadcast %add3A_1287 : i32 to vector<16xi32>
      %add3A_1289 = arith.addi %broadcast_in_dim3A_1285, %add3A_1288 : vector<16xi32>
      %swap3A_1290 = arith.constant 7 : i32
      %swap3A_1291 = arith.index_cast %swap3A_1290 : i32 to index
      %swap3A_1292 = arith.constant 64 : index
      %swap3A_1293 = tpu.vector_load %arg7[%swap3A_1291, %swap3A_1292] {strides = array<i32>} : memref<16x128xi32, #tpu.memory_space<vmem>>, vector<1x16xi32>,
      %swap3A_1294 = vector.shape_cast %swap3A_1293 : vector<1x16xi32> to vector<16xi32>
      %swap3A_1295 = vector.shape_cast %add3A_1289 : vector<16xi32> to vector<1x16xi32>
      tpu.vector_store %arg7[%swap3A_1291, %swap3A_1292], %swap3A_1295 {strides = array<i32>} : memref<16x128xi32, #tpu.memory_space<vmem>>, vector<1x16xi32>,
      %broadcast_in_dim3A_1296 = arith.constant 0 : i32
      %broadcast_in_dim3A_1297 = vector.broadcast %broadcast_in_dim3A_1296 : i32 to vector<16xi32>
      %add3A_1298 = arith.constant 1 : i32
      %add3A_1299 = arith.addi %add3A_1235, %add3A_1298 : i32
      %add3A_1300 = vector.broadcast %add3A_1299 : i32 to vector<16xi32>
      %add3A_1301 = arith.addi %broadcast_in_dim3A_1297, %add3A_1300 : vector<16xi32>
      %swap3A_1302 = arith.constant 7 : i32
      %swap3A_1303 = arith.index_cast %swap3A_1302 : i32 to index
      %swap3A_1304 = arith.constant 80 : index
      %swap3A_1305 = tpu.vector_load %arg7[%swap3A_1303, %swap3A_1304] {strides = array<i32>} : memref<16x128xi32, #tpu.memory_space<vmem>>, vector<1x16xi32>,
      %swap3A_1306 = vector.shape_cast %swap3A_1305 : vector<1x16xi32> to vector<16xi32>
      %swap3A_1307 = vector.shape_cast %add3A_1301 : vector<16xi32> to vector<1x16xi32>
      tpu.vector_store %arg7[%swap3A_1303, %swap3A_1304], %swap3A_1307 {strides = array<i32>} : memref<16x128xi32, #tpu.memory_space<vmem>>, vector<1x16xi32>,
      %broadcast_in_dim3A_1308 = arith.constant 0 : i32
      %broadcast_in_dim3A_1309 = vector.broadcast %broadcast_in_dim3A_1308 : i32 to vector<16xi32>
      %add3A_1310 = arith.constant 1 : i32
      %add3A_1311 = arith.addi %add3A_1235, %add3A_1310 : i32
      %add3A_1312 = vector.broadcast %add3A_1311 : i32 to vector<16xi32>
      %add3A_1313 = arith.addi %broadcast_in_dim3A_1309, %add3A_1312 : vector<16xi32>
      %swap3A_1314 = arith.constant 7 : i32
      %swap3A_1315 = arith.index_cast %swap3A_1314 : i32 to index
      %swap3A_1316 = arith.constant 96 : index
      %swap3A_1317 = tpu.vector_load %arg7[%swap3A_1315, %swap3A_1316] {strides = array<i32>} : memref<16x128xi32, #tpu.memory_space<vmem>>, vector<1x16xi32>,
      %swap3A_1318 = vector.shape_cast %swap3A_1317 : vector<1x16xi32> to vector<16xi32>
      %swap3A_1319 = vector.shape_cast %add3A_1313 : vector<16xi32> to vector<1x16xi32>
      tpu.vector_store %arg7[%swap3A_1315, %swap3A_1316], %swap3A_1319 {strides = array<i32>} : memref<16x128xi32, #tpu.memory_space<vmem>>, vector<1x16xi32>,
      %broadcast_in_dim3A_1320 = arith.constant 0 : i32
      %broadcast_in_dim3A_1321 = vector.broadcast %broadcast_in_dim3A_1320 : i32 to vector<16xi32>
      %add3A_1322 = arith.constant 1 : i32
      %add3A_1323 = arith.addi %add3A_1235, %add3A_1322 : i32
      %add3A_1324 = vector.broadcast %add3A_1323 : i32 to vector<16xi32>
      %add3A_1325 = arith.addi %broadcast_in_dim3A_1321, %add3A_1324 : vector<16xi32>
      %swap3A_1326 = arith.constant 7 : i32
      %swap3A_1327 = arith.index_cast %swap3A_1326 : i32 to index
      %swap3A_1328 = arith.constant 112 : index
      %swap3A_1329 = tpu.vector_load %arg7[%swap3A_1327, %swap3A_1328] {strides = array<i32>} : memref<16x128xi32, #tpu.memory_space<vmem>>, vector<1x16xi32>,
      %swap3A_1330 = vector.shape_cast %swap3A_1329 : vector<1x16xi32> to vector<16xi32>
      %swap3A_1331 = vector.shape_cast %add3A_1325 : vector<16xi32> to vector<1x16xi32>
      tpu.vector_store %arg7[%swap3A_1327, %swap3A_1328], %swap3A_1331 {strides = array<i32>} : memref<16x128xi32, #tpu.memory_space<vmem>>, vector<1x16xi32>,
      %dma_start3A_1332 = arith.constant 7 : i32
      %dma_start3A_1333 = arith.constant 7 : i32
      %dma_start3A_1334 = arith.constant 0 : i32
      %dma_start3A_1335 = arith.constant 0 : i32
      %dma_start3A_1336 = tpu.memref_slice %arg6[%dma_start3A_1332, %dma_start3A_1334, %dma_start3A_1335] : memref<16x128x32xf32, #tpu.memory_space<vmem>> -> memref<1x128x32xf32, #tpu.memory_space<vmem>>
      %dma_start3A_1337 = tpu.memref_squeeze %dma_start3A_1336 : memref<1x128x32xf32, #tpu.memory_space<vmem>> -> memref<128x32xf32, #tpu.memory_space<vmem>>
      %dma_start3A_1338 = arith.constant 0 : i32
      %dma_start3A_1339 = tpu.memref_slice %arg7[%dma_start3A_1333, %dma_start3A_1338] : memref<16x128xi32, #tpu.memory_space<vmem>> -> memref<1x128xi32, #tpu.memory_space<vmem>>
      %dma_start3A_1340 = tpu.memref_squeeze %dma_start3A_1339 : memref<1x128xi32, #tpu.memory_space<vmem>> -> memref<128xi32, #tpu.memory_space<vmem>>
      %dma_start3A_1341 = arith.constant 0 : i32
      %dma_start3A_1342 = arith.constant 0 : i32
      %dma_start3A_1343 = tpu.memref_slice %arg8[%dma_start3A_1341, %dma_start3A_1342] : memref<2048x32xf32, #tpu.memory_space<vmem_shared>> -> memref<2048x32xf32, #tpu.memory_space<vmem_shared>>
      tpu.enqueue_indirect_dma source(%dma_start3A_1337 : memref<128x32xf32, #tpu.memory_space<vmem>>) target(%dma_start3A_1343 : memref<2048x32xf32, #tpu.memory_space<vmem_shared>>) offsets(%dma_start3A_1340 : memref<128xi32, #tpu.memory_space<vmem>>) semaphore(%arg10 : memref<!tpu.dma_semaphore, #tpu.memory_space<semaphore_mem>>) {add = true}
      %ge3A_1344 = arith.constant 5 : i32
      %ge3A_1345 = arith.cmpi sge, %add3A_1215, %ge3A_1344 : i32
      %convert_element_type3A_1346 = arith.extui %ge3A_1345 : i1 to i32
      %cond3A_1347 = arith.constant 0 : i32
      %cond3A_1348 = arith.cmpi ne, %convert_element_type3A_1346, %cond3A_1347 : i32
      scf.if %cond3A_1348 {
        %dma_wait3A_2508 = arith.constant 7 : i32
        %dma_wait3A_2509 = arith.constant 0 : i32
        %dma_wait3A_2510 = arith.constant 0 : i32
        %dma_wait3A_2511 = tpu.memref_slice %arg6[%dma_wait3A_2508, %dma_wait3A_2509, %dma_wait3A_2510] : memref<16x128x32xf32, #tpu.memory_space<vmem>> -> memref<1x128x32xf32, #tpu.memory_space<vmem>>
        %dma_wait3A_2512 = tpu.memref_squeeze %dma_wait3A_2511 : memref<1x128x32xf32, #tpu.memory_space<vmem>> -> memref<128x32xf32, #tpu.memory_space<vmem>>
        %dma_wait3A_2513 = arith.constant 0 : i32
        %dma_wait3A_2514 = arith.constant 0 : i32
        %dma_wait3A_2515 = tpu.memref_slice %arg8[%dma_wait3A_2513, %dma_wait3A_2514] : memref<2048x32xf32, #tpu.memory_space<vmem_shared>> -> memref<128x32xf32, #tpu.memory_space<vmem_shared>>
        %dma_wait3A_2516 = arith.constant 0 : i32
        %dma_wait3A_2517 = arith.constant 0 : i32
        %dma_wait3A_2518 = tpu.memref_slice %arg8[%dma_wait3A_2516, %dma_wait3A_2517] : memref<2048x32xf32, #tpu.memory_space<vmem_shared>> -> memref<128x32xf32, #tpu.memory_space<vmem_shared>>
        %dma_wait3A_2519 = arith.constant 0 : i32
        %dma_wait3A_2520 = arith.constant 0 : i32
        %dma_wait3A_2521 = tpu.memref_slice %arg6[%dma_wait3A_2508, %dma_wait3A_2519, %dma_wait3A_2520] : memref<16x128x32xf32, #tpu.memory_space<vmem>> -> memref<1x128x32xf32, #tpu.memory_space<vmem>>
        %dma_wait3A_2522 = tpu.memref_squeeze %dma_wait3A_2521 : memref<1x128x32xf32, #tpu.memory_space<vmem>> -> memref<128x32xf32, #tpu.memory_space<vmem>>
        tpu.wait_dma2 semaphore(%arg10 : memref<!tpu.dma_semaphore, #tpu.memory_space<semaphore_mem>>) src(%dma_wait3A_2522 : memref<128x32xf32, #tpu.memory_space<vmem>>) dst(%dma_wait3A_2518 : memref<128x32xf32, #tpu.memory_space<vmem_shared>>)
      } else {
      }
      %add3A_1349 = arith.constant 11 : i32
      %add3A_1350 = arith.addi %add3A_1215, %add3A_1349 : i32
      %lt3A_1351 = arith.constant 64 : i32
      %lt3A_1352 = arith.cmpi slt, %add3A_1350, %lt3A_1351 : i32
      %convert_element_type3A_1353 = arith.extui %lt3A_1352 : i1 to i32
      %cond3A_1354 = arith.constant 0 : i32
      %cond3A_1355 = arith.cmpi ne, %convert_element_type3A_1353, %cond3A_1354 : i32
      scf.if %cond3A_1355 {
        %add3A_2508 = arith.constant 11 : i32
        %add3A_2509 = arith.addi %add3A_1215, %add3A_2508 : i32
        %mul3A_2510 = arith.constant 128 : i32
        %mul3A_2511 = arith.muli %add3A_2509, %mul3A_2510 : i32
        %dma_start3A_2512 = arith.constant 2 : i32
        %dma_start3A_2513 = arith.constant 0 : i32
        %dma_start3A_2514 = arith.constant 0 : i32
        %dma_start3A_2515 = tpu.memref_slice %arg6[%dma_start3A_2512, %dma_start3A_2513, %dma_start3A_2514] : memref<16x128x32xf32, #tpu.memory_space<vmem>> -> memref<1x128x32xf32, #tpu.memory_space<vmem>>
        %dma_start3A_2516 = tpu.memref_squeeze %dma_start3A_2515 : memref<1x128x32xf32, #tpu.memory_space<vmem>> -> memref<128x32xf32, #tpu.memory_space<vmem>>
        %dma_start3A_2517 = tpu.memref_slice %arg5[%mul3A_2511] : memref<8192xi32, #tpu.memory_space<vmem>> -> memref<128xi32, #tpu.memory_space<vmem>>
        %dma_start3A_2518 = arith.constant 0 : i32
        %dma_start3A_2519 = arith.constant 0 : i32
        %dma_start3A_2520 = tpu.memref_slice %arg3[%dma_start3A_2518, %dma_start3A_2519] : memref<999999x32xf32, #tpu.memory_space<hbm>> -> memref<999999x32xf32, #tpu.memory_space<hbm>>
        tpu.enqueue_indirect_dma source(%dma_start3A_2520 : memref<999999x32xf32, #tpu.memory_space<hbm>>) target(%dma_start3A_2516 : memref<128x32xf32, #tpu.memory_space<vmem>>) offsets(%dma_start3A_2517 : memref<128xi32, #tpu.memory_space<vmem>>) semaphore(%arg9 : memref<!tpu.dma_semaphore, #tpu.memory_space<semaphore_mem>>)
      } else {
      }
      %mul3A_1356 = arith.constant 16 : i32
      %mul3A_1357 = arith.muli %scan3A_209, %mul3A_1356 : i32
      %add3A_1358 = arith.constant 8 : i32
      %add3A_1359 = arith.addi %mul3A_1357, %add3A_1358 : i32
      %dma_wait3A_1360 = arith.constant 8 : i32
      %dma_wait3A_1361 = arith.constant 0 : i32
      %dma_wait3A_1362 = arith.constant 0 : i32
      %dma_wait3A_1363 = tpu.memref_slice %arg6[%dma_wait3A_1360, %dma_wait3A_1361, %dma_wait3A_1362] : memref<16x128x32xf32, #tpu.memory_space<vmem>> -> memref<1x128x32xf32, #tpu.memory_space<vmem>>
      %dma_wait3A_1364 = tpu.memref_squeeze %dma_wait3A_1363 : memref<1x128x32xf32, #tpu.memory_space<vmem>> -> memref<128x32xf32, #tpu.memory_space<vmem>>
      %dma_wait3A_1365 = arith.constant 0 : i32
      %dma_wait3A_1366 = arith.constant 0 : i32
      %dma_wait3A_1367 = tpu.memref_slice %arg3[%dma_wait3A_1365, %dma_wait3A_1366] : memref<999999x32xf32, #tpu.memory_space<hbm>> -> memref<128x32xf32, #tpu.memory_space<hbm>>
      %dma_wait3A_1368 = arith.constant 0 : i32
      %dma_wait3A_1369 = arith.constant 0 : i32
      %dma_wait3A_1370 = tpu.memref_slice %arg6[%dma_wait3A_1360, %dma_wait3A_1368, %dma_wait3A_1369] : memref<16x128x32xf32, #tpu.memory_space<vmem>> -> memref<1x128x32xf32, #tpu.memory_space<vmem>>
      %dma_wait3A_1371 = tpu.memref_squeeze %dma_wait3A_1370 : memref<1x128x32xf32, #tpu.memory_space<vmem>> -> memref<128x32xf32, #tpu.memory_space<vmem>>
      %dma_wait3A_1372 = arith.constant 0 : i32
      %dma_wait3A_1373 = arith.constant 0 : i32
      %dma_wait3A_1374 = tpu.memref_slice %arg3[%dma_wait3A_1372, %dma_wait3A_1373] : memref<999999x32xf32, #tpu.memory_space<hbm>> -> memref<128x32xf32, #tpu.memory_space<hbm>>
      tpu.wait_dma2 semaphore(%arg9 : memref<!tpu.dma_semaphore, #tpu.memory_space<semaphore_mem>>) src(%dma_wait3A_1374 : memref<128x32xf32, #tpu.memory_space<hbm>>) dst(%dma_wait3A_1371 : memref<128x32xf32, #tpu.memory_space<vmem>>)
      %mul3A_1375 = arith.constant 128 : i32
      %mul3A_1376 = arith.muli %arg1, %mul3A_1375 : i32
      %mul3A_1377 = arith.constant 2 : i32
      %mul3A_1378 = arith.muli %mul3A_1377, %add3A_1359 : i32
      %add3A_1379 = arith.addi %mul3A_1376, %mul3A_1378 : i32
      %broadcast_in_dim3A_1380 = arith.constant 0 : i32
      %broadcast_in_dim3A_1381 = vector.broadcast %broadcast_in_dim3A_1380 : i32 to vector<16xi32>
      %add3A_1382 = arith.constant 0 : i32
      %add3A_1383 = arith.addi %add3A_1379, %add3A_1382 : i32
      %add3A_1384 = vector.broadcast %add3A_1383 : i32 to vector<16xi32>
      %add3A_1385 = arith.addi %broadcast_in_dim3A_1381, %add3A_1384 : vector<16xi32>
      %swap3A_1386 = arith.constant 8 : i32
      %swap3A_1387 = arith.index_cast %swap3A_1386 : i32 to index
      %swap3A_1388 = arith.constant 0 : index
      %swap3A_1389 = tpu.vector_load %arg7[%swap3A_1387, %swap3A_1388] {strides = array<i32>} : memref<16x128xi32, #tpu.memory_space<vmem>>, vector<1x16xi32>,
      %swap3A_1390 = vector.shape_cast %swap3A_1389 : vector<1x16xi32> to vector<16xi32>
      %swap3A_1391 = vector.shape_cast %add3A_1385 : vector<16xi32> to vector<1x16xi32>
      tpu.vector_store %arg7[%swap3A_1387, %swap3A_1388], %swap3A_1391 {strides = array<i32>} : memref<16x128xi32, #tpu.memory_space<vmem>>, vector<1x16xi32>,
      %broadcast_in_dim3A_1392 = arith.constant 0 : i32
      %broadcast_in_dim3A_1393 = vector.broadcast %broadcast_in_dim3A_1392 : i32 to vector<16xi32>
      %add3A_1394 = arith.constant 0 : i32
      %add3A_1395 = arith.addi %add3A_1379, %add3A_1394 : i32
      %add3A_1396 = vector.broadcast %add3A_1395 : i32 to vector<16xi32>
      %add3A_1397 = arith.addi %broadcast_in_dim3A_1393, %add3A_1396 : vector<16xi32>
      %swap3A_1398 = arith.constant 8 : i32
      %swap3A_1399 = arith.index_cast %swap3A_1398 : i32 to index
      %swap3A_1400 = arith.constant 16 : index
      %swap3A_1401 = tpu.vector_load %arg7[%swap3A_1399, %swap3A_1400] {strides = array<i32>} : memref<16x128xi32, #tpu.memory_space<vmem>>, vector<1x16xi32>,
      %swap3A_1402 = vector.shape_cast %swap3A_1401 : vector<1x16xi32> to vector<16xi32>
      %swap3A_1403 = vector.shape_cast %add3A_1397 : vector<16xi32> to vector<1x16xi32>
      tpu.vector_store %arg7[%swap3A_1399, %swap3A_1400], %swap3A_1403 {strides = array<i32>} : memref<16x128xi32, #tpu.memory_space<vmem>>, vector<1x16xi32>,
      %broadcast_in_dim3A_1404 = arith.constant 0 : i32
      %broadcast_in_dim3A_1405 = vector.broadcast %broadcast_in_dim3A_1404 : i32 to vector<16xi32>
      %add3A_1406 = arith.constant 0 : i32
      %add3A_1407 = arith.addi %add3A_1379, %add3A_1406 : i32
      %add3A_1408 = vector.broadcast %add3A_1407 : i32 to vector<16xi32>
      %add3A_1409 = arith.addi %broadcast_in_dim3A_1405, %add3A_1408 : vector<16xi32>
      %swap3A_1410 = arith.constant 8 : i32
      %swap3A_1411 = arith.index_cast %swap3A_1410 : i32 to index
      %swap3A_1412 = arith.constant 32 : index
      %swap3A_1413 = tpu.vector_load %arg7[%swap3A_1411, %swap3A_1412] {strides = array<i32>} : memref<16x128xi32, #tpu.memory_space<vmem>>, vector<1x16xi32>,
      %swap3A_1414 = vector.shape_cast %swap3A_1413 : vector<1x16xi32> to vector<16xi32>
      %swap3A_1415 = vector.shape_cast %add3A_1409 : vector<16xi32> to vector<1x16xi32>
      tpu.vector_store %arg7[%swap3A_1411, %swap3A_1412], %swap3A_1415 {strides = array<i32>} : memref<16x128xi32, #tpu.memory_space<vmem>>, vector<1x16xi32>,
      %broadcast_in_dim3A_1416 = arith.constant 0 : i32
      %broadcast_in_dim3A_1417 = vector.broadcast %broadcast_in_dim3A_1416 : i32 to vector<16xi32>
      %add3A_1418 = arith.constant 0 : i32
      %add3A_1419 = arith.addi %add3A_1379, %add3A_1418 : i32
      %add3A_1420 = vector.broadcast %add3A_1419 : i32 to vector<16xi32>
      %add3A_1421 = arith.addi %broadcast_in_dim3A_1417, %add3A_1420 : vector<16xi32>
      %swap3A_1422 = arith.constant 8 : i32
      %swap3A_1423 = arith.index_cast %swap3A_1422 : i32 to index
      %swap3A_1424 = arith.constant 48 : index
      %swap3A_1425 = tpu.vector_load %arg7[%swap3A_1423, %swap3A_1424] {strides = array<i32>} : memref<16x128xi32, #tpu.memory_space<vmem>>, vector<1x16xi32>,
      %swap3A_1426 = vector.shape_cast %swap3A_1425 : vector<1x16xi32> to vector<16xi32>
      %swap3A_1427 = vector.shape_cast %add3A_1421 : vector<16xi32> to vector<1x16xi32>
      tpu.vector_store %arg7[%swap3A_1423, %swap3A_1424], %swap3A_1427 {strides = array<i32>} : memref<16x128xi32, #tpu.memory_space<vmem>>, vector<1x16xi32>,
      %broadcast_in_dim3A_1428 = arith.constant 0 : i32
      %broadcast_in_dim3A_1429 = vector.broadcast %broadcast_in_dim3A_1428 : i32 to vector<16xi32>
      %add3A_1430 = arith.constant 1 : i32
      %add3A_1431 = arith.addi %add3A_1379, %add3A_1430 : i32
      %add3A_1432 = vector.broadcast %add3A_1431 : i32 to vector<16xi32>
      %add3A_1433 = arith.addi %broadcast_in_dim3A_1429, %add3A_1432 : vector<16xi32>
      %swap3A_1434 = arith.constant 8 : i32
      %swap3A_1435 = arith.index_cast %swap3A_1434 : i32 to index
      %swap3A_1436 = arith.constant 64 : index
      %swap3A_1437 = tpu.vector_load %arg7[%swap3A_1435, %swap3A_1436] {strides = array<i32>} : memref<16x128xi32, #tpu.memory_space<vmem>>, vector<1x16xi32>,
      %swap3A_1438 = vector.shape_cast %swap3A_1437 : vector<1x16xi32> to vector<16xi32>
      %swap3A_1439 = vector.shape_cast %add3A_1433 : vector<16xi32> to vector<1x16xi32>
      tpu.vector_store %arg7[%swap3A_1435, %swap3A_1436], %swap3A_1439 {strides = array<i32>} : memref<16x128xi32, #tpu.memory_space<vmem>>, vector<1x16xi32>,
      %broadcast_in_dim3A_1440 = arith.constant 0 : i32
      %broadcast_in_dim3A_1441 = vector.broadcast %broadcast_in_dim3A_1440 : i32 to vector<16xi32>
      %add3A_1442 = arith.constant 1 : i32
      %add3A_1443 = arith.addi %add3A_1379, %add3A_1442 : i32
      %add3A_1444 = vector.broadcast %add3A_1443 : i32 to vector<16xi32>
      %add3A_1445 = arith.addi %broadcast_in_dim3A_1441, %add3A_1444 : vector<16xi32>
      %swap3A_1446 = arith.constant 8 : i32
      %swap3A_1447 = arith.index_cast %swap3A_1446 : i32 to index
      %swap3A_1448 = arith.constant 80 : index
      %swap3A_1449 = tpu.vector_load %arg7[%swap3A_1447, %swap3A_1448] {strides = array<i32>} : memref<16x128xi32, #tpu.memory_space<vmem>>, vector<1x16xi32>,
      %swap3A_1450 = vector.shape_cast %swap3A_1449 : vector<1x16xi32> to vector<16xi32>
      %swap3A_1451 = vector.shape_cast %add3A_1445 : vector<16xi32> to vector<1x16xi32>
      tpu.vector_store %arg7[%swap3A_1447, %swap3A_1448], %swap3A_1451 {strides = array<i32>} : memref<16x128xi32, #tpu.memory_space<vmem>>, vector<1x16xi32>,
      %broadcast_in_dim3A_1452 = arith.constant 0 : i32
      %broadcast_in_dim3A_1453 = vector.broadcast %broadcast_in_dim3A_1452 : i32 to vector<16xi32>
      %add3A_1454 = arith.constant 1 : i32
      %add3A_1455 = arith.addi %add3A_1379, %add3A_1454 : i32
      %add3A_1456 = vector.broadcast %add3A_1455 : i32 to vector<16xi32>
      %add3A_1457 = arith.addi %broadcast_in_dim3A_1453, %add3A_1456 : vector<16xi32>
      %swap3A_1458 = arith.constant 8 : i32
      %swap3A_1459 = arith.index_cast %swap3A_1458 : i32 to index
      %swap3A_1460 = arith.constant 96 : index
      %swap3A_1461 = tpu.vector_load %arg7[%swap3A_1459, %swap3A_1460] {strides = array<i32>} : memref<16x128xi32, #tpu.memory_space<vmem>>, vector<1x16xi32>,
      %swap3A_1462 = vector.shape_cast %swap3A_1461 : vector<1x16xi32> to vector<16xi32>
      %swap3A_1463 = vector.shape_cast %add3A_1457 : vector<16xi32> to vector<1x16xi32>
      tpu.vector_store %arg7[%swap3A_1459, %swap3A_1460], %swap3A_1463 {strides = array<i32>} : memref<16x128xi32, #tpu.memory_space<vmem>>, vector<1x16xi32>,
      %broadcast_in_dim3A_1464 = arith.constant 0 : i32
      %broadcast_in_dim3A_1465 = vector.broadcast %broadcast_in_dim3A_1464 : i32 to vector<16xi32>
      %add3A_1466 = arith.constant 1 : i32
      %add3A_1467 = arith.addi %add3A_1379, %add3A_1466 : i32
      %add3A_1468 = vector.broadcast %add3A_1467 : i32 to vector<16xi32>
      %add3A_1469 = arith.addi %broadcast_in_dim3A_1465, %add3A_1468 : vector<16xi32>
      %swap3A_1470 = arith.constant 8 : i32
      %swap3A_1471 = arith.index_cast %swap3A_1470 : i32 to index
      %swap3A_1472 = arith.constant 112 : index
      %swap3A_1473 = tpu.vector_load %arg7[%swap3A_1471, %swap3A_1472] {strides = array<i32>} : memref<16x128xi32, #tpu.memory_space<vmem>>, vector<1x16xi32>,
      %swap3A_1474 = vector.shape_cast %swap3A_1473 : vector<1x16xi32> to vector<16xi32>
      %swap3A_1475 = vector.shape_cast %add3A_1469 : vector<16xi32> to vector<1x16xi32>
      tpu.vector_store %arg7[%swap3A_1471, %swap3A_1472], %swap3A_1475 {strides = array<i32>} : memref<16x128xi32, #tpu.memory_space<vmem>>, vector<1x16xi32>,
      %dma_start3A_1476 = arith.constant 8 : i32
      %dma_start3A_1477 = arith.constant 8 : i32
      %dma_start3A_1478 = arith.constant 0 : i32
      %dma_start3A_1479 = arith.constant 0 : i32
      %dma_start3A_1480 = tpu.memref_slice %arg6[%dma_start3A_1476, %dma_start3A_1478, %dma_start3A_1479] : memref<16x128x32xf32, #tpu.memory_space<vmem>> -> memref<1x128x32xf32, #tpu.memory_space<vmem>>
      %dma_start3A_1481 = tpu.memref_squeeze %dma_start3A_1480 : memref<1x128x32xf32, #tpu.memory_space<vmem>> -> memref<128x32xf32, #tpu.memory_space<vmem>>
      %dma_start3A_1482 = arith.constant 0 : i32
      %dma_start3A_1483 = tpu.memref_slice %arg7[%dma_start3A_1477, %dma_start3A_1482] : memref<16x128xi32, #tpu.memory_space<vmem>> -> memref<1x128xi32, #tpu.memory_space<vmem>>
      %dma_start3A_1484 = tpu.memref_squeeze %dma_start3A_1483 : memref<1x128xi32, #tpu.memory_space<vmem>> -> memref<128xi32, #tpu.memory_space<vmem>>
      %dma_start3A_1485 = arith.constant 0 : i32
      %dma_start3A_1486 = arith.constant 0 : i32
      %dma_start3A_1487 = tpu.memref_slice %arg8[%dma_start3A_1485, %dma_start3A_1486] : memref<2048x32xf32, #tpu.memory_space<vmem_shared>> -> memref<2048x32xf32, #tpu.memory_space<vmem_shared>>
      tpu.enqueue_indirect_dma source(%dma_start3A_1481 : memref<128x32xf32, #tpu.memory_space<vmem>>) target(%dma_start3A_1487 : memref<2048x32xf32, #tpu.memory_space<vmem_shared>>) offsets(%dma_start3A_1484 : memref<128xi32, #tpu.memory_space<vmem>>) semaphore(%arg10 : memref<!tpu.dma_semaphore, #tpu.memory_space<semaphore_mem>>) {add = true}
      %ge3A_1488 = arith.constant 5 : i32
      %ge3A_1489 = arith.cmpi sge, %add3A_1359, %ge3A_1488 : i32
      %convert_element_type3A_1490 = arith.extui %ge3A_1489 : i1 to i32
      %cond3A_1491 = arith.constant 0 : i32
      %cond3A_1492 = arith.cmpi ne, %convert_element_type3A_1490, %cond3A_1491 : i32
      scf.if %cond3A_1492 {
        %dma_wait3A_2508 = arith.constant 8 : i32
        %dma_wait3A_2509 = arith.constant 0 : i32
        %dma_wait3A_2510 = arith.constant 0 : i32
        %dma_wait3A_2511 = tpu.memref_slice %arg6[%dma_wait3A_2508, %dma_wait3A_2509, %dma_wait3A_2510] : memref<16x128x32xf32, #tpu.memory_space<vmem>> -> memref<1x128x32xf32, #tpu.memory_space<vmem>>
        %dma_wait3A_2512 = tpu.memref_squeeze %dma_wait3A_2511 : memref<1x128x32xf32, #tpu.memory_space<vmem>> -> memref<128x32xf32, #tpu.memory_space<vmem>>
        %dma_wait3A_2513 = arith.constant 0 : i32
        %dma_wait3A_2514 = arith.constant 0 : i32
        %dma_wait3A_2515 = tpu.memref_slice %arg8[%dma_wait3A_2513, %dma_wait3A_2514] : memref<2048x32xf32, #tpu.memory_space<vmem_shared>> -> memref<128x32xf32, #tpu.memory_space<vmem_shared>>
        %dma_wait3A_2516 = arith.constant 0 : i32
        %dma_wait3A_2517 = arith.constant 0 : i32
        %dma_wait3A_2518 = tpu.memref_slice %arg8[%dma_wait3A_2516, %dma_wait3A_2517] : memref<2048x32xf32, #tpu.memory_space<vmem_shared>> -> memref<128x32xf32, #tpu.memory_space<vmem_shared>>
        %dma_wait3A_2519 = arith.constant 0 : i32
        %dma_wait3A_2520 = arith.constant 0 : i32
        %dma_wait3A_2521 = tpu.memref_slice %arg6[%dma_wait3A_2508, %dma_wait3A_2519, %dma_wait3A_2520] : memref<16x128x32xf32, #tpu.memory_space<vmem>> -> memref<1x128x32xf32, #tpu.memory_space<vmem>>
        %dma_wait3A_2522 = tpu.memref_squeeze %dma_wait3A_2521 : memref<1x128x32xf32, #tpu.memory_space<vmem>> -> memref<128x32xf32, #tpu.memory_space<vmem>>
        tpu.wait_dma2 semaphore(%arg10 : memref<!tpu.dma_semaphore, #tpu.memory_space<semaphore_mem>>) src(%dma_wait3A_2522 : memref<128x32xf32, #tpu.memory_space<vmem>>) dst(%dma_wait3A_2518 : memref<128x32xf32, #tpu.memory_space<vmem_shared>>)
      } else {
      }
      %add3A_1493 = arith.constant 11 : i32
      %add3A_1494 = arith.addi %add3A_1359, %add3A_1493 : i32
      %lt3A_1495 = arith.constant 64 : i32
      %lt3A_1496 = arith.cmpi slt, %add3A_1494, %lt3A_1495 : i32
      %convert_element_type3A_1497 = arith.extui %lt3A_1496 : i1 to i32
      %cond3A_1498 = arith.constant 0 : i32
      %cond3A_1499 = arith.cmpi ne, %convert_element_type3A_1497, %cond3A_1498 : i32
      scf.if %cond3A_1499 {
        %add3A_2508 = arith.constant 11 : i32
        %add3A_2509 = arith.addi %add3A_1359, %add3A_2508 : i32
        %mul3A_2510 = arith.constant 128 : i32
        %mul3A_2511 = arith.muli %add3A_2509, %mul3A_2510 : i32
        %dma_start3A_2512 = arith.constant 3 : i32
        %dma_start3A_2513 = arith.constant 0 : i32
        %dma_start3A_2514 = arith.constant 0 : i32
        %dma_start3A_2515 = tpu.memref_slice %arg6[%dma_start3A_2512, %dma_start3A_2513, %dma_start3A_2514] : memref<16x128x32xf32, #tpu.memory_space<vmem>> -> memref<1x128x32xf32, #tpu.memory_space<vmem>>
        %dma_start3A_2516 = tpu.memref_squeeze %dma_start3A_2515 : memref<1x128x32xf32, #tpu.memory_space<vmem>> -> memref<128x32xf32, #tpu.memory_space<vmem>>
        %dma_start3A_2517 = tpu.memref_slice %arg5[%mul3A_2511] : memref<8192xi32, #tpu.memory_space<vmem>> -> memref<128xi32, #tpu.memory_space<vmem>>
        %dma_start3A_2518 = arith.constant 0 : i32
        %dma_start3A_2519 = arith.constant 0 : i32
        %dma_start3A_2520 = tpu.memref_slice %arg3[%dma_start3A_2518, %dma_start3A_2519] : memref<999999x32xf32, #tpu.memory_space<hbm>> -> memref<999999x32xf32, #tpu.memory_space<hbm>>
        tpu.enqueue_indirect_dma source(%dma_start3A_2520 : memref<999999x32xf32, #tpu.memory_space<hbm>>) target(%dma_start3A_2516 : memref<128x32xf32, #tpu.memory_space<vmem>>) offsets(%dma_start3A_2517 : memref<128xi32, #tpu.memory_space<vmem>>) semaphore(%arg9 : memref<!tpu.dma_semaphore, #tpu.memory_space<semaphore_mem>>)
      } else {
      }
      %mul3A_1500 = arith.constant 16 : i32
      %mul3A_1501 = arith.muli %scan3A_209, %mul3A_1500 : i32
      %add3A_1502 = arith.constant 9 : i32
      %add3A_1503 = arith.addi %mul3A_1501, %add3A_1502 : i32
      %dma_wait3A_1504 = arith.constant 9 : i32
      %dma_wait3A_1505 = arith.constant 0 : i32
      %dma_wait3A_1506 = arith.constant 0 : i32
      %dma_wait3A_1507 = tpu.memref_slice %arg6[%dma_wait3A_1504, %dma_wait3A_1505, %dma_wait3A_1506] : memref<16x128x32xf32, #tpu.memory_space<vmem>> -> memref<1x128x32xf32, #tpu.memory_space<vmem>>
      %dma_wait3A_1508 = tpu.memref_squeeze %dma_wait3A_1507 : memref<1x128x32xf32, #tpu.memory_space<vmem>> -> memref<128x32xf32, #tpu.memory_space<vmem>>
      %dma_wait3A_1509 = arith.constant 0 : i32
      %dma_wait3A_1510 = arith.constant 0 : i32
      %dma_wait3A_1511 = tpu.memref_slice %arg3[%dma_wait3A_1509, %dma_wait3A_1510] : memref<999999x32xf32, #tpu.memory_space<hbm>> -> memref<128x32xf32, #tpu.memory_space<hbm>>
      %dma_wait3A_1512 = arith.constant 0 : i32
      %dma_wait3A_1513 = arith.constant 0 : i32
      %dma_wait3A_1514 = tpu.memref_slice %arg6[%dma_wait3A_1504, %dma_wait3A_1512, %dma_wait3A_1513] : memref<16x128x32xf32, #tpu.memory_space<vmem>> -> memref<1x128x32xf32, #tpu.memory_space<vmem>>
      %dma_wait3A_1515 = tpu.memref_squeeze %dma_wait3A_1514 : memref<1x128x32xf32, #tpu.memory_space<vmem>> -> memref<128x32xf32, #tpu.memory_space<vmem>>
      %dma_wait3A_1516 = arith.constant 0 : i32
      %dma_wait3A_1517 = arith.constant 0 : i32
      %dma_wait3A_1518 = tpu.memref_slice %arg3[%dma_wait3A_1516, %dma_wait3A_1517] : memref<999999x32xf32, #tpu.memory_space<hbm>> -> memref<128x32xf32, #tpu.memory_space<hbm>>
      tpu.wait_dma2 semaphore(%arg9 : memref<!tpu.dma_semaphore, #tpu.memory_space<semaphore_mem>>) src(%dma_wait3A_1518 : memref<128x32xf32, #tpu.memory_space<hbm>>) dst(%dma_wait3A_1515 : memref<128x32xf32, #tpu.memory_space<vmem>>)
      %mul3A_1519 = arith.constant 128 : i32
      %mul3A_1520 = arith.muli %arg1, %mul3A_1519 : i32
      %mul3A_1521 = arith.constant 2 : i32
      %mul3A_1522 = arith.muli %mul3A_1521, %add3A_1503 : i32
      %add3A_1523 = arith.addi %mul3A_1520, %mul3A_1522 : i32
      %broadcast_in_dim3A_1524 = arith.constant 0 : i32
      %broadcast_in_dim3A_1525 = vector.broadcast %broadcast_in_dim3A_1524 : i32 to vector<16xi32>
      %add3A_1526 = arith.constant 0 : i32
      %add3A_1527 = arith.addi %add3A_1523, %add3A_1526 : i32
      %add3A_1528 = vector.broadcast %add3A_1527 : i32 to vector<16xi32>
      %add3A_1529 = arith.addi %broadcast_in_dim3A_1525, %add3A_1528 : vector<16xi32>
      %swap3A_1530 = arith.constant 9 : i32
      %swap3A_1531 = arith.index_cast %swap3A_1530 : i32 to index
      %swap3A_1532 = arith.constant 0 : index
      %swap3A_1533 = tpu.vector_load %arg7[%swap3A_1531, %swap3A_1532] {strides = array<i32>} : memref<16x128xi32, #tpu.memory_space<vmem>>, vector<1x16xi32>,
      %swap3A_1534 = vector.shape_cast %swap3A_1533 : vector<1x16xi32> to vector<16xi32>
      %swap3A_1535 = vector.shape_cast %add3A_1529 : vector<16xi32> to vector<1x16xi32>
      tpu.vector_store %arg7[%swap3A_1531, %swap3A_1532], %swap3A_1535 {strides = array<i32>} : memref<16x128xi32, #tpu.memory_space<vmem>>, vector<1x16xi32>,
      %broadcast_in_dim3A_1536 = arith.constant 0 : i32
      %broadcast_in_dim3A_1537 = vector.broadcast %broadcast_in_dim3A_1536 : i32 to vector<16xi32>
      %add3A_1538 = arith.constant 0 : i32
      %add3A_1539 = arith.addi %add3A_1523, %add3A_1538 : i32
      %add3A_1540 = vector.broadcast %add3A_1539 : i32 to vector<16xi32>
      %add3A_1541 = arith.addi %broadcast_in_dim3A_1537, %add3A_1540 : vector<16xi32>
      %swap3A_1542 = arith.constant 9 : i32
      %swap3A_1543 = arith.index_cast %swap3A_1542 : i32 to index
      %swap3A_1544 = arith.constant 16 : index
      %swap3A_1545 = tpu.vector_load %arg7[%swap3A_1543, %swap3A_1544] {strides = array<i32>} : memref<16x128xi32, #tpu.memory_space<vmem>>, vector<1x16xi32>,
      %swap3A_1546 = vector.shape_cast %swap3A_1545 : vector<1x16xi32> to vector<16xi32>
      %swap3A_1547 = vector.shape_cast %add3A_1541 : vector<16xi32> to vector<1x16xi32>
      tpu.vector_store %arg7[%swap3A_1543, %swap3A_1544], %swap3A_1547 {strides = array<i32>} : memref<16x128xi32, #tpu.memory_space<vmem>>, vector<1x16xi32>,
      %broadcast_in_dim3A_1548 = arith.constant 0 : i32
      %broadcast_in_dim3A_1549 = vector.broadcast %broadcast_in_dim3A_1548 : i32 to vector<16xi32>
      %add3A_1550 = arith.constant 0 : i32
      %add3A_1551 = arith.addi %add3A_1523, %add3A_1550 : i32
      %add3A_1552 = vector.broadcast %add3A_1551 : i32 to vector<16xi32>
      %add3A_1553 = arith.addi %broadcast_in_dim3A_1549, %add3A_1552 : vector<16xi32>
      %swap3A_1554 = arith.constant 9 : i32
      %swap3A_1555 = arith.index_cast %swap3A_1554 : i32 to index
      %swap3A_1556 = arith.constant 32 : index
      %swap3A_1557 = tpu.vector_load %arg7[%swap3A_1555, %swap3A_1556] {strides = array<i32>} : memref<16x128xi32, #tpu.memory_space<vmem>>, vector<1x16xi32>,
      %swap3A_1558 = vector.shape_cast %swap3A_1557 : vector<1x16xi32> to vector<16xi32>
      %swap3A_1559 = vector.shape_cast %add3A_1553 : vector<16xi32> to vector<1x16xi32>
      tpu.vector_store %arg7[%swap3A_1555, %swap3A_1556], %swap3A_1559 {strides = array<i32>} : memref<16x128xi32, #tpu.memory_space<vmem>>, vector<1x16xi32>,
      %broadcast_in_dim3A_1560 = arith.constant 0 : i32
      %broadcast_in_dim3A_1561 = vector.broadcast %broadcast_in_dim3A_1560 : i32 to vector<16xi32>
      %add3A_1562 = arith.constant 0 : i32
      %add3A_1563 = arith.addi %add3A_1523, %add3A_1562 : i32
      %add3A_1564 = vector.broadcast %add3A_1563 : i32 to vector<16xi32>
      %add3A_1565 = arith.addi %broadcast_in_dim3A_1561, %add3A_1564 : vector<16xi32>
      %swap3A_1566 = arith.constant 9 : i32
      %swap3A_1567 = arith.index_cast %swap3A_1566 : i32 to index
      %swap3A_1568 = arith.constant 48 : index
      %swap3A_1569 = tpu.vector_load %arg7[%swap3A_1567, %swap3A_1568] {strides = array<i32>} : memref<16x128xi32, #tpu.memory_space<vmem>>, vector<1x16xi32>,
      %swap3A_1570 = vector.shape_cast %swap3A_1569 : vector<1x16xi32> to vector<16xi32>
      %swap3A_1571 = vector.shape_cast %add3A_1565 : vector<16xi32> to vector<1x16xi32>
      tpu.vector_store %arg7[%swap3A_1567, %swap3A_1568], %swap3A_1571 {strides = array<i32>} : memref<16x128xi32, #tpu.memory_space<vmem>>, vector<1x16xi32>,
      %broadcast_in_dim3A_1572 = arith.constant 0 : i32
      %broadcast_in_dim3A_1573 = vector.broadcast %broadcast_in_dim3A_1572 : i32 to vector<16xi32>
      %add3A_1574 = arith.constant 1 : i32
      %add3A_1575 = arith.addi %add3A_1523, %add3A_1574 : i32
      %add3A_1576 = vector.broadcast %add3A_1575 : i32 to vector<16xi32>
      %add3A_1577 = arith.addi %broadcast_in_dim3A_1573, %add3A_1576 : vector<16xi32>
      %swap3A_1578 = arith.constant 9 : i32
      %swap3A_1579 = arith.index_cast %swap3A_1578 : i32 to index
      %swap3A_1580 = arith.constant 64 : index
      %swap3A_1581 = tpu.vector_load %arg7[%swap3A_1579, %swap3A_1580] {strides = array<i32>} : memref<16x128xi32, #tpu.memory_space<vmem>>, vector<1x16xi32>,
      %swap3A_1582 = vector.shape_cast %swap3A_1581 : vector<1x16xi32> to vector<16xi32>
      %swap3A_1583 = vector.shape_cast %add3A_1577 : vector<16xi32> to vector<1x16xi32>
      tpu.vector_store %arg7[%swap3A_1579, %swap3A_1580], %swap3A_1583 {strides = array<i32>} : memref<16x128xi32, #tpu.memory_space<vmem>>, vector<1x16xi32>,
      %broadcast_in_dim3A_1584 = arith.constant 0 : i32
      %broadcast_in_dim3A_1585 = vector.broadcast %broadcast_in_dim3A_1584 : i32 to vector<16xi32>
      %add3A_1586 = arith.constant 1 : i32
      %add3A_1587 = arith.addi %add3A_1523, %add3A_1586 : i32
      %add3A_1588 = vector.broadcast %add3A_1587 : i32 to vector<16xi32>
      %add3A_1589 = arith.addi %broadcast_in_dim3A_1585, %add3A_1588 : vector<16xi32>
      %swap3A_1590 = arith.constant 9 : i32
      %swap3A_1591 = arith.index_cast %swap3A_1590 : i32 to index
      %swap3A_1592 = arith.constant 80 : index
      %swap3A_1593 = tpu.vector_load %arg7[%swap3A_1591, %swap3A_1592] {strides = array<i32>} : memref<16x128xi32, #tpu.memory_space<vmem>>, vector<1x16xi32>,
      %swap3A_1594 = vector.shape_cast %swap3A_1593 : vector<1x16xi32> to vector<16xi32>
      %swap3A_1595 = vector.shape_cast %add3A_1589 : vector<16xi32> to vector<1x16xi32>
      tpu.vector_store %arg7[%swap3A_1591, %swap3A_1592], %swap3A_1595 {strides = array<i32>} : memref<16x128xi32, #tpu.memory_space<vmem>>, vector<1x16xi32>,
      %broadcast_in_dim3A_1596 = arith.constant 0 : i32
      %broadcast_in_dim3A_1597 = vector.broadcast %broadcast_in_dim3A_1596 : i32 to vector<16xi32>
      %add3A_1598 = arith.constant 1 : i32
      %add3A_1599 = arith.addi %add3A_1523, %add3A_1598 : i32
      %add3A_1600 = vector.broadcast %add3A_1599 : i32 to vector<16xi32>
      %add3A_1601 = arith.addi %broadcast_in_dim3A_1597, %add3A_1600 : vector<16xi32>
      %swap3A_1602 = arith.constant 9 : i32
      %swap3A_1603 = arith.index_cast %swap3A_1602 : i32 to index
      %swap3A_1604 = arith.constant 96 : index
      %swap3A_1605 = tpu.vector_load %arg7[%swap3A_1603, %swap3A_1604] {strides = array<i32>} : memref<16x128xi32, #tpu.memory_space<vmem>>, vector<1x16xi32>,
      %swap3A_1606 = vector.shape_cast %swap3A_1605 : vector<1x16xi32> to vector<16xi32>
      %swap3A_1607 = vector.shape_cast %add3A_1601 : vector<16xi32> to vector<1x16xi32>
      tpu.vector_store %arg7[%swap3A_1603, %swap3A_1604], %swap3A_1607 {strides = array<i32>} : memref<16x128xi32, #tpu.memory_space<vmem>>, vector<1x16xi32>,
      %broadcast_in_dim3A_1608 = arith.constant 0 : i32
      %broadcast_in_dim3A_1609 = vector.broadcast %broadcast_in_dim3A_1608 : i32 to vector<16xi32>
      %add3A_1610 = arith.constant 1 : i32
      %add3A_1611 = arith.addi %add3A_1523, %add3A_1610 : i32
      %add3A_1612 = vector.broadcast %add3A_1611 : i32 to vector<16xi32>
      %add3A_1613 = arith.addi %broadcast_in_dim3A_1609, %add3A_1612 : vector<16xi32>
      %swap3A_1614 = arith.constant 9 : i32
      %swap3A_1615 = arith.index_cast %swap3A_1614 : i32 to index
      %swap3A_1616 = arith.constant 112 : index
      %swap3A_1617 = tpu.vector_load %arg7[%swap3A_1615, %swap3A_1616] {strides = array<i32>} : memref<16x128xi32, #tpu.memory_space<vmem>>, vector<1x16xi32>,
      %swap3A_1618 = vector.shape_cast %swap3A_1617 : vector<1x16xi32> to vector<16xi32>
      %swap3A_1619 = vector.shape_cast %add3A_1613 : vector<16xi32> to vector<1x16xi32>
      tpu.vector_store %arg7[%swap3A_1615, %swap3A_1616], %swap3A_1619 {strides = array<i32>} : memref<16x128xi32, #tpu.memory_space<vmem>>, vector<1x16xi32>,
      %dma_start3A_1620 = arith.constant 9 : i32
      %dma_start3A_1621 = arith.constant 9 : i32
      %dma_start3A_1622 = arith.constant 0 : i32
      %dma_start3A_1623 = arith.constant 0 : i32
      %dma_start3A_1624 = tpu.memref_slice %arg6[%dma_start3A_1620, %dma_start3A_1622, %dma_start3A_1623] : memref<16x128x32xf32, #tpu.memory_space<vmem>> -> memref<1x128x32xf32, #tpu.memory_space<vmem>>
      %dma_start3A_1625 = tpu.memref_squeeze %dma_start3A_1624 : memref<1x128x32xf32, #tpu.memory_space<vmem>> -> memref<128x32xf32, #tpu.memory_space<vmem>>
      %dma_start3A_1626 = arith.constant 0 : i32
      %dma_start3A_1627 = tpu.memref_slice %arg7[%dma_start3A_1621, %dma_start3A_1626] : memref<16x128xi32, #tpu.memory_space<vmem>> -> memref<1x128xi32, #tpu.memory_space<vmem>>
      %dma_start3A_1628 = tpu.memref_squeeze %dma_start3A_1627 : memref<1x128xi32, #tpu.memory_space<vmem>> -> memref<128xi32, #tpu.memory_space<vmem>>
      %dma_start3A_1629 = arith.constant 0 : i32
      %dma_start3A_1630 = arith.constant 0 : i32
      %dma_start3A_1631 = tpu.memref_slice %arg8[%dma_start3A_1629, %dma_start3A_1630] : memref<2048x32xf32, #tpu.memory_space<vmem_shared>> -> memref<2048x32xf32, #tpu.memory_space<vmem_shared>>
      tpu.enqueue_indirect_dma source(%dma_start3A_1625 : memref<128x32xf32, #tpu.memory_space<vmem>>) target(%dma_start3A_1631 : memref<2048x32xf32, #tpu.memory_space<vmem_shared>>) offsets(%dma_start3A_1628 : memref<128xi32, #tpu.memory_space<vmem>>) semaphore(%arg10 : memref<!tpu.dma_semaphore, #tpu.memory_space<semaphore_mem>>) {add = true}
      %ge3A_1632 = arith.constant 5 : i32
      %ge3A_1633 = arith.cmpi sge, %add3A_1503, %ge3A_1632 : i32
      %convert_element_type3A_1634 = arith.extui %ge3A_1633 : i1 to i32
      %cond3A_1635 = arith.constant 0 : i32
      %cond3A_1636 = arith.cmpi ne, %convert_element_type3A_1634, %cond3A_1635 : i32
      scf.if %cond3A_1636 {
        %dma_wait3A_2508 = arith.constant 9 : i32
        %dma_wait3A_2509 = arith.constant 0 : i32
        %dma_wait3A_2510 = arith.constant 0 : i32
        %dma_wait3A_2511 = tpu.memref_slice %arg6[%dma_wait3A_2508, %dma_wait3A_2509, %dma_wait3A_2510] : memref<16x128x32xf32, #tpu.memory_space<vmem>> -> memref<1x128x32xf32, #tpu.memory_space<vmem>>
        %dma_wait3A_2512 = tpu.memref_squeeze %dma_wait3A_2511 : memref<1x128x32xf32, #tpu.memory_space<vmem>> -> memref<128x32xf32, #tpu.memory_space<vmem>>
        %dma_wait3A_2513 = arith.constant 0 : i32
        %dma_wait3A_2514 = arith.constant 0 : i32
        %dma_wait3A_2515 = tpu.memref_slice %arg8[%dma_wait3A_2513, %dma_wait3A_2514] : memref<2048x32xf32, #tpu.memory_space<vmem_shared>> -> memref<128x32xf32, #tpu.memory_space<vmem_shared>>
        %dma_wait3A_2516 = arith.constant 0 : i32
        %dma_wait3A_2517 = arith.constant 0 : i32
        %dma_wait3A_2518 = tpu.memref_slice %arg8[%dma_wait3A_2516, %dma_wait3A_2517] : memref<2048x32xf32, #tpu.memory_space<vmem_shared>> -> memref<128x32xf32, #tpu.memory_space<vmem_shared>>
        %dma_wait3A_2519 = arith.constant 0 : i32
        %dma_wait3A_2520 = arith.constant 0 : i32
        %dma_wait3A_2521 = tpu.memref_slice %arg6[%dma_wait3A_2508, %dma_wait3A_2519, %dma_wait3A_2520] : memref<16x128x32xf32, #tpu.memory_space<vmem>> -> memref<1x128x32xf32, #tpu.memory_space<vmem>>
        %dma_wait3A_2522 = tpu.memref_squeeze %dma_wait3A_2521 : memref<1x128x32xf32, #tpu.memory_space<vmem>> -> memref<128x32xf32, #tpu.memory_space<vmem>>
        tpu.wait_dma2 semaphore(%arg10 : memref<!tpu.dma_semaphore, #tpu.memory_space<semaphore_mem>>) src(%dma_wait3A_2522 : memref<128x32xf32, #tpu.memory_space<vmem>>) dst(%dma_wait3A_2518 : memref<128x32xf32, #tpu.memory_space<vmem_shared>>)
      } else {
      }
      %add3A_1637 = arith.constant 11 : i32
      %add3A_1638 = arith.addi %add3A_1503, %add3A_1637 : i32
      %lt3A_1639 = arith.constant 64 : i32
      %lt3A_1640 = arith.cmpi slt, %add3A_1638, %lt3A_1639 : i32
      %convert_element_type3A_1641 = arith.extui %lt3A_1640 : i1 to i32
      %cond3A_1642 = arith.constant 0 : i32
      %cond3A_1643 = arith.cmpi ne, %convert_element_type3A_1641, %cond3A_1642 : i32
      scf.if %cond3A_1643 {
        %add3A_2508 = arith.constant 11 : i32
        %add3A_2509 = arith.addi %add3A_1503, %add3A_2508 : i32
        %mul3A_2510 = arith.constant 128 : i32
        %mul3A_2511 = arith.muli %add3A_2509, %mul3A_2510 : i32
        %dma_start3A_2512 = arith.constant 4 : i32
        %dma_start3A_2513 = arith.constant 0 : i32
        %dma_start3A_2514 = arith.constant 0 : i32
        %dma_start3A_2515 = tpu.memref_slice %arg6[%dma_start3A_2512, %dma_start3A_2513, %dma_start3A_2514] : memref<16x128x32xf32, #tpu.memory_space<vmem>> -> memref<1x128x32xf32, #tpu.memory_space<vmem>>
        %dma_start3A_2516 = tpu.memref_squeeze %dma_start3A_2515 : memref<1x128x32xf32, #tpu.memory_space<vmem>> -> memref<128x32xf32, #tpu.memory_space<vmem>>
        %dma_start3A_2517 = tpu.memref_slice %arg5[%mul3A_2511] : memref<8192xi32, #tpu.memory_space<vmem>> -> memref<128xi32, #tpu.memory_space<vmem>>
        %dma_start3A_2518 = arith.constant 0 : i32
        %dma_start3A_2519 = arith.constant 0 : i32
        %dma_start3A_2520 = tpu.memref_slice %arg3[%dma_start3A_2518, %dma_start3A_2519] : memref<999999x32xf32, #tpu.memory_space<hbm>> -> memref<999999x32xf32, #tpu.memory_space<hbm>>
        tpu.enqueue_indirect_dma source(%dma_start3A_2520 : memref<999999x32xf32, #tpu.memory_space<hbm>>) target(%dma_start3A_2516 : memref<128x32xf32, #tpu.memory_space<vmem>>) offsets(%dma_start3A_2517 : memref<128xi32, #tpu.memory_space<vmem>>) semaphore(%arg9 : memref<!tpu.dma_semaphore, #tpu.memory_space<semaphore_mem>>)
      } else {
      }
      %mul3A_1644 = arith.constant 16 : i32
      %mul3A_1645 = arith.muli %scan3A_209, %mul3A_1644 : i32
      %add3A_1646 = arith.constant 10 : i32
      %add3A_1647 = arith.addi %mul3A_1645, %add3A_1646 : i32
      %dma_wait3A_1648 = arith.constant 10 : i32
      %dma_wait3A_1649 = arith.constant 0 : i32
      %dma_wait3A_1650 = arith.constant 0 : i32
      %dma_wait3A_1651 = tpu.memref_slice %arg6[%dma_wait3A_1648, %dma_wait3A_1649, %dma_wait3A_1650] : memref<16x128x32xf32, #tpu.memory_space<vmem>> -> memref<1x128x32xf32, #tpu.memory_space<vmem>>
      %dma_wait3A_1652 = tpu.memref_squeeze %dma_wait3A_1651 : memref<1x128x32xf32, #tpu.memory_space<vmem>> -> memref<128x32xf32, #tpu.memory_space<vmem>>
      %dma_wait3A_1653 = arith.constant 0 : i32
      %dma_wait3A_1654 = arith.constant 0 : i32
      %dma_wait3A_1655 = tpu.memref_slice %arg3[%dma_wait3A_1653, %dma_wait3A_1654] : memref<999999x32xf32, #tpu.memory_space<hbm>> -> memref<128x32xf32, #tpu.memory_space<hbm>>
      %dma_wait3A_1656 = arith.constant 0 : i32
      %dma_wait3A_1657 = arith.constant 0 : i32
      %dma_wait3A_1658 = tpu.memref_slice %arg6[%dma_wait3A_1648, %dma_wait3A_1656, %dma_wait3A_1657] : memref<16x128x32xf32, #tpu.memory_space<vmem>> -> memref<1x128x32xf32, #tpu.memory_space<vmem>>
      %dma_wait3A_1659 = tpu.memref_squeeze %dma_wait3A_1658 : memref<1x128x32xf32, #tpu.memory_space<vmem>> -> memref<128x32xf32, #tpu.memory_space<vmem>>
      %dma_wait3A_1660 = arith.constant 0 : i32
      %dma_wait3A_1661 = arith.constant 0 : i32
      %dma_wait3A_1662 = tpu.memref_slice %arg3[%dma_wait3A_1660, %dma_wait3A_1661] : memref<999999x32xf32, #tpu.memory_space<hbm>> -> memref<128x32xf32, #tpu.memory_space<hbm>>
      tpu.wait_dma2 semaphore(%arg9 : memref<!tpu.dma_semaphore, #tpu.memory_space<semaphore_mem>>) src(%dma_wait3A_1662 : memref<128x32xf32, #tpu.memory_space<hbm>>) dst(%dma_wait3A_1659 : memref<128x32xf32, #tpu.memory_space<vmem>>)
      %mul3A_1663 = arith.constant 128 : i32
      %mul3A_1664 = arith.muli %arg1, %mul3A_1663 : i32
      %mul3A_1665 = arith.constant 2 : i32
      %mul3A_1666 = arith.muli %mul3A_1665, %add3A_1647 : i32
      %add3A_1667 = arith.addi %mul3A_1664, %mul3A_1666 : i32
      %broadcast_in_dim3A_1668 = arith.constant 0 : i32
      %broadcast_in_dim3A_1669 = vector.broadcast %broadcast_in_dim3A_1668 : i32 to vector<16xi32>
      %add3A_1670 = arith.constant 0 : i32
      %add3A_1671 = arith.addi %add3A_1667, %add3A_1670 : i32
      %add3A_1672 = vector.broadcast %add3A_1671 : i32 to vector<16xi32>
      %add3A_1673 = arith.addi %broadcast_in_dim3A_1669, %add3A_1672 : vector<16xi32>
      %swap3A_1674 = arith.constant 10 : i32
      %swap3A_1675 = arith.index_cast %swap3A_1674 : i32 to index
      %swap3A_1676 = arith.constant 0 : index
      %swap3A_1677 = tpu.vector_load %arg7[%swap3A_1675, %swap3A_1676] {strides = array<i32>} : memref<16x128xi32, #tpu.memory_space<vmem>>, vector<1x16xi32>,
      %swap3A_1678 = vector.shape_cast %swap3A_1677 : vector<1x16xi32> to vector<16xi32>
      %swap3A_1679 = vector.shape_cast %add3A_1673 : vector<16xi32> to vector<1x16xi32>
      tpu.vector_store %arg7[%swap3A_1675, %swap3A_1676], %swap3A_1679 {strides = array<i32>} : memref<16x128xi32, #tpu.memory_space<vmem>>, vector<1x16xi32>,
      %broadcast_in_dim3A_1680 = arith.constant 0 : i32
      %broadcast_in_dim3A_1681 = vector.broadcast %broadcast_in_dim3A_1680 : i32 to vector<16xi32>
      %add3A_1682 = arith.constant 0 : i32
      %add3A_1683 = arith.addi %add3A_1667, %add3A_1682 : i32
      %add3A_1684 = vector.broadcast %add3A_1683 : i32 to vector<16xi32>
      %add3A_1685 = arith.addi %broadcast_in_dim3A_1681, %add3A_1684 : vector<16xi32>
      %swap3A_1686 = arith.constant 10 : i32
      %swap3A_1687 = arith.index_cast %swap3A_1686 : i32 to index
      %swap3A_1688 = arith.constant 16 : index
      %swap3A_1689 = tpu.vector_load %arg7[%swap3A_1687, %swap3A_1688] {strides = array<i32>} : memref<16x128xi32, #tpu.memory_space<vmem>>, vector<1x16xi32>,
      %swap3A_1690 = vector.shape_cast %swap3A_1689 : vector<1x16xi32> to vector<16xi32>
      %swap3A_1691 = vector.shape_cast %add3A_1685 : vector<16xi32> to vector<1x16xi32>
      tpu.vector_store %arg7[%swap3A_1687, %swap3A_1688], %swap3A_1691 {strides = array<i32>} : memref<16x128xi32, #tpu.memory_space<vmem>>, vector<1x16xi32>,
      %broadcast_in_dim3A_1692 = arith.constant 0 : i32
      %broadcast_in_dim3A_1693 = vector.broadcast %broadcast_in_dim3A_1692 : i32 to vector<16xi32>
      %add3A_1694 = arith.constant 0 : i32
      %add3A_1695 = arith.addi %add3A_1667, %add3A_1694 : i32
      %add3A_1696 = vector.broadcast %add3A_1695 : i32 to vector<16xi32>
      %add3A_1697 = arith.addi %broadcast_in_dim3A_1693, %add3A_1696 : vector<16xi32>
      %swap3A_1698 = arith.constant 10 : i32
      %swap3A_1699 = arith.index_cast %swap3A_1698 : i32 to index
      %swap3A_1700 = arith.constant 32 : index
      %swap3A_1701 = tpu.vector_load %arg7[%swap3A_1699, %swap3A_1700] {strides = array<i32>} : memref<16x128xi32, #tpu.memory_space<vmem>>, vector<1x16xi32>,
      %swap3A_1702 = vector.shape_cast %swap3A_1701 : vector<1x16xi32> to vector<16xi32>
      %swap3A_1703 = vector.shape_cast %add3A_1697 : vector<16xi32> to vector<1x16xi32>
      tpu.vector_store %arg7[%swap3A_1699, %swap3A_1700], %swap3A_1703 {strides = array<i32>} : memref<16x128xi32, #tpu.memory_space<vmem>>, vector<1x16xi32>,
      %broadcast_in_dim3A_1704 = arith.constant 0 : i32
      %broadcast_in_dim3A_1705 = vector.broadcast %broadcast_in_dim3A_1704 : i32 to vector<16xi32>
      %add3A_1706 = arith.constant 0 : i32
      %add3A_1707 = arith.addi %add3A_1667, %add3A_1706 : i32
      %add3A_1708 = vector.broadcast %add3A_1707 : i32 to vector<16xi32>
      %add3A_1709 = arith.addi %broadcast_in_dim3A_1705, %add3A_1708 : vector<16xi32>
      %swap3A_1710 = arith.constant 10 : i32
      %swap3A_1711 = arith.index_cast %swap3A_1710 : i32 to index
      %swap3A_1712 = arith.constant 48 : index
      %swap3A_1713 = tpu.vector_load %arg7[%swap3A_1711, %swap3A_1712] {strides = array<i32>} : memref<16x128xi32, #tpu.memory_space<vmem>>, vector<1x16xi32>,
      %swap3A_1714 = vector.shape_cast %swap3A_1713 : vector<1x16xi32> to vector<16xi32>
      %swap3A_1715 = vector.shape_cast %add3A_1709 : vector<16xi32> to vector<1x16xi32>
      tpu.vector_store %arg7[%swap3A_1711, %swap3A_1712], %swap3A_1715 {strides = array<i32>} : memref<16x128xi32, #tpu.memory_space<vmem>>, vector<1x16xi32>,
      %broadcast_in_dim3A_1716 = arith.constant 0 : i32
      %broadcast_in_dim3A_1717 = vector.broadcast %broadcast_in_dim3A_1716 : i32 to vector<16xi32>
      %add3A_1718 = arith.constant 1 : i32
      %add3A_1719 = arith.addi %add3A_1667, %add3A_1718 : i32
      %add3A_1720 = vector.broadcast %add3A_1719 : i32 to vector<16xi32>
      %add3A_1721 = arith.addi %broadcast_in_dim3A_1717, %add3A_1720 : vector<16xi32>
      %swap3A_1722 = arith.constant 10 : i32
      %swap3A_1723 = arith.index_cast %swap3A_1722 : i32 to index
      %swap3A_1724 = arith.constant 64 : index
      %swap3A_1725 = tpu.vector_load %arg7[%swap3A_1723, %swap3A_1724] {strides = array<i32>} : memref<16x128xi32, #tpu.memory_space<vmem>>, vector<1x16xi32>,
      %swap3A_1726 = vector.shape_cast %swap3A_1725 : vector<1x16xi32> to vector<16xi32>
      %swap3A_1727 = vector.shape_cast %add3A_1721 : vector<16xi32> to vector<1x16xi32>
      tpu.vector_store %arg7[%swap3A_1723, %swap3A_1724], %swap3A_1727 {strides = array<i32>} : memref<16x128xi32, #tpu.memory_space<vmem>>, vector<1x16xi32>,
      %broadcast_in_dim3A_1728 = arith.constant 0 : i32
      %broadcast_in_dim3A_1729 = vector.broadcast %broadcast_in_dim3A_1728 : i32 to vector<16xi32>
      %add3A_1730 = arith.constant 1 : i32
      %add3A_1731 = arith.addi %add3A_1667, %add3A_1730 : i32
      %add3A_1732 = vector.broadcast %add3A_1731 : i32 to vector<16xi32>
      %add3A_1733 = arith.addi %broadcast_in_dim3A_1729, %add3A_1732 : vector<16xi32>
      %swap3A_1734 = arith.constant 10 : i32
      %swap3A_1735 = arith.index_cast %swap3A_1734 : i32 to index
      %swap3A_1736 = arith.constant 80 : index
      %swap3A_1737 = tpu.vector_load %arg7[%swap3A_1735, %swap3A_1736] {strides = array<i32>} : memref<16x128xi32, #tpu.memory_space<vmem>>, vector<1x16xi32>,
      %swap3A_1738 = vector.shape_cast %swap3A_1737 : vector<1x16xi32> to vector<16xi32>
      %swap3A_1739 = vector.shape_cast %add3A_1733 : vector<16xi32> to vector<1x16xi32>
      tpu.vector_store %arg7[%swap3A_1735, %swap3A_1736], %swap3A_1739 {strides = array<i32>} : memref<16x128xi32, #tpu.memory_space<vmem>>, vector<1x16xi32>,
      %broadcast_in_dim3A_1740 = arith.constant 0 : i32
      %broadcast_in_dim3A_1741 = vector.broadcast %broadcast_in_dim3A_1740 : i32 to vector<16xi32>
      %add3A_1742 = arith.constant 1 : i32
      %add3A_1743 = arith.addi %add3A_1667, %add3A_1742 : i32
      %add3A_1744 = vector.broadcast %add3A_1743 : i32 to vector<16xi32>
      %add3A_1745 = arith.addi %broadcast_in_dim3A_1741, %add3A_1744 : vector<16xi32>
      %swap3A_1746 = arith.constant 10 : i32
      %swap3A_1747 = arith.index_cast %swap3A_1746 : i32 to index
      %swap3A_1748 = arith.constant 96 : index
      %swap3A_1749 = tpu.vector_load %arg7[%swap3A_1747, %swap3A_1748] {strides = array<i32>} : memref<16x128xi32, #tpu.memory_space<vmem>>, vector<1x16xi32>,
      %swap3A_1750 = vector.shape_cast %swap3A_1749 : vector<1x16xi32> to vector<16xi32>
      %swap3A_1751 = vector.shape_cast %add3A_1745 : vector<16xi32> to vector<1x16xi32>
      tpu.vector_store %arg7[%swap3A_1747, %swap3A_1748], %swap3A_1751 {strides = array<i32>} : memref<16x128xi32, #tpu.memory_space<vmem>>, vector<1x16xi32>,
      %broadcast_in_dim3A_1752 = arith.constant 0 : i32
      %broadcast_in_dim3A_1753 = vector.broadcast %broadcast_in_dim3A_1752 : i32 to vector<16xi32>
      %add3A_1754 = arith.constant 1 : i32
      %add3A_1755 = arith.addi %add3A_1667, %add3A_1754 : i32
      %add3A_1756 = vector.broadcast %add3A_1755 : i32 to vector<16xi32>
      %add3A_1757 = arith.addi %broadcast_in_dim3A_1753, %add3A_1756 : vector<16xi32>
      %swap3A_1758 = arith.constant 10 : i32
      %swap3A_1759 = arith.index_cast %swap3A_1758 : i32 to index
      %swap3A_1760 = arith.constant 112 : index
      %swap3A_1761 = tpu.vector_load %arg7[%swap3A_1759, %swap3A_1760] {strides = array<i32>} : memref<16x128xi32, #tpu.memory_space<vmem>>, vector<1x16xi32>,
      %swap3A_1762 = vector.shape_cast %swap3A_1761 : vector<1x16xi32> to vector<16xi32>
      %swap3A_1763 = vector.shape_cast %add3A_1757 : vector<16xi32> to vector<1x16xi32>
      tpu.vector_store %arg7[%swap3A_1759, %swap3A_1760], %swap3A_1763 {strides = array<i32>} : memref<16x128xi32, #tpu.memory_space<vmem>>, vector<1x16xi32>,
      %dma_start3A_1764 = arith.constant 10 : i32
      %dma_start3A_1765 = arith.constant 10 : i32
      %dma_start3A_1766 = arith.constant 0 : i32
      %dma_start3A_1767 = arith.constant 0 : i32
      %dma_start3A_1768 = tpu.memref_slice %arg6[%dma_start3A_1764, %dma_start3A_1766, %dma_start3A_1767] : memref<16x128x32xf32, #tpu.memory_space<vmem>> -> memref<1x128x32xf32, #tpu.memory_space<vmem>>
      %dma_start3A_1769 = tpu.memref_squeeze %dma_start3A_1768 : memref<1x128x32xf32, #tpu.memory_space<vmem>> -> memref<128x32xf32, #tpu.memory_space<vmem>>
      %dma_start3A_1770 = arith.constant 0 : i32
      %dma_start3A_1771 = tpu.memref_slice %arg7[%dma_start3A_1765, %dma_start3A_1770] : memref<16x128xi32, #tpu.memory_space<vmem>> -> memref<1x128xi32, #tpu.memory_space<vmem>>
      %dma_start3A_1772 = tpu.memref_squeeze %dma_start3A_1771 : memref<1x128xi32, #tpu.memory_space<vmem>> -> memref<128xi32, #tpu.memory_space<vmem>>
      %dma_start3A_1773 = arith.constant 0 : i32
      %dma_start3A_1774 = arith.constant 0 : i32
      %dma_start3A_1775 = tpu.memref_slice %arg8[%dma_start3A_1773, %dma_start3A_1774] : memref<2048x32xf32, #tpu.memory_space<vmem_shared>> -> memref<2048x32xf32, #tpu.memory_space<vmem_shared>>
      tpu.enqueue_indirect_dma source(%dma_start3A_1769 : memref<128x32xf32, #tpu.memory_space<vmem>>) target(%dma_start3A_1775 : memref<2048x32xf32, #tpu.memory_space<vmem_shared>>) offsets(%dma_start3A_1772 : memref<128xi32, #tpu.memory_space<vmem>>) semaphore(%arg10 : memref<!tpu.dma_semaphore, #tpu.memory_space<semaphore_mem>>) {add = true}
      %ge3A_1776 = arith.constant 5 : i32
      %ge3A_1777 = arith.cmpi sge, %add3A_1647, %ge3A_1776 : i32
      %convert_element_type3A_1778 = arith.extui %ge3A_1777 : i1 to i32
      %cond3A_1779 = arith.constant 0 : i32
      %cond3A_1780 = arith.cmpi ne, %convert_element_type3A_1778, %cond3A_1779 : i32
      scf.if %cond3A_1780 {
        %dma_wait3A_2508 = arith.constant 10 : i32
        %dma_wait3A_2509 = arith.constant 0 : i32
        %dma_wait3A_2510 = arith.constant 0 : i32
        %dma_wait3A_2511 = tpu.memref_slice %arg6[%dma_wait3A_2508, %dma_wait3A_2509, %dma_wait3A_2510] : memref<16x128x32xf32, #tpu.memory_space<vmem>> -> memref<1x128x32xf32, #tpu.memory_space<vmem>>
        %dma_wait3A_2512 = tpu.memref_squeeze %dma_wait3A_2511 : memref<1x128x32xf32, #tpu.memory_space<vmem>> -> memref<128x32xf32, #tpu.memory_space<vmem>>
        %dma_wait3A_2513 = arith.constant 0 : i32
        %dma_wait3A_2514 = arith.constant 0 : i32
        %dma_wait3A_2515 = tpu.memref_slice %arg8[%dma_wait3A_2513, %dma_wait3A_2514] : memref<2048x32xf32, #tpu.memory_space<vmem_shared>> -> memref<128x32xf32, #tpu.memory_space<vmem_shared>>
        %dma_wait3A_2516 = arith.constant 0 : i32
        %dma_wait3A_2517 = arith.constant 0 : i32
        %dma_wait3A_2518 = tpu.memref_slice %arg8[%dma_wait3A_2516, %dma_wait3A_2517] : memref<2048x32xf32, #tpu.memory_space<vmem_shared>> -> memref<128x32xf32, #tpu.memory_space<vmem_shared>>
        %dma_wait3A_2519 = arith.constant 0 : i32
        %dma_wait3A_2520 = arith.constant 0 : i32
        %dma_wait3A_2521 = tpu.memref_slice %arg6[%dma_wait3A_2508, %dma_wait3A_2519, %dma_wait3A_2520] : memref<16x128x32xf32, #tpu.memory_space<vmem>> -> memref<1x128x32xf32, #tpu.memory_space<vmem>>
        %dma_wait3A_2522 = tpu.memref_squeeze %dma_wait3A_2521 : memref<1x128x32xf32, #tpu.memory_space<vmem>> -> memref<128x32xf32, #tpu.memory_space<vmem>>
        tpu.wait_dma2 semaphore(%arg10 : memref<!tpu.dma_semaphore, #tpu.memory_space<semaphore_mem>>) src(%dma_wait3A_2522 : memref<128x32xf32, #tpu.memory_space<vmem>>) dst(%dma_wait3A_2518 : memref<128x32xf32, #tpu.memory_space<vmem_shared>>)
      } else {
      }
      %add3A_1781 = arith.constant 11 : i32
      %add3A_1782 = arith.addi %add3A_1647, %add3A_1781 : i32
      %lt3A_1783 = arith.constant 64 : i32
      %lt3A_1784 = arith.cmpi slt, %add3A_1782, %lt3A_1783 : i32
      %convert_element_type3A_1785 = arith.extui %lt3A_1784 : i1 to i32
      %cond3A_1786 = arith.constant 0 : i32
      %cond3A_1787 = arith.cmpi ne, %convert_element_type3A_1785, %cond3A_1786 : i32
      scf.if %cond3A_1787 {
        %add3A_2508 = arith.constant 11 : i32
        %add3A_2509 = arith.addi %add3A_1647, %add3A_2508 : i32
        %mul3A_2510 = arith.constant 128 : i32
        %mul3A_2511 = arith.muli %add3A_2509, %mul3A_2510 : i32
        %dma_start3A_2512 = arith.constant 5 : i32
        %dma_start3A_2513 = arith.constant 0 : i32
        %dma_start3A_2514 = arith.constant 0 : i32
        %dma_start3A_2515 = tpu.memref_slice %arg6[%dma_start3A_2512, %dma_start3A_2513, %dma_start3A_2514] : memref<16x128x32xf32, #tpu.memory_space<vmem>> -> memref<1x128x32xf32, #tpu.memory_space<vmem>>
        %dma_start3A_2516 = tpu.memref_squeeze %dma_start3A_2515 : memref<1x128x32xf32, #tpu.memory_space<vmem>> -> memref<128x32xf32, #tpu.memory_space<vmem>>
        %dma_start3A_2517 = tpu.memref_slice %arg5[%mul3A_2511] : memref<8192xi32, #tpu.memory_space<vmem>> -> memref<128xi32, #tpu.memory_space<vmem>>
        %dma_start3A_2518 = arith.constant 0 : i32
        %dma_start3A_2519 = arith.constant 0 : i32
        %dma_start3A_2520 = tpu.memref_slice %arg3[%dma_start3A_2518, %dma_start3A_2519] : memref<999999x32xf32, #tpu.memory_space<hbm>> -> memref<999999x32xf32, #tpu.memory_space<hbm>>
        tpu.enqueue_indirect_dma source(%dma_start3A_2520 : memref<999999x32xf32, #tpu.memory_space<hbm>>) target(%dma_start3A_2516 : memref<128x32xf32, #tpu.memory_space<vmem>>) offsets(%dma_start3A_2517 : memref<128xi32, #tpu.memory_space<vmem>>) semaphore(%arg9 : memref<!tpu.dma_semaphore, #tpu.memory_space<semaphore_mem>>)
      } else {
      }
      %mul3A_1788 = arith.constant 16 : i32
      %mul3A_1789 = arith.muli %scan3A_209, %mul3A_1788 : i32
      %add3A_1790 = arith.constant 11 : i32
      %add3A_1791 = arith.addi %mul3A_1789, %add3A_1790 : i32
      %dma_wait3A_1792 = arith.constant 11 : i32
      %dma_wait3A_1793 = arith.constant 0 : i32
      %dma_wait3A_1794 = arith.constant 0 : i32
      %dma_wait3A_1795 = tpu.memref_slice %arg6[%dma_wait3A_1792, %dma_wait3A_1793, %dma_wait3A_1794] : memref<16x128x32xf32, #tpu.memory_space<vmem>> -> memref<1x128x32xf32, #tpu.memory_space<vmem>>
      %dma_wait3A_1796 = tpu.memref_squeeze %dma_wait3A_1795 : memref<1x128x32xf32, #tpu.memory_space<vmem>> -> memref<128x32xf32, #tpu.memory_space<vmem>>
      %dma_wait3A_1797 = arith.constant 0 : i32
      %dma_wait3A_1798 = arith.constant 0 : i32
      %dma_wait3A_1799 = tpu.memref_slice %arg3[%dma_wait3A_1797, %dma_wait3A_1798] : memref<999999x32xf32, #tpu.memory_space<hbm>> -> memref<128x32xf32, #tpu.memory_space<hbm>>
      %dma_wait3A_1800 = arith.constant 0 : i32
      %dma_wait3A_1801 = arith.constant 0 : i32
      %dma_wait3A_1802 = tpu.memref_slice %arg6[%dma_wait3A_1792, %dma_wait3A_1800, %dma_wait3A_1801] : memref<16x128x32xf32, #tpu.memory_space<vmem>> -> memref<1x128x32xf32, #tpu.memory_space<vmem>>
      %dma_wait3A_1803 = tpu.memref_squeeze %dma_wait3A_1802 : memref<1x128x32xf32, #tpu.memory_space<vmem>> -> memref<128x32xf32, #tpu.memory_space<vmem>>
      %dma_wait3A_1804 = arith.constant 0 : i32
      %dma_wait3A_1805 = arith.constant 0 : i32
      %dma_wait3A_1806 = tpu.memref_slice %arg3[%dma_wait3A_1804, %dma_wait3A_1805] : memref<999999x32xf32, #tpu.memory_space<hbm>> -> memref<128x32xf32, #tpu.memory_space<hbm>>
      tpu.wait_dma2 semaphore(%arg9 : memref<!tpu.dma_semaphore, #tpu.memory_space<semaphore_mem>>) src(%dma_wait3A_1806 : memref<128x32xf32, #tpu.memory_space<hbm>>) dst(%dma_wait3A_1803 : memref<128x32xf32, #tpu.memory_space<vmem>>)
      %mul3A_1807 = arith.constant 128 : i32
      %mul3A_1808 = arith.muli %arg1, %mul3A_1807 : i32
      %mul3A_1809 = arith.constant 2 : i32
      %mul3A_1810 = arith.muli %mul3A_1809, %add3A_1791 : i32
      %add3A_1811 = arith.addi %mul3A_1808, %mul3A_1810 : i32
      %broadcast_in_dim3A_1812 = arith.constant 0 : i32
      %broadcast_in_dim3A_1813 = vector.broadcast %broadcast_in_dim3A_1812 : i32 to vector<16xi32>
      %add3A_1814 = arith.constant 0 : i32
      %add3A_1815 = arith.addi %add3A_1811, %add3A_1814 : i32
      %add3A_1816 = vector.broadcast %add3A_1815 : i32 to vector<16xi32>
      %add3A_1817 = arith.addi %broadcast_in_dim3A_1813, %add3A_1816 : vector<16xi32>
      %swap3A_1818 = arith.constant 11 : i32
      %swap3A_1819 = arith.index_cast %swap3A_1818 : i32 to index
      %swap3A_1820 = arith.constant 0 : index
      %swap3A_1821 = tpu.vector_load %arg7[%swap3A_1819, %swap3A_1820] {strides = array<i32>} : memref<16x128xi32, #tpu.memory_space<vmem>>, vector<1x16xi32>,
      %swap3A_1822 = vector.shape_cast %swap3A_1821 : vector<1x16xi32> to vector<16xi32>
      %swap3A_1823 = vector.shape_cast %add3A_1817 : vector<16xi32> to vector<1x16xi32>
      tpu.vector_store %arg7[%swap3A_1819, %swap3A_1820], %swap3A_1823 {strides = array<i32>} : memref<16x128xi32, #tpu.memory_space<vmem>>, vector<1x16xi32>,
      %broadcast_in_dim3A_1824 = arith.constant 0 : i32
      %broadcast_in_dim3A_1825 = vector.broadcast %broadcast_in_dim3A_1824 : i32 to vector<16xi32>
      %add3A_1826 = arith.constant 0 : i32
      %add3A_1827 = arith.addi %add3A_1811, %add3A_1826 : i32
      %add3A_1828 = vector.broadcast %add3A_1827 : i32 to vector<16xi32>
      %add3A_1829 = arith.addi %broadcast_in_dim3A_1825, %add3A_1828 : vector<16xi32>
      %swap3A_1830 = arith.constant 11 : i32
      %swap3A_1831 = arith.index_cast %swap3A_1830 : i32 to index
      %swap3A_1832 = arith.constant 16 : index
      %swap3A_1833 = tpu.vector_load %arg7[%swap3A_1831, %swap3A_1832] {strides = array<i32>} : memref<16x128xi32, #tpu.memory_space<vmem>>, vector<1x16xi32>,
      %swap3A_1834 = vector.shape_cast %swap3A_1833 : vector<1x16xi32> to vector<16xi32>
      %swap3A_1835 = vector.shape_cast %add3A_1829 : vector<16xi32> to vector<1x16xi32>
      tpu.vector_store %arg7[%swap3A_1831, %swap3A_1832], %swap3A_1835 {strides = array<i32>} : memref<16x128xi32, #tpu.memory_space<vmem>>, vector<1x16xi32>,
      %broadcast_in_dim3A_1836 = arith.constant 0 : i32
      %broadcast_in_dim3A_1837 = vector.broadcast %broadcast_in_dim3A_1836 : i32 to vector<16xi32>
      %add3A_1838 = arith.constant 0 : i32
      %add3A_1839 = arith.addi %add3A_1811, %add3A_1838 : i32
      %add3A_1840 = vector.broadcast %add3A_1839 : i32 to vector<16xi32>
      %add3A_1841 = arith.addi %broadcast_in_dim3A_1837, %add3A_1840 : vector<16xi32>
      %swap3A_1842 = arith.constant 11 : i32
      %swap3A_1843 = arith.index_cast %swap3A_1842 : i32 to index
      %swap3A_1844 = arith.constant 32 : index
      %swap3A_1845 = tpu.vector_load %arg7[%swap3A_1843, %swap3A_1844] {strides = array<i32>} : memref<16x128xi32, #tpu.memory_space<vmem>>, vector<1x16xi32>,
      %swap3A_1846 = vector.shape_cast %swap3A_1845 : vector<1x16xi32> to vector<16xi32>
      %swap3A_1847 = vector.shape_cast %add3A_1841 : vector<16xi32> to vector<1x16xi32>
      tpu.vector_store %arg7[%swap3A_1843, %swap3A_1844], %swap3A_1847 {strides = array<i32>} : memref<16x128xi32, #tpu.memory_space<vmem>>, vector<1x16xi32>,
      %broadcast_in_dim3A_1848 = arith.constant 0 : i32
      %broadcast_in_dim3A_1849 = vector.broadcast %broadcast_in_dim3A_1848 : i32 to vector<16xi32>
      %add3A_1850 = arith.constant 0 : i32
      %add3A_1851 = arith.addi %add3A_1811, %add3A_1850 : i32
      %add3A_1852 = vector.broadcast %add3A_1851 : i32 to vector<16xi32>
      %add3A_1853 = arith.addi %broadcast_in_dim3A_1849, %add3A_1852 : vector<16xi32>
      %swap3A_1854 = arith.constant 11 : i32
      %swap3A_1855 = arith.index_cast %swap3A_1854 : i32 to index
      %swap3A_1856 = arith.constant 48 : index
      %swap3A_1857 = tpu.vector_load %arg7[%swap3A_1855, %swap3A_1856] {strides = array<i32>} : memref<16x128xi32, #tpu.memory_space<vmem>>, vector<1x16xi32>,
      %swap3A_1858 = vector.shape_cast %swap3A_1857 : vector<1x16xi32> to vector<16xi32>
      %swap3A_1859 = vector.shape_cast %add3A_1853 : vector<16xi32> to vector<1x16xi32>
      tpu.vector_store %arg7[%swap3A_1855, %swap3A_1856], %swap3A_1859 {strides = array<i32>} : memref<16x128xi32, #tpu.memory_space<vmem>>, vector<1x16xi32>,
      %broadcast_in_dim3A_1860 = arith.constant 0 : i32
      %broadcast_in_dim3A_1861 = vector.broadcast %broadcast_in_dim3A_1860 : i32 to vector<16xi32>
      %add3A_1862 = arith.constant 1 : i32
      %add3A_1863 = arith.addi %add3A_1811, %add3A_1862 : i32
      %add3A_1864 = vector.broadcast %add3A_1863 : i32 to vector<16xi32>
      %add3A_1865 = arith.addi %broadcast_in_dim3A_1861, %add3A_1864 : vector<16xi32>
      %swap3A_1866 = arith.constant 11 : i32
      %swap3A_1867 = arith.index_cast %swap3A_1866 : i32 to index
      %swap3A_1868 = arith.constant 64 : index
      %swap3A_1869 = tpu.vector_load %arg7[%swap3A_1867, %swap3A_1868] {strides = array<i32>} : memref<16x128xi32, #tpu.memory_space<vmem>>, vector<1x16xi32>,
      %swap3A_1870 = vector.shape_cast %swap3A_1869 : vector<1x16xi32> to vector<16xi32>
      %swap3A_1871 = vector.shape_cast %add3A_1865 : vector<16xi32> to vector<1x16xi32>
      tpu.vector_store %arg7[%swap3A_1867, %swap3A_1868], %swap3A_1871 {strides = array<i32>} : memref<16x128xi32, #tpu.memory_space<vmem>>, vector<1x16xi32>,
      %broadcast_in_dim3A_1872 = arith.constant 0 : i32
      %broadcast_in_dim3A_1873 = vector.broadcast %broadcast_in_dim3A_1872 : i32 to vector<16xi32>
      %add3A_1874 = arith.constant 1 : i32
      %add3A_1875 = arith.addi %add3A_1811, %add3A_1874 : i32
      %add3A_1876 = vector.broadcast %add3A_1875 : i32 to vector<16xi32>
      %add3A_1877 = arith.addi %broadcast_in_dim3A_1873, %add3A_1876 : vector<16xi32>
      %swap3A_1878 = arith.constant 11 : i32
      %swap3A_1879 = arith.index_cast %swap3A_1878 : i32 to index
      %swap3A_1880 = arith.constant 80 : index
      %swap3A_1881 = tpu.vector_load %arg7[%swap3A_1879, %swap3A_1880] {strides = array<i32>} : memref<16x128xi32, #tpu.memory_space<vmem>>, vector<1x16xi32>,
      %swap3A_1882 = vector.shape_cast %swap3A_1881 : vector<1x16xi32> to vector<16xi32>
      %swap3A_1883 = vector.shape_cast %add3A_1877 : vector<16xi32> to vector<1x16xi32>
      tpu.vector_store %arg7[%swap3A_1879, %swap3A_1880], %swap3A_1883 {strides = array<i32>} : memref<16x128xi32, #tpu.memory_space<vmem>>, vector<1x16xi32>,
      %broadcast_in_dim3A_1884 = arith.constant 0 : i32
      %broadcast_in_dim3A_1885 = vector.broadcast %broadcast_in_dim3A_1884 : i32 to vector<16xi32>
      %add3A_1886 = arith.constant 1 : i32
      %add3A_1887 = arith.addi %add3A_1811, %add3A_1886 : i32
      %add3A_1888 = vector.broadcast %add3A_1887 : i32 to vector<16xi32>
      %add3A_1889 = arith.addi %broadcast_in_dim3A_1885, %add3A_1888 : vector<16xi32>
      %swap3A_1890 = arith.constant 11 : i32
      %swap3A_1891 = arith.index_cast %swap3A_1890 : i32 to index
      %swap3A_1892 = arith.constant 96 : index
      %swap3A_1893 = tpu.vector_load %arg7[%swap3A_1891, %swap3A_1892] {strides = array<i32>} : memref<16x128xi32, #tpu.memory_space<vmem>>, vector<1x16xi32>,
      %swap3A_1894 = vector.shape_cast %swap3A_1893 : vector<1x16xi32> to vector<16xi32>
      %swap3A_1895 = vector.shape_cast %add3A_1889 : vector<16xi32> to vector<1x16xi32>
      tpu.vector_store %arg7[%swap3A_1891, %swap3A_1892], %swap3A_1895 {strides = array<i32>} : memref<16x128xi32, #tpu.memory_space<vmem>>, vector<1x16xi32>,
      %broadcast_in_dim3A_1896 = arith.constant 0 : i32
      %broadcast_in_dim3A_1897 = vector.broadcast %broadcast_in_dim3A_1896 : i32 to vector<16xi32>
      %add3A_1898 = arith.constant 1 : i32
      %add3A_1899 = arith.addi %add3A_1811, %add3A_1898 : i32
      %add3A_1900 = vector.broadcast %add3A_1899 : i32 to vector<16xi32>
      %add3A_1901 = arith.addi %broadcast_in_dim3A_1897, %add3A_1900 : vector<16xi32>
      %swap3A_1902 = arith.constant 11 : i32
      %swap3A_1903 = arith.index_cast %swap3A_1902 : i32 to index
      %swap3A_1904 = arith.constant 112 : index
      %swap3A_1905 = tpu.vector_load %arg7[%swap3A_1903, %swap3A_1904] {strides = array<i32>} : memref<16x128xi32, #tpu.memory_space<vmem>>, vector<1x16xi32>,
      %swap3A_1906 = vector.shape_cast %swap3A_1905 : vector<1x16xi32> to vector<16xi32>
      %swap3A_1907 = vector.shape_cast %add3A_1901 : vector<16xi32> to vector<1x16xi32>
      tpu.vector_store %arg7[%swap3A_1903, %swap3A_1904], %swap3A_1907 {strides = array<i32>} : memref<16x128xi32, #tpu.memory_space<vmem>>, vector<1x16xi32>,
      %dma_start3A_1908 = arith.constant 11 : i32
      %dma_start3A_1909 = arith.constant 11 : i32
      %dma_start3A_1910 = arith.constant 0 : i32
      %dma_start3A_1911 = arith.constant 0 : i32
      %dma_start3A_1912 = tpu.memref_slice %arg6[%dma_start3A_1908, %dma_start3A_1910, %dma_start3A_1911] : memref<16x128x32xf32, #tpu.memory_space<vmem>> -> memref<1x128x32xf32, #tpu.memory_space<vmem>>
      %dma_start3A_1913 = tpu.memref_squeeze %dma_start3A_1912 : memref<1x128x32xf32, #tpu.memory_space<vmem>> -> memref<128x32xf32, #tpu.memory_space<vmem>>
      %dma_start3A_1914 = arith.constant 0 : i32
      %dma_start3A_1915 = tpu.memref_slice %arg7[%dma_start3A_1909, %dma_start3A_1914] : memref<16x128xi32, #tpu.memory_space<vmem>> -> memref<1x128xi32, #tpu.memory_space<vmem>>
      %dma_start3A_1916 = tpu.memref_squeeze %dma_start3A_1915 : memref<1x128xi32, #tpu.memory_space<vmem>> -> memref<128xi32, #tpu.memory_space<vmem>>
      %dma_start3A_1917 = arith.constant 0 : i32
      %dma_start3A_1918 = arith.constant 0 : i32
      %dma_start3A_1919 = tpu.memref_slice %arg8[%dma_start3A_1917, %dma_start3A_1918] : memref<2048x32xf32, #tpu.memory_space<vmem_shared>> -> memref<2048x32xf32, #tpu.memory_space<vmem_shared>>
      tpu.enqueue_indirect_dma source(%dma_start3A_1913 : memref<128x32xf32, #tpu.memory_space<vmem>>) target(%dma_start3A_1919 : memref<2048x32xf32, #tpu.memory_space<vmem_shared>>) offsets(%dma_start3A_1916 : memref<128xi32, #tpu.memory_space<vmem>>) semaphore(%arg10 : memref<!tpu.dma_semaphore, #tpu.memory_space<semaphore_mem>>) {add = true}
      %ge3A_1920 = arith.constant 5 : i32
      %ge3A_1921 = arith.cmpi sge, %add3A_1791, %ge3A_1920 : i32
      %convert_element_type3A_1922 = arith.extui %ge3A_1921 : i1 to i32
      %cond3A_1923 = arith.constant 0 : i32
      %cond3A_1924 = arith.cmpi ne, %convert_element_type3A_1922, %cond3A_1923 : i32
      scf.if %cond3A_1924 {
        %dma_wait3A_2508 = arith.constant 11 : i32
        %dma_wait3A_2509 = arith.constant 0 : i32
        %dma_wait3A_2510 = arith.constant 0 : i32
        %dma_wait3A_2511 = tpu.memref_slice %arg6[%dma_wait3A_2508, %dma_wait3A_2509, %dma_wait3A_2510] : memref<16x128x32xf32, #tpu.memory_space<vmem>> -> memref<1x128x32xf32, #tpu.memory_space<vmem>>
        %dma_wait3A_2512 = tpu.memref_squeeze %dma_wait3A_2511 : memref<1x128x32xf32, #tpu.memory_space<vmem>> -> memref<128x32xf32, #tpu.memory_space<vmem>>
        %dma_wait3A_2513 = arith.constant 0 : i32
        %dma_wait3A_2514 = arith.constant 0 : i32
        %dma_wait3A_2515 = tpu.memref_slice %arg8[%dma_wait3A_2513, %dma_wait3A_2514] : memref<2048x32xf32, #tpu.memory_space<vmem_shared>> -> memref<128x32xf32, #tpu.memory_space<vmem_shared>>
        %dma_wait3A_2516 = arith.constant 0 : i32
        %dma_wait3A_2517 = arith.constant 0 : i32
        %dma_wait3A_2518 = tpu.memref_slice %arg8[%dma_wait3A_2516, %dma_wait3A_2517] : memref<2048x32xf32, #tpu.memory_space<vmem_shared>> -> memref<128x32xf32, #tpu.memory_space<vmem_shared>>
        %dma_wait3A_2519 = arith.constant 0 : i32
        %dma_wait3A_2520 = arith.constant 0 : i32
        %dma_wait3A_2521 = tpu.memref_slice %arg6[%dma_wait3A_2508, %dma_wait3A_2519, %dma_wait3A_2520] : memref<16x128x32xf32, #tpu.memory_space<vmem>> -> memref<1x128x32xf32, #tpu.memory_space<vmem>>
        %dma_wait3A_2522 = tpu.memref_squeeze %dma_wait3A_2521 : memref<1x128x32xf32, #tpu.memory_space<vmem>> -> memref<128x32xf32, #tpu.memory_space<vmem>>
        tpu.wait_dma2 semaphore(%arg10 : memref<!tpu.dma_semaphore, #tpu.memory_space<semaphore_mem>>) src(%dma_wait3A_2522 : memref<128x32xf32, #tpu.memory_space<vmem>>) dst(%dma_wait3A_2518 : memref<128x32xf32, #tpu.memory_space<vmem_shared>>)
      } else {
      }
      %add3A_1925 = arith.constant 11 : i32
      %add3A_1926 = arith.addi %add3A_1791, %add3A_1925 : i32
      %lt3A_1927 = arith.constant 64 : i32
      %lt3A_1928 = arith.cmpi slt, %add3A_1926, %lt3A_1927 : i32
      %convert_element_type3A_1929 = arith.extui %lt3A_1928 : i1 to i32
      %cond3A_1930 = arith.constant 0 : i32
      %cond3A_1931 = arith.cmpi ne, %convert_element_type3A_1929, %cond3A_1930 : i32
      scf.if %cond3A_1931 {
        %add3A_2508 = arith.constant 11 : i32
        %add3A_2509 = arith.addi %add3A_1791, %add3A_2508 : i32
        %mul3A_2510 = arith.constant 128 : i32
        %mul3A_2511 = arith.muli %add3A_2509, %mul3A_2510 : i32
        %dma_start3A_2512 = arith.constant 6 : i32
        %dma_start3A_2513 = arith.constant 0 : i32
        %dma_start3A_2514 = arith.constant 0 : i32
        %dma_start3A_2515 = tpu.memref_slice %arg6[%dma_start3A_2512, %dma_start3A_2513, %dma_start3A_2514] : memref<16x128x32xf32, #tpu.memory_space<vmem>> -> memref<1x128x32xf32, #tpu.memory_space<vmem>>
        %dma_start3A_2516 = tpu.memref_squeeze %dma_start3A_2515 : memref<1x128x32xf32, #tpu.memory_space<vmem>> -> memref<128x32xf32, #tpu.memory_space<vmem>>
        %dma_start3A_2517 = tpu.memref_slice %arg5[%mul3A_2511] : memref<8192xi32, #tpu.memory_space<vmem>> -> memref<128xi32, #tpu.memory_space<vmem>>
        %dma_start3A_2518 = arith.constant 0 : i32
        %dma_start3A_2519 = arith.constant 0 : i32
        %dma_start3A_2520 = tpu.memref_slice %arg3[%dma_start3A_2518, %dma_start3A_2519] : memref<999999x32xf32, #tpu.memory_space<hbm>> -> memref<999999x32xf32, #tpu.memory_space<hbm>>
        tpu.enqueue_indirect_dma source(%dma_start3A_2520 : memref<999999x32xf32, #tpu.memory_space<hbm>>) target(%dma_start3A_2516 : memref<128x32xf32, #tpu.memory_space<vmem>>) offsets(%dma_start3A_2517 : memref<128xi32, #tpu.memory_space<vmem>>) semaphore(%arg9 : memref<!tpu.dma_semaphore, #tpu.memory_space<semaphore_mem>>)
      } else {
      }
      %mul3A_1932 = arith.constant 16 : i32
      %mul3A_1933 = arith.muli %scan3A_209, %mul3A_1932 : i32
      %add3A_1934 = arith.constant 12 : i32
      %add3A_1935 = arith.addi %mul3A_1933, %add3A_1934 : i32
      %dma_wait3A_1936 = arith.constant 12 : i32
      %dma_wait3A_1937 = arith.constant 0 : i32
      %dma_wait3A_1938 = arith.constant 0 : i32
      %dma_wait3A_1939 = tpu.memref_slice %arg6[%dma_wait3A_1936, %dma_wait3A_1937, %dma_wait3A_1938] : memref<16x128x32xf32, #tpu.memory_space<vmem>> -> memref<1x128x32xf32, #tpu.memory_space<vmem>>
      %dma_wait3A_1940 = tpu.memref_squeeze %dma_wait3A_1939 : memref<1x128x32xf32, #tpu.memory_space<vmem>> -> memref<128x32xf32, #tpu.memory_space<vmem>>
      %dma_wait3A_1941 = arith.constant 0 : i32
      %dma_wait3A_1942 = arith.constant 0 : i32
      %dma_wait3A_1943 = tpu.memref_slice %arg3[%dma_wait3A_1941, %dma_wait3A_1942] : memref<999999x32xf32, #tpu.memory_space<hbm>> -> memref<128x32xf32, #tpu.memory_space<hbm>>
      %dma_wait3A_1944 = arith.constant 0 : i32
      %dma_wait3A_1945 = arith.constant 0 : i32
      %dma_wait3A_1946 = tpu.memref_slice %arg6[%dma_wait3A_1936, %dma_wait3A_1944, %dma_wait3A_1945] : memref<16x128x32xf32, #tpu.memory_space<vmem>> -> memref<1x128x32xf32, #tpu.memory_space<vmem>>
      %dma_wait3A_1947 = tpu.memref_squeeze %dma_wait3A_1946 : memref<1x128x32xf32, #tpu.memory_space<vmem>> -> memref<128x32xf32, #tpu.memory_space<vmem>>
      %dma_wait3A_1948 = arith.constant 0 : i32
      %dma_wait3A_1949 = arith.constant 0 : i32
      %dma_wait3A_1950 = tpu.memref_slice %arg3[%dma_wait3A_1948, %dma_wait3A_1949] : memref<999999x32xf32, #tpu.memory_space<hbm>> -> memref<128x32xf32, #tpu.memory_space<hbm>>
      tpu.wait_dma2 semaphore(%arg9 : memref<!tpu.dma_semaphore, #tpu.memory_space<semaphore_mem>>) src(%dma_wait3A_1950 : memref<128x32xf32, #tpu.memory_space<hbm>>) dst(%dma_wait3A_1947 : memref<128x32xf32, #tpu.memory_space<vmem>>)
      %mul3A_1951 = arith.constant 128 : i32
      %mul3A_1952 = arith.muli %arg1, %mul3A_1951 : i32
      %mul3A_1953 = arith.constant 2 : i32
      %mul3A_1954 = arith.muli %mul3A_1953, %add3A_1935 : i32
      %add3A_1955 = arith.addi %mul3A_1952, %mul3A_1954 : i32
      %broadcast_in_dim3A_1956 = arith.constant 0 : i32
      %broadcast_in_dim3A_1957 = vector.broadcast %broadcast_in_dim3A_1956 : i32 to vector<16xi32>
      %add3A_1958 = arith.constant 0 : i32
      %add3A_1959 = arith.addi %add3A_1955, %add3A_1958 : i32
      %add3A_1960 = vector.broadcast %add3A_1959 : i32 to vector<16xi32>
      %add3A_1961 = arith.addi %broadcast_in_dim3A_1957, %add3A_1960 : vector<16xi32>
      %swap3A_1962 = arith.constant 12 : i32
      %swap3A_1963 = arith.index_cast %swap3A_1962 : i32 to index
      %swap3A_1964 = arith.constant 0 : index
      %swap3A_1965 = tpu.vector_load %arg7[%swap3A_1963, %swap3A_1964] {strides = array<i32>} : memref<16x128xi32, #tpu.memory_space<vmem>>, vector<1x16xi32>,
      %swap3A_1966 = vector.shape_cast %swap3A_1965 : vector<1x16xi32> to vector<16xi32>
      %swap3A_1967 = vector.shape_cast %add3A_1961 : vector<16xi32> to vector<1x16xi32>
      tpu.vector_store %arg7[%swap3A_1963, %swap3A_1964], %swap3A_1967 {strides = array<i32>} : memref<16x128xi32, #tpu.memory_space<vmem>>, vector<1x16xi32>,
      %broadcast_in_dim3A_1968 = arith.constant 0 : i32
      %broadcast_in_dim3A_1969 = vector.broadcast %broadcast_in_dim3A_1968 : i32 to vector<16xi32>
      %add3A_1970 = arith.constant 0 : i32
      %add3A_1971 = arith.addi %add3A_1955, %add3A_1970 : i32
      %add3A_1972 = vector.broadcast %add3A_1971 : i32 to vector<16xi32>
      %add3A_1973 = arith.addi %broadcast_in_dim3A_1969, %add3A_1972 : vector<16xi32>
      %swap3A_1974 = arith.constant 12 : i32
      %swap3A_1975 = arith.index_cast %swap3A_1974 : i32 to index
      %swap3A_1976 = arith.constant 16 : index
      %swap3A_1977 = tpu.vector_load %arg7[%swap3A_1975, %swap3A_1976] {strides = array<i32>} : memref<16x128xi32, #tpu.memory_space<vmem>>, vector<1x16xi32>,
      %swap3A_1978 = vector.shape_cast %swap3A_1977 : vector<1x16xi32> to vector<16xi32>
      %swap3A_1979 = vector.shape_cast %add3A_1973 : vector<16xi32> to vector<1x16xi32>
      tpu.vector_store %arg7[%swap3A_1975, %swap3A_1976], %swap3A_1979 {strides = array<i32>} : memref<16x128xi32, #tpu.memory_space<vmem>>, vector<1x16xi32>,
      %broadcast_in_dim3A_1980 = arith.constant 0 : i32
      %broadcast_in_dim3A_1981 = vector.broadcast %broadcast_in_dim3A_1980 : i32 to vector<16xi32>
      %add3A_1982 = arith.constant 0 : i32
      %add3A_1983 = arith.addi %add3A_1955, %add3A_1982 : i32
      %add3A_1984 = vector.broadcast %add3A_1983 : i32 to vector<16xi32>
      %add3A_1985 = arith.addi %broadcast_in_dim3A_1981, %add3A_1984 : vector<16xi32>
      %swap3A_1986 = arith.constant 12 : i32
      %swap3A_1987 = arith.index_cast %swap3A_1986 : i32 to index
      %swap3A_1988 = arith.constant 32 : index
      %swap3A_1989 = tpu.vector_load %arg7[%swap3A_1987, %swap3A_1988] {strides = array<i32>} : memref<16x128xi32, #tpu.memory_space<vmem>>, vector<1x16xi32>,
      %swap3A_1990 = vector.shape_cast %swap3A_1989 : vector<1x16xi32> to vector<16xi32>
      %swap3A_1991 = vector.shape_cast %add3A_1985 : vector<16xi32> to vector<1x16xi32>
      tpu.vector_store %arg7[%swap3A_1987, %swap3A_1988], %swap3A_1991 {strides = array<i32>} : memref<16x128xi32, #tpu.memory_space<vmem>>, vector<1x16xi32>,
      %broadcast_in_dim3A_1992 = arith.constant 0 : i32
      %broadcast_in_dim3A_1993 = vector.broadcast %broadcast_in_dim3A_1992 : i32 to vector<16xi32>
      %add3A_1994 = arith.constant 0 : i32
      %add3A_1995 = arith.addi %add3A_1955, %add3A_1994 : i32
      %add3A_1996 = vector.broadcast %add3A_1995 : i32 to vector<16xi32>
      %add3A_1997 = arith.addi %broadcast_in_dim3A_1993, %add3A_1996 : vector<16xi32>
      %swap3A_1998 = arith.constant 12 : i32
      %swap3A_1999 = arith.index_cast %swap3A_1998 : i32 to index
      %swap3A_2000 = arith.constant 48 : index
      %swap3A_2001 = tpu.vector_load %arg7[%swap3A_1999, %swap3A_2000] {strides = array<i32>} : memref<16x128xi32, #tpu.memory_space<vmem>>, vector<1x16xi32>,
      %swap3A_2002 = vector.shape_cast %swap3A_2001 : vector<1x16xi32> to vector<16xi32>
      %swap3A_2003 = vector.shape_cast %add3A_1997 : vector<16xi32> to vector<1x16xi32>
      tpu.vector_store %arg7[%swap3A_1999, %swap3A_2000], %swap3A_2003 {strides = array<i32>} : memref<16x128xi32, #tpu.memory_space<vmem>>, vector<1x16xi32>,
      %broadcast_in_dim3A_2004 = arith.constant 0 : i32
      %broadcast_in_dim3A_2005 = vector.broadcast %broadcast_in_dim3A_2004 : i32 to vector<16xi32>
      %add3A_2006 = arith.constant 1 : i32
      %add3A_2007 = arith.addi %add3A_1955, %add3A_2006 : i32
      %add3A_2008 = vector.broadcast %add3A_2007 : i32 to vector<16xi32>
      %add3A_2009 = arith.addi %broadcast_in_dim3A_2005, %add3A_2008 : vector<16xi32>
      %swap3A_2010 = arith.constant 12 : i32
      %swap3A_2011 = arith.index_cast %swap3A_2010 : i32 to index
      %swap3A_2012 = arith.constant 64 : index
      %swap3A_2013 = tpu.vector_load %arg7[%swap3A_2011, %swap3A_2012] {strides = array<i32>} : memref<16x128xi32, #tpu.memory_space<vmem>>, vector<1x16xi32>,
      %swap3A_2014 = vector.shape_cast %swap3A_2013 : vector<1x16xi32> to vector<16xi32>
      %swap3A_2015 = vector.shape_cast %add3A_2009 : vector<16xi32> to vector<1x16xi32>
      tpu.vector_store %arg7[%swap3A_2011, %swap3A_2012], %swap3A_2015 {strides = array<i32>} : memref<16x128xi32, #tpu.memory_space<vmem>>, vector<1x16xi32>,
      %broadcast_in_dim3A_2016 = arith.constant 0 : i32
      %broadcast_in_dim3A_2017 = vector.broadcast %broadcast_in_dim3A_2016 : i32 to vector<16xi32>
      %add3A_2018 = arith.constant 1 : i32
      %add3A_2019 = arith.addi %add3A_1955, %add3A_2018 : i32
      %add3A_2020 = vector.broadcast %add3A_2019 : i32 to vector<16xi32>
      %add3A_2021 = arith.addi %broadcast_in_dim3A_2017, %add3A_2020 : vector<16xi32>
      %swap3A_2022 = arith.constant 12 : i32
      %swap3A_2023 = arith.index_cast %swap3A_2022 : i32 to index
      %swap3A_2024 = arith.constant 80 : index
      %swap3A_2025 = tpu.vector_load %arg7[%swap3A_2023, %swap3A_2024] {strides = array<i32>} : memref<16x128xi32, #tpu.memory_space<vmem>>, vector<1x16xi32>,
      %swap3A_2026 = vector.shape_cast %swap3A_2025 : vector<1x16xi32> to vector<16xi32>
      %swap3A_2027 = vector.shape_cast %add3A_2021 : vector<16xi32> to vector<1x16xi32>
      tpu.vector_store %arg7[%swap3A_2023, %swap3A_2024], %swap3A_2027 {strides = array<i32>} : memref<16x128xi32, #tpu.memory_space<vmem>>, vector<1x16xi32>,
      %broadcast_in_dim3A_2028 = arith.constant 0 : i32
      %broadcast_in_dim3A_2029 = vector.broadcast %broadcast_in_dim3A_2028 : i32 to vector<16xi32>
      %add3A_2030 = arith.constant 1 : i32
      %add3A_2031 = arith.addi %add3A_1955, %add3A_2030 : i32
      %add3A_2032 = vector.broadcast %add3A_2031 : i32 to vector<16xi32>
      %add3A_2033 = arith.addi %broadcast_in_dim3A_2029, %add3A_2032 : vector<16xi32>
      %swap3A_2034 = arith.constant 12 : i32
      %swap3A_2035 = arith.index_cast %swap3A_2034 : i32 to index
      %swap3A_2036 = arith.constant 96 : index
      %swap3A_2037 = tpu.vector_load %arg7[%swap3A_2035, %swap3A_2036] {strides = array<i32>} : memref<16x128xi32, #tpu.memory_space<vmem>>, vector<1x16xi32>,
      %swap3A_2038 = vector.shape_cast %swap3A_2037 : vector<1x16xi32> to vector<16xi32>
      %swap3A_2039 = vector.shape_cast %add3A_2033 : vector<16xi32> to vector<1x16xi32>
      tpu.vector_store %arg7[%swap3A_2035, %swap3A_2036], %swap3A_2039 {strides = array<i32>} : memref<16x128xi32, #tpu.memory_space<vmem>>, vector<1x16xi32>,
      %broadcast_in_dim3A_2040 = arith.constant 0 : i32
      %broadcast_in_dim3A_2041 = vector.broadcast %broadcast_in_dim3A_2040 : i32 to vector<16xi32>
      %add3A_2042 = arith.constant 1 : i32
      %add3A_2043 = arith.addi %add3A_1955, %add3A_2042 : i32
      %add3A_2044 = vector.broadcast %add3A_2043 : i32 to vector<16xi32>
      %add3A_2045 = arith.addi %broadcast_in_dim3A_2041, %add3A_2044 : vector<16xi32>
      %swap3A_2046 = arith.constant 12 : i32
      %swap3A_2047 = arith.index_cast %swap3A_2046 : i32 to index
      %swap3A_2048 = arith.constant 112 : index
      %swap3A_2049 = tpu.vector_load %arg7[%swap3A_2047, %swap3A_2048] {strides = array<i32>} : memref<16x128xi32, #tpu.memory_space<vmem>>, vector<1x16xi32>,
      %swap3A_2050 = vector.shape_cast %swap3A_2049 : vector<1x16xi32> to vector<16xi32>
      %swap3A_2051 = vector.shape_cast %add3A_2045 : vector<16xi32> to vector<1x16xi32>
      tpu.vector_store %arg7[%swap3A_2047, %swap3A_2048], %swap3A_2051 {strides = array<i32>} : memref<16x128xi32, #tpu.memory_space<vmem>>, vector<1x16xi32>,
      %dma_start3A_2052 = arith.constant 12 : i32
      %dma_start3A_2053 = arith.constant 12 : i32
      %dma_start3A_2054 = arith.constant 0 : i32
      %dma_start3A_2055 = arith.constant 0 : i32
      %dma_start3A_2056 = tpu.memref_slice %arg6[%dma_start3A_2052, %dma_start3A_2054, %dma_start3A_2055] : memref<16x128x32xf32, #tpu.memory_space<vmem>> -> memref<1x128x32xf32, #tpu.memory_space<vmem>>
      %dma_start3A_2057 = tpu.memref_squeeze %dma_start3A_2056 : memref<1x128x32xf32, #tpu.memory_space<vmem>> -> memref<128x32xf32, #tpu.memory_space<vmem>>
      %dma_start3A_2058 = arith.constant 0 : i32
      %dma_start3A_2059 = tpu.memref_slice %arg7[%dma_start3A_2053, %dma_start3A_2058] : memref<16x128xi32, #tpu.memory_space<vmem>> -> memref<1x128xi32, #tpu.memory_space<vmem>>
      %dma_start3A_2060 = tpu.memref_squeeze %dma_start3A_2059 : memref<1x128xi32, #tpu.memory_space<vmem>> -> memref<128xi32, #tpu.memory_space<vmem>>
      %dma_start3A_2061 = arith.constant 0 : i32
      %dma_start3A_2062 = arith.constant 0 : i32
      %dma_start3A_2063 = tpu.memref_slice %arg8[%dma_start3A_2061, %dma_start3A_2062] : memref<2048x32xf32, #tpu.memory_space<vmem_shared>> -> memref<2048x32xf32, #tpu.memory_space<vmem_shared>>
      tpu.enqueue_indirect_dma source(%dma_start3A_2057 : memref<128x32xf32, #tpu.memory_space<vmem>>) target(%dma_start3A_2063 : memref<2048x32xf32, #tpu.memory_space<vmem_shared>>) offsets(%dma_start3A_2060 : memref<128xi32, #tpu.memory_space<vmem>>) semaphore(%arg10 : memref<!tpu.dma_semaphore, #tpu.memory_space<semaphore_mem>>) {add = true}
      %ge3A_2064 = arith.constant 5 : i32
      %ge3A_2065 = arith.cmpi sge, %add3A_1935, %ge3A_2064 : i32
      %convert_element_type3A_2066 = arith.extui %ge3A_2065 : i1 to i32
      %cond3A_2067 = arith.constant 0 : i32
      %cond3A_2068 = arith.cmpi ne, %convert_element_type3A_2066, %cond3A_2067 : i32
      scf.if %cond3A_2068 {
        %dma_wait3A_2508 = arith.constant 12 : i32
        %dma_wait3A_2509 = arith.constant 0 : i32
        %dma_wait3A_2510 = arith.constant 0 : i32
        %dma_wait3A_2511 = tpu.memref_slice %arg6[%dma_wait3A_2508, %dma_wait3A_2509, %dma_wait3A_2510] : memref<16x128x32xf32, #tpu.memory_space<vmem>> -> memref<1x128x32xf32, #tpu.memory_space<vmem>>
        %dma_wait3A_2512 = tpu.memref_squeeze %dma_wait3A_2511 : memref<1x128x32xf32, #tpu.memory_space<vmem>> -> memref<128x32xf32, #tpu.memory_space<vmem>>
        %dma_wait3A_2513 = arith.constant 0 : i32
        %dma_wait3A_2514 = arith.constant 0 : i32
        %dma_wait3A_2515 = tpu.memref_slice %arg8[%dma_wait3A_2513, %dma_wait3A_2514] : memref<2048x32xf32, #tpu.memory_space<vmem_shared>> -> memref<128x32xf32, #tpu.memory_space<vmem_shared>>
        %dma_wait3A_2516 = arith.constant 0 : i32
        %dma_wait3A_2517 = arith.constant 0 : i32
        %dma_wait3A_2518 = tpu.memref_slice %arg8[%dma_wait3A_2516, %dma_wait3A_2517] : memref<2048x32xf32, #tpu.memory_space<vmem_shared>> -> memref<128x32xf32, #tpu.memory_space<vmem_shared>>
        %dma_wait3A_2519 = arith.constant 0 : i32
        %dma_wait3A_2520 = arith.constant 0 : i32
        %dma_wait3A_2521 = tpu.memref_slice %arg6[%dma_wait3A_2508, %dma_wait3A_2519, %dma_wait3A_2520] : memref<16x128x32xf32, #tpu.memory_space<vmem>> -> memref<1x128x32xf32, #tpu.memory_space<vmem>>
        %dma_wait3A_2522 = tpu.memref_squeeze %dma_wait3A_2521 : memref<1x128x32xf32, #tpu.memory_space<vmem>> -> memref<128x32xf32, #tpu.memory_space<vmem>>
        tpu.wait_dma2 semaphore(%arg10 : memref<!tpu.dma_semaphore, #tpu.memory_space<semaphore_mem>>) src(%dma_wait3A_2522 : memref<128x32xf32, #tpu.memory_space<vmem>>) dst(%dma_wait3A_2518 : memref<128x32xf32, #tpu.memory_space<vmem_shared>>)
      } else {
      }
      %add3A_2069 = arith.constant 11 : i32
      %add3A_2070 = arith.addi %add3A_1935, %add3A_2069 : i32
      %lt3A_2071 = arith.constant 64 : i32
      %lt3A_2072 = arith.cmpi slt, %add3A_2070, %lt3A_2071 : i32
      %convert_element_type3A_2073 = arith.extui %lt3A_2072 : i1 to i32
      %cond3A_2074 = arith.constant 0 : i32
      %cond3A_2075 = arith.cmpi ne, %convert_element_type3A_2073, %cond3A_2074 : i32
      scf.if %cond3A_2075 {
        %add3A_2508 = arith.constant 11 : i32
        %add3A_2509 = arith.addi %add3A_1935, %add3A_2508 : i32
        %mul3A_2510 = arith.constant 128 : i32
        %mul3A_2511 = arith.muli %add3A_2509, %mul3A_2510 : i32
        %dma_start3A_2512 = arith.constant 7 : i32
        %dma_start3A_2513 = arith.constant 0 : i32
        %dma_start3A_2514 = arith.constant 0 : i32
        %dma_start3A_2515 = tpu.memref_slice %arg6[%dma_start3A_2512, %dma_start3A_2513, %dma_start3A_2514] : memref<16x128x32xf32, #tpu.memory_space<vmem>> -> memref<1x128x32xf32, #tpu.memory_space<vmem>>
        %dma_start3A_2516 = tpu.memref_squeeze %dma_start3A_2515 : memref<1x128x32xf32, #tpu.memory_space<vmem>> -> memref<128x32xf32, #tpu.memory_space<vmem>>
        %dma_start3A_2517 = tpu.memref_slice %arg5[%mul3A_2511] : memref<8192xi32, #tpu.memory_space<vmem>> -> memref<128xi32, #tpu.memory_space<vmem>>
        %dma_start3A_2518 = arith.constant 0 : i32
        %dma_start3A_2519 = arith.constant 0 : i32
        %dma_start3A_2520 = tpu.memref_slice %arg3[%dma_start3A_2518, %dma_start3A_2519] : memref<999999x32xf32, #tpu.memory_space<hbm>> -> memref<999999x32xf32, #tpu.memory_space<hbm>>
        tpu.enqueue_indirect_dma source(%dma_start3A_2520 : memref<999999x32xf32, #tpu.memory_space<hbm>>) target(%dma_start3A_2516 : memref<128x32xf32, #tpu.memory_space<vmem>>) offsets(%dma_start3A_2517 : memref<128xi32, #tpu.memory_space<vmem>>) semaphore(%arg9 : memref<!tpu.dma_semaphore, #tpu.memory_space<semaphore_mem>>)
      } else {
      }
      %mul3A_2076 = arith.constant 16 : i32
      %mul3A_2077 = arith.muli %scan3A_209, %mul3A_2076 : i32
      %add3A_2078 = arith.constant 13 : i32
      %add3A_2079 = arith.addi %mul3A_2077, %add3A_2078 : i32
      %dma_wait3A_2080 = arith.constant 13 : i32
      %dma_wait3A_2081 = arith.constant 0 : i32
      %dma_wait3A_2082 = arith.constant 0 : i32
      %dma_wait3A_2083 = tpu.memref_slice %arg6[%dma_wait3A_2080, %dma_wait3A_2081, %dma_wait3A_2082] : memref<16x128x32xf32, #tpu.memory_space<vmem>> -> memref<1x128x32xf32, #tpu.memory_space<vmem>>
      %dma_wait3A_2084 = tpu.memref_squeeze %dma_wait3A_2083 : memref<1x128x32xf32, #tpu.memory_space<vmem>> -> memref<128x32xf32, #tpu.memory_space<vmem>>
      %dma_wait3A_2085 = arith.constant 0 : i32
      %dma_wait3A_2086 = arith.constant 0 : i32
      %dma_wait3A_2087 = tpu.memref_slice %arg3[%dma_wait3A_2085, %dma_wait3A_2086] : memref<999999x32xf32, #tpu.memory_space<hbm>> -> memref<128x32xf32, #tpu.memory_space<hbm>>
      %dma_wait3A_2088 = arith.constant 0 : i32
      %dma_wait3A_2089 = arith.constant 0 : i32
      %dma_wait3A_2090 = tpu.memref_slice %arg6[%dma_wait3A_2080, %dma_wait3A_2088, %dma_wait3A_2089] : memref<16x128x32xf32, #tpu.memory_space<vmem>> -> memref<1x128x32xf32, #tpu.memory_space<vmem>>
      %dma_wait3A_2091 = tpu.memref_squeeze %dma_wait3A_2090 : memref<1x128x32xf32, #tpu.memory_space<vmem>> -> memref<128x32xf32, #tpu.memory_space<vmem>>
      %dma_wait3A_2092 = arith.constant 0 : i32
      %dma_wait3A_2093 = arith.constant 0 : i32
      %dma_wait3A_2094 = tpu.memref_slice %arg3[%dma_wait3A_2092, %dma_wait3A_2093] : memref<999999x32xf32, #tpu.memory_space<hbm>> -> memref<128x32xf32, #tpu.memory_space<hbm>>
      tpu.wait_dma2 semaphore(%arg9 : memref<!tpu.dma_semaphore, #tpu.memory_space<semaphore_mem>>) src(%dma_wait3A_2094 : memref<128x32xf32, #tpu.memory_space<hbm>>) dst(%dma_wait3A_2091 : memref<128x32xf32, #tpu.memory_space<vmem>>)
      %mul3A_2095 = arith.constant 128 : i32
      %mul3A_2096 = arith.muli %arg1, %mul3A_2095 : i32
      %mul3A_2097 = arith.constant 2 : i32
      %mul3A_2098 = arith.muli %mul3A_2097, %add3A_2079 : i32
      %add3A_2099 = arith.addi %mul3A_2096, %mul3A_2098 : i32
      %broadcast_in_dim3A_2100 = arith.constant 0 : i32
      %broadcast_in_dim3A_2101 = vector.broadcast %broadcast_in_dim3A_2100 : i32 to vector<16xi32>
      %add3A_2102 = arith.constant 0 : i32
      %add3A_2103 = arith.addi %add3A_2099, %add3A_2102 : i32
      %add3A_2104 = vector.broadcast %add3A_2103 : i32 to vector<16xi32>
      %add3A_2105 = arith.addi %broadcast_in_dim3A_2101, %add3A_2104 : vector<16xi32>
      %swap3A_2106 = arith.constant 13 : i32
      %swap3A_2107 = arith.index_cast %swap3A_2106 : i32 to index
      %swap3A_2108 = arith.constant 0 : index
      %swap3A_2109 = tpu.vector_load %arg7[%swap3A_2107, %swap3A_2108] {strides = array<i32>} : memref<16x128xi32, #tpu.memory_space<vmem>>, vector<1x16xi32>,
      %swap3A_2110 = vector.shape_cast %swap3A_2109 : vector<1x16xi32> to vector<16xi32>
      %swap3A_2111 = vector.shape_cast %add3A_2105 : vector<16xi32> to vector<1x16xi32>
      tpu.vector_store %arg7[%swap3A_2107, %swap3A_2108], %swap3A_2111 {strides = array<i32>} : memref<16x128xi32, #tpu.memory_space<vmem>>, vector<1x16xi32>,
      %broadcast_in_dim3A_2112 = arith.constant 0 : i32
      %broadcast_in_dim3A_2113 = vector.broadcast %broadcast_in_dim3A_2112 : i32 to vector<16xi32>
      %add3A_2114 = arith.constant 0 : i32
      %add3A_2115 = arith.addi %add3A_2099, %add3A_2114 : i32
      %add3A_2116 = vector.broadcast %add3A_2115 : i32 to vector<16xi32>
      %add3A_2117 = arith.addi %broadcast_in_dim3A_2113, %add3A_2116 : vector<16xi32>
      %swap3A_2118 = arith.constant 13 : i32
      %swap3A_2119 = arith.index_cast %swap3A_2118 : i32 to index
      %swap3A_2120 = arith.constant 16 : index
      %swap3A_2121 = tpu.vector_load %arg7[%swap3A_2119, %swap3A_2120] {strides = array<i32>} : memref<16x128xi32, #tpu.memory_space<vmem>>, vector<1x16xi32>,
      %swap3A_2122 = vector.shape_cast %swap3A_2121 : vector<1x16xi32> to vector<16xi32>
      %swap3A_2123 = vector.shape_cast %add3A_2117 : vector<16xi32> to vector<1x16xi32>
      tpu.vector_store %arg7[%swap3A_2119, %swap3A_2120], %swap3A_2123 {strides = array<i32>} : memref<16x128xi32, #tpu.memory_space<vmem>>, vector<1x16xi32>,
      %broadcast_in_dim3A_2124 = arith.constant 0 : i32
      %broadcast_in_dim3A_2125 = vector.broadcast %broadcast_in_dim3A_2124 : i32 to vector<16xi32>
      %add3A_2126 = arith.constant 0 : i32
      %add3A_2127 = arith.addi %add3A_2099, %add3A_2126 : i32
      %add3A_2128 = vector.broadcast %add3A_2127 : i32 to vector<16xi32>
      %add3A_2129 = arith.addi %broadcast_in_dim3A_2125, %add3A_2128 : vector<16xi32>
      %swap3A_2130 = arith.constant 13 : i32
      %swap3A_2131 = arith.index_cast %swap3A_2130 : i32 to index
      %swap3A_2132 = arith.constant 32 : index
      %swap3A_2133 = tpu.vector_load %arg7[%swap3A_2131, %swap3A_2132] {strides = array<i32>} : memref<16x128xi32, #tpu.memory_space<vmem>>, vector<1x16xi32>,
      %swap3A_2134 = vector.shape_cast %swap3A_2133 : vector<1x16xi32> to vector<16xi32>
      %swap3A_2135 = vector.shape_cast %add3A_2129 : vector<16xi32> to vector<1x16xi32>
      tpu.vector_store %arg7[%swap3A_2131, %swap3A_2132], %swap3A_2135 {strides = array<i32>} : memref<16x128xi32, #tpu.memory_space<vmem>>, vector<1x16xi32>,
      %broadcast_in_dim3A_2136 = arith.constant 0 : i32
      %broadcast_in_dim3A_2137 = vector.broadcast %broadcast_in_dim3A_2136 : i32 to vector<16xi32>
      %add3A_2138 = arith.constant 0 : i32
      %add3A_2139 = arith.addi %add3A_2099, %add3A_2138 : i32
      %add3A_2140 = vector.broadcast %add3A_2139 : i32 to vector<16xi32>
      %add3A_2141 = arith.addi %broadcast_in_dim3A_2137, %add3A_2140 : vector<16xi32>
      %swap3A_2142 = arith.constant 13 : i32
      %swap3A_2143 = arith.index_cast %swap3A_2142 : i32 to index
      %swap3A_2144 = arith.constant 48 : index
      %swap3A_2145 = tpu.vector_load %arg7[%swap3A_2143, %swap3A_2144] {strides = array<i32>} : memref<16x128xi32, #tpu.memory_space<vmem>>, vector<1x16xi32>,
      %swap3A_2146 = vector.shape_cast %swap3A_2145 : vector<1x16xi32> to vector<16xi32>
      %swap3A_2147 = vector.shape_cast %add3A_2141 : vector<16xi32> to vector<1x16xi32>
      tpu.vector_store %arg7[%swap3A_2143, %swap3A_2144], %swap3A_2147 {strides = array<i32>} : memref<16x128xi32, #tpu.memory_space<vmem>>, vector<1x16xi32>,
      %broadcast_in_dim3A_2148 = arith.constant 0 : i32
      %broadcast_in_dim3A_2149 = vector.broadcast %broadcast_in_dim3A_2148 : i32 to vector<16xi32>
      %add3A_2150 = arith.constant 1 : i32
      %add3A_2151 = arith.addi %add3A_2099, %add3A_2150 : i32
      %add3A_2152 = vector.broadcast %add3A_2151 : i32 to vector<16xi32>
      %add3A_2153 = arith.addi %broadcast_in_dim3A_2149, %add3A_2152 : vector<16xi32>
      %swap3A_2154 = arith.constant 13 : i32
      %swap3A_2155 = arith.index_cast %swap3A_2154 : i32 to index
      %swap3A_2156 = arith.constant 64 : index
      %swap3A_2157 = tpu.vector_load %arg7[%swap3A_2155, %swap3A_2156] {strides = array<i32>} : memref<16x128xi32, #tpu.memory_space<vmem>>, vector<1x16xi32>,
      %swap3A_2158 = vector.shape_cast %swap3A_2157 : vector<1x16xi32> to vector<16xi32>
      %swap3A_2159 = vector.shape_cast %add3A_2153 : vector<16xi32> to vector<1x16xi32>
      tpu.vector_store %arg7[%swap3A_2155, %swap3A_2156], %swap3A_2159 {strides = array<i32>} : memref<16x128xi32, #tpu.memory_space<vmem>>, vector<1x16xi32>,
      %broadcast_in_dim3A_2160 = arith.constant 0 : i32
      %broadcast_in_dim3A_2161 = vector.broadcast %broadcast_in_dim3A_2160 : i32 to vector<16xi32>
      %add3A_2162 = arith.constant 1 : i32
      %add3A_2163 = arith.addi %add3A_2099, %add3A_2162 : i32
      %add3A_2164 = vector.broadcast %add3A_2163 : i32 to vector<16xi32>
      %add3A_2165 = arith.addi %broadcast_in_dim3A_2161, %add3A_2164 : vector<16xi32>
      %swap3A_2166 = arith.constant 13 : i32
      %swap3A_2167 = arith.index_cast %swap3A_2166 : i32 to index
      %swap3A_2168 = arith.constant 80 : index
      %swap3A_2169 = tpu.vector_load %arg7[%swap3A_2167, %swap3A_2168] {strides = array<i32>} : memref<16x128xi32, #tpu.memory_space<vmem>>, vector<1x16xi32>,
      %swap3A_2170 = vector.shape_cast %swap3A_2169 : vector<1x16xi32> to vector<16xi32>
      %swap3A_2171 = vector.shape_cast %add3A_2165 : vector<16xi32> to vector<1x16xi32>
      tpu.vector_store %arg7[%swap3A_2167, %swap3A_2168], %swap3A_2171 {strides = array<i32>} : memref<16x128xi32, #tpu.memory_space<vmem>>, vector<1x16xi32>,
      %broadcast_in_dim3A_2172 = arith.constant 0 : i32
      %broadcast_in_dim3A_2173 = vector.broadcast %broadcast_in_dim3A_2172 : i32 to vector<16xi32>
      %add3A_2174 = arith.constant 1 : i32
      %add3A_2175 = arith.addi %add3A_2099, %add3A_2174 : i32
      %add3A_2176 = vector.broadcast %add3A_2175 : i32 to vector<16xi32>
      %add3A_2177 = arith.addi %broadcast_in_dim3A_2173, %add3A_2176 : vector<16xi32>
      %swap3A_2178 = arith.constant 13 : i32
      %swap3A_2179 = arith.index_cast %swap3A_2178 : i32 to index
      %swap3A_2180 = arith.constant 96 : index
      %swap3A_2181 = tpu.vector_load %arg7[%swap3A_2179, %swap3A_2180] {strides = array<i32>} : memref<16x128xi32, #tpu.memory_space<vmem>>, vector<1x16xi32>,
      %swap3A_2182 = vector.shape_cast %swap3A_2181 : vector<1x16xi32> to vector<16xi32>
      %swap3A_2183 = vector.shape_cast %add3A_2177 : vector<16xi32> to vector<1x16xi32>
      tpu.vector_store %arg7[%swap3A_2179, %swap3A_2180], %swap3A_2183 {strides = array<i32>} : memref<16x128xi32, #tpu.memory_space<vmem>>, vector<1x16xi32>,
      %broadcast_in_dim3A_2184 = arith.constant 0 : i32
      %broadcast_in_dim3A_2185 = vector.broadcast %broadcast_in_dim3A_2184 : i32 to vector<16xi32>
      %add3A_2186 = arith.constant 1 : i32
      %add3A_2187 = arith.addi %add3A_2099, %add3A_2186 : i32
      %add3A_2188 = vector.broadcast %add3A_2187 : i32 to vector<16xi32>
      %add3A_2189 = arith.addi %broadcast_in_dim3A_2185, %add3A_2188 : vector<16xi32>
      %swap3A_2190 = arith.constant 13 : i32
      %swap3A_2191 = arith.index_cast %swap3A_2190 : i32 to index
      %swap3A_2192 = arith.constant 112 : index
      %swap3A_2193 = tpu.vector_load %arg7[%swap3A_2191, %swap3A_2192] {strides = array<i32>} : memref<16x128xi32, #tpu.memory_space<vmem>>, vector<1x16xi32>,
      %swap3A_2194 = vector.shape_cast %swap3A_2193 : vector<1x16xi32> to vector<16xi32>
      %swap3A_2195 = vector.shape_cast %add3A_2189 : vector<16xi32> to vector<1x16xi32>
      tpu.vector_store %arg7[%swap3A_2191, %swap3A_2192], %swap3A_2195 {strides = array<i32>} : memref<16x128xi32, #tpu.memory_space<vmem>>, vector<1x16xi32>,
      %dma_start3A_2196 = arith.constant 13 : i32
      %dma_start3A_2197 = arith.constant 13 : i32
      %dma_start3A_2198 = arith.constant 0 : i32
      %dma_start3A_2199 = arith.constant 0 : i32
      %dma_start3A_2200 = tpu.memref_slice %arg6[%dma_start3A_2196, %dma_start3A_2198, %dma_start3A_2199] : memref<16x128x32xf32, #tpu.memory_space<vmem>> -> memref<1x128x32xf32, #tpu.memory_space<vmem>>
      %dma_start3A_2201 = tpu.memref_squeeze %dma_start3A_2200 : memref<1x128x32xf32, #tpu.memory_space<vmem>> -> memref<128x32xf32, #tpu.memory_space<vmem>>
      %dma_start3A_2202 = arith.constant 0 : i32
      %dma_start3A_2203 = tpu.memref_slice %arg7[%dma_start3A_2197, %dma_start3A_2202] : memref<16x128xi32, #tpu.memory_space<vmem>> -> memref<1x128xi32, #tpu.memory_space<vmem>>
      %dma_start3A_2204 = tpu.memref_squeeze %dma_start3A_2203 : memref<1x128xi32, #tpu.memory_space<vmem>> -> memref<128xi32, #tpu.memory_space<vmem>>
      %dma_start3A_2205 = arith.constant 0 : i32
      %dma_start3A_2206 = arith.constant 0 : i32
      %dma_start3A_2207 = tpu.memref_slice %arg8[%dma_start3A_2205, %dma_start3A_2206] : memref<2048x32xf32, #tpu.memory_space<vmem_shared>> -> memref<2048x32xf32, #tpu.memory_space<vmem_shared>>
      tpu.enqueue_indirect_dma source(%dma_start3A_2201 : memref<128x32xf32, #tpu.memory_space<vmem>>) target(%dma_start3A_2207 : memref<2048x32xf32, #tpu.memory_space<vmem_shared>>) offsets(%dma_start3A_2204 : memref<128xi32, #tpu.memory_space<vmem>>) semaphore(%arg10 : memref<!tpu.dma_semaphore, #tpu.memory_space<semaphore_mem>>) {add = true}
      %ge3A_2208 = arith.constant 5 : i32
      %ge3A_2209 = arith.cmpi sge, %add3A_2079, %ge3A_2208 : i32
      %convert_element_type3A_2210 = arith.extui %ge3A_2209 : i1 to i32
      %cond3A_2211 = arith.constant 0 : i32
      %cond3A_2212 = arith.cmpi ne, %convert_element_type3A_2210, %cond3A_2211 : i32
      scf.if %cond3A_2212 {
        %dma_wait3A_2508 = arith.constant 13 : i32
        %dma_wait3A_2509 = arith.constant 0 : i32
        %dma_wait3A_2510 = arith.constant 0 : i32
        %dma_wait3A_2511 = tpu.memref_slice %arg6[%dma_wait3A_2508, %dma_wait3A_2509, %dma_wait3A_2510] : memref<16x128x32xf32, #tpu.memory_space<vmem>> -> memref<1x128x32xf32, #tpu.memory_space<vmem>>
        %dma_wait3A_2512 = tpu.memref_squeeze %dma_wait3A_2511 : memref<1x128x32xf32, #tpu.memory_space<vmem>> -> memref<128x32xf32, #tpu.memory_space<vmem>>
        %dma_wait3A_2513 = arith.constant 0 : i32
        %dma_wait3A_2514 = arith.constant 0 : i32
        %dma_wait3A_2515 = tpu.memref_slice %arg8[%dma_wait3A_2513, %dma_wait3A_2514] : memref<2048x32xf32, #tpu.memory_space<vmem_shared>> -> memref<128x32xf32, #tpu.memory_space<vmem_shared>>
        %dma_wait3A_2516 = arith.constant 0 : i32
        %dma_wait3A_2517 = arith.constant 0 : i32
        %dma_wait3A_2518 = tpu.memref_slice %arg8[%dma_wait3A_2516, %dma_wait3A_2517] : memref<2048x32xf32, #tpu.memory_space<vmem_shared>> -> memref<128x32xf32, #tpu.memory_space<vmem_shared>>
        %dma_wait3A_2519 = arith.constant 0 : i32
        %dma_wait3A_2520 = arith.constant 0 : i32
        %dma_wait3A_2521 = tpu.memref_slice %arg6[%dma_wait3A_2508, %dma_wait3A_2519, %dma_wait3A_2520] : memref<16x128x32xf32, #tpu.memory_space<vmem>> -> memref<1x128x32xf32, #tpu.memory_space<vmem>>
        %dma_wait3A_2522 = tpu.memref_squeeze %dma_wait3A_2521 : memref<1x128x32xf32, #tpu.memory_space<vmem>> -> memref<128x32xf32, #tpu.memory_space<vmem>>
        tpu.wait_dma2 semaphore(%arg10 : memref<!tpu.dma_semaphore, #tpu.memory_space<semaphore_mem>>) src(%dma_wait3A_2522 : memref<128x32xf32, #tpu.memory_space<vmem>>) dst(%dma_wait3A_2518 : memref<128x32xf32, #tpu.memory_space<vmem_shared>>)
      } else {
      }
      %add3A_2213 = arith.constant 11 : i32
      %add3A_2214 = arith.addi %add3A_2079, %add3A_2213 : i32
      %lt3A_2215 = arith.constant 64 : i32
      %lt3A_2216 = arith.cmpi slt, %add3A_2214, %lt3A_2215 : i32
      %convert_element_type3A_2217 = arith.extui %lt3A_2216 : i1 to i32
      %cond3A_2218 = arith.constant 0 : i32
      %cond3A_2219 = arith.cmpi ne, %convert_element_type3A_2217, %cond3A_2218 : i32
      scf.if %cond3A_2219 {
        %add3A_2508 = arith.constant 11 : i32
        %add3A_2509 = arith.addi %add3A_2079, %add3A_2508 : i32
        %mul3A_2510 = arith.constant 128 : i32
        %mul3A_2511 = arith.muli %add3A_2509, %mul3A_2510 : i32
        %dma_start3A_2512 = arith.constant 8 : i32
        %dma_start3A_2513 = arith.constant 0 : i32
        %dma_start3A_2514 = arith.constant 0 : i32
        %dma_start3A_2515 = tpu.memref_slice %arg6[%dma_start3A_2512, %dma_start3A_2513, %dma_start3A_2514] : memref<16x128x32xf32, #tpu.memory_space<vmem>> -> memref<1x128x32xf32, #tpu.memory_space<vmem>>
        %dma_start3A_2516 = tpu.memref_squeeze %dma_start3A_2515 : memref<1x128x32xf32, #tpu.memory_space<vmem>> -> memref<128x32xf32, #tpu.memory_space<vmem>>
        %dma_start3A_2517 = tpu.memref_slice %arg5[%mul3A_2511] : memref<8192xi32, #tpu.memory_space<vmem>> -> memref<128xi32, #tpu.memory_space<vmem>>
        %dma_start3A_2518 = arith.constant 0 : i32
        %dma_start3A_2519 = arith.constant 0 : i32
        %dma_start3A_2520 = tpu.memref_slice %arg3[%dma_start3A_2518, %dma_start3A_2519] : memref<999999x32xf32, #tpu.memory_space<hbm>> -> memref<999999x32xf32, #tpu.memory_space<hbm>>
        tpu.enqueue_indirect_dma source(%dma_start3A_2520 : memref<999999x32xf32, #tpu.memory_space<hbm>>) target(%dma_start3A_2516 : memref<128x32xf32, #tpu.memory_space<vmem>>) offsets(%dma_start3A_2517 : memref<128xi32, #tpu.memory_space<vmem>>) semaphore(%arg9 : memref<!tpu.dma_semaphore, #tpu.memory_space<semaphore_mem>>)
      } else {
      }
      %mul3A_2220 = arith.constant 16 : i32
      %mul3A_2221 = arith.muli %scan3A_209, %mul3A_2220 : i32
      %add3A_2222 = arith.constant 14 : i32
      %add3A_2223 = arith.addi %mul3A_2221, %add3A_2222 : i32
      %dma_wait3A_2224 = arith.constant 14 : i32
      %dma_wait3A_2225 = arith.constant 0 : i32
      %dma_wait3A_2226 = arith.constant 0 : i32
      %dma_wait3A_2227 = tpu.memref_slice %arg6[%dma_wait3A_2224, %dma_wait3A_2225, %dma_wait3A_2226] : memref<16x128x32xf32, #tpu.memory_space<vmem>> -> memref<1x128x32xf32, #tpu.memory_space<vmem>>
      %dma_wait3A_2228 = tpu.memref_squeeze %dma_wait3A_2227 : memref<1x128x32xf32, #tpu.memory_space<vmem>> -> memref<128x32xf32, #tpu.memory_space<vmem>>
      %dma_wait3A_2229 = arith.constant 0 : i32
      %dma_wait3A_2230 = arith.constant 0 : i32
      %dma_wait3A_2231 = tpu.memref_slice %arg3[%dma_wait3A_2229, %dma_wait3A_2230] : memref<999999x32xf32, #tpu.memory_space<hbm>> -> memref<128x32xf32, #tpu.memory_space<hbm>>
      %dma_wait3A_2232 = arith.constant 0 : i32
      %dma_wait3A_2233 = arith.constant 0 : i32
      %dma_wait3A_2234 = tpu.memref_slice %arg6[%dma_wait3A_2224, %dma_wait3A_2232, %dma_wait3A_2233] : memref<16x128x32xf32, #tpu.memory_space<vmem>> -> memref<1x128x32xf32, #tpu.memory_space<vmem>>
      %dma_wait3A_2235 = tpu.memref_squeeze %dma_wait3A_2234 : memref<1x128x32xf32, #tpu.memory_space<vmem>> -> memref<128x32xf32, #tpu.memory_space<vmem>>
      %dma_wait3A_2236 = arith.constant 0 : i32
      %dma_wait3A_2237 = arith.constant 0 : i32
      %dma_wait3A_2238 = tpu.memref_slice %arg3[%dma_wait3A_2236, %dma_wait3A_2237] : memref<999999x32xf32, #tpu.memory_space<hbm>> -> memref<128x32xf32, #tpu.memory_space<hbm>>
      tpu.wait_dma2 semaphore(%arg9 : memref<!tpu.dma_semaphore, #tpu.memory_space<semaphore_mem>>) src(%dma_wait3A_2238 : memref<128x32xf32, #tpu.memory_space<hbm>>) dst(%dma_wait3A_2235 : memref<128x32xf32, #tpu.memory_space<vmem>>)
      %mul3A_2239 = arith.constant 128 : i32
      %mul3A_2240 = arith.muli %arg1, %mul3A_2239 : i32
      %mul3A_2241 = arith.constant 2 : i32
      %mul3A_2242 = arith.muli %mul3A_2241, %add3A_2223 : i32
      %add3A_2243 = arith.addi %mul3A_2240, %mul3A_2242 : i32
      %broadcast_in_dim3A_2244 = arith.constant 0 : i32
      %broadcast_in_dim3A_2245 = vector.broadcast %broadcast_in_dim3A_2244 : i32 to vector<16xi32>
      %add3A_2246 = arith.constant 0 : i32
      %add3A_2247 = arith.addi %add3A_2243, %add3A_2246 : i32
      %add3A_2248 = vector.broadcast %add3A_2247 : i32 to vector<16xi32>
      %add3A_2249 = arith.addi %broadcast_in_dim3A_2245, %add3A_2248 : vector<16xi32>
      %swap3A_2250 = arith.constant 14 : i32
      %swap3A_2251 = arith.index_cast %swap3A_2250 : i32 to index
      %swap3A_2252 = arith.constant 0 : index
      %swap3A_2253 = tpu.vector_load %arg7[%swap3A_2251, %swap3A_2252] {strides = array<i32>} : memref<16x128xi32, #tpu.memory_space<vmem>>, vector<1x16xi32>,
      %swap3A_2254 = vector.shape_cast %swap3A_2253 : vector<1x16xi32> to vector<16xi32>
      %swap3A_2255 = vector.shape_cast %add3A_2249 : vector<16xi32> to vector<1x16xi32>
      tpu.vector_store %arg7[%swap3A_2251, %swap3A_2252], %swap3A_2255 {strides = array<i32>} : memref<16x128xi32, #tpu.memory_space<vmem>>, vector<1x16xi32>,
      %broadcast_in_dim3A_2256 = arith.constant 0 : i32
      %broadcast_in_dim3A_2257 = vector.broadcast %broadcast_in_dim3A_2256 : i32 to vector<16xi32>
      %add3A_2258 = arith.constant 0 : i32
      %add3A_2259 = arith.addi %add3A_2243, %add3A_2258 : i32
      %add3A_2260 = vector.broadcast %add3A_2259 : i32 to vector<16xi32>
      %add3A_2261 = arith.addi %broadcast_in_dim3A_2257, %add3A_2260 : vector<16xi32>
      %swap3A_2262 = arith.constant 14 : i32
      %swap3A_2263 = arith.index_cast %swap3A_2262 : i32 to index
      %swap3A_2264 = arith.constant 16 : index
      %swap3A_2265 = tpu.vector_load %arg7[%swap3A_2263, %swap3A_2264] {strides = array<i32>} : memref<16x128xi32, #tpu.memory_space<vmem>>, vector<1x16xi32>,
      %swap3A_2266 = vector.shape_cast %swap3A_2265 : vector<1x16xi32> to vector<16xi32>
      %swap3A_2267 = vector.shape_cast %add3A_2261 : vector<16xi32> to vector<1x16xi32>
      tpu.vector_store %arg7[%swap3A_2263, %swap3A_2264], %swap3A_2267 {strides = array<i32>} : memref<16x128xi32, #tpu.memory_space<vmem>>, vector<1x16xi32>,
      %broadcast_in_dim3A_2268 = arith.constant 0 : i32
      %broadcast_in_dim3A_2269 = vector.broadcast %broadcast_in_dim3A_2268 : i32 to vector<16xi32>
      %add3A_2270 = arith.constant 0 : i32
      %add3A_2271 = arith.addi %add3A_2243, %add3A_2270 : i32
      %add3A_2272 = vector.broadcast %add3A_2271 : i32 to vector<16xi32>
      %add3A_2273 = arith.addi %broadcast_in_dim3A_2269, %add3A_2272 : vector<16xi32>
      %swap3A_2274 = arith.constant 14 : i32
      %swap3A_2275 = arith.index_cast %swap3A_2274 : i32 to index
      %swap3A_2276 = arith.constant 32 : index
      %swap3A_2277 = tpu.vector_load %arg7[%swap3A_2275, %swap3A_2276] {strides = array<i32>} : memref<16x128xi32, #tpu.memory_space<vmem>>, vector<1x16xi32>,
      %swap3A_2278 = vector.shape_cast %swap3A_2277 : vector<1x16xi32> to vector<16xi32>
      %swap3A_2279 = vector.shape_cast %add3A_2273 : vector<16xi32> to vector<1x16xi32>
      tpu.vector_store %arg7[%swap3A_2275, %swap3A_2276], %swap3A_2279 {strides = array<i32>} : memref<16x128xi32, #tpu.memory_space<vmem>>, vector<1x16xi32>,
      %broadcast_in_dim3A_2280 = arith.constant 0 : i32
      %broadcast_in_dim3A_2281 = vector.broadcast %broadcast_in_dim3A_2280 : i32 to vector<16xi32>
      %add3A_2282 = arith.constant 0 : i32
      %add3A_2283 = arith.addi %add3A_2243, %add3A_2282 : i32
      %add3A_2284 = vector.broadcast %add3A_2283 : i32 to vector<16xi32>
      %add3A_2285 = arith.addi %broadcast_in_dim3A_2281, %add3A_2284 : vector<16xi32>
      %swap3A_2286 = arith.constant 14 : i32
      %swap3A_2287 = arith.index_cast %swap3A_2286 : i32 to index
      %swap3A_2288 = arith.constant 48 : index
      %swap3A_2289 = tpu.vector_load %arg7[%swap3A_2287, %swap3A_2288] {strides = array<i32>} : memref<16x128xi32, #tpu.memory_space<vmem>>, vector<1x16xi32>,
      %swap3A_2290 = vector.shape_cast %swap3A_2289 : vector<1x16xi32> to vector<16xi32>
      %swap3A_2291 = vector.shape_cast %add3A_2285 : vector<16xi32> to vector<1x16xi32>
      tpu.vector_store %arg7[%swap3A_2287, %swap3A_2288], %swap3A_2291 {strides = array<i32>} : memref<16x128xi32, #tpu.memory_space<vmem>>, vector<1x16xi32>,
      %broadcast_in_dim3A_2292 = arith.constant 0 : i32
      %broadcast_in_dim3A_2293 = vector.broadcast %broadcast_in_dim3A_2292 : i32 to vector<16xi32>
      %add3A_2294 = arith.constant 1 : i32
      %add3A_2295 = arith.addi %add3A_2243, %add3A_2294 : i32
      %add3A_2296 = vector.broadcast %add3A_2295 : i32 to vector<16xi32>
      %add3A_2297 = arith.addi %broadcast_in_dim3A_2293, %add3A_2296 : vector<16xi32>
      %swap3A_2298 = arith.constant 14 : i32
      %swap3A_2299 = arith.index_cast %swap3A_2298 : i32 to index
      %swap3A_2300 = arith.constant 64 : index
      %swap3A_2301 = tpu.vector_load %arg7[%swap3A_2299, %swap3A_2300] {strides = array<i32>} : memref<16x128xi32, #tpu.memory_space<vmem>>, vector<1x16xi32>,
      %swap3A_2302 = vector.shape_cast %swap3A_2301 : vector<1x16xi32> to vector<16xi32>
      %swap3A_2303 = vector.shape_cast %add3A_2297 : vector<16xi32> to vector<1x16xi32>
      tpu.vector_store %arg7[%swap3A_2299, %swap3A_2300], %swap3A_2303 {strides = array<i32>} : memref<16x128xi32, #tpu.memory_space<vmem>>, vector<1x16xi32>,
      %broadcast_in_dim3A_2304 = arith.constant 0 : i32
      %broadcast_in_dim3A_2305 = vector.broadcast %broadcast_in_dim3A_2304 : i32 to vector<16xi32>
      %add3A_2306 = arith.constant 1 : i32
      %add3A_2307 = arith.addi %add3A_2243, %add3A_2306 : i32
      %add3A_2308 = vector.broadcast %add3A_2307 : i32 to vector<16xi32>
      %add3A_2309 = arith.addi %broadcast_in_dim3A_2305, %add3A_2308 : vector<16xi32>
      %swap3A_2310 = arith.constant 14 : i32
      %swap3A_2311 = arith.index_cast %swap3A_2310 : i32 to index
      %swap3A_2312 = arith.constant 80 : index
      %swap3A_2313 = tpu.vector_load %arg7[%swap3A_2311, %swap3A_2312] {strides = array<i32>} : memref<16x128xi32, #tpu.memory_space<vmem>>, vector<1x16xi32>,
      %swap3A_2314 = vector.shape_cast %swap3A_2313 : vector<1x16xi32> to vector<16xi32>
      %swap3A_2315 = vector.shape_cast %add3A_2309 : vector<16xi32> to vector<1x16xi32>
      tpu.vector_store %arg7[%swap3A_2311, %swap3A_2312], %swap3A_2315 {strides = array<i32>} : memref<16x128xi32, #tpu.memory_space<vmem>>, vector<1x16xi32>,
      %broadcast_in_dim3A_2316 = arith.constant 0 : i32
      %broadcast_in_dim3A_2317 = vector.broadcast %broadcast_in_dim3A_2316 : i32 to vector<16xi32>
      %add3A_2318 = arith.constant 1 : i32
      %add3A_2319 = arith.addi %add3A_2243, %add3A_2318 : i32
      %add3A_2320 = vector.broadcast %add3A_2319 : i32 to vector<16xi32>
      %add3A_2321 = arith.addi %broadcast_in_dim3A_2317, %add3A_2320 : vector<16xi32>
      %swap3A_2322 = arith.constant 14 : i32
      %swap3A_2323 = arith.index_cast %swap3A_2322 : i32 to index
      %swap3A_2324 = arith.constant 96 : index
      %swap3A_2325 = tpu.vector_load %arg7[%swap3A_2323, %swap3A_2324] {strides = array<i32>} : memref<16x128xi32, #tpu.memory_space<vmem>>, vector<1x16xi32>,
      %swap3A_2326 = vector.shape_cast %swap3A_2325 : vector<1x16xi32> to vector<16xi32>
      %swap3A_2327 = vector.shape_cast %add3A_2321 : vector<16xi32> to vector<1x16xi32>
      tpu.vector_store %arg7[%swap3A_2323, %swap3A_2324], %swap3A_2327 {strides = array<i32>} : memref<16x128xi32, #tpu.memory_space<vmem>>, vector<1x16xi32>,
      %broadcast_in_dim3A_2328 = arith.constant 0 : i32
      %broadcast_in_dim3A_2329 = vector.broadcast %broadcast_in_dim3A_2328 : i32 to vector<16xi32>
      %add3A_2330 = arith.constant 1 : i32
      %add3A_2331 = arith.addi %add3A_2243, %add3A_2330 : i32
      %add3A_2332 = vector.broadcast %add3A_2331 : i32 to vector<16xi32>
      %add3A_2333 = arith.addi %broadcast_in_dim3A_2329, %add3A_2332 : vector<16xi32>
      %swap3A_2334 = arith.constant 14 : i32
      %swap3A_2335 = arith.index_cast %swap3A_2334 : i32 to index
      %swap3A_2336 = arith.constant 112 : index
      %swap3A_2337 = tpu.vector_load %arg7[%swap3A_2335, %swap3A_2336] {strides = array<i32>} : memref<16x128xi32, #tpu.memory_space<vmem>>, vector<1x16xi32>,
      %swap3A_2338 = vector.shape_cast %swap3A_2337 : vector<1x16xi32> to vector<16xi32>
      %swap3A_2339 = vector.shape_cast %add3A_2333 : vector<16xi32> to vector<1x16xi32>
      tpu.vector_store %arg7[%swap3A_2335, %swap3A_2336], %swap3A_2339 {strides = array<i32>} : memref<16x128xi32, #tpu.memory_space<vmem>>, vector<1x16xi32>,
      %dma_start3A_2340 = arith.constant 14 : i32
      %dma_start3A_2341 = arith.constant 14 : i32
      %dma_start3A_2342 = arith.constant 0 : i32
      %dma_start3A_2343 = arith.constant 0 : i32
      %dma_start3A_2344 = tpu.memref_slice %arg6[%dma_start3A_2340, %dma_start3A_2342, %dma_start3A_2343] : memref<16x128x32xf32, #tpu.memory_space<vmem>> -> memref<1x128x32xf32, #tpu.memory_space<vmem>>
      %dma_start3A_2345 = tpu.memref_squeeze %dma_start3A_2344 : memref<1x128x32xf32, #tpu.memory_space<vmem>> -> memref<128x32xf32, #tpu.memory_space<vmem>>
      %dma_start3A_2346 = arith.constant 0 : i32
      %dma_start3A_2347 = tpu.memref_slice %arg7[%dma_start3A_2341, %dma_start3A_2346] : memref<16x128xi32, #tpu.memory_space<vmem>> -> memref<1x128xi32, #tpu.memory_space<vmem>>
      %dma_start3A_2348 = tpu.memref_squeeze %dma_start3A_2347 : memref<1x128xi32, #tpu.memory_space<vmem>> -> memref<128xi32, #tpu.memory_space<vmem>>
      %dma_start3A_2349 = arith.constant 0 : i32
      %dma_start3A_2350 = arith.constant 0 : i32
      %dma_start3A_2351 = tpu.memref_slice %arg8[%dma_start3A_2349, %dma_start3A_2350] : memref<2048x32xf32, #tpu.memory_space<vmem_shared>> -> memref<2048x32xf32, #tpu.memory_space<vmem_shared>>
      tpu.enqueue_indirect_dma source(%dma_start3A_2345 : memref<128x32xf32, #tpu.memory_space<vmem>>) target(%dma_start3A_2351 : memref<2048x32xf32, #tpu.memory_space<vmem_shared>>) offsets(%dma_start3A_2348 : memref<128xi32, #tpu.memory_space<vmem>>) semaphore(%arg10 : memref<!tpu.dma_semaphore, #tpu.memory_space<semaphore_mem>>) {add = true}
      %ge3A_2352 = arith.constant 5 : i32
      %ge3A_2353 = arith.cmpi sge, %add3A_2223, %ge3A_2352 : i32
      %convert_element_type3A_2354 = arith.extui %ge3A_2353 : i1 to i32
      %cond3A_2355 = arith.constant 0 : i32
      %cond3A_2356 = arith.cmpi ne, %convert_element_type3A_2354, %cond3A_2355 : i32
      scf.if %cond3A_2356 {
        %dma_wait3A_2508 = arith.constant 14 : i32
        %dma_wait3A_2509 = arith.constant 0 : i32
        %dma_wait3A_2510 = arith.constant 0 : i32
        %dma_wait3A_2511 = tpu.memref_slice %arg6[%dma_wait3A_2508, %dma_wait3A_2509, %dma_wait3A_2510] : memref<16x128x32xf32, #tpu.memory_space<vmem>> -> memref<1x128x32xf32, #tpu.memory_space<vmem>>
        %dma_wait3A_2512 = tpu.memref_squeeze %dma_wait3A_2511 : memref<1x128x32xf32, #tpu.memory_space<vmem>> -> memref<128x32xf32, #tpu.memory_space<vmem>>
        %dma_wait3A_2513 = arith.constant 0 : i32
        %dma_wait3A_2514 = arith.constant 0 : i32
        %dma_wait3A_2515 = tpu.memref_slice %arg8[%dma_wait3A_2513, %dma_wait3A_2514] : memref<2048x32xf32, #tpu.memory_space<vmem_shared>> -> memref<128x32xf32, #tpu.memory_space<vmem_shared>>
        %dma_wait3A_2516 = arith.constant 0 : i32
        %dma_wait3A_2517 = arith.constant 0 : i32
        %dma_wait3A_2518 = tpu.memref_slice %arg8[%dma_wait3A_2516, %dma_wait3A_2517] : memref<2048x32xf32, #tpu.memory_space<vmem_shared>> -> memref<128x32xf32, #tpu.memory_space<vmem_shared>>
        %dma_wait3A_2519 = arith.constant 0 : i32
        %dma_wait3A_2520 = arith.constant 0 : i32
        %dma_wait3A_2521 = tpu.memref_slice %arg6[%dma_wait3A_2508, %dma_wait3A_2519, %dma_wait3A_2520] : memref<16x128x32xf32, #tpu.memory_space<vmem>> -> memref<1x128x32xf32, #tpu.memory_space<vmem>>
        %dma_wait3A_2522 = tpu.memref_squeeze %dma_wait3A_2521 : memref<1x128x32xf32, #tpu.memory_space<vmem>> -> memref<128x32xf32, #tpu.memory_space<vmem>>
        tpu.wait_dma2 semaphore(%arg10 : memref<!tpu.dma_semaphore, #tpu.memory_space<semaphore_mem>>) src(%dma_wait3A_2522 : memref<128x32xf32, #tpu.memory_space<vmem>>) dst(%dma_wait3A_2518 : memref<128x32xf32, #tpu.memory_space<vmem_shared>>)
      } else {
      }
      %add3A_2357 = arith.constant 11 : i32
      %add3A_2358 = arith.addi %add3A_2223, %add3A_2357 : i32
      %lt3A_2359 = arith.constant 64 : i32
      %lt3A_2360 = arith.cmpi slt, %add3A_2358, %lt3A_2359 : i32
      %convert_element_type3A_2361 = arith.extui %lt3A_2360 : i1 to i32
      %cond3A_2362 = arith.constant 0 : i32
      %cond3A_2363 = arith.cmpi ne, %convert_element_type3A_2361, %cond3A_2362 : i32
      scf.if %cond3A_2363 {
        %add3A_2508 = arith.constant 11 : i32
        %add3A_2509 = arith.addi %add3A_2223, %add3A_2508 : i32
        %mul3A_2510 = arith.constant 128 : i32
        %mul3A_2511 = arith.muli %add3A_2509, %mul3A_2510 : i32
        %dma_start3A_2512 = arith.constant 9 : i32
        %dma_start3A_2513 = arith.constant 0 : i32
        %dma_start3A_2514 = arith.constant 0 : i32
        %dma_start3A_2515 = tpu.memref_slice %arg6[%dma_start3A_2512, %dma_start3A_2513, %dma_start3A_2514] : memref<16x128x32xf32, #tpu.memory_space<vmem>> -> memref<1x128x32xf32, #tpu.memory_space<vmem>>
        %dma_start3A_2516 = tpu.memref_squeeze %dma_start3A_2515 : memref<1x128x32xf32, #tpu.memory_space<vmem>> -> memref<128x32xf32, #tpu.memory_space<vmem>>
        %dma_start3A_2517 = tpu.memref_slice %arg5[%mul3A_2511] : memref<8192xi32, #tpu.memory_space<vmem>> -> memref<128xi32, #tpu.memory_space<vmem>>
        %dma_start3A_2518 = arith.constant 0 : i32
        %dma_start3A_2519 = arith.constant 0 : i32
        %dma_start3A_2520 = tpu.memref_slice %arg3[%dma_start3A_2518, %dma_start3A_2519] : memref<999999x32xf32, #tpu.memory_space<hbm>> -> memref<999999x32xf32, #tpu.memory_space<hbm>>
        tpu.enqueue_indirect_dma source(%dma_start3A_2520 : memref<999999x32xf32, #tpu.memory_space<hbm>>) target(%dma_start3A_2516 : memref<128x32xf32, #tpu.memory_space<vmem>>) offsets(%dma_start3A_2517 : memref<128xi32, #tpu.memory_space<vmem>>) semaphore(%arg9 : memref<!tpu.dma_semaphore, #tpu.memory_space<semaphore_mem>>)
      } else {
      }
      %mul3A_2364 = arith.constant 16 : i32
      %mul3A_2365 = arith.muli %scan3A_209, %mul3A_2364 : i32
      %add3A_2366 = arith.constant 15 : i32
      %add3A_2367 = arith.addi %mul3A_2365, %add3A_2366 : i32
      %dma_wait3A_2368 = arith.constant 15 : i32
      %dma_wait3A_2369 = arith.constant 0 : i32
      %dma_wait3A_2370 = arith.constant 0 : i32
      %dma_wait3A_2371 = tpu.memref_slice %arg6[%dma_wait3A_2368, %dma_wait3A_2369, %dma_wait3A_2370] : memref<16x128x32xf32, #tpu.memory_space<vmem>> -> memref<1x128x32xf32, #tpu.memory_space<vmem>>
      %dma_wait3A_2372 = tpu.memref_squeeze %dma_wait3A_2371 : memref<1x128x32xf32, #tpu.memory_space<vmem>> -> memref<128x32xf32, #tpu.memory_space<vmem>>
      %dma_wait3A_2373 = arith.constant 0 : i32
      %dma_wait3A_2374 = arith.constant 0 : i32
      %dma_wait3A_2375 = tpu.memref_slice %arg3[%dma_wait3A_2373, %dma_wait3A_2374] : memref<999999x32xf32, #tpu.memory_space<hbm>> -> memref<128x32xf32, #tpu.memory_space<hbm>>
      %dma_wait3A_2376 = arith.constant 0 : i32
      %dma_wait3A_2377 = arith.constant 0 : i32
      %dma_wait3A_2378 = tpu.memref_slice %arg6[%dma_wait3A_2368, %dma_wait3A_2376, %dma_wait3A_2377] : memref<16x128x32xf32, #tpu.memory_space<vmem>> -> memref<1x128x32xf32, #tpu.memory_space<vmem>>
      %dma_wait3A_2379 = tpu.memref_squeeze %dma_wait3A_2378 : memref<1x128x32xf32, #tpu.memory_space<vmem>> -> memref<128x32xf32, #tpu.memory_space<vmem>>
      %dma_wait3A_2380 = arith.constant 0 : i32
      %dma_wait3A_2381 = arith.constant 0 : i32
      %dma_wait3A_2382 = tpu.memref_slice %arg3[%dma_wait3A_2380, %dma_wait3A_2381] : memref<999999x32xf32, #tpu.memory_space<hbm>> -> memref<128x32xf32, #tpu.memory_space<hbm>>
      tpu.wait_dma2 semaphore(%arg9 : memref<!tpu.dma_semaphore, #tpu.memory_space<semaphore_mem>>) src(%dma_wait3A_2382 : memref<128x32xf32, #tpu.memory_space<hbm>>) dst(%dma_wait3A_2379 : memref<128x32xf32, #tpu.memory_space<vmem>>)
      %mul3A_2383 = arith.constant 128 : i32
      %mul3A_2384 = arith.muli %arg1, %mul3A_2383 : i32
      %mul3A_2385 = arith.constant 2 : i32
      %mul3A_2386 = arith.muli %mul3A_2385, %add3A_2367 : i32
      %add3A_2387 = arith.addi %mul3A_2384, %mul3A_2386 : i32
      %broadcast_in_dim3A_2388 = arith.constant 0 : i32
      %broadcast_in_dim3A_2389 = vector.broadcast %broadcast_in_dim3A_2388 : i32 to vector<16xi32>
      %add3A_2390 = arith.constant 0 : i32
      %add3A_2391 = arith.addi %add3A_2387, %add3A_2390 : i32
      %add3A_2392 = vector.broadcast %add3A_2391 : i32 to vector<16xi32>
      %add3A_2393 = arith.addi %broadcast_in_dim3A_2389, %add3A_2392 : vector<16xi32>
      %swap3A_2394 = arith.constant 15 : i32
      %swap3A_2395 = arith.index_cast %swap3A_2394 : i32 to index
      %swap3A_2396 = arith.constant 0 : index
      %swap3A_2397 = tpu.vector_load %arg7[%swap3A_2395, %swap3A_2396] {strides = array<i32>} : memref<16x128xi32, #tpu.memory_space<vmem>>, vector<1x16xi32>,
      %swap3A_2398 = vector.shape_cast %swap3A_2397 : vector<1x16xi32> to vector<16xi32>
      %swap3A_2399 = vector.shape_cast %add3A_2393 : vector<16xi32> to vector<1x16xi32>
      tpu.vector_store %arg7[%swap3A_2395, %swap3A_2396], %swap3A_2399 {strides = array<i32>} : memref<16x128xi32, #tpu.memory_space<vmem>>, vector<1x16xi32>,
      %broadcast_in_dim3A_2400 = arith.constant 0 : i32
      %broadcast_in_dim3A_2401 = vector.broadcast %broadcast_in_dim3A_2400 : i32 to vector<16xi32>
      %add3A_2402 = arith.constant 0 : i32
      %add3A_2403 = arith.addi %add3A_2387, %add3A_2402 : i32
      %add3A_2404 = vector.broadcast %add3A_2403 : i32 to vector<16xi32>
      %add3A_2405 = arith.addi %broadcast_in_dim3A_2401, %add3A_2404 : vector<16xi32>
      %swap3A_2406 = arith.constant 15 : i32
      %swap3A_2407 = arith.index_cast %swap3A_2406 : i32 to index
      %swap3A_2408 = arith.constant 16 : index
      %swap3A_2409 = tpu.vector_load %arg7[%swap3A_2407, %swap3A_2408] {strides = array<i32>} : memref<16x128xi32, #tpu.memory_space<vmem>>, vector<1x16xi32>,
      %swap3A_2410 = vector.shape_cast %swap3A_2409 : vector<1x16xi32> to vector<16xi32>
      %swap3A_2411 = vector.shape_cast %add3A_2405 : vector<16xi32> to vector<1x16xi32>
      tpu.vector_store %arg7[%swap3A_2407, %swap3A_2408], %swap3A_2411 {strides = array<i32>} : memref<16x128xi32, #tpu.memory_space<vmem>>, vector<1x16xi32>,
      %broadcast_in_dim3A_2412 = arith.constant 0 : i32
      %broadcast_in_dim3A_2413 = vector.broadcast %broadcast_in_dim3A_2412 : i32 to vector<16xi32>
      %add3A_2414 = arith.constant 0 : i32
      %add3A_2415 = arith.addi %add3A_2387, %add3A_2414 : i32
      %add3A_2416 = vector.broadcast %add3A_2415 : i32 to vector<16xi32>
      %add3A_2417 = arith.addi %broadcast_in_dim3A_2413, %add3A_2416 : vector<16xi32>
      %swap3A_2418 = arith.constant 15 : i32
      %swap3A_2419 = arith.index_cast %swap3A_2418 : i32 to index
      %swap3A_2420 = arith.constant 32 : index
      %swap3A_2421 = tpu.vector_load %arg7[%swap3A_2419, %swap3A_2420] {strides = array<i32>} : memref<16x128xi32, #tpu.memory_space<vmem>>, vector<1x16xi32>,
      %swap3A_2422 = vector.shape_cast %swap3A_2421 : vector<1x16xi32> to vector<16xi32>
      %swap3A_2423 = vector.shape_cast %add3A_2417 : vector<16xi32> to vector<1x16xi32>
      tpu.vector_store %arg7[%swap3A_2419, %swap3A_2420], %swap3A_2423 {strides = array<i32>} : memref<16x128xi32, #tpu.memory_space<vmem>>, vector<1x16xi32>,
      %broadcast_in_dim3A_2424 = arith.constant 0 : i32
      %broadcast_in_dim3A_2425 = vector.broadcast %broadcast_in_dim3A_2424 : i32 to vector<16xi32>
      %add3A_2426 = arith.constant 0 : i32
      %add3A_2427 = arith.addi %add3A_2387, %add3A_2426 : i32
      %add3A_2428 = vector.broadcast %add3A_2427 : i32 to vector<16xi32>
      %add3A_2429 = arith.addi %broadcast_in_dim3A_2425, %add3A_2428 : vector<16xi32>
      %swap3A_2430 = arith.constant 15 : i32
      %swap3A_2431 = arith.index_cast %swap3A_2430 : i32 to index
      %swap3A_2432 = arith.constant 48 : index
      %swap3A_2433 = tpu.vector_load %arg7[%swap3A_2431, %swap3A_2432] {strides = array<i32>} : memref<16x128xi32, #tpu.memory_space<vmem>>, vector<1x16xi32>,
      %swap3A_2434 = vector.shape_cast %swap3A_2433 : vector<1x16xi32> to vector<16xi32>
      %swap3A_2435 = vector.shape_cast %add3A_2429 : vector<16xi32> to vector<1x16xi32>
      tpu.vector_store %arg7[%swap3A_2431, %swap3A_2432], %swap3A_2435 {strides = array<i32>} : memref<16x128xi32, #tpu.memory_space<vmem>>, vector<1x16xi32>,
      %broadcast_in_dim3A_2436 = arith.constant 0 : i32
      %broadcast_in_dim3A_2437 = vector.broadcast %broadcast_in_dim3A_2436 : i32 to vector<16xi32>
      %add3A_2438 = arith.constant 1 : i32
      %add3A_2439 = arith.addi %add3A_2387, %add3A_2438 : i32
      %add3A_2440 = vector.broadcast %add3A_2439 : i32 to vector<16xi32>
      %add3A_2441 = arith.addi %broadcast_in_dim3A_2437, %add3A_2440 : vector<16xi32>
      %swap3A_2442 = arith.constant 15 : i32
      %swap3A_2443 = arith.index_cast %swap3A_2442 : i32 to index
      %swap3A_2444 = arith.constant 64 : index
      %swap3A_2445 = tpu.vector_load %arg7[%swap3A_2443, %swap3A_2444] {strides = array<i32>} : memref<16x128xi32, #tpu.memory_space<vmem>>, vector<1x16xi32>,
      %swap3A_2446 = vector.shape_cast %swap3A_2445 : vector<1x16xi32> to vector<16xi32>
      %swap3A_2447 = vector.shape_cast %add3A_2441 : vector<16xi32> to vector<1x16xi32>
      tpu.vector_store %arg7[%swap3A_2443, %swap3A_2444], %swap3A_2447 {strides = array<i32>} : memref<16x128xi32, #tpu.memory_space<vmem>>, vector<1x16xi32>,
      %broadcast_in_dim3A_2448 = arith.constant 0 : i32
      %broadcast_in_dim3A_2449 = vector.broadcast %broadcast_in_dim3A_2448 : i32 to vector<16xi32>
      %add3A_2450 = arith.constant 1 : i32
      %add3A_2451 = arith.addi %add3A_2387, %add3A_2450 : i32
      %add3A_2452 = vector.broadcast %add3A_2451 : i32 to vector<16xi32>
      %add3A_2453 = arith.addi %broadcast_in_dim3A_2449, %add3A_2452 : vector<16xi32>
      %swap3A_2454 = arith.constant 15 : i32
      %swap3A_2455 = arith.index_cast %swap3A_2454 : i32 to index
      %swap3A_2456 = arith.constant 80 : index
      %swap3A_2457 = tpu.vector_load %arg7[%swap3A_2455, %swap3A_2456] {strides = array<i32>} : memref<16x128xi32, #tpu.memory_space<vmem>>, vector<1x16xi32>,
      %swap3A_2458 = vector.shape_cast %swap3A_2457 : vector<1x16xi32> to vector<16xi32>
      %swap3A_2459 = vector.shape_cast %add3A_2453 : vector<16xi32> to vector<1x16xi32>
      tpu.vector_store %arg7[%swap3A_2455, %swap3A_2456], %swap3A_2459 {strides = array<i32>} : memref<16x128xi32, #tpu.memory_space<vmem>>, vector<1x16xi32>,
      %broadcast_in_dim3A_2460 = arith.constant 0 : i32
      %broadcast_in_dim3A_2461 = vector.broadcast %broadcast_in_dim3A_2460 : i32 to vector<16xi32>
      %add3A_2462 = arith.constant 1 : i32
      %add3A_2463 = arith.addi %add3A_2387, %add3A_2462 : i32
      %add3A_2464 = vector.broadcast %add3A_2463 : i32 to vector<16xi32>
      %add3A_2465 = arith.addi %broadcast_in_dim3A_2461, %add3A_2464 : vector<16xi32>
      %swap3A_2466 = arith.constant 15 : i32
      %swap3A_2467 = arith.index_cast %swap3A_2466 : i32 to index
      %swap3A_2468 = arith.constant 96 : index
      %swap3A_2469 = tpu.vector_load %arg7[%swap3A_2467, %swap3A_2468] {strides = array<i32>} : memref<16x128xi32, #tpu.memory_space<vmem>>, vector<1x16xi32>,
      %swap3A_2470 = vector.shape_cast %swap3A_2469 : vector<1x16xi32> to vector<16xi32>
      %swap3A_2471 = vector.shape_cast %add3A_2465 : vector<16xi32> to vector<1x16xi32>
      tpu.vector_store %arg7[%swap3A_2467, %swap3A_2468], %swap3A_2471 {strides = array<i32>} : memref<16x128xi32, #tpu.memory_space<vmem>>, vector<1x16xi32>,
      %broadcast_in_dim3A_2472 = arith.constant 0 : i32
      %broadcast_in_dim3A_2473 = vector.broadcast %broadcast_in_dim3A_2472 : i32 to vector<16xi32>
      %add3A_2474 = arith.constant 1 : i32
      %add3A_2475 = arith.addi %add3A_2387, %add3A_2474 : i32
      %add3A_2476 = vector.broadcast %add3A_2475 : i32 to vector<16xi32>
      %add3A_2477 = arith.addi %broadcast_in_dim3A_2473, %add3A_2476 : vector<16xi32>
      %swap3A_2478 = arith.constant 15 : i32
      %swap3A_2479 = arith.index_cast %swap3A_2478 : i32 to index
      %swap3A_2480 = arith.constant 112 : index
      %swap3A_2481 = tpu.vector_load %arg7[%swap3A_2479, %swap3A_2480] {strides = array<i32>} : memref<16x128xi32, #tpu.memory_space<vmem>>, vector<1x16xi32>,
      %swap3A_2482 = vector.shape_cast %swap3A_2481 : vector<1x16xi32> to vector<16xi32>
      %swap3A_2483 = vector.shape_cast %add3A_2477 : vector<16xi32> to vector<1x16xi32>
      tpu.vector_store %arg7[%swap3A_2479, %swap3A_2480], %swap3A_2483 {strides = array<i32>} : memref<16x128xi32, #tpu.memory_space<vmem>>, vector<1x16xi32>,
      %dma_start3A_2484 = arith.constant 15 : i32
      %dma_start3A_2485 = arith.constant 15 : i32
      %dma_start3A_2486 = arith.constant 0 : i32
      %dma_start3A_2487 = arith.constant 0 : i32
      %dma_start3A_2488 = tpu.memref_slice %arg6[%dma_start3A_2484, %dma_start3A_2486, %dma_start3A_2487] : memref<16x128x32xf32, #tpu.memory_space<vmem>> -> memref<1x128x32xf32, #tpu.memory_space<vmem>>
      %dma_start3A_2489 = tpu.memref_squeeze %dma_start3A_2488 : memref<1x128x32xf32, #tpu.memory_space<vmem>> -> memref<128x32xf32, #tpu.memory_space<vmem>>
      %dma_start3A_2490 = arith.constant 0 : i32
      %dma_start3A_2491 = tpu.memref_slice %arg7[%dma_start3A_2485, %dma_start3A_2490] : memref<16x128xi32, #tpu.memory_space<vmem>> -> memref<1x128xi32, #tpu.memory_space<vmem>>
      %dma_start3A_2492 = tpu.memref_squeeze %dma_start3A_2491 : memref<1x128xi32, #tpu.memory_space<vmem>> -> memref<128xi32, #tpu.memory_space<vmem>>
      %dma_start3A_2493 = arith.constant 0 : i32
      %dma_start3A_2494 = arith.constant 0 : i32
      %dma_start3A_2495 = tpu.memref_slice %arg8[%dma_start3A_2493, %dma_start3A_2494] : memref<2048x32xf32, #tpu.memory_space<vmem_shared>> -> memref<2048x32xf32, #tpu.memory_space<vmem_shared>>
      tpu.enqueue_indirect_dma source(%dma_start3A_2489 : memref<128x32xf32, #tpu.memory_space<vmem>>) target(%dma_start3A_2495 : memref<2048x32xf32, #tpu.memory_space<vmem_shared>>) offsets(%dma_start3A_2492 : memref<128xi32, #tpu.memory_space<vmem>>) semaphore(%arg10 : memref<!tpu.dma_semaphore, #tpu.memory_space<semaphore_mem>>) {add = true}
      %ge3A_2496 = arith.constant 5 : i32
      %ge3A_2497 = arith.cmpi sge, %add3A_2367, %ge3A_2496 : i32
      %convert_element_type3A_2498 = arith.extui %ge3A_2497 : i1 to i32
      %cond3A_2499 = arith.constant 0 : i32
      %cond3A_2500 = arith.cmpi ne, %convert_element_type3A_2498, %cond3A_2499 : i32
      scf.if %cond3A_2500 {
        %dma_wait3A_2508 = arith.constant 15 : i32
        %dma_wait3A_2509 = arith.constant 0 : i32
        %dma_wait3A_2510 = arith.constant 0 : i32
        %dma_wait3A_2511 = tpu.memref_slice %arg6[%dma_wait3A_2508, %dma_wait3A_2509, %dma_wait3A_2510] : memref<16x128x32xf32, #tpu.memory_space<vmem>> -> memref<1x128x32xf32, #tpu.memory_space<vmem>>
        %dma_wait3A_2512 = tpu.memref_squeeze %dma_wait3A_2511 : memref<1x128x32xf32, #tpu.memory_space<vmem>> -> memref<128x32xf32, #tpu.memory_space<vmem>>
        %dma_wait3A_2513 = arith.constant 0 : i32
        %dma_wait3A_2514 = arith.constant 0 : i32
        %dma_wait3A_2515 = tpu.memref_slice %arg8[%dma_wait3A_2513, %dma_wait3A_2514] : memref<2048x32xf32, #tpu.memory_space<vmem_shared>> -> memref<128x32xf32, #tpu.memory_space<vmem_shared>>
        %dma_wait3A_2516 = arith.constant 0 : i32
        %dma_wait3A_2517 = arith.constant 0 : i32
        %dma_wait3A_2518 = tpu.memref_slice %arg8[%dma_wait3A_2516, %dma_wait3A_2517] : memref<2048x32xf32, #tpu.memory_space<vmem_shared>> -> memref<128x32xf32, #tpu.memory_space<vmem_shared>>
        %dma_wait3A_2519 = arith.constant 0 : i32
        %dma_wait3A_2520 = arith.constant 0 : i32
        %dma_wait3A_2521 = tpu.memref_slice %arg6[%dma_wait3A_2508, %dma_wait3A_2519, %dma_wait3A_2520] : memref<16x128x32xf32, #tpu.memory_space<vmem>> -> memref<1x128x32xf32, #tpu.memory_space<vmem>>
        %dma_wait3A_2522 = tpu.memref_squeeze %dma_wait3A_2521 : memref<1x128x32xf32, #tpu.memory_space<vmem>> -> memref<128x32xf32, #tpu.memory_space<vmem>>
        tpu.wait_dma2 semaphore(%arg10 : memref<!tpu.dma_semaphore, #tpu.memory_space<semaphore_mem>>) src(%dma_wait3A_2522 : memref<128x32xf32, #tpu.memory_space<vmem>>) dst(%dma_wait3A_2518 : memref<128x32xf32, #tpu.memory_space<vmem_shared>>)
      } else {
      }
      %add3A_2501 = arith.constant 11 : i32
      %add3A_2502 = arith.addi %add3A_2367, %add3A_2501 : i32
      %lt3A_2503 = arith.constant 64 : i32
      %lt3A_2504 = arith.cmpi slt, %add3A_2502, %lt3A_2503 : i32
      %convert_element_type3A_2505 = arith.extui %lt3A_2504 : i1 to i32
      %cond3A_2506 = arith.constant 0 : i32
      %cond3A_2507 = arith.cmpi ne, %convert_element_type3A_2505, %cond3A_2506 : i32
      scf.if %cond3A_2507 {
        %add3A_2508 = arith.constant 11 : i32
        %add3A_2509 = arith.addi %add3A_2367, %add3A_2508 : i32
        %mul3A_2510 = arith.constant 128 : i32
        %mul3A_2511 = arith.muli %add3A_2509, %mul3A_2510 : i32
        %dma_start3A_2512 = arith.constant 10 : i32
        %dma_start3A_2513 = arith.constant 0 : i32
        %dma_start3A_2514 = arith.constant 0 : i32
        %dma_start3A_2515 = tpu.memref_slice %arg6[%dma_start3A_2512, %dma_start3A_2513, %dma_start3A_2514] : memref<16x128x32xf32, #tpu.memory_space<vmem>> -> memref<1x128x32xf32, #tpu.memory_space<vmem>>
        %dma_start3A_2516 = tpu.memref_squeeze %dma_start3A_2515 : memref<1x128x32xf32, #tpu.memory_space<vmem>> -> memref<128x32xf32, #tpu.memory_space<vmem>>
        %dma_start3A_2517 = tpu.memref_slice %arg5[%mul3A_2511] : memref<8192xi32, #tpu.memory_space<vmem>> -> memref<128xi32, #tpu.memory_space<vmem>>
        %dma_start3A_2518 = arith.constant 0 : i32
        %dma_start3A_2519 = arith.constant 0 : i32
        %dma_start3A_2520 = tpu.memref_slice %arg3[%dma_start3A_2518, %dma_start3A_2519] : memref<999999x32xf32, #tpu.memory_space<hbm>> -> memref<999999x32xf32, #tpu.memory_space<hbm>>
        tpu.enqueue_indirect_dma source(%dma_start3A_2520 : memref<999999x32xf32, #tpu.memory_space<hbm>>) target(%dma_start3A_2516 : memref<128x32xf32, #tpu.memory_space<vmem>>) offsets(%dma_start3A_2517 : memref<128xi32, #tpu.memory_space<vmem>>) semaphore(%arg9 : memref<!tpu.dma_semaphore, #tpu.memory_space<semaphore_mem>>)
      } else {
      }
    }
    %scan3A_130 = arith.constant 4 : i32
    %dma_wait3A = arith.constant 0 : i32
    "tpu.trace_stop"() : () -> ()
    "tpu.trace_start"() <{level = 10 : i32, message = "tail"}> : () -> ()
    %dma_wait3A_131 = arith.constant 0 : i32
    %dma_wait3A_132 = arith.constant 0 : i32
    %dma_wait3A_133 = tpu.memref_slice %arg6[%dma_wait3A, %dma_wait3A_131, %dma_wait3A_132] : memref<16x128x32xf32, #tpu.memory_space<vmem>> -> memref<1x128x32xf32, #tpu.memory_space<vmem>>
    %dma_wait3A_134 = tpu.memref_squeeze %dma_wait3A_133 : memref<1x128x32xf32, #tpu.memory_space<vmem>> -> memref<128x32xf32, #tpu.memory_space<vmem>>
    %dma_wait3A_135 = arith.constant 0 : i32
    %dma_wait3A_136 = arith.constant 0 : i32
    %dma_wait3A_137 = tpu.memref_slice %arg8[%dma_wait3A_135, %dma_wait3A_136] : memref<2048x32xf32, #tpu.memory_space<vmem_shared>> -> memref<128x32xf32, #tpu.memory_space<vmem_shared>>
    %dma_wait3A_138 = arith.constant 0 : i32
    %dma_wait3A_139 = arith.constant 0 : i32
    %dma_wait3A_140 = tpu.memref_slice %arg8[%dma_wait3A_138, %dma_wait3A_139] : memref<2048x32xf32, #tpu.memory_space<vmem_shared>> -> memref<128x32xf32, #tpu.memory_space<vmem_shared>>
    %dma_wait3A_141 = arith.constant 0 : i32
    %dma_wait3A_142 = arith.constant 0 : i32
    %dma_wait3A_143 = tpu.memref_slice %arg6[%dma_wait3A, %dma_wait3A_141, %dma_wait3A_142] : memref<16x128x32xf32, #tpu.memory_space<vmem>> -> memref<1x128x32xf32, #tpu.memory_space<vmem>>
    %dma_wait3A_144 = tpu.memref_squeeze %dma_wait3A_143 : memref<1x128x32xf32, #tpu.memory_space<vmem>> -> memref<128x32xf32, #tpu.memory_space<vmem>>
    tpu.wait_dma2 semaphore(%arg10 : memref<!tpu.dma_semaphore, #tpu.memory_space<semaphore_mem>>) src(%dma_wait3A_144 : memref<128x32xf32, #tpu.memory_space<vmem>>) dst(%dma_wait3A_140 : memref<128x32xf32, #tpu.memory_space<vmem_shared>>)
    %dma_wait3A_145 = arith.constant 0 : i32
    %dma_wait3A_146 = arith.constant 0 : i32
    %dma_wait3A_147 = arith.constant 0 : i32
    %dma_wait3A_148 = tpu.memref_slice %arg6[%dma_wait3A_145, %dma_wait3A_146, %dma_wait3A_147] : memref<16x128x32xf32, #tpu.memory_space<vmem>> -> memref<1x128x32xf32, #tpu.memory_space<vmem>>
    %dma_wait3A_149 = tpu.memref_squeeze %dma_wait3A_148 : memref<1x128x32xf32, #tpu.memory_space<vmem>> -> memref<128x32xf32, #tpu.memory_space<vmem>>
    %dma_wait3A_150 = arith.constant 0 : i32
    %dma_wait3A_151 = arith.constant 0 : i32
    %dma_wait3A_152 = tpu.memref_slice %arg8[%dma_wait3A_150, %dma_wait3A_151] : memref<2048x32xf32, #tpu.memory_space<vmem_shared>> -> memref<128x32xf32, #tpu.memory_space<vmem_shared>>
    %dma_wait3A_153 = arith.constant 0 : i32
    %dma_wait3A_154 = arith.constant 0 : i32
    %dma_wait3A_155 = tpu.memref_slice %arg8[%dma_wait3A_153, %dma_wait3A_154] : memref<2048x32xf32, #tpu.memory_space<vmem_shared>> -> memref<128x32xf32, #tpu.memory_space<vmem_shared>>
    %dma_wait3A_156 = arith.constant 0 : i32
    %dma_wait3A_157 = arith.constant 0 : i32
    %dma_wait3A_158 = tpu.memref_slice %arg6[%dma_wait3A_145, %dma_wait3A_156, %dma_wait3A_157] : memref<16x128x32xf32, #tpu.memory_space<vmem>> -> memref<1x128x32xf32, #tpu.memory_space<vmem>>
    %dma_wait3A_159 = tpu.memref_squeeze %dma_wait3A_158 : memref<1x128x32xf32, #tpu.memory_space<vmem>> -> memref<128x32xf32, #tpu.memory_space<vmem>>
    tpu.wait_dma2 semaphore(%arg10 : memref<!tpu.dma_semaphore, #tpu.memory_space<semaphore_mem>>) src(%dma_wait3A_159 : memref<128x32xf32, #tpu.memory_space<vmem>>) dst(%dma_wait3A_155 : memref<128x32xf32, #tpu.memory_space<vmem_shared>>)
    %dma_wait3A_160 = arith.constant 0 : i32
    %dma_wait3A_161 = arith.constant 0 : i32
    %dma_wait3A_162 = arith.constant 0 : i32
    %dma_wait3A_163 = tpu.memref_slice %arg6[%dma_wait3A_160, %dma_wait3A_161, %dma_wait3A_162] : memref<16x128x32xf32, #tpu.memory_space<vmem>> -> memref<1x128x32xf32, #tpu.memory_space<vmem>>
    %dma_wait3A_164 = tpu.memref_squeeze %dma_wait3A_163 : memref<1x128x32xf32, #tpu.memory_space<vmem>> -> memref<128x32xf32, #tpu.memory_space<vmem>>
    %dma_wait3A_165 = arith.constant 0 : i32
    %dma_wait3A_166 = arith.constant 0 : i32
    %dma_wait3A_167 = tpu.memref_slice %arg8[%dma_wait3A_165, %dma_wait3A_166] : memref<2048x32xf32, #tpu.memory_space<vmem_shared>> -> memref<128x32xf32, #tpu.memory_space<vmem_shared>>
    %dma_wait3A_168 = arith.constant 0 : i32
    %dma_wait3A_169 = arith.constant 0 : i32
    %dma_wait3A_170 = tpu.memref_slice %arg8[%dma_wait3A_168, %dma_wait3A_169] : memref<2048x32xf32, #tpu.memory_space<vmem_shared>> -> memref<128x32xf32, #tpu.memory_space<vmem_shared>>
    %dma_wait3A_171 = arith.constant 0 : i32
    %dma_wait3A_172 = arith.constant 0 : i32
    %dma_wait3A_173 = tpu.memref_slice %arg6[%dma_wait3A_160, %dma_wait3A_171, %dma_wait3A_172] : memref<16x128x32xf32, #tpu.memory_space<vmem>> -> memref<1x128x32xf32, #tpu.memory_space<vmem>>
    %dma_wait3A_174 = tpu.memref_squeeze %dma_wait3A_173 : memref<1x128x32xf32, #tpu.memory_space<vmem>> -> memref<128x32xf32, #tpu.memory_space<vmem>>
    tpu.wait_dma2 semaphore(%arg10 : memref<!tpu.dma_semaphore, #tpu.memory_space<semaphore_mem>>) src(%dma_wait3A_174 : memref<128x32xf32, #tpu.memory_space<vmem>>) dst(%dma_wait3A_170 : memref<128x32xf32, #tpu.memory_space<vmem_shared>>)
    %dma_wait3A_175 = arith.constant 0 : i32
    %dma_wait3A_176 = arith.constant 0 : i32
    %dma_wait3A_177 = arith.constant 0 : i32
    %dma_wait3A_178 = tpu.memref_slice %arg6[%dma_wait3A_175, %dma_wait3A_176, %dma_wait3A_177] : memref<16x128x32xf32, #tpu.memory_space<vmem>> -> memref<1x128x32xf32, #tpu.memory_space<vmem>>
    %dma_wait3A_179 = tpu.memref_squeeze %dma_wait3A_178 : memref<1x128x32xf32, #tpu.memory_space<vmem>> -> memref<128x32xf32, #tpu.memory_space<vmem>>
    %dma_wait3A_180 = arith.constant 0 : i32
    %dma_wait3A_181 = arith.constant 0 : i32
    %dma_wait3A_182 = tpu.memref_slice %arg8[%dma_wait3A_180, %dma_wait3A_181] : memref<2048x32xf32, #tpu.memory_space<vmem_shared>> -> memref<128x32xf32, #tpu.memory_space<vmem_shared>>
    %dma_wait3A_183 = arith.constant 0 : i32
    %dma_wait3A_184 = arith.constant 0 : i32
    %dma_wait3A_185 = tpu.memref_slice %arg8[%dma_wait3A_183, %dma_wait3A_184] : memref<2048x32xf32, #tpu.memory_space<vmem_shared>> -> memref<128x32xf32, #tpu.memory_space<vmem_shared>>
    %dma_wait3A_186 = arith.constant 0 : i32
    %dma_wait3A_187 = arith.constant 0 : i32
    %dma_wait3A_188 = tpu.memref_slice %arg6[%dma_wait3A_175, %dma_wait3A_186, %dma_wait3A_187] : memref<16x128x32xf32, #tpu.memory_space<vmem>> -> memref<1x128x32xf32, #tpu.memory_space<vmem>>
    %dma_wait3A_189 = tpu.memref_squeeze %dma_wait3A_188 : memref<1x128x32xf32, #tpu.memory_space<vmem>> -> memref<128x32xf32, #tpu.memory_space<vmem>>
    tpu.wait_dma2 semaphore(%arg10 : memref<!tpu.dma_semaphore, #tpu.memory_space<semaphore_mem>>) src(%dma_wait3A_189 : memref<128x32xf32, #tpu.memory_space<vmem>>) dst(%dma_wait3A_185 : memref<128x32xf32, #tpu.memory_space<vmem_shared>>)
    %dma_wait3A_190 = arith.constant 0 : i32
    %dma_wait3A_191 = arith.constant 0 : i32
    %dma_wait3A_192 = arith.constant 0 : i32
    %dma_wait3A_193 = tpu.memref_slice %arg6[%dma_wait3A_190, %dma_wait3A_191, %dma_wait3A_192] : memref<16x128x32xf32, #tpu.memory_space<vmem>> -> memref<1x128x32xf32, #tpu.memory_space<vmem>>
    %dma_wait3A_194 = tpu.memref_squeeze %dma_wait3A_193 : memref<1x128x32xf32, #tpu.memory_space<vmem>> -> memref<128x32xf32, #tpu.memory_space<vmem>>
    %dma_wait3A_195 = arith.constant 0 : i32
    %dma_wait3A_196 = arith.constant 0 : i32
    %dma_wait3A_197 = tpu.memref_slice %arg8[%dma_wait3A_195, %dma_wait3A_196] : memref<2048x32xf32, #tpu.memory_space<vmem_shared>> -> memref<128x32xf32, #tpu.memory_space<vmem_shared>>
    %dma_wait3A_198 = arith.constant 0 : i32
    %dma_wait3A_199 = arith.constant 0 : i32
    %dma_wait3A_200 = tpu.memref_slice %arg8[%dma_wait3A_198, %dma_wait3A_199] : memref<2048x32xf32, #tpu.memory_space<vmem_shared>> -> memref<128x32xf32, #tpu.memory_space<vmem_shared>>
    %dma_wait3A_201 = arith.constant 0 : i32
    %dma_wait3A_202 = arith.constant 0 : i32
    %dma_wait3A_203 = tpu.memref_slice %arg6[%dma_wait3A_190, %dma_wait3A_201, %dma_wait3A_202] : memref<16x128x32xf32, #tpu.memory_space<vmem>> -> memref<1x128x32xf32, #tpu.memory_space<vmem>>
    %dma_wait3A_204 = tpu.memref_squeeze %dma_wait3A_203 : memref<1x128x32xf32, #tpu.memory_space<vmem>> -> memref<128x32xf32, #tpu.memory_space<vmem>>
    tpu.wait_dma2 semaphore(%arg10 : memref<!tpu.dma_semaphore, #tpu.memory_space<semaphore_mem>>) src(%dma_wait3A_204 : memref<128x32xf32, #tpu.memory_space<vmem>>) dst(%dma_wait3A_200 : memref<128x32xf32, #tpu.memory_space<vmem_shared>>)
    %mul3A_205 = arith.constant 128 : i32
    %mul3A_206 = arith.muli %arg1, %mul3A_205 : i32
    %mul3A_207 = arith.constant 128 : i32
    %mul3A_208 = arith.muli %add3A, %mul3A_207 : i32
    "tpu.region"() ({
      %run_scoped3A_209 = tpu.sem_alloc : memref<!tpu.dma_semaphore, #tpu.memory_space<semaphore_mem>>
      %dma_start3A_210 = arith.constant 0 : i32
      %dma_start3A_211 = tpu.memref_slice %arg4[%mul3A_208, %dma_start3A_210] : memref<4096x32xf32, #tpu.memory_space<hbm>> -> memref<128x32xf32, #tpu.memory_space<hbm>>
      %dma_start3A_212 = arith.constant 0 : i32
      %dma_start3A_213 = tpu.memref_slice %arg8[%mul3A_206, %dma_start3A_212] : memref<2048x32xf32, #tpu.memory_space<vmem_shared>> -> memref<128x32xf32, #tpu.memory_space<vmem_shared>>
      tpu.enqueue_dma source(%dma_start3A_213 : memref<128x32xf32, #tpu.memory_space<vmem_shared>>) target(%dma_start3A_211 : memref<128x32xf32, #tpu.memory_space<hbm>>) target_semaphore(%run_scoped3A_209 : memref<!tpu.dma_semaphore, #tpu.memory_space<semaphore_mem>>)
      %dma_wait3A_214 = arith.constant 0 : i32
      %dma_wait3A_215 = tpu.memref_slice %arg4[%mul3A_208, %dma_wait3A_214] : memref<4096x32xf32, #tpu.memory_space<hbm>> -> memref<128x32xf32, #tpu.memory_space<hbm>>
      %dma_wait3A_216 = arith.constant 0 : i32
      %dma_wait3A_217 = tpu.memref_slice %arg8[%mul3A_206, %dma_wait3A_216] : memref<2048x32xf32, #tpu.memory_space<vmem_shared>> -> memref<128x32xf32, #tpu.memory_space<vmem_shared>>
      tpu.wait_dma2 semaphore(%run_scoped3A_209 : memref<!tpu.dma_semaphore, #tpu.memory_space<semaphore_mem>>) src(%dma_wait3A_217 : memref<128x32xf32, #tpu.memory_space<vmem_shared>>) dst(%dma_wait3A_215 : memref<128x32xf32, #tpu.memory_space<hbm>>)
      tpu.yield
    }) : () -> ()
    "tpu.trace_stop"() : () -> ()
    return
  }
}

module attributes {stable_mosaic.version = 14 : i64} {
  func.func @_tc_body(%arg0: i32, %arg1: memref<256x50xi32, #tpu.memory_space<vmem>>, %arg2: memref<256x20x32xf32, #tpu.memory_space<vmem>>, %arg3: memref<256x32xf32, #tpu.memory_space<vmem>>, %arg4: memref<64x32xf32, #tpu.memory_space<vmem>>, %arg5: memref<32x64xf32, #tpu.memory_space<vmem>>, %arg6: memref<1x64xf32, #tpu.memory_space<vmem>>, %arg7: memref<64x128xf32, #tpu.memory_space<vmem>>, %arg8: memref<1x128xf32, #tpu.memory_space<vmem>>, %arg9: memref<128x32xf32, #tpu.memory_space<vmem>>, %arg10: memref<1x32xf32, #tpu.memory_space<vmem>>, %arg11: memref<256x20xf32, #tpu.memory_space<vmem>>) attributes {dimension_semantics = [#tpu.dimension_semantics<arbitrary>], iteration_bounds = array<i64: 16>, scalar_prefetch = 0 : i64, scratch_operands = 0 : i64, tpu.core_type = #tpu.core_type<tc>, window_params = [{transform_indices = @transform_0, window_bounds = array<i64: 256, 50>}, {transform_indices = @transform_1, window_bounds = array<i64: 256, 20, 32>}, {transform_indices = @transform_2, window_bounds = array<i64: 256, 32>}, {pipeline_mode = #tpu.pipeline_mode<synchronous>, transform_indices = @transform_3, window_bounds = array<i64: 64, 32>}, {pipeline_mode = #tpu.pipeline_mode<synchronous>, transform_indices = @transform_4, window_bounds = array<i64: 32, 64>}, {pipeline_mode = #tpu.pipeline_mode<synchronous>, transform_indices = @transform_5, window_bounds = array<i64: 1, 64>}, {pipeline_mode = #tpu.pipeline_mode<synchronous>, transform_indices = @transform_6, window_bounds = array<i64: 64, 128>}, {pipeline_mode = #tpu.pipeline_mode<synchronous>, transform_indices = @transform_7, window_bounds = array<i64: 1, 128>}, {pipeline_mode = #tpu.pipeline_mode<synchronous>, transform_indices = @transform_8, window_bounds = array<i64: 128, 32>}, {pipeline_mode = #tpu.pipeline_mode<synchronous>, transform_indices = @transform_9, window_bounds = array<i64: 1, 32>}, {transform_indices = @transform_10, window_bounds = array<i64: 256, 20>}]} {
    %get3A = arith.constant 0 : index
    %get3A_0 = arith.constant 0 : index
    %get3A_1 = vector.load %arg1[%get3A, %get3A_0] : memref<256x50xi32, #tpu.memory_space<vmem>>, vector<256x50xi32>
    %gt3A = arith.constant 0 : i32
    %gt3A_2 = vector.broadcast %gt3A : i32 to vector<256x50xi32>
    %gt3A_3 = arith.cmpi sgt, %get3A_1, %gt3A_2 : vector<256x50xi32>
    %convert_element_type3A = arith.extui %gt3A_3 : vector<256x50xi1> to vector<256x50xi32>
    %convert_element_type3A_4 = arith.sitofp %convert_element_type3A : vector<256x50xi32> to vector<256x50xf32>
    %reduce_sum3A = arith.constant dense<0.000000e+00> : vector<256xf32>
    %reduce_sum3A_5 = vector.multi_reduction <add>, %convert_element_type3A_4, %reduce_sum3A [1] : vector<256x50xf32> to vector<256xf32>
    %broadcast_in_dim3A = vector.shape_cast %reduce_sum3A_5 : vector<256xf32> to vector<256x1xf32>
    %get3A_6 = arith.constant 0 : index
    %get3A_7 = arith.constant 0 : index
    %get3A_8 = vector.load %arg4[%get3A_6, %get3A_7] : memref<64x32xf32, #tpu.memory_space<vmem>>, vector<64x32xf32>
    %slice3A = vector.extract_strided_slice %get3A_8 {offsets = [49, 0], sizes = [14, 32], strides = [1, 1]} : vector<64x32xf32> to vector<14x32xf32>
    %reduce_sum3A_9 = arith.constant dense<0.000000e+00> : vector<32xf32>
    %reduce_sum3A_10 = vector.multi_reduction <add>, %slice3A, %reduce_sum3A_9 [0] : vector<14x32xf32> to vector<32xf32>
    %broadcast_in_dim3A_11 = vector.shape_cast %reduce_sum3A_10 : vector<32xf32> to vector<1x32xf32>
    %get3A_12 = arith.constant 0 : index
    %get3A_13 = arith.constant 0 : index
    %get3A_14 = vector.load %arg3[%get3A_12, %get3A_13] : memref<256x32xf32, #tpu.memory_space<vmem>>, vector<256x32xf32>
    %sub3A = vector.broadcast %broadcast_in_dim3A_11 : vector<1x32xf32> to vector<256x32xf32>
    %sub3A_15 = arith.subf %get3A_14, %sub3A : vector<256x32xf32>
    %sub3A_16 = arith.constant 5.000000e+01 : f32
    %sub3A_17 = vector.broadcast %sub3A_16 : f32 to vector<256x1xf32>
    %sub3A_18 = arith.subf %sub3A_17, %broadcast_in_dim3A : vector<256x1xf32>
    %slice3A_19 = vector.extract_strided_slice %get3A_8 {offsets = [0, 0], sizes = [1, 32], strides = [1, 1]} : vector<64x32xf32> to vector<1x32xf32>
    %mul3A = vector.broadcast %sub3A_18 : vector<256x1xf32> to vector<256x32xf32>
    %mul3A_20 = vector.broadcast %slice3A_19 : vector<1x32xf32> to vector<256x32xf32>
    %mul3A_21 = arith.mulf %mul3A, %mul3A_20 : vector<256x32xf32>
    %sub3A_22 = arith.subf %sub3A_15, %mul3A_21 : vector<256x32xf32>
    %mul3A_23 = arith.mulf %sub3A_22, %sub3A_22 : vector<256x32xf32>
    %reduce_sum3A_24 = arith.constant dense<0.000000e+00> : vector<256xf32>
    %reduce_sum3A_25 = vector.multi_reduction <add>, %mul3A_23, %reduce_sum3A_24 [1] : vector<256x32xf32> to vector<256xf32>
    %broadcast_in_dim3A_26 = vector.shape_cast %reduce_sum3A_25 : vector<256xf32> to vector<256x1xf32>
    %max3A = arith.constant 9.99999974E-5 : f32
    %max3A_27 = vector.broadcast %max3A : f32 to vector<256x1xf32>
    %max3A_28 = arith.maximumf %broadcast_in_dim3A_26, %max3A_27 : vector<256x1xf32>
    %rsqrt3A = math.rsqrt %max3A_28 : vector<256x1xf32>
    %mul3A_29 = vector.broadcast %rsqrt3A : vector<256x1xf32> to vector<256x32xf32>
    %mul3A_30 = arith.mulf %sub3A_22, %mul3A_29 : vector<256x32xf32>
    %get3A_31 = arith.constant 0 : index
    %get3A_32 = arith.constant 0 : index
    %get3A_33 = vector.load %arg5[%get3A_31, %get3A_32] : memref<32x64xf32, #tpu.memory_space<vmem>>, vector<32x64xf32>
    %dot_general3A = arith.constant dense<0.000000e+00> : vector<256x64xf32>
    %dot_general3A_34 = tpu.matmul %mul3A_30, %get3A_33, %dot_general3A {dimension_numbers = #tpu.dot_dimension_numbers<[1], [0], [0], [1], [0, 0, 1, 1], [], []>, transpose_lhs_hint = false} : vector<256x32xf32>, vector<32x64xf32>, vector<256x64xf32> -> vector<256x64xf32>
    %get3A_35 = arith.constant 0 : index
    %get3A_36 = arith.constant 0 : index
    %get3A_37 = vector.load %arg6[%get3A_35, %get3A_36] : memref<1x64xf32, #tpu.memory_space<vmem>>, vector<1x64xf32>
    %add3A = vector.broadcast %get3A_37 : vector<1x64xf32> to vector<256x64xf32>
    %add3A_38 = arith.addf %dot_general3A_34, %add3A : vector<256x64xf32>
    %max3A_39 = arith.constant 0.000000e+00 : f32
    %max3A_40 = vector.broadcast %max3A_39 : f32 to vector<256x64xf32>
    %max3A_41 = arith.maximumf %add3A_38, %max3A_40 : vector<256x64xf32>
    %get3A_42 = arith.constant 0 : index
    %get3A_43 = arith.constant 0 : index
    %get3A_44 = vector.load %arg7[%get3A_42, %get3A_43] : memref<64x128xf32, #tpu.memory_space<vmem>>, vector<64x128xf32>
    %dot_general3A_45 = arith.constant dense<0.000000e+00> : vector<256x128xf32>
    %dot_general3A_46 = tpu.matmul %max3A_41, %get3A_44, %dot_general3A_45 {dimension_numbers = #tpu.dot_dimension_numbers<[1], [0], [0], [1], [0, 0, 1, 1], [], []>, transpose_lhs_hint = false} : vector<256x64xf32>, vector<64x128xf32>, vector<256x128xf32> -> vector<256x128xf32>
    %get3A_47 = arith.constant 0 : index
    %get3A_48 = arith.constant 0 : index
    %get3A_49 = vector.load %arg8[%get3A_47, %get3A_48] : memref<1x128xf32, #tpu.memory_space<vmem>>, vector<1x128xf32>
    %add3A_50 = vector.broadcast %get3A_49 : vector<1x128xf32> to vector<256x128xf32>
    %add3A_51 = arith.addf %dot_general3A_46, %add3A_50 : vector<256x128xf32>
    %max3A_52 = arith.constant 0.000000e+00 : f32
    %max3A_53 = vector.broadcast %max3A_52 : f32 to vector<256x128xf32>
    %max3A_54 = arith.maximumf %add3A_51, %max3A_53 : vector<256x128xf32>
    %get3A_55 = arith.constant 0 : index
    %get3A_56 = arith.constant 0 : index
    %get3A_57 = vector.load %arg9[%get3A_55, %get3A_56] : memref<128x32xf32, #tpu.memory_space<vmem>>, vector<128x32xf32>
    %dot_general3A_58 = arith.constant dense<0.000000e+00> : vector<256x32xf32>
    %dot_general3A_59 = tpu.matmul %max3A_54, %get3A_57, %dot_general3A_58 {dimension_numbers = #tpu.dot_dimension_numbers<[1], [0], [0], [1], [0, 0, 1, 1], [], []>, transpose_lhs_hint = false} : vector<256x128xf32>, vector<128x32xf32>, vector<256x32xf32> -> vector<256x32xf32>
    %get3A_60 = arith.constant 0 : index
    %get3A_61 = arith.constant 0 : index
    %get3A_62 = vector.load %arg10[%get3A_60, %get3A_61] : memref<1x32xf32, #tpu.memory_space<vmem>>, vector<1x32xf32>
    %add3A_63 = vector.broadcast %get3A_62 : vector<1x32xf32> to vector<256x32xf32>
    %add3A_64 = arith.addf %dot_general3A_59, %add3A_63 : vector<256x32xf32>
    %get3A_65 = arith.constant 0 : index
    %get3A_66 = arith.constant 0 : index
    %get3A_67 = arith.constant 0 : index
    %get3A_68 = vector.load %arg2[%get3A_65, %get3A_66, %get3A_67] : memref<256x20x32xf32, #tpu.memory_space<vmem>>, vector<256x20x32xf32>
    %broadcast_in_dim3A_69 = vector.shape_cast %add3A_64 : vector<256x32xf32> to vector<256x1x32xf32>
    %sub3A_70 = vector.broadcast %broadcast_in_dim3A_69 : vector<256x1x32xf32> to vector<256x20x32xf32>
    %sub3A_71 = arith.subf %get3A_68, %sub3A_70 : vector<256x20x32xf32>
    %mul3A_72 = arith.mulf %sub3A_71, %sub3A_71 : vector<256x20x32xf32>
    %reduce_sum3A_73 = arith.constant dense<0.000000e+00> : vector<256x20xf32>
    %reduce_sum3A_74 = vector.multi_reduction <add>, %mul3A_72, %reduce_sum3A_73 [2] : vector<256x20x32xf32> to vector<256x20xf32>
    %sqrt3A = math.sqrt %reduce_sum3A_74 : vector<256x20xf32>
    %tanh3A = math.tanh %sqrt3A : vector<256x20xf32>
    %sub3A_75 = arith.constant 1.000000e+00 : f32
    %sub3A_76 = vector.broadcast %sub3A_75 : f32 to vector<256x20xf32>
    %sub3A_77 = arith.subf %sub3A_76, %tanh3A : vector<256x20xf32>
    %swap3A = arith.constant 0 : index
    %swap3A_78 = arith.constant 0 : index
    %swap3A_79 = vector.load %arg11[%swap3A, %swap3A_78] : memref<256x20xf32, #tpu.memory_space<vmem>>, vector<256x20xf32>
    tpu.vector_store %arg11[%swap3A, %swap3A_78], %sub3A_77 {strides = array<i32>} : memref<256x20xf32, #tpu.memory_space<vmem>>, vector<256x20xf32>,
    return
  }
  func.func @transform_0(%arg0: i32) -> (i32, i32) {
    %c0_i32 = arith.constant 0 : i32
    %c0_i32_0 = arith.constant 0 : i32
    return %arg0, %c0_i32 : i32, i32
  }
  func.func @transform_1(%arg0: i32) -> (i32, i32, i32) {
    %c0_i32 = arith.constant 0 : i32
    %c0_i32_0 = arith.constant 0 : i32
    %c0_i32_1 = arith.constant 0 : i32
    return %arg0, %c0_i32, %c0_i32_0 : i32, i32, i32
  }
  func.func @transform_2(%arg0: i32) -> (i32, i32) {
    %c0_i32 = arith.constant 0 : i32
    %c0_i32_0 = arith.constant 0 : i32
    return %arg0, %c0_i32 : i32, i32
  }
  func.func @transform_3(%arg0: i32) -> (i32, i32) {
    %c0_i32 = arith.constant 0 : i32
    %c0_i32_0 = arith.constant 0 : i32
    %c0_i32_1 = arith.constant 0 : i32
    return %c0_i32, %c0_i32_0 : i32, i32
  }
  func.func @transform_4(%arg0: i32) -> (i32, i32) {
    %c0_i32 = arith.constant 0 : i32
    %c0_i32_0 = arith.constant 0 : i32
    %c0_i32_1 = arith.constant 0 : i32
    return %c0_i32, %c0_i32_0 : i32, i32
  }
  func.func @transform_5(%arg0: i32) -> (i32, i32) {
    %c0_i32 = arith.constant 0 : i32
    %c0_i32_0 = arith.constant 0 : i32
    %c0_i32_1 = arith.constant 0 : i32
    return %c0_i32, %c0_i32_0 : i32, i32
  }
  func.func @transform_6(%arg0: i32) -> (i32, i32) {
    %c0_i32 = arith.constant 0 : i32
    %c0_i32_0 = arith.constant 0 : i32
    %c0_i32_1 = arith.constant 0 : i32
    return %c0_i32, %c0_i32_0 : i32, i32
  }
  func.func @transform_7(%arg0: i32) -> (i32, i32) {
    %c0_i32 = arith.constant 0 : i32
    %c0_i32_0 = arith.constant 0 : i32
    %c0_i32_1 = arith.constant 0 : i32
    return %c0_i32, %c0_i32_0 : i32, i32
  }
  func.func @transform_8(%arg0: i32) -> (i32, i32) {
    %c0_i32 = arith.constant 0 : i32
    %c0_i32_0 = arith.constant 0 : i32
    %c0_i32_1 = arith.constant 0 : i32
    return %c0_i32, %c0_i32_0 : i32, i32
  }
  func.func @transform_9(%arg0: i32) -> (i32, i32) {
    %c0_i32 = arith.constant 0 : i32
    %c0_i32_0 = arith.constant 0 : i32
    %c0_i32_1 = arith.constant 0 : i32
    return %c0_i32, %c0_i32_0 : i32, i32
  }
  func.func @transform_10(%arg0: i32) -> (i32, i32) {
    %c0_i32 = arith.constant 0 : i32
    %c0_i32_0 = arith.constant 0 : i32
    return %arg0, %c0_i32 : i32, i32
  }
}

</mosaic_0001>

<sc_bundles>
// kernel: kernel.5.cloned.1.call-start
scs
__scs_entry_jumppad:
0x0: {  	(pc) =	sbr.rel $0x88, $3  }
0x1: {  	(tag) =	ssettag $0x0;
	lr =	simm.s32 $0x1  }
0x2: {  	[smem:$0x3F97] =	sst lr;
	_ =	strace $0xD0000000  }
0x3: {  	_ = 	snop  }
0x4: {  	_ = 	snop  }
0x5: {  	_ = 	snop  }
0x6: {  	_ = 	snop  }
0x7: {  	_ = 	snop  }
__scs_overlays_trampoline_lowered:
0x8: {  	[smem:$0x3FA6] =	sst s0  }
0x9: {  	[smem:$0x3FA7] =	sst s1  }
0xa: {  	[smem:$0x3FA8] =	sst s2  }
0xb: {  	[smem:$0x3FA9] =	sst s3  }
0xc: {  	[smem:$0x3FAA] =	sst s4  }
0xd: {  	[smem:$0x3FAB] =	sst s5  }
0xe: {  	[smem:$0x3FAC] =	sst s6  }
0xf: {  	[smem:$0x3FAD] =	sst s7  }
0x10: {  	[smem:$0x3FAE] =	sst s8  }
0x11: {  	[smem:$0x3FAF] =	sst s9;
	s0 =	simm.s32 @!p0 $0x0  }
0x12: {  	s1 =	sld [smem:$0x3F95];
	s0 =	simm.s32 @p0 $0x1  }
0x13: {  	[smem:$0x3FB0] =	sst s0;
	s0 =	simm.s32 @!p1 $0x0  }
0x14: {  	s2 =	sld [smem:$0x3F94];
	s0 =	simm.s32 @p1 $0x1  }
0x15: {  	[smem:$0x3FB1] =	sst s0;
	s0 =	simm.s32 @!p2 $0x0  }
0x16: {  	s3 =	sld [smem:$0x3FDB];
	s0 =	simm.s32 @p2 $0x1  }
0x17: {  	s4 =	simm.s32 $0x1BF5;
	[smem:$0x3FB3] =	sst s0  }
0x18: {  	s0 =	sld [smem:$0x3F96];
	_ =	swait.ge [sflag:s4], $0x0  }
0x19: {  	s7 =	sld [smem:$0x3F97]  }
0x1a: {  	s8 =	sadd.s32 $0xFFFFE003, lr  }
0x1b: {  	s9 =	sadd.s32 $0xFFFFFEF7, lr;
	s5 =	simm.s32 $0xFFFFFFFF;
	p2 =	slt.u32 s8, $0xFFFFF086  }
0x1c: {  	p1 =	slt.u32 s9, $0xF7A;
	s5 =	simm.s32 @!p2 $0x0  }
0x1d: {  	s5 =	simm.s32 @p1 $0x1;
	p0 =	seq.s32 s7, s2  }
0x1e: {  	s7 =	smul.u32 @!p0 $0xF7A, s2;
	p2 =	seq.s32 @!p0 s5, $0x0  }
0x1f: {  	s9 =	smul.u32 $0xF7A, s1;
	s8 =	simm.s32 @!p0 $0x1BF5;
	p2 =	por !p2, p0  }
0x20: {  	[sflag:s8] =	ssyncset.s32 @!p0 $0xFFFFF086;
	s6 =	sadd.s32 @!p0 s3, s7;
	s7 =	simm.s32 @!p0 $0x108  }
0x21: {  	s3 =	sadd.s32 s3, s9;
	s6 =	sadd.s32 @!p0 $0x88, s6;
	s7 =	simm.s32 @p2 $0x1082  }
0x22: {  	[simem:s7], [sflag:s8] =	dma.local @!p0 [hbm:s6], $0xF7A  }
0x23: {  	s9 =	sor.u32 $0xD0000000, s2;
	s6 =	simm.s32 $0x108;
	_ =	swait.ge @!p0 [sflag:s8], $0x0  }
0x24: {  	s3 =	sadd.s32 $0x88, s3;
	s6 =	simm.s32 @!p1 $0x1082;
	[sflag:s4] =	ssyncset.s32 $0xFFFFF086  }
0x25: {  	[simem:s6], [sflag:s4] =	dma.local [hbm:s3], $0xF7A  }
0x26: {  	[smem:$0x3F97] =	sst s1;
	(tag) =	ssettag s2;
	_ =	strace s9  }
0x27: {  	s1 =	sld [smem:$0x3FA7]  }
0x28: {  	s2 =	sld [smem:$0x3FA8]  }
0x29: {  	s4 =	sld [smem:$0x3FAA]  }
0x2a: {  	p0 =	seq.s32 s5, $0x0;
	s5 =	sld [smem:$0x3FAB]  }
0x2b: {  	s6 =	sld [smem:$0x3FAC]  }
0x2c: {  	s7 =	sld [smem:$0x3FAD]  }
0x2d: {  	s3 =	simm.s32 $0x108;
	s8 =	sld [smem:$0x3FAE]  }
0x2e: {  	s3 =	simm.s32 @!p0 $0x1082;
	s9 =	sld [smem:$0x3FAF]  }
0x2f: {  	lr =	sadd.s32 s0, s3;
	s0 =	sld [smem:$0x3FA6]  }
0x30: {  	s3 =	sld [smem:$0x3FA9]  }
0x31: {  	[smem:$0x3FB2] =	sst s10  }
0x32: {  	s10 =	sld [smem:$0x3FB0];
	_ =	sdelay $0x3  }
0x33: {  	p0 =	seq.s32 s10, $0x1;
	s10 =	sld [smem:$0x3FB2];
	_ =	sdelay $0x3  }
0x34: {  	[smem:$0x3FB2] =	sst s10  }
0x35: {  	s10 =	sld [smem:$0x3FB1];
	_ =	sdelay $0x3  }
0x36: {  	p1 =	seq.s32 s10, $0x1;
	s10 =	sld [smem:$0x3FB2];
	_ =	sdelay $0x3  }
0x37: {  	[smem:$0x3FB2] =	sst s10  }
0x38: {  	s10 =	sld [smem:$0x3FB3]  }
0x39: {  	_ = 	snop;
	(pc) =	sbr.ind lr, $3  }
0x3a: {  	_ = 	snop  }
0x3b: {  	_ = 	snop  }
0x3c: {  	p2 =	seq.s32 s10, $0x1;
	s10 =	sld [smem:$0x3FB2]  }
0x3d: {  	_ =	shalt  }
0x3e: {  	_ =	shalt  }
0x3f: {  	_ =	shalt  }
0x40: {  	_ =	shalt  }
0x41: {  	_ =	shalt  }
0x42: {  	_ =	shalt  }
0x43: {  	_ =	shalt  }
0x44: {  	_ =	shalt  }
0x45: {  	_ =	shalt  }
0x46: {  	_ =	shalt  }
0x47: {  	_ =	shalt  }
0x48: {  	_ =	shalt  }
0x49: {  	_ =	shalt  }
0x4a: {  	_ =	shalt  }
0x4b: {  	_ =	shalt  }
0x4c: {  	_ =	shalt  }
0x4d: {  	_ =	shalt  }
0x4e: {  	_ =	shalt  }
0x4f: {  	_ =	shalt  }
0x50: {  	_ =	shalt  }
0x51: {  	_ =	shalt  }
0x52: {  	_ =	shalt  }
0x53: {  	_ =	shalt  }
0x54: {  	_ =	shalt  }
0x55: {  	_ =	shalt  }
0x56: {  	_ =	shalt  }
0x57: {  	_ =	shalt  }
0x58: {  	_ =	shalt  }
0x59: {  	_ =	shalt  }
0x5a: {  	_ =	shalt  }
0x5b: {  	_ =	shalt  }
0x5c: {  	_ =	shalt  }
0x5d: {  	_ =	shalt  }
0x5e: {  	_ =	shalt  }
0x5f: {  	_ =	shalt  }
0x60: {  	_ =	shalt  }
0x61: {  	_ =	shalt  }
0x62: {  	_ =	shalt  }
0x63: {  	_ =	shalt  }
0x64: {  	_ =	shalt  }
0x65: {  	_ =	shalt  }
0x66: {  	_ =	shalt  }
0x67: {  	_ =	shalt  }
0x68: {  	_ =	shalt  }
0x69: {  	_ =	shalt  }
0x6a: {  	_ =	shalt  }
0x6b: {  	_ =	shalt  }
0x6c: {  	_ =	shalt  }
0x6d: {  	_ =	shalt  }
0x6e: {  	_ =	shalt  }
0x6f: {  	_ =	shalt  }
0x70: {  	_ =	shalt  }
0x71: {  	_ =	shalt  }
0x72: {  	_ =	shalt  }
0x73: {  	_ =	shalt  }
0x74: {  	_ =	shalt  }
0x75: {  	_ =	shalt  }
0x76: {  	_ =	shalt  }
0x77: {  	_ =	shalt  }
0x78: {  	_ =	shalt  }
0x79: {  	_ =	shalt  }
0x7a: {  	_ =	shalt  }
0x7b: {  	_ =	shalt  }
0x7c: {  	_ =	shalt  }
0x7d: {  	_ =	shalt  }
0x7e: {  	_ =	shalt  }
0x7f: {  	_ =	shalt  }
0x80: {  	_ =	shalt  }
0x81: {  	_ =	shalt  }
0x82: {  	_ =	shalt  }
0x83: {  	_ =	shalt  }
0x84: {  	_ =	shalt  }
0x85: {  	_ =	shalt  }
0x86: {  	_ =	shalt  }
0x87: {  	_ =	shalt  }
.Lfunc_end0:
.L_simem_size_0:
called_computation_lowered:
.L_overlay_start_0:
0x88: {  	s2 =	sld [smem:$0x3FD9]  }
0x89: {  	s3 =	sld [smem:$0x3FFE];
	_ =	sdelay $0x1  }
0x8a: {  	s1 =	srdreg.scid  }
0x8b: {  	s0 =	sand.u32 $0x1, s1  }
0x8c: {  	s16 =	sshll.u32 s0, $0xA;
	s2 =	sadd.s32 s3, s2  }
0x8d: {  	s2 =	sadd.s32 s2, s16  }
0x8e: {  	[smem:$0x3FBE] =	sst s2  }
0x8f: {  	_ = 	snop  }
0x90: {  	(tm) =	ssettm $0x1  }
0x91: {  	s17 =	sld [smem:$0x3FFB];
	_ =	sdelay $0x3  }
0x92: {  	_ =	strace s17  }
0x93: {  	s2 =	sld [smem:$0x3FFC];
	_ =	sdelay $0x3  }
0x94: {  	_ =	strace s2  }
0x95: {  	s2 =	sld [smem:$0x3FFD];
	_ =	sdelay $0x3  }
0x96: {  	_ =	strace s2  }
0x97: {  	_ =	strace $0x8FFFFFFF  }
0x98: {  	s18 =	sld [smem:$0x3FDB];
	_ =	sdelay $0x1  }
0x99: {  	s19 =	simm.s32 $_scs_section_size  }
0x9a: {  	s4 =	simm.s32 $_size__tile_overlayer_lowered;
	s5 =	simm.s32 $_tile_overlayer_lowered  }
0x9b: {  	s22 =	simm.s32 $0x1BFF;
	s21 =	sshll.u32 s5, $0x1;
	s2 =	sadd.s32 s19, s18  }
0x9c: {  	s6 =	simm.s32 $0x0;
	s20 =	sshll.u32 s4, $0x1;
	s4 =	sadd.s32 s21, s2  }
0x9d: {  	[timem:s6], [sflag:s22] =	dma.local [hbm:s4], s20  }
0x9e: {  	_ =	swait.ge [sflag:s22], s20  }
0x9f: {  	s3 =	ssub.s32 $0x0, s20;
	[sflag:s22] =	ssyncset.done $0x0  }
0xa0: {  	[sflag:s22] =	ssyncadd.s32 s3;
	_ =	sdelay $0x1  }
0xa1: {  	s23 =	simm.s32 $0x1B8B  }
0xa2: {  	_ =	swait.ge [sflag:s23], $0x1  }
0xa3: {  	[sflag:s23] =	ssyncset.done $0x0  }
0xa4: {  	s25 =	simm.s32 $0x1B8E;
	s24 =	sld [smem:$0x3FFE];
	[sflag:s23] =	ssyncadd.s32 $0xFFFFFFFF  }
0xa5: {  	s26 =	simm.s32 $execute0_lowered;
	[smem:$0x3FD2] =	sst s25  }
0xa6: {  	s4 =	sshll.u32 s26, $0x1;
	_ =	strace $0x80000046;
	[dreg:$0x1] =	wrdreg $0xFFFFFFFF  }
0xa7: {  	s28 =	simm.s32 $_size_execute0_lowered;
	s2 =	sadd.s32 s2, s4;
	[dreg:$0x0] =	wrdreg $0x0  }
0xa8: {  	s4 =	sshll.u32 s28, $0x1;
	[dreg:$0x2] =	wrdreg s2  }
0xa9: {  	[dreg:$0x3] =	wrdreg s4  }
0xaa: {  	[dreg:$0x4] =	wrdreg $0xC0  }
0xab: {  	_ =	task [dreg:s6], $0x5FFFF  }
0xac: {  	[dreg:$0x1] =	wrdreg $0xFFFFFFFF  }
0xad: {  	[dreg:$0x0] =	wrdreg $0x60  }
0xae: {  	[dreg:$0x2] =	wrdreg s24  }
0xaf: {  	[dreg:$0x3] =	wrdreg $0x128000  }
0xb0: {  	[dreg:$0x4] =	wrdreg $0x9  }
0xb1: {  	_ =	task.clear_ibuf [dreg:s6], $0x5FFFF;
	_ =	strace $0x90000046  }
0xb2: {  	s29 =	simm.s32 $0x9;
	_ =	strace $0x8000004D  }
0xb3: {  	_ =	swait.ge [sflag:s29], $0x1  }
0xb4: {  	[sflag:s29] =	ssyncadd.s32 $0xFFFFFFFF  }
0xb5: {  	_ =	strace $0x9000004D  }
0xb6: {  	_ =	sfence  }
0xb7: {  	s30 =	sld [smem:$0x0];
	_ =	sdelay $0x2  }
0xb8: {  	s31 =	sshll.u32 s1, $0xD;
	s1 =	sshrl.u32 s1, $0x2  }
0xb9: {  	s3 =	sand.u32 $0x4000, s31;
	s1 =	sadd.s32 s1, s30  }
0xba: {  	s0 =	sor.u32 s3, s0;
	s1 =	sshll.u32 s1, $0x11  }
0xbb: {  	s0 =	sor.u32 s1, s0  }
0xbc: {  	s0 =	sadd.s32 $0x8F2B, s0  }
0xbd: {  	[sflag:s0] =	ssyncadd.remote.s32 $0x1  }
0xbe: {  	_ =	sfence.sel $0xFFFF  }
0xbf: {  	[dreg:$0x0] =	wrdreg $0xFFFFFFFF;
	(pc) =	sbr.abs _section_cstart, $3  }
0xc0: {  	[dreg:$0x1] =	wrdreg $0xFFFFFFFF  }
0xc1: {  	_ =	task.clear_ibuf [dreg:s6], $0x2FFFF;
	_ =	strace $0x9FFFFFFF  }
0xc2: {  	(tm) =	ssettm $0x7FFFFFFF  }
0xc3: {  	_ =	shalt  }
tec
execute0_lowered:
.L_overlay_start_1:
0x0: {  	(tag) =	ssettag $0x1  }
0x1: {  	s0 =	rddreg [dreg:$0x0]  }
0x2: {  	s1 =	srdreg.scid;
	s7 =	stileid.u32  }
0x3: {  	s2 =	rddreg [dreg:$0x1];
	s4 =	simm.s32 $0x0;
	s23 =	simm.s32 $0x3  }
0x4: {  	s12 =	simm.s32 $0x80;
	s30 =	simm.s32 $0xB000;
	s16 =	simm.s32 $0xD000  }
0x5: {  	s20 =	simm.s32 $0xE000;
	s24 =	simm.s32 $0xF000;
	s29 =	simm.s32 $0x10000  }
0x6: {  	s8 =	simm.s32 $0x2;
	s9 =	simm.s32 $0x12300;
	s10 =	simm.s32 $0x12400  }
0x7: {  	s13 =	simm.s32 $0x12480;
	s15 =	simm.s32 $0x12500;
	s14 =	simm.s32 $0x12580  }
0x8: {  	s17 =	simm.s32 $0x12600;
	s18 =	simm.s32 $0x12680;
	s19 =	simm.s32 $0x12700  }
0x9: {  	s21 =	simm.s32 $0x12780;
	s1 =	sand.u32 $0x1, s1;
	s3 =	sshll.u32 s7, $0x1  }
0xa: {  	[smem:$0x7FF] =	sst s4;
	s4 =	sadd.s32 $0xF44000, s0;
	s28 =	sshll.u32 s7, $0xC  }
0xb: {  	s3 =	sor.u32 s1, s3;
	_ =	strace $0x80000047;
	s1 =	ssub.s32 $0x2, s1  }
0xc: {  	s26 =	sshll.u32 s3, $0xA;
	s3 =	sshll.u32 s3, $0x9;
	s6 =	sshrl.u32 s1, $0x1  }
0xd: {  	s5 =	sadd.s32 s26, s0;
	s0 =	sadd.s32 s3, s0;
	s1 =	ssub.s32 s1, s6  }
.Ltmp0:
0xe: {  	s6 =	sshll.u32 s7, $0x7;
	s26 =	sadd.s32 s28, s2;
	(pc) =	sbr.rel .LBB2_1-.Ltmp0, $4  }
0xf: {  	s3 =	simm.s32 $0x1;
	s5 =	sadd.s32 $0x1314A00, s5;
	[dreg:$0x4] =	wrdreg s26  }
0x10: {  	s7 =	simm.s32 $0x12380;
	s0 =	sadd.s32 $0x131CA00, s0;
	[dreg:$0x3] =	wrdreg s5  }
0x11: {  	s31 =	smax.u32 s1, $0x1;
	s1 =	simm.s32 $0xC000;
	[dreg:$0x5] =	wrdreg s0  }
0x12: {  	v0 =	vimm.f32 $0.0e+00;
	[dreg:$0x6] =	wrdreg s31;
	s0 =	simm.s32 $0x11000;
	s5 =	simm.s32 $0x0  }
.LBB2_8:
0x13: {  	_ =	strace $0x9000004B  }
0x14: {  	_ =	strace $0x8000004C  }
0x15: {  	_ =	swait.ge [sflag:s8], $0x1000  }
0x16: {  	[sflag:s8] =	ssyncset.done $0x0  }
0x17: {  	[sflag:s8] =	ssyncadd.s32 $0xFFFFF000  }
0x18: {  	_ =	swait.ge [sflag:s8], $0x1000  }
0x19: {  	[sflag:s8] =	ssyncset.done $0x0  }
0x1a: {  	[sflag:s8] =	ssyncadd.s32 $0xFFFFF000  }
0x1b: {  	_ =	swait.ge [sflag:s8], $0x1000  }
0x1c: {  	[sflag:s8] =	ssyncset.done $0x0  }
0x1d: {  	[sflag:s8] =	ssyncadd.s32 $0xFFFFF000  }
0x1e: {  	_ =	swait.ge [sflag:s8], $0x1000  }
0x1f: {  	[sflag:s8] =	ssyncset.done $0x0  }
0x20: {  	s11 =	stileid.u32;
	[sflag:s8] =	ssyncadd.s32 $0xFFFFF000  }
0x21: {  	s11 =	sshll.u32 s11, $0x6;
	_ =	swait.ge [sflag:s8], $0x1000  }
0x22: {  	s11 =	sor.u32 $0x1C03, s11;
	[sflag:s8] =	ssyncset.done $0x0;
	s26 =	rddreg [dreg:$0x4]  }
0x23: {  	s23 =	rddreg [dreg:$0x5];
	[sflag:s8] =	ssyncadd.s32 $0xFFFFF000;
	s22 =	sshrl.u32 s26, $0x3  }
0x24: {  	[hbm:s23], [sflag:s11] =	dma.local [spmem:s22], $0x200  }
0x25: {  	s23 =	simm.s32 $0x3  }
0x26: {  	_ =	swait.ge [sflag:s23], $0x200  }
0x27: {  	s5 =	rddreg [dreg:$0x7]  }
0x28: {  	s31 =	rddreg [dreg:$0x6];
	s5 =	sadd.s32 $0x1, s5  }
0x29: {  	p0 =	sne.s32 s5, s31  }
.Ltmp1:
0x2a: {  	_ = 	snop;
	(pc) =	sbr.rel @!p0 .LBB2_9-.Ltmp1, $4  }
0x2b: {  	_ = 	snop  }
0x2c: {  	[sflag:s23] =	ssyncset.done $0x0  }
0x2d: {  	[sflag:s23] =	ssyncadd.s32 $0xFFFFFE00  }
0x2e: {  	_ =	strace $0x9000004C  }
.LBB2_1:
0x2f: {  	_ =	strace $0x80000048  }
0x30: {  	s11 =	simm.s32 $0x0;
	s22 =	rddreg [dreg:$0x3]  }
0x31: {  	[tilespmem:s11], [sflag:$0x3] =	stream.linear.gather [hbm4b:s22+s11], $0x2000, $0x200038;
	[tilespmem:$0x13800] =	vst v63  }
0x32: {  	_ =	swait.ge [sflag:s23], $0x2000  }
0x33: {  	[sflag:s23] =	ssyncset.done $0x0  }
0x34: {  	s22 =	simm.s32 $0x0;
	[sflag:s23] =	ssyncadd.s32 $0xFFFFE000;
	s23 =	simm.s32 $0x40  }
.LBB2_2:
0x35: {  	p0 =	sne.s32 s23, $0x7FC0;
	v1 =	vld [tilespmem:s22+$0x0];
	_ =	sdelay $0x3  }
.Ltmp2:
0x36: {  	(pc) =	sbr.rel @p0 .LBB2_2-.Ltmp2, $4  }
0x37: {  	v1 =	vadd.s32 $0xFFFFFFFF, v1  }
0x38: {  	vm0 =	vgt.s32 v1, $0x0  }
0x39: {  	v1 =	vnsel vm0, $0x0, v1  }
0x3a: {  	[tilespmem:s22+$0x0] =	vst v1;
	s22 =	sshra.s32 s23, $0x2;
	s23 =	sadd.s32 $0x40, s23  }
0x3b: {  	v1 =	vld [tilespmem:s22+$0x0];
	_ =	sdelay $0x4  }
0x3c: {  	v1 =	vadd.s32 $0xFFFFFFFF, v1  }
0x3d: {  	vm0 =	vgt.s32 v1, $0x0  }
0x3e: {  	v1 =	vnsel vm0, $0x0, v1  }
0x3f: {  	[dreg:$0x7] =	wrdreg s5;
	[tilespmem:s22+$0x0] =	vst v1  }
0x40: {  	_ =	strace $0x90000048  }
0x41: {  	s23 =	simm.s32 $0x0;
	s22 =	simm.s32 $0x80;
	_ =	strace $0x80000049  }
.LBB2_4:
0x42: {  	p0 =	sne.s32 s22, $0x3F80;
	[tilespmem:s23+$0x2000] =	vst v0;
	s25 =	smov.u32 s22;
	s22 =	sadd.s32 $0x80, s22  }
.Ltmp3:
0x43: {  	[tilespmem:s23+$0x2010] =	vst v0;
	(pc) =	sbr.rel @p0 .LBB2_4-.Ltmp3, $2  }
0x44: {  	_ =	sdelay $0x2  }
0x45: {  	s23 =	sshra.s32 s25, $0x2  }
0x46: {  	[tilespmem:s23+$0x2000] =	vst v0  }
0x47: {  	[tilespmem:s23+$0x2010] =	vst v0;
	s11 =	simm.s32 $0x2000;
	s22 =	simm.s32 $0x3  }
0x48: {  	[spmem:s26] =	stream.linear.scatter [tilespmem:s11], [sflag:$0x3], $0x1000, $0x200038;
	[tilespmem:$0x13800] =	vst v63  }
0x49: {  	_ =	swait.ge [sflag:s22], $0x1000  }
0x4a: {  	[sflag:s22] =	ssyncset.done $0x0  }
0x4b: {  	[sflag:s22] =	ssyncadd.s32 $0xFFFFF000  }
0x4c: {  	_ =	strace $0x90000049  }
0x4d: {  	s23 =	simm.s32 $0x0;
	_ =	strace $0x8000004A  }
0x4e: {  	[tilespmem:s11], [sflag:$0x1] =	stream.indirect.gather [hbm4b:s4+s12], $0x20, s23, s12, $0x2000b8;
	[tilespmem:$0x13800] =	vst v63  }
0x4f: {  	s25 =	simm.s32 $0x3000  }
0x50: {  	[tilespmem:s25], [sflag:$0x1] =	stream.indirect.gather [hbm4b:s4+s12], $0x20, s12, s12, $0x2000b8;
	[tilespmem:$0x13800] =	vst v63  }
0x51: {  	s26 =	simm.s32 $0x100;
	s25 =	simm.s32 $0x4000  }
0x52: {  	[tilespmem:s25], [sflag:$0x1] =	stream.indirect.gather [hbm4b:s4+s12], $0x20, s26, s12, $0x2000b8;
	[tilespmem:$0x13800] =	vst v63  }
0x53: {  	s28 =	simm.s32 $0x180;
	s31 =	simm.s32 $0x5000  }
0x54: {  	[tilespmem:s31], [sflag:$0x1] =	stream.indirect.gather [hbm4b:s4+s12], $0x20, s28, s12, $0x2000b8;
	[tilespmem:$0x13800] =	vst v63  }
0x55: {  	s25 =	simm.s32 $0x200;
	s26 =	simm.s32 $0x6000  }
0x56: {  	[tilespmem:s26], [sflag:$0x1] =	stream.indirect.gather [hbm4b:s4+s12], $0x20, s25, s12, $0x2000b8;
	[tilespmem:$0x13800] =	vst v63  }
0x57: {  	s28 =	simm.s32 $0x280;
	s31 =	simm.s32 $0x7000  }
0x58: {  	[tilespmem:s31], [sflag:$0x1] =	stream.indirect.gather [hbm4b:s4+s12], $0x20, s28, s12, $0x2000b8;
	[tilespmem:$0x13800] =	vst v63  }
0x59: {  	s25 =	simm.s32 $0x300;
	s26 =	simm.s32 $0x8000  }
0x5a: {  	[tilespmem:s26], [sflag:$0x1] =	stream.indirect.gather [hbm4b:s4+s12], $0x20, s25, s12, $0x2000b8;
	[tilespmem:$0x13800] =	vst v63  }
0x5b: {  	s28 =	simm.s32 $0x380;
	s31 =	simm.s32 $0x9000  }
0x5c: {  	[tilespmem:s31], [sflag:$0x1] =	stream.indirect.gather [hbm4b:s4+s12], $0x20, s28, s12, $0x2000b8;
	[tilespmem:$0x13800] =	vst v63  }
0x5d: {  	s25 =	simm.s32 $0x400;
	s26 =	simm.s32 $0xA000  }
0x5e: {  	[tilespmem:s26], [sflag:$0x1] =	stream.indirect.gather [hbm4b:s4+s12], $0x20, s25, s12, $0x2000b8;
	[tilespmem:$0x13800] =	vst v63  }
0x5f: {  	s28 =	simm.s32 $0x480  }
0x60: {  	[tilespmem:s30], [sflag:$0x1] =	stream.indirect.gather [hbm4b:s4+s12], $0x20, s28, s12, $0x2000b8;
	[tilespmem:$0x13800] =	vst v63  }
0x61: {  	s31 =	simm.s32 $0x500  }
0x62: {  	[tilespmem:s1], [sflag:$0x1] =	stream.indirect.gather [hbm4b:s4+s12], $0x20, s31, s12, $0x2000b8;
	[tilespmem:$0x13800] =	vst v63  }
0x63: {  	_ =	strace $0x9000004A  }
0x64: {  	s5 =	simm.s32 $0x2000;
	s26 =	simm.s32 $0xD00;
	_ =	strace $0x8000004B  }
.LBB2_6:
0x65: {  	_ =	swait.ge [sflag:s3], $0x1000  }
0x66: {  	s25 =	sadd.s32 s23, s6;
	[sflag:s3] =	ssyncset.done $0x0  }
0x67: {  	v1 =	vmov s25;
	[sflag:s3] =	ssyncadd.s32 $0xFFFFF000  }
0x68: {  	[tilespmem:$0x12000] =	vst v1  }
0x69: {  	[tilespmem:$0x12010] =	vst v1  }
0x6a: {  	s31 =	sadd.s32 $0x1, s25;
	[tilespmem:$0x12020] =	vst v1  }
0x6b: {  	[tilespmem:$0x12030] =	vst v1;
	v1 =	vmov s31  }
0x6c: {  	[tilespmem:$0x12040] =	vst v1  }
0x6d: {  	[tilespmem:$0x12050] =	vst v1  }
0x6e: {  	p0 =	seq.s32 s23, $0x0;
	[tilespmem:$0x12060] =	vst v1  }
0x6f: {  	s11 =	simm.s32 $0x12000;
	s31 =	simm.s32 @!p0 $0x2;
	[tilespmem:$0x12070] =	vst v1  }
0x70: {  	[spmem:s2] =	stream.indirect.scatter.add.f32 [tilespmem:s5], [sflag:$0x2], $0x20, s11, s12, $0x2000b8;
	[tilespmem:$0x13800] =	vst v63  }
0x71: {  	_ =	swait.ge @!p0 [sflag:s31], $0x1000  }
0x72: {  	[sflag:s31] =	ssyncset.done @!p0 $0x0  }
0x73: {  	s28 =	sadd.s32 $0xFFFFF880, s26;
	[sflag:s31] =	ssyncadd.s32 @!p0 $0xFFFFF000  }
0x74: {  	[tilespmem:s16], [sflag:$0x1] =	stream.indirect.gather [hbm4b:s4+s12], $0x20, s28, s12, $0x2000b8;
	[tilespmem:$0x13800] =	vst v63  }
0x75: {  	_ =	swait.ge [sflag:s3], $0x1000  }
0x76: {  	s28 =	sadd.s32 $0x2, s25;
	[sflag:s3] =	ssyncset.done $0x0  }
0x77: {  	v1 =	vmov s28;
	[sflag:s3] =	ssyncadd.s32 $0xFFFFF000  }
0x78: {  	[tilespmem:$0x12080] =	vst v1  }
0x79: {  	[tilespmem:$0x12090] =	vst v1  }
0x7a: {  	s28 =	sadd.s32 $0x3, s25;
	[tilespmem:$0x120A0] =	vst v1  }
0x7b: {  	[tilespmem:$0x120B0] =	vst v1;
	v1 =	vmov s28  }
0x7c: {  	[tilespmem:$0x120C0] =	vst v1  }
0x7d: {  	[tilespmem:$0x120D0] =	vst v1  }
0x7e: {  	[tilespmem:$0x120E0] =	vst v1  }
0x7f: {  	s11 =	simm.s32 $0x3000;
	s28 =	simm.s32 $0x12080;
	[tilespmem:$0x120F0] =	vst v1  }
0x80: {  	[spmem:s2] =	stream.indirect.scatter.add.f32 [tilespmem:s11], [sflag:$0x2], $0x20, s28, s12, $0x2000b8;
	[tilespmem:$0x13800] =	vst v63  }
0x81: {  	_ =	swait.ge @!p0 [sflag:s31], $0x1000  }
0x82: {  	[sflag:s31] =	ssyncset.done @!p0 $0x0  }
0x83: {  	s28 =	sadd.s32 $0xFFFFF900, s26;
	[sflag:s31] =	ssyncadd.s32 @!p0 $0xFFFFF000  }
0x84: {  	[tilespmem:s20], [sflag:$0x1] =	stream.indirect.gather [hbm4b:s4+s12], $0x20, s28, s12, $0x2000b8;
	[tilespmem:$0x13800] =	vst v63  }
0x85: {  	_ =	swait.ge [sflag:s3], $0x1000  }
0x86: {  	s28 =	sadd.s32 $0x4, s25;
	[sflag:s3] =	ssyncset.done $0x0  }
0x87: {  	v1 =	vmov s28;
	[sflag:s3] =	ssyncadd.s32 $0xFFFFF000  }
0x88: {  	[tilespmem:$0x12100] =	vst v1  }
0x89: {  	[tilespmem:$0x12110] =	vst v1  }
0x8a: {  	s28 =	sadd.s32 $0x5, s25;
	[tilespmem:$0x12120] =	vst v1  }
0x8b: {  	[tilespmem:$0x12130] =	vst v1;
	v1 =	vmov s28  }
0x8c: {  	[tilespmem:$0x12140] =	vst v1  }
0x8d: {  	[tilespmem:$0x12150] =	vst v1  }
0x8e: {  	[tilespmem:$0x12160] =	vst v1  }
0x8f: {  	s11 =	simm.s32 $0x4000;
	s28 =	simm.s32 $0x12100;
	[tilespmem:$0x12170] =	vst v1  }
0x90: {  	[spmem:s2] =	stream.indirect.scatter.add.f32 [tilespmem:s11], [sflag:$0x2], $0x20, s28, s12, $0x2000b8;
	[tilespmem:$0x13800] =	vst v63  }
0x91: {  	_ =	swait.ge @!p0 [sflag:s31], $0x1000  }
0x92: {  	[sflag:s31] =	ssyncset.done @!p0 $0x0  }
0x93: {  	s28 =	sadd.s32 $0xFFFFF980, s26;
	[sflag:s31] =	ssyncadd.s32 @!p0 $0xFFFFF000  }
0x94: {  	[tilespmem:s24], [sflag:$0x1] =	stream.indirect.gather [hbm4b:s4+s12], $0x20, s28, s12, $0x2000b8;
	[tilespmem:$0x13800] =	vst v63  }
0x95: {  	_ =	swait.ge [sflag:s3], $0x1000  }
0x96: {  	s28 =	sadd.s32 $0x6, s25;
	[sflag:s3] =	ssyncset.done $0x0  }
0x97: {  	v1 =	vmov s28;
	[sflag:s3] =	ssyncadd.s32 $0xFFFFF000  }
0x98: {  	[tilespmem:$0x12180] =	vst v1  }
0x99: {  	[tilespmem:$0x12190] =	vst v1  }
0x9a: {  	s28 =	sadd.s32 $0x7, s25;
	[tilespmem:$0x121A0] =	vst v1  }
0x9b: {  	[tilespmem:$0x121B0] =	vst v1;
	v1 =	vmov s28  }
0x9c: {  	[tilespmem:$0x121C0] =	vst v1  }
0x9d: {  	[tilespmem:$0x121D0] =	vst v1  }
0x9e: {  	[tilespmem:$0x121E0] =	vst v1  }
0x9f: {  	p1 =	slt.u32 s22, $0x5;
	s11 =	simm.s32 $0x5000;
	s28 =	simm.s32 $0x12180;
	[tilespmem:$0x121F0] =	vst v1  }
0xa0: {  	[spmem:s2] =	stream.indirect.scatter.add.f32 [tilespmem:s11], [sflag:$0x2], $0x20, s28, s12, $0x2000b8;
	[tilespmem:$0x13800] =	vst v63  }
0xa1: {  	s11 =	simm.s32 @!p1 $0x2  }
0xa2: {  	_ =	swait.ge @!p1 [sflag:s11], $0x1000  }
0xa3: {  	[sflag:s11] =	ssyncset.done @!p1 $0x0  }
0xa4: {  	s28 =	sadd.s32 $0xFFFFFA00, s26;
	[sflag:s11] =	ssyncadd.s32 @!p1 $0xFFFFF000  }
0xa5: {  	[tilespmem:s29], [sflag:$0x1] =	stream.indirect.gather [hbm4b:s4+s12], $0x20, s28, s12, $0x2000b8;
	[tilespmem:$0x13800] =	vst v63  }
0xa6: {  	_ =	swait.ge [sflag:s3], $0x1000  }
0xa7: {  	s28 =	sadd.s32 $0x8, s25;
	[sflag:s3] =	ssyncset.done $0x0  }
0xa8: {  	v1 =	vmov s28;
	[sflag:s3] =	ssyncadd.s32 $0xFFFFF000  }
0xa9: {  	[tilespmem:$0x12200] =	vst v1  }
0xaa: {  	[tilespmem:$0x12210] =	vst v1  }
0xab: {  	s28 =	sadd.s32 $0x9, s25;
	[tilespmem:$0x12220] =	vst v1  }
0xac: {  	[tilespmem:$0x12230] =	vst v1;
	v1 =	vmov s28  }
0xad: {  	[tilespmem:$0x12240] =	vst v1  }
0xae: {  	[tilespmem:$0x12250] =	vst v1  }
0xaf: {  	[tilespmem:$0x12260] =	vst v1  }
0xb0: {  	s11 =	simm.s32 $0x6000;
	s28 =	simm.s32 $0x12200;
	[tilespmem:$0x12270] =	vst v1  }
0xb1: {  	[spmem:s2] =	stream.indirect.scatter.add.f32 [tilespmem:s11], [sflag:$0x2], $0x20, s28, s12, $0x2000b8;
	[tilespmem:$0x13800] =	vst v63  }
0xb2: {  	_ =	swait.ge @!p0 [sflag:s31], $0x1000  }
0xb3: {  	[sflag:s31] =	ssyncset.done @!p0 $0x0  }
0xb4: {  	s28 =	sadd.s32 $0xFFFFFA80, s26;
	[sflag:s31] =	ssyncadd.s32 @!p0 $0xFFFFF000  }
0xb5: {  	[tilespmem:s0], [sflag:$0x1] =	stream.indirect.gather [hbm4b:s4+s12], $0x20, s28, s12, $0x2000b8;
	[tilespmem:$0x13800] =	vst v63  }
0xb6: {  	_ =	swait.ge [sflag:s3], $0x1000  }
0xb7: {  	s31 =	sadd.s32 $0xA, s25;
	[sflag:s3] =	ssyncset.done $0x0  }
0xb8: {  	v1 =	vmov s31;
	[sflag:s3] =	ssyncadd.s32 $0xFFFFF000  }
0xb9: {  	[tilespmem:$0x12280] =	vst v1  }
0xba: {  	[tilespmem:$0x12290] =	vst v1  }
0xbb: {  	s28 =	sadd.s32 $0xB, s25;
	[tilespmem:$0x122A0] =	vst v1  }
0xbc: {  	[tilespmem:$0x122B0] =	vst v1;
	v1 =	vmov s28  }
0xbd: {  	[tilespmem:$0x122C0] =	vst v1  }
0xbe: {  	[tilespmem:$0x122D0] =	vst v1  }
0xbf: {  	[tilespmem:$0x122E0] =	vst v1  }
0xc0: {  	s11 =	simm.s32 $0x7000;
	s31 =	simm.s32 $0x12280;
	[tilespmem:$0x122F0] =	vst v1  }
0xc1: {  	[spmem:s2] =	stream.indirect.scatter.add.f32 [tilespmem:s11], [sflag:$0x2], $0x20, s31, s12, $0x2000b8;
	[tilespmem:$0x13800] =	vst v63  }
0xc2: {  	p0 =	seq.s32 s23, $0x60;
	_ =	swait.ge [sflag:s8], $0x1000  }
0xc3: {  	s28 =	simm.s32 @!p0 $0x2000;
	[sflag:s8] =	ssyncset.done $0x0  }
0xc4: {  	s11 =	sadd.s32 @!p0 $0xFFFFFB00, s26;
	s31 =	simm.s32 @!p0 $0x80;
	[sflag:s8] =	ssyncadd.s32 $0xFFFFF000  }
0xc5: {  	[tilespmem:s28], [sflag:$0x1] =	stream.indirect.gather @!p0 [hbm4b:s4+s31], $0x20, s11, s31, $0x2000b8;
	[tilespmem:$0x13800] =	vst v63  }
0xc6: {  	_ =	swait.ge [sflag:s3], $0x1000  }
0xc7: {  	s28 =	sadd.s32 $0xC, s25;
	[sflag:s3] =	ssyncset.done $0x0  }
0xc8: {  	v1 =	vmov s28;
	[sflag:s3] =	ssyncadd.s32 $0xFFFFF000  }
0xc9: {  	[tilespmem:$0x12300] =	vst v1  }
0xca: {  	[tilespmem:$0x12310] =	vst v1  }
0xcb: {  	s28 =	sadd.s32 $0xD, s25;
	[tilespmem:$0x12320] =	vst v1  }
0xcc: {  	[tilespmem:$0x12330] =	vst v1;
	v1 =	vmov s28  }
0xcd: {  	[tilespmem:$0x12340] =	vst v1  }
0xce: {  	[tilespmem:$0x12350] =	vst v1  }
0xcf: {  	[tilespmem:$0x12360] =	vst v1  }
0xd0: {  	s28 =	simm.s32 $0x8000;
	[tilespmem:$0x12370] =	vst v1  }
0xd1: {  	[spmem:s2] =	stream.indirect.scatter.add.f32 [tilespmem:s28], [sflag:$0x2], $0x20, s9, s12, $0x2000b8;
	[tilespmem:$0x13800] =	vst v63  }
0xd2: {  	_ =	swait.ge [sflag:s8], $0x1000  }
0xd3: {  	[sflag:s8] =	ssyncset.done $0x0  }
0xd4: {  	s11 =	sadd.s32 @!p0 $0xFFFFFB80, s26;
	s28 =	simm.s32 @!p0 $0x3000;
	[sflag:s8] =	ssyncadd.s32 $0xFFFFF000  }
0xd5: {  	[tilespmem:s28], [sflag:$0x1] =	stream.indirect.gather @!p0 [hbm4b:s4+s31], $0x20, s11, s31, $0x2000b8;
	[tilespmem:$0x13800] =	vst v63  }
0xd6: {  	_ =	swait.ge [sflag:s3], $0x1000  }
0xd7: {  	s28 =	sadd.s32 $0xE, s25;
	[sflag:s3] =	ssyncset.done $0x0  }
0xd8: {  	v1 =	vmov s28;
	[sflag:s3] =	ssyncadd.s32 $0xFFFFF000  }
0xd9: {  	[tilespmem:$0x12380] =	vst v1  }
0xda: {  	[tilespmem:$0x12390] =	vst v1  }
0xdb: {  	s28 =	sadd.s32 $0xF, s25;
	[tilespmem:$0x123A0] =	vst v1  }
0xdc: {  	[tilespmem:$0x123B0] =	vst v1;
	v1 =	vmov s28  }
0xdd: {  	[tilespmem:$0x123C0] =	vst v1  }
0xde: {  	[tilespmem:$0x123D0] =	vst v1  }
0xdf: {  	[tilespmem:$0x123E0] =	vst v1  }
0xe0: {  	s28 =	simm.s32 $0x9000;
	[tilespmem:$0x123F0] =	vst v1  }
0xe1: {  	[spmem:s2] =	stream.indirect.scatter.add.f32 [tilespmem:s28], [sflag:$0x2], $0x20, s7, s12, $0x2000b8;
	[tilespmem:$0x13800] =	vst v63  }
0xe2: {  	_ =	swait.ge [sflag:s8], $0x1000  }
0xe3: {  	[sflag:s8] =	ssyncset.done $0x0  }
0xe4: {  	s11 =	sadd.s32 @!p0 $0xFFFFFC00, s26;
	s28 =	simm.s32 @!p0 $0x4000;
	[sflag:s8] =	ssyncadd.s32 $0xFFFFF000  }
0xe5: {  	[tilespmem:s28], [sflag:$0x1] =	stream.indirect.gather @!p0 [hbm4b:s4+s31], $0x20, s11, s31, $0x2000b8;
	[tilespmem:$0x13800] =	vst v63  }
0xe6: {  	_ =	swait.ge [sflag:s3], $0x1000  }
0xe7: {  	s28 =	sadd.s32 $0x10, s25;
	[sflag:s3] =	ssyncset.done $0x0  }
0xe8: {  	v1 =	vmov s28;
	[sflag:s3] =	ssyncadd.s32 $0xFFFFF000  }
0xe9: {  	[tilespmem:$0x12400] =	vst v1  }
0xea: {  	[tilespmem:$0x12410] =	vst v1  }
0xeb: {  	s28 =	sadd.s32 $0x11, s25;
	[tilespmem:$0x12420] =	vst v1  }
0xec: {  	[tilespmem:$0x12430] =	vst v1;
	v1 =	vmov s28  }
0xed: {  	[tilespmem:$0x12440] =	vst v1  }
0xee: {  	[tilespmem:$0x12450] =	vst v1  }
0xef: {  	[tilespmem:$0x12460] =	vst v1  }
0xf0: {  	s28 =	simm.s32 $0xA000;
	[tilespmem:$0x12470] =	vst v1  }
0xf1: {  	[spmem:s2] =	stream.indirect.scatter.add.f32 [tilespmem:s28], [sflag:$0x2], $0x20, s10, s12, $0x2000b8;
	[tilespmem:$0x13800] =	vst v63  }
0xf2: {  	_ =	swait.ge [sflag:s8], $0x1000  }
0xf3: {  	[sflag:s8] =	ssyncset.done $0x0  }
0xf4: {  	s11 =	sadd.s32 @!p0 $0xFFFFFC80, s26;
	s28 =	simm.s32 @!p0 $0x5000;
	[sflag:s8] =	ssyncadd.s32 $0xFFFFF000  }
0xf5: {  	[tilespmem:s28], [sflag:$0x1] =	stream.indirect.gather @!p0 [hbm4b:s4+s31], $0x20, s11, s31, $0x2000b8;
	[tilespmem:$0x13800] =	vst v63  }
0xf6: {  	_ =	swait.ge [sflag:s3], $0x1000  }
0xf7: {  	s28 =	sadd.s32 $0x12, s25;
	[sflag:s3] =	ssyncset.done $0x0  }
0xf8: {  	v1 =	vmov s28;
	[sflag:s3] =	ssyncadd.s32 $0xFFFFF000  }
0xf9: {  	[tilespmem:$0x12480] =	vst v1  }
0xfa: {  	[tilespmem:$0x12490] =	vst v1  }
0xfb: {  	s28 =	sadd.s32 $0x13, s25;
	[tilespmem:$0x124A0] =	vst v1  }
0xfc: {  	[tilespmem:$0x124B0] =	vst v1;
	v1 =	vmov s28  }
0xfd: {  	[tilespmem:$0x124C0] =	vst v1  }
0xfe: {  	[tilespmem:$0x124D0] =	vst v1  }
0xff: {  	[tilespmem:$0x124E0] =	vst v1  }
0x100: {  	[tilespmem:$0x124F0] =	vst v1  }
0x101: {  	[spmem:s2] =	stream.indirect.scatter.add.f32 [tilespmem:s30], [sflag:$0x2], $0x20, s13, s12, $0x2000b8;
	[tilespmem:$0x13800] =	vst v63  }
0x102: {  	_ =	swait.ge [sflag:s8], $0x1000  }
0x103: {  	[sflag:s8] =	ssyncset.done $0x0  }
0x104: {  	s11 =	sadd.s32 @!p0 $0xFFFFFD00, s26;
	s28 =	simm.s32 @!p0 $0x6000;
	[sflag:s8] =	ssyncadd.s32 $0xFFFFF000  }
0x105: {  	[tilespmem:s28], [sflag:$0x1] =	stream.indirect.gather @!p0 [hbm4b:s4+s31], $0x20, s11, s31, $0x2000b8;
	[tilespmem:$0x13800] =	vst v63  }
0x106: {  	_ =	swait.ge [sflag:s3], $0x1000  }
0x107: {  	s28 =	sadd.s32 $0x14, s25;
	[sflag:s3] =	ssyncset.done $0x0  }
0x108: {  	v1 =	vmov s28;
	[sflag:s3] =	ssyncadd.s32 $0xFFFFF000  }
0x109: {  	[tilespmem:$0x12500] =	vst v1  }
0x10a: {  	[tilespmem:$0x12510] =	vst v1  }
0x10b: {  	s28 =	sadd.s32 $0x15, s25;
	[tilespmem:$0x12520] =	vst v1  }
0x10c: {  	[tilespmem:$0x12530] =	vst v1;
	v1 =	vmov s28  }
0x10d: {  	[tilespmem:$0x12540] =	vst v1  }
0x10e: {  	[tilespmem:$0x12550] =	vst v1  }
0x10f: {  	[tilespmem:$0x12560] =	vst v1  }
0x110: {  	[tilespmem:$0x12570] =	vst v1  }
0x111: {  	[spmem:s2] =	stream.indirect.scatter.add.f32 [tilespmem:s1], [sflag:$0x2], $0x20, s15, s12, $0x2000b8;
	[tilespmem:$0x13800] =	vst v63  }
0x112: {  	_ =	swait.ge [sflag:s8], $0x1000  }
0x113: {  	[sflag:s8] =	ssyncset.done $0x0  }
0x114: {  	s11 =	sadd.s32 @!p0 $0xFFFFFD80, s26;
	s28 =	simm.s32 @!p0 $0x7000;
	[sflag:s8] =	ssyncadd.s32 $0xFFFFF000  }
0x115: {  	[tilespmem:s28], [sflag:$0x1] =	stream.indirect.gather @!p0 [hbm4b:s4+s31], $0x20, s11, s31, $0x2000b8;
	[tilespmem:$0x13800] =	vst v63  }
0x116: {  	_ =	swait.ge [sflag:s3], $0x1000  }
0x117: {  	s28 =	sadd.s32 $0x16, s25;
	[sflag:s3] =	ssyncset.done $0x0  }
0x118: {  	v1 =	vmov s28;
	[sflag:s3] =	ssyncadd.s32 $0xFFFFF000  }
0x119: {  	[tilespmem:$0x12580] =	vst v1  }
0x11a: {  	[tilespmem:$0x12590] =	vst v1  }
0x11b: {  	s28 =	sadd.s32 $0x17, s25;
	[tilespmem:$0x125A0] =	vst v1  }
0x11c: {  	[tilespmem:$0x125B0] =	vst v1;
	v1 =	vmov s28  }
0x11d: {  	[tilespmem:$0x125C0] =	vst v1  }
0x11e: {  	[tilespmem:$0x125D0] =	vst v1  }
0x11f: {  	[tilespmem:$0x125E0] =	vst v1  }
0x120: {  	[tilespmem:$0x125F0] =	vst v1  }
0x121: {  	[spmem:s2] =	stream.indirect.scatter.add.f32 [tilespmem:s16], [sflag:$0x2], $0x20, s14, s12, $0x2000b8;
	[tilespmem:$0x13800] =	vst v63  }
0x122: {  	_ =	swait.ge [sflag:s8], $0x1000  }
0x123: {  	[sflag:s8] =	ssyncset.done $0x0  }
0x124: {  	s11 =	sadd.s32 @!p0 $0xFFFFFE00, s26;
	s28 =	simm.s32 @!p0 $0x8000;
	[sflag:s8] =	ssyncadd.s32 $0xFFFFF000  }
0x125: {  	[tilespmem:s28], [sflag:$0x1] =	stream.indirect.gather @!p0 [hbm4b:s4+s31], $0x20, s11, s31, $0x2000b8;
	[tilespmem:$0x13800] =	vst v63  }
0x126: {  	_ =	swait.ge [sflag:s3], $0x1000  }
0x127: {  	s28 =	sadd.s32 $0x18, s25;
	[sflag:s3] =	ssyncset.done $0x0  }
0x128: {  	v1 =	vmov s28;
	[sflag:s3] =	ssyncadd.s32 $0xFFFFF000  }
0x129: {  	[tilespmem:$0x12600] =	vst v1  }
0x12a: {  	[tilespmem:$0x12610] =	vst v1  }
0x12b: {  	s28 =	sadd.s32 $0x19, s25;
	[tilespmem:$0x12620] =	vst v1  }
0x12c: {  	[tilespmem:$0x12630] =	vst v1;
	v1 =	vmov s28  }
0x12d: {  	[tilespmem:$0x12640] =	vst v1  }
0x12e: {  	[tilespmem:$0x12650] =	vst v1  }
0x12f: {  	[tilespmem:$0x12660] =	vst v1  }
0x130: {  	[tilespmem:$0x12670] =	vst v1  }
0x131: {  	[spmem:s2] =	stream.indirect.scatter.add.f32 [tilespmem:s20], [sflag:$0x2], $0x20, s17, s12, $0x2000b8;
	[tilespmem:$0x13800] =	vst v63  }
0x132: {  	_ =	swait.ge [sflag:s8], $0x1000  }
0x133: {  	[sflag:s8] =	ssyncset.done $0x0  }
0x134: {  	s11 =	sadd.s32 @!p0 $0xFFFFFE80, s26;
	s28 =	simm.s32 @!p0 $0x9000;
	[sflag:s8] =	ssyncadd.s32 $0xFFFFF000  }
0x135: {  	[tilespmem:s28], [sflag:$0x1] =	stream.indirect.gather @!p0 [hbm4b:s4+s31], $0x20, s11, s31, $0x2000b8;
	[tilespmem:$0x13800] =	vst v63  }
0x136: {  	_ =	swait.ge [sflag:s3], $0x1000  }
0x137: {  	s28 =	sadd.s32 $0x1A, s25;
	[sflag:s3] =	ssyncset.done $0x0  }
0x138: {  	v1 =	vmov s28;
	[sflag:s3] =	ssyncadd.s32 $0xFFFFF000  }
0x139: {  	[tilespmem:$0x12680] =	vst v1  }
0x13a: {  	[tilespmem:$0x12690] =	vst v1  }
0x13b: {  	s28 =	sadd.s32 $0x1B, s25;
	[tilespmem:$0x126A0] =	vst v1  }
0x13c: {  	[tilespmem:$0x126B0] =	vst v1;
	v1 =	vmov s28  }
0x13d: {  	[tilespmem:$0x126C0] =	vst v1  }
0x13e: {  	[tilespmem:$0x126D0] =	vst v1  }
0x13f: {  	[tilespmem:$0x126E0] =	vst v1  }
0x140: {  	[tilespmem:$0x126F0] =	vst v1  }
0x141: {  	[spmem:s2] =	stream.indirect.scatter.add.f32 [tilespmem:s24], [sflag:$0x2], $0x20, s18, s12, $0x2000b8;
	[tilespmem:$0x13800] =	vst v63  }
0x142: {  	_ =	swait.ge [sflag:s8], $0x1000  }
0x143: {  	[sflag:s8] =	ssyncset.done $0x0  }
0x144: {  	s11 =	sadd.s32 @!p0 $0xFFFFFF00, s26;
	s28 =	simm.s32 @!p0 $0xA000;
	[sflag:s8] =	ssyncadd.s32 $0xFFFFF000  }
0x145: {  	[tilespmem:s28], [sflag:$0x1] =	stream.indirect.gather @!p0 [hbm4b:s4+s31], $0x20, s11, s31, $0x2000b8;
	[tilespmem:$0x13800] =	vst v63  }
0x146: {  	_ =	swait.ge [sflag:s3], $0x1000  }
0x147: {  	s28 =	sadd.s32 $0x1C, s25;
	[sflag:s3] =	ssyncset.done $0x0  }
0x148: {  	v1 =	vmov s28;
	[sflag:s3] =	ssyncadd.s32 $0xFFFFF000  }
0x149: {  	[tilespmem:$0x12700] =	vst v1  }
0x14a: {  	[tilespmem:$0x12710] =	vst v1  }
0x14b: {  	s28 =	sadd.s32 $0x1D, s25;
	[tilespmem:$0x12720] =	vst v1  }
0x14c: {  	[tilespmem:$0x12730] =	vst v1;
	v1 =	vmov s28  }
0x14d: {  	[tilespmem:$0x12740] =	vst v1  }
0x14e: {  	[tilespmem:$0x12750] =	vst v1  }
0x14f: {  	[tilespmem:$0x12760] =	vst v1  }
0x150: {  	[tilespmem:$0x12770] =	vst v1  }
0x151: {  	[spmem:s2] =	stream.indirect.scatter.add.f32 [tilespmem:s29], [sflag:$0x2], $0x20, s19, s12, $0x2000b8;
	[tilespmem:$0x13800] =	vst v63  }
0x152: {  	_ =	swait.ge [sflag:s8], $0x1000  }
0x153: {  	[sflag:s8] =	ssyncset.done $0x0  }
0x154: {  	s11 =	sadd.s32 @!p0 $0xFFFFFF80, s26;
	s28 =	simm.s32 @!p0 $0xB000;
	[sflag:s8] =	ssyncadd.s32 $0xFFFFF000  }
0x155: {  	[tilespmem:s28], [sflag:$0x1] =	stream.indirect.gather @!p0 [hbm4b:s4+s31], $0x20, s11, s31, $0x2000b8;
	[tilespmem:$0x13800] =	vst v63  }
0x156: {  	_ =	swait.ge [sflag:s3], $0x1000  }
0x157: {  	s28 =	sadd.s32 $0x1E, s25;
	[sflag:s3] =	ssyncset.done $0x0  }
0x158: {  	v1 =	vmov s28;
	[sflag:s3] =	ssyncadd.s32 $0xFFFFF000  }
0x159: {  	[tilespmem:$0x12780] =	vst v1  }
0x15a: {  	[tilespmem:$0x12790] =	vst v1  }
0x15b: {  	s31 =	sadd.s32 $0x1F, s25;
	[tilespmem:$0x127A0] =	vst v1  }
0x15c: {  	v2 =	vmov s31;
	[tilespmem:$0x127B0] =	vst v1  }
0x15d: {  	[tilespmem:$0x127C0] =	vst v2  }
0x15e: {  	[tilespmem:$0x127D0] =	vst v2  }
0x15f: {  	[tilespmem:$0x127E0] =	vst v2  }
.Ltmp4:
0x160: {  	[tilespmem:$0x127F0] =	vst v2;
	(pc) =	sbr.rel @p0 .LBB2_8-.Ltmp4, $4  }
0x161: {  	[spmem:s2] =	stream.indirect.scatter.add.f32 [tilespmem:s0], [sflag:$0x2], $0x20, s21, s12, $0x2000b8;
	[tilespmem:$0x13800] =	vst v63  }
0x162: {  	_ =	swait.ge [sflag:s8], $0x1000  }
0x163: {  	[sflag:s8] =	ssyncset.done $0x0  }
0x164: {  	[sflag:s8] =	ssyncadd.s32 $0xFFFFF000  }
.Ltmp5:
0x165: {  	(pc) =	sbr.rel .LBB2_6-.Ltmp5, $3  }
0x166: {  	_ =	sdelay $0x1  }
0x167: {  	[tilespmem:s1], [sflag:$0x1] =	stream.indirect.gather [hbm4b:s4+s12], $0x20, s26, s12, $0x2000b8;
	[tilespmem:$0x13800] =	vst v63  }
0x168: {  	s26 =	sadd.s32 $0x800, s26;
	s23 =	sadd.s32 $0x20, s23;
	s22 =	sadd.s32 $0x10, s22  }
.LBB2_9:
0x169: {  	_ =	sfence.sel $0x180000  }
0x16a: {  	[bflag:$0x0] =	sbarrier.arrive $0xFFFF  }
0x16b: {  	_ =	strace $0x90000047  }
0x16c: {  	s0 =	stileid.u32;
	[bflag:$0x2] =	sbarrier.arrive $0xFFFF  }
0x16d: {  	p0 =	sne.s32 s0, $0x0;
	s0 =	rddreg [dreg:$0x2]  }
0x16e: {  	s0 =	sadd.s32 @!p0 $0x100000, s0  }
0x16f: {  	[sflag:s0] =	ssyncadd.tile.s32 @!p0 $0x1;
	_ =	shalt  }
.Lfunc_end2:
_tile_overlayer_lowered:
.L_overlay_start_2:
0x170: {  	(tag) =	ssettag $0x2  }
0x171: {  	s0 =	rddreg [dreg:$0x0];
	s2 =	stileid.u32  }
0x172: {  	s1 =	rddreg [dreg:$0x1];
	p0 =	sne.s32 s2, $0x0  }
0x173: {  	s3 =	rddreg [dreg:$0x2];
	[bflag:$0x3] =	sbarrier.arrive $0xFFFF;
	s2 =	simm.s32 @!p0 $0x1C03  }
0x174: {  	[timem:s3], [sflag:s2] =	dma.local @!p0 [hbm:s0], s1  }
0x175: {  	s0 =	simm.s32 @!p0 $0x3  }
0x176: {  	_ =	swait.ge @!p0 [sflag:s0], s1  }
0x177: {  	s1 =	ssub.s32 @!p0 $0x0, s1;
	[sflag:s0] =	ssyncset.done @!p0 $0x0  }
0x178: {  	[sflag:s0] =	ssyncadd.s32 @!p0 s1  }
0x179: {  	[bflag:$0x3] =	sbarrier.arrive $0xFFFF  }
0x17a: {  	_ =	shalt  }

// kernel: kernel.8.cloned.1.call-start
scs
__scs_entry_jumppad:
0x0: {  	(pc) =	sbr.rel $0x88, $3  }
0x1: {  	(tag) =	ssettag $0x0;
	lr =	simm.s32 $0x1  }
0x2: {  	[smem:$0x3F97] =	sst lr;
	_ =	strace $0xD0000000  }
0x3: {  	_ = 	snop  }
0x4: {  	_ = 	snop  }
0x5: {  	_ = 	snop  }
0x6: {  	_ = 	snop  }
0x7: {  	_ = 	snop  }
__scs_overlays_trampoline_lowered:
0x8: {  	[smem:$0x3FA6] =	sst s0  }
0x9: {  	[smem:$0x3FA7] =	sst s1  }
0xa: {  	[smem:$0x3FA8] =	sst s2  }
0xb: {  	[smem:$0x3FA9] =	sst s3  }
0xc: {  	[smem:$0x3FAA] =	sst s4  }
0xd: {  	[smem:$0x3FAB] =	sst s5  }
0xe: {  	[smem:$0x3FAC] =	sst s6  }
0xf: {  	[smem:$0x3FAD] =	sst s7  }
0x10: {  	[smem:$0x3FAE] =	sst s8  }
0x11: {  	[smem:$0x3FAF] =	sst s9;
	s0 =	simm.s32 @!p0 $0x0  }
0x12: {  	s1 =	sld [smem:$0x3F95];
	s0 =	simm.s32 @p0 $0x1  }
0x13: {  	[smem:$0x3FB0] =	sst s0;
	s0 =	simm.s32 @!p1 $0x0  }
0x14: {  	s2 =	sld [smem:$0x3F94];
	s0 =	simm.s32 @p1 $0x1  }
0x15: {  	[smem:$0x3FB1] =	sst s0;
	s0 =	simm.s32 @!p2 $0x0  }
0x16: {  	s3 =	sld [smem:$0x3FDB];
	s0 =	simm.s32 @p2 $0x1  }
0x17: {  	s4 =	simm.s32 $0x1BF5;
	[smem:$0x3FB3] =	sst s0  }
0x18: {  	s0 =	sld [smem:$0x3F96];
	_ =	swait.ge [sflag:s4], $0x0  }
0x19: {  	s7 =	sld [smem:$0x3F97]  }
0x1a: {  	s8 =	sadd.s32 $0xFFFFE003, lr  }
0x1b: {  	s9 =	sadd.s32 $0xFFFFFEF7, lr;
	s5 =	simm.s32 $0xFFFFFFFF;
	p2 =	slt.u32 s8, $0xFFFFF086  }
0x1c: {  	p1 =	slt.u32 s9, $0xF7A;
	s5 =	simm.s32 @!p2 $0x0  }
0x1d: {  	s5 =	simm.s32 @p1 $0x1;
	p0 =	seq.s32 s7, s2  }
0x1e: {  	s7 =	smul.u32 @!p0 $0xF7A, s2;
	p2 =	seq.s32 @!p0 s5, $0x0  }
0x1f: {  	s9 =	smul.u32 $0xF7A, s1;
	s8 =	simm.s32 @!p0 $0x1BF5;
	p2 =	por !p2, p0  }
0x20: {  	[sflag:s8] =	ssyncset.s32 @!p0 $0xFFFFF086;
	s6 =	sadd.s32 @!p0 s3, s7;
	s7 =	simm.s32 @!p0 $0x108  }
0x21: {  	s3 =	sadd.s32 s3, s9;
	s6 =	sadd.s32 @!p0 $0x88, s6;
	s7 =	simm.s32 @p2 $0x1082  }
0x22: {  	[simem:s7], [sflag:s8] =	dma.local @!p0 [hbm:s6], $0xF7A  }
0x23: {  	s9 =	sor.u32 $0xD0000000, s2;
	s6 =	simm.s32 $0x108;
	_ =	swait.ge @!p0 [sflag:s8], $0x0  }
0x24: {  	s3 =	sadd.s32 $0x88, s3;
	s6 =	simm.s32 @!p1 $0x1082;
	[sflag:s4] =	ssyncset.s32 $0xFFFFF086  }
0x25: {  	[simem:s6], [sflag:s4] =	dma.local [hbm:s3], $0xF7A  }
0x26: {  	[smem:$0x3F97] =	sst s1;
	(tag) =	ssettag s2;
	_ =	strace s9  }
0x27: {  	s1 =	sld [smem:$0x3FA7]  }
0x28: {  	s2 =	sld [smem:$0x3FA8]  }
0x29: {  	s4 =	sld [smem:$0x3FAA]  }
0x2a: {  	p0 =	seq.s32 s5, $0x0;
	s5 =	sld [smem:$0x3FAB]  }
0x2b: {  	s6 =	sld [smem:$0x3FAC]  }
0x2c: {  	s7 =	sld [smem:$0x3FAD]  }
0x2d: {  	s3 =	simm.s32 $0x108;
	s8 =	sld [smem:$0x3FAE]  }
0x2e: {  	s3 =	simm.s32 @!p0 $0x1082;
	s9 =	sld [smem:$0x3FAF]  }
0x2f: {  	lr =	sadd.s32 s0, s3;
	s0 =	sld [smem:$0x3FA6]  }
0x30: {  	s3 =	sld [smem:$0x3FA9]  }
0x31: {  	[smem:$0x3FB2] =	sst s10  }
0x32: {  	s10 =	sld [smem:$0x3FB0];
	_ =	sdelay $0x3  }
0x33: {  	p0 =	seq.s32 s10, $0x1;
	s10 =	sld [smem:$0x3FB2];
	_ =	sdelay $0x3  }
0x34: {  	[smem:$0x3FB2] =	sst s10  }
0x35: {  	s10 =	sld [smem:$0x3FB1];
	_ =	sdelay $0x3  }
0x36: {  	p1 =	seq.s32 s10, $0x1;
	s10 =	sld [smem:$0x3FB2];
	_ =	sdelay $0x3  }
0x37: {  	[smem:$0x3FB2] =	sst s10  }
0x38: {  	s10 =	sld [smem:$0x3FB3]  }
0x39: {  	_ = 	snop;
	(pc) =	sbr.ind lr, $3  }
0x3a: {  	_ = 	snop  }
0x3b: {  	_ = 	snop  }
0x3c: {  	p2 =	seq.s32 s10, $0x1;
	s10 =	sld [smem:$0x3FB2]  }
0x3d: {  	_ =	shalt  }
0x3e: {  	_ =	shalt  }
0x3f: {  	_ =	shalt  }
0x40: {  	_ =	shalt  }
0x41: {  	_ =	shalt  }
0x42: {  	_ =	shalt  }
0x43: {  	_ =	shalt  }
0x44: {  	_ =	shalt  }
0x45: {  	_ =	shalt  }
0x46: {  	_ =	shalt  }
0x47: {  	_ =	shalt  }
0x48: {  	_ =	shalt  }
0x49: {  	_ =	shalt  }
0x4a: {  	_ =	shalt  }
0x4b: {  	_ =	shalt  }
0x4c: {  	_ =	shalt  }
0x4d: {  	_ =	shalt  }
0x4e: {  	_ =	shalt  }
0x4f: {  	_ =	shalt  }
0x50: {  	_ =	shalt  }
0x51: {  	_ =	shalt  }
0x52: {  	_ =	shalt  }
0x53: {  	_ =	shalt  }
0x54: {  	_ =	shalt  }
0x55: {  	_ =	shalt  }
0x56: {  	_ =	shalt  }
0x57: {  	_ =	shalt  }
0x58: {  	_ =	shalt  }
0x59: {  	_ =	shalt  }
0x5a: {  	_ =	shalt  }
0x5b: {  	_ =	shalt  }
0x5c: {  	_ =	shalt  }
0x5d: {  	_ =	shalt  }
0x5e: {  	_ =	shalt  }
0x5f: {  	_ =	shalt  }
0x60: {  	_ =	shalt  }
0x61: {  	_ =	shalt  }
0x62: {  	_ =	shalt  }
0x63: {  	_ =	shalt  }
0x64: {  	_ =	shalt  }
0x65: {  	_ =	shalt  }
0x66: {  	_ =	shalt  }
0x67: {  	_ =	shalt  }
0x68: {  	_ =	shalt  }
0x69: {  	_ =	shalt  }
0x6a: {  	_ =	shalt  }
0x6b: {  	_ =	shalt  }
0x6c: {  	_ =	shalt  }
0x6d: {  	_ =	shalt  }
0x6e: {  	_ =	shalt  }
0x6f: {  	_ =	shalt  }
0x70: {  	_ =	shalt  }
0x71: {  	_ =	shalt  }
0x72: {  	_ =	shalt  }
0x73: {  	_ =	shalt  }
0x74: {  	_ =	shalt  }
0x75: {  	_ =	shalt  }
0x76: {  	_ =	shalt  }
0x77: {  	_ =	shalt  }
0x78: {  	_ =	shalt  }
0x79: {  	_ =	shalt  }
0x7a: {  	_ =	shalt  }
0x7b: {  	_ =	shalt  }
0x7c: {  	_ =	shalt  }
0x7d: {  	_ =	shalt  }
0x7e: {  	_ =	shalt  }
0x7f: {  	_ =	shalt  }
0x80: {  	_ =	shalt  }
0x81: {  	_ =	shalt  }
0x82: {  	_ =	shalt  }
0x83: {  	_ =	shalt  }
0x84: {  	_ =	shalt  }
0x85: {  	_ =	shalt  }
0x86: {  	_ =	shalt  }
0x87: {  	_ =	shalt  }
.Lfunc_end0:
.L_simem_size_0:
called_computation.1_lowered:
.L_overlay_start_0:
0x88: {  	s2 =	sld [smem:$0x3FD9]  }
0x89: {  	s3 =	sld [smem:$0x3FFE];
	_ =	sdelay $0x1  }
0x8a: {  	s1 =	srdreg.scid  }
0x8b: {  	s0 =	sand.u32 $0x1, s1  }
0x8c: {  	s17 =	sshll.u32 s0, $0xA;
	s2 =	sadd.s32 s3, s2  }
0x8d: {  	s2 =	sadd.s32 s2, s17  }
0x8e: {  	[smem:$0x3FBE] =	sst s2  }
0x8f: {  	_ = 	snop  }
0x90: {  	s18 =	sld [smem:$0x3FD0];
	(tm) =	ssettm $0x1  }
0x91: {  	s19 =	sld [smem:$0x3FFB];
	_ =	sdelay $0x3  }
0x92: {  	_ =	strace s19  }
0x93: {  	s2 =	sld [smem:$0x3FFC];
	_ =	sdelay $0x3  }
0x94: {  	_ =	strace s2  }
0x95: {  	s2 =	sld [smem:$0x3FFD];
	_ =	sdelay $0x3  }
0x96: {  	_ =	strace s2  }
0x97: {  	_ =	strace $0x8FFFFFFF  }
0x98: {  	s20 =	sld [smem:$0x3FDB];
	_ =	sdelay $0x1  }
0x99: {  	s4 =	simm.s32 $_scs_section_size  }
0x9a: {  	s5 =	simm.s32 $_size__tile_overlayer_lowered;
	s6 =	simm.s32 $_tile_overlayer_lowered  }
0x9b: {  	s7 =	simm.s32 $0x1BFF;
	s21 =	sshll.u32 s6, $0x1;
	s4 =	sadd.s32 s4, s20  }
0x9c: {  	s22 =	simm.s32 $0x0;
	s5 =	sshll.u32 s5, $0x1;
	s6 =	sadd.s32 s21, s4  }
0x9d: {  	[timem:s22], [sflag:s7] =	dma.local [hbm:s6], s5  }
0x9e: {  	_ =	swait.ge [sflag:s7], s5  }
0x9f: {  	s5 =	ssub.s32 $0x0, s5;
	[sflag:s7] =	ssyncset.done $0x0  }
0xa0: {  	[sflag:s7] =	ssyncadd.s32 s5;
	_ =	sdelay $0x1  }
0xa1: {  	s23 =	simm.s32 $0x1B8B  }
0xa2: {  	_ =	swait.ge [sflag:s23], $0x1  }
0xa3: {  	[sflag:s23] =	ssyncset.done $0x0  }
0xa4: {  	[sflag:s23] =	ssyncadd.s32 $0xFFFFFFFF  }
0xa5: {  	s5 =	sld [smem:$0x0]  }
0xa6: {  	s6 =	sand.u32 $0xFFFFFFFE, s1  }
0xa7: {  	p0 =	sne.s32 s1, s6  }
0xa8: {  	s6 =	sshll.u32 @p0 s6, $0xE  }
0xa9: {  	s6 =	sadd.s32 @p0 $0x11B8D, s6;
	s7 =	sshll.u32 @p0 s5, $0x11  }
0xaa: {  	s6 =	sor.u32 @p0 s7, s6  }
0xab: {  	[sflag:s6] =	ssyncadd.remote.s32 @p0 $0x1;
	_ =	sdelay $0x1  }
0xac: {  	s6 =	simm.s32 @p0 $0x1B8D  }
0xad: {  	_ =	swait.eq @p0 [sflag:s6], $0x1  }
0xae: {  	[sflag:s6] =	ssyncadd.s32 @p0 $0xFFFFFFFF  }
0xaf: {  	s7 =	sshll.u32 @!p0 s1, $0xE  }
0xb0: {  	s7 =	sor.u32 @!p0 $0x4000, s7;
	s6 =	simm.s32 @!p0 $0x1B8D  }
0xb1: {  	s5 =	sshll.u32 @!p0 s5, $0x11;
	s7 =	sadd.s32 @!p0 $0x11B8D, s7;
	_ =	swait.eq @!p0 [sflag:s6], $0x1  }
0xb2: {  	s5 =	sor.u32 @!p0 s5, s7;
	[sflag:s6] =	ssyncadd.s32 @!p0 $0xFFFFFFFF  }
0xb3: {  	s25 =	simm.s32 $0x1B8E;
	s24 =	sld [smem:$0x3FFE];
	[sflag:s5] =	ssyncadd.remote.s32 @!p0 $0x1  }
0xb4: {  	s26 =	simm.s32 $execute0_lowered;
	[smem:$0x3FD2] =	sst s25  }
0xb5: {  	s6 =	sshll.u32 s26, $0x1;
	_ =	strace $0x8000004E;
	[dreg:$0x1] =	wrdreg $0xFFFFFFFF  }
0xb6: {  	s28 =	simm.s32 $_size_execute0_lowered;
	s4 =	sadd.s32 s4, s6;
	[dreg:$0x0] =	wrdreg $0x0  }
0xb7: {  	s6 =	sshll.u32 s28, $0x1;
	[dreg:$0x2] =	wrdreg s4  }
0xb8: {  	[dreg:$0x3] =	wrdreg s6  }
0xb9: {  	[dreg:$0x4] =	wrdreg $0xC0  }
0xba: {  	_ =	task [dreg:s22], $0x5FFFF  }
0xbb: {  	[dreg:$0x1] =	wrdreg $0xFFFFFFFF  }
0xbc: {  	[dreg:$0x0] =	wrdreg $0x60  }
0xbd: {  	[dreg:$0x2] =	wrdreg s18  }
0xbe: {  	[dreg:$0x3] =	wrdreg s24  }
0xbf: {  	[dreg:$0x4] =	wrdreg $0xA  }
0xc0: {  	_ =	task.clear_ibuf [dreg:s22], $0x5FFFF;
	_ =	strace $0x9000004E  }
0xc1: {  	s29 =	simm.s32 $0xA;
	_ =	strace $0x80000052  }
0xc2: {  	_ =	swait.ge [sflag:s29], $0x1  }
0xc3: {  	[sflag:s29] =	ssyncadd.s32 $0xFFFFFFFF  }
0xc4: {  	_ =	strace $0x90000052  }
0xc5: {  	_ =	sfence  }
0xc6: {  	s30 =	sld [smem:$0x0];
	_ =	sdelay $0x2  }
0xc7: {  	s31 =	sshll.u32 s1, $0xD;
	s1 =	sshrl.u32 s1, $0x2  }
0xc8: {  	s4 =	sand.u32 $0x4000, s31;
	s1 =	sadd.s32 s1, s30  }
0xc9: {  	s0 =	sor.u32 s4, s0;
	s1 =	sshll.u32 s1, $0x11  }
0xca: {  	s0 =	sor.u32 s1, s0  }
0xcb: {  	s0 =	sadd.s32 $0x8F2B, s0  }
0xcc: {  	[sflag:s0] =	ssyncadd.remote.s32 $0x1  }
0xcd: {  	_ =	sfence.sel $0xFFFF  }
0xce: {  	[dreg:$0x0] =	wrdreg $0xFFFFFFFF;
	(pc) =	sbr.abs _section_cstart, $3  }
0xcf: {  	[dreg:$0x1] =	wrdreg $0xFFFFFFFF  }
0xd0: {  	_ =	task.clear_ibuf [dreg:s22], $0x2FFFF;
	_ =	strace $0x9FFFFFFF  }
0xd1: {  	(tm) =	ssettm $0x7FFFFFFF  }
tec
execute0_lowered:
.L_overlay_start_1:
0x0: {  	(tag) =	ssettag $0x1  }
0x1: {  	s1 =	srdreg.scid;
	s0 =	stileid.u32  }
0x2: {  	s3 =	rddreg [dreg:$0x0];
	s1 =	sand.u32 $0x1, s1;
	s2 =	sshll.u32 s0, $0x1  }
0x3: {  	s5 =	rddreg [dreg:$0x1];
	s4 =	sor.u32 s1, s2  }
0x4: {  	s9 =	simm.s32 $0x180;
	s2 =	simm.s32 $0x0;
	s6 =	smul.u32 $0x140, s4  }
0x5: {  	s10 =	simm.s32 $0x200;
	[smem:$0x7FF] =	sst s2;
	s7 =	smul.u32 $0x2800, s4  }
0x6: {  	s8 =	sadd.s32 $0x1320A00, s5;
	_ =	strace $0x8000004F;
	[dreg:$0x18] =	wrdreg s9  }
0x7: {  	[dreg:$0x19] =	wrdreg s10;
	s6 =	sadd.s32 s3, s6;
	s3 =	sadd.s32 s8, s7  }
0x8: {  	s4 =	smul.u32 $0x14000, s4;
	[dreg:$0x3] =	wrdreg s6;
	s11 =	sadd.s32 $0x200, s3  }
0x9: {  	s12 =	sadd.s32 $0x400, s3;
	[dreg:$0x4] =	wrdreg s11  }
0xa: {  	s4 =	sshrl.u32 s4, $0x3;
	s13 =	sadd.s32 $0x600, s3;
	[dreg:$0x5] =	wrdreg s12  }
0xb: {  	s4 =	sadd.s32 s8, s4;
	s8 =	simm.s32 $0x100;
	[dreg:$0x6] =	wrdreg s13  }
0xc: {  	s14 =	sadd.s32 $0x800, s4;
	[dreg:$0x17] =	wrdreg s8  }
0xd: {  	s15 =	sadd.s32 $0xA00, s4;
	[dreg:$0x7] =	wrdreg s14  }
0xe: {  	s16 =	sadd.s32 $0xC00, s4;
	[dreg:$0x8] =	wrdreg s15  }
0xf: {  	s17 =	sadd.s32 $0xE00, s4;
	[dreg:$0x9] =	wrdreg s16  }
0x10: {  	s18 =	sadd.s32 $0x1000, s4;
	[dreg:$0xa] =	wrdreg s17  }
0x11: {  	s19 =	sadd.s32 $0x1200, s4;
	[dreg:$0xb] =	wrdreg s18  }
0x12: {  	s20 =	sadd.s32 $0x1400, s4;
	[dreg:$0xc] =	wrdreg s19  }
0x13: {  	s21 =	sadd.s32 $0x1600, s4;
	[dreg:$0xd] =	wrdreg s20  }
0x14: {  	s22 =	sadd.s32 $0x1800, s4;
	[dreg:$0xe] =	wrdreg s21  }
0x15: {  	s23 =	sadd.s32 $0x1A00, s4;
	[dreg:$0xf] =	wrdreg s22  }
0x16: {  	s24 =	sadd.s32 $0x1C00, s4;
	[dreg:$0x10] =	wrdreg s23  }
0x17: {  	s25 =	sadd.s32 $0x1E00, s4;
	[dreg:$0x11] =	wrdreg s24  }
0x18: {  	s26 =	sadd.s32 $0x2000, s4;
	[dreg:$0x12] =	wrdreg s25  }
0x19: {  	s0 =	sadd.s32 $0x2200, s4;
	[dreg:$0x13] =	wrdreg s26  }
0x1a: {  	s7 =	sadd.s32 $0x2400, s4;
	[dreg:$0x14] =	wrdreg s0  }
0x1b: {  	s4 =	sadd.s32 $0x2600, s4;
	[dreg:$0x15] =	wrdreg s7  }
0x1c: {  	s11 =	simm.s32 $0x280;
	[dreg:$0x16] =	wrdreg s4  }
0x1d: {  	s12 =	simm.s32 $0x300;
	[dreg:$0x1a] =	wrdreg s11  }
0x1e: {  	s13 =	simm.s32 $0x380;
	[dreg:$0x1b] =	wrdreg s12  }
0x1f: {  	[dreg:$0x1c] =	wrdreg s13;
	s14 =	simm.s32 $0x400  }
0x20: {  	s15 =	simm.s32 $0x480;
	[dreg:$0x1d] =	wrdreg s14  }
0x21: {  	s16 =	simm.s32 $0x500;
	[dreg:$0x1e] =	wrdreg s15  }
0x22: {  	s17 =	simm.s32 $0x580;
	[dreg:$0x1f] =	wrdreg s16  }
0x23: {  	s18 =	simm.s32 $0x600;
	[smem:$0x7F7] =	sst s17  }
0x24: {  	s19 =	simm.s32 $0x680;
	[smem:$0x7F8] =	sst s18  }
0x25: {  	s20 =	simm.s32 $0x700;
	[smem:$0x7F9] =	sst s19  }
0x26: {  	s21 =	simm.s32 $0x780;
	[smem:$0x7FA] =	sst s20  }
0x27: {  	s22 =	simm.s32 $0x800;
	[smem:$0x7FB] =	sst s21  }
0x28: {  	s23 =	simm.s32 $0x880;
	[smem:$0x7FC] =	sst s22  }
0x29: {  	[smem:$0x7FD] =	sst s23  }
0x2a: {  	_ =	strace $0x80000050  }
0x2b: {  	s4 =	simm.s32 $0x3;
	s24 =	rddreg [dreg:$0x3]  }
0x2c: {  	[tilespmem:s2], [sflag:$0x3] =	stream.linear.gather [hbm4b:s24+s2], $0xA00, $0x200038;
	[tilespmem:$0x14A00] =	vst v63  }
0x2d: {  	_ =	swait.ge [sflag:s4], $0xA00  }
0x2e: {  	s5 =	sadd.s32 $0x2262E00, s5;
	[sflag:s4] =	ssyncset.done $0x0  }
0x2f: {  	s6 =	simm.s32 $0x80;
	s7 =	simm.s32 $0xA00;
	[sflag:s4] =	ssyncadd.s32 $0xFFFFF600  }
0x30: {  	[tilespmem:s7], [sflag:$0x1] =	stream.indirect.gather [hbm4b:s5+s6], $0x20, s2, s6, $0x2000b8;
	[tilespmem:$0x14A00] =	vst v63  }
0x31: {  	s8 =	simm.s32 $0x1A00;
	s10 =	rddreg [dreg:$0x17]  }
0x32: {  	[tilespmem:s8], [sflag:$0x1] =	stream.indirect.gather [hbm4b:s5+s6], $0x20, s6, s6, $0x2000b8;
	[tilespmem:$0x14A00] =	vst v63  }
0x33: {  	s9 =	simm.s32 $0x2A00;
	s11 =	rddreg [dreg:$0x18]  }
0x34: {  	[tilespmem:s9], [sflag:$0x1] =	stream.indirect.gather [hbm4b:s5+s6], $0x20, s10, s6, $0x2000b8;
	[tilespmem:$0x14A00] =	vst v63  }
0x35: {  	s12 =	rddreg [dreg:$0x19];
	s10 =	simm.s32 $0x3A00  }
0x36: {  	[tilespmem:s10], [sflag:$0x1] =	stream.indirect.gather [hbm4b:s5+s6], $0x20, s11, s6, $0x2000b8;
	[tilespmem:$0x14A00] =	vst v63  }
0x37: {  	s13 =	rddreg [dreg:$0x1a];
	s11 =	simm.s32 $0x4A00  }
0x38: {  	[tilespmem:s11], [sflag:$0x1] =	stream.indirect.gather [hbm4b:s5+s6], $0x20, s12, s6, $0x2000b8;
	[tilespmem:$0x14A00] =	vst v63  }
0x39: {  	s14 =	rddreg [dreg:$0x1b];
	s12 =	simm.s32 $0x5A00  }
0x3a: {  	[tilespmem:s12], [sflag:$0x1] =	stream.indirect.gather [hbm4b:s5+s6], $0x20, s13, s6, $0x2000b8;
	[tilespmem:$0x14A00] =	vst v63  }
0x3b: {  	s15 =	rddreg [dreg:$0x1c];
	s13 =	simm.s32 $0x6A00  }
0x3c: {  	[tilespmem:s13], [sflag:$0x1] =	stream.indirect.gather [hbm4b:s5+s6], $0x20, s14, s6, $0x2000b8;
	[tilespmem:$0x14A00] =	vst v63  }
0x3d: {  	s16 =	rddreg [dreg:$0x1d];
	s14 =	simm.s32 $0x7A00  }
0x3e: {  	[tilespmem:s14], [sflag:$0x1] =	stream.indirect.gather [hbm4b:s5+s6], $0x20, s15, s6, $0x2000b8;
	[tilespmem:$0x14A00] =	vst v63  }
0x3f: {  	s17 =	rddreg [dreg:$0x1e];
	s15 =	simm.s32 $0x8A00  }
0x40: {  	[tilespmem:s15], [sflag:$0x1] =	stream.indirect.gather [hbm4b:s5+s6], $0x20, s16, s6, $0x2000b8;
	[tilespmem:$0x14A00] =	vst v63  }
0x41: {  	s18 =	rddreg [dreg:$0x1f];
	s16 =	simm.s32 $0x9A00  }
0x42: {  	[tilespmem:s16], [sflag:$0x1] =	stream.indirect.gather [hbm4b:s5+s6], $0x20, s17, s6, $0x2000b8;
	[tilespmem:$0x14A00] =	vst v63  }
0x43: {  	s19 =	sld [smem:$0x7F7];
	s17 =	simm.s32 $0xAA00  }
0x44: {  	[tilespmem:s17], [sflag:$0x1] =	stream.indirect.gather [hbm4b:s5+s6], $0x20, s18, s6, $0x2000b8;
	[tilespmem:$0x14A00] =	vst v63  }
0x45: {  	s20 =	sld [smem:$0x7F8];
	s18 =	simm.s32 $0xBA00  }
0x46: {  	[tilespmem:s18], [sflag:$0x1] =	stream.indirect.gather [hbm4b:s5+s6], $0x20, s19, s6, $0x2000b8;
	[tilespmem:$0x14A00] =	vst v63  }
0x47: {  	s21 =	sld [smem:$0x7F9];
	s19 =	simm.s32 $0xCA00  }
0x48: {  	[tilespmem:s19], [sflag:$0x1] =	stream.indirect.gather [hbm4b:s5+s6], $0x20, s20, s6, $0x2000b8;
	[tilespmem:$0x14A00] =	vst v63  }
0x49: {  	s22 =	sld [smem:$0x7FA];
	s20 =	simm.s32 $0xDA00  }
0x4a: {  	[tilespmem:s20], [sflag:$0x1] =	stream.indirect.gather [hbm4b:s5+s6], $0x20, s21, s6, $0x2000b8;
	[tilespmem:$0x14A00] =	vst v63  }
0x4b: {  	s23 =	sld [smem:$0x7FB];
	s21 =	simm.s32 $0xEA00  }
0x4c: {  	[tilespmem:s21], [sflag:$0x1] =	stream.indirect.gather [hbm4b:s5+s6], $0x20, s22, s6, $0x2000b8;
	[tilespmem:$0x14A00] =	vst v63  }
0x4d: {  	s24 =	sld [smem:$0x7FC];
	s22 =	simm.s32 $0xFA00  }
0x4e: {  	[tilespmem:s22], [sflag:$0x1] =	stream.indirect.gather [hbm4b:s5+s6], $0x20, s23, s6, $0x2000b8;
	[tilespmem:$0x14A00] =	vst v63  }
0x4f: {  	s25 =	sld [smem:$0x7FD];
	s23 =	simm.s32 $0x10A00  }
0x50: {  	[tilespmem:s23], [sflag:$0x1] =	stream.indirect.gather [hbm4b:s5+s6], $0x20, s24, s6, $0x2000b8;
	[tilespmem:$0x14A00] =	vst v63  }
0x51: {  	s24 =	simm.s32 $0x11A00  }
0x52: {  	[tilespmem:s24], [sflag:$0x1] =	stream.indirect.gather [hbm4b:s5+s6], $0x20, s25, s6, $0x2000b8;
	[tilespmem:$0x14A00] =	vst v63  }
0x53: {  	s26 =	simm.s32 $0x12A00;
	s25 =	simm.s32 $0x900  }
0x54: {  	[tilespmem:s26], [sflag:$0x1] =	stream.indirect.gather [hbm4b:s5+s6], $0x20, s25, s6, $0x2000b8;
	[tilespmem:$0x14A00] =	vst v63  }
0x55: {  	s28 =	simm.s32 $0x980;
	s29 =	simm.s32 $0x13A00  }
0x56: {  	[tilespmem:s29], [sflag:$0x1] =	stream.indirect.gather [hbm4b:s5+s6], $0x20, s28, s6, $0x2000b8;
	[tilespmem:$0x14A00] =	vst v63  }
0x57: {  	_ =	strace $0x90000050  }
0x58: {  	s30 =	simm.s32 $0x1;
	_ =	strace $0x80000051  }
0x59: {  	_ =	swait.ge [sflag:s30], $0x1000  }
0x5a: {  	[sflag:s30] =	ssyncset.done $0x0  }
0x5b: {  	[sflag:s30] =	ssyncadd.s32 $0xFFFFF000  }
0x5c: {  	[hbm4b:s3+s2] =	stream.linear.scatter [tilespmem:s7], [sflag:$0x2], $0x1000, $0x200038;
	[tilespmem:$0x14A00] =	vst v63  }
0x5d: {  	_ =	swait.ge [sflag:s30], $0x1000  }
0x5e: {  	[sflag:s30] =	ssyncset.done $0x0  }
0x5f: {  	s31 =	rddreg [dreg:$0x4];
	[sflag:s30] =	ssyncadd.s32 $0xFFFFF000  }
0x60: {  	[hbm4b:s31+s2] =	stream.linear.scatter [tilespmem:s8], [sflag:$0x2], $0x1000, $0x200038;
	[tilespmem:$0x14A00] =	vst v63  }
0x61: {  	_ =	swait.ge [sflag:s30], $0x1000  }
0x62: {  	[sflag:s30] =	ssyncset.done $0x0  }
0x63: {  	s31 =	rddreg [dreg:$0x5];
	[sflag:s30] =	ssyncadd.s32 $0xFFFFF000  }
0x64: {  	[hbm4b:s31+s2] =	stream.linear.scatter [tilespmem:s9], [sflag:$0x2], $0x1000, $0x200038;
	[tilespmem:$0x14A00] =	vst v63  }
0x65: {  	_ =	swait.ge [sflag:s30], $0x1000  }
0x66: {  	[sflag:s30] =	ssyncset.done $0x0  }
0x67: {  	s31 =	rddreg [dreg:$0x6];
	[sflag:s30] =	ssyncadd.s32 $0xFFFFF000  }
0x68: {  	[hbm4b:s31+s2] =	stream.linear.scatter [tilespmem:s10], [sflag:$0x2], $0x1000, $0x200038;
	[tilespmem:$0x14A00] =	vst v63  }
0x69: {  	_ =	swait.ge [sflag:s30], $0x1000  }
0x6a: {  	[sflag:s30] =	ssyncset.done $0x0  }
0x6b: {  	s31 =	rddreg [dreg:$0x7];
	[sflag:s30] =	ssyncadd.s32 $0xFFFFF000  }
0x6c: {  	[hbm4b:s31+s2] =	stream.linear.scatter [tilespmem:s11], [sflag:$0x2], $0x1000, $0x200038;
	[tilespmem:$0x14A00] =	vst v63  }
0x6d: {  	_ =	swait.ge [sflag:s30], $0x1000  }
0x6e: {  	[sflag:s30] =	ssyncset.done $0x0  }
0x6f: {  	s31 =	rddreg [dreg:$0x8];
	[sflag:s30] =	ssyncadd.s32 $0xFFFFF000  }
0x70: {  	[hbm4b:s31+s2] =	stream.linear.scatter [tilespmem:s12], [sflag:$0x2], $0x1000, $0x200038;
	[tilespmem:$0x14A00] =	vst v63  }
0x71: {  	_ =	swait.ge [sflag:s30], $0x1000  }
0x72: {  	[sflag:s30] =	ssyncset.done $0x0  }
0x73: {  	s31 =	rddreg [dreg:$0x9];
	[sflag:s30] =	ssyncadd.s32 $0xFFFFF000  }
0x74: {  	[hbm4b:s31+s2] =	stream.linear.scatter [tilespmem:s13], [sflag:$0x2], $0x1000, $0x200038;
	[tilespmem:$0x14A00] =	vst v63  }
0x75: {  	_ =	swait.ge [sflag:s30], $0x1000  }
0x76: {  	[sflag:s30] =	ssyncset.done $0x0  }
0x77: {  	s31 =	rddreg [dreg:$0xa];
	[sflag:s30] =	ssyncadd.s32 $0xFFFFF000  }
0x78: {  	[hbm4b:s31+s2] =	stream.linear.scatter [tilespmem:s14], [sflag:$0x2], $0x1000, $0x200038;
	[tilespmem:$0x14A00] =	vst v63  }
0x79: {  	_ =	swait.ge [sflag:s30], $0x1000  }
0x7a: {  	[sflag:s30] =	ssyncset.done $0x0  }
0x7b: {  	s31 =	rddreg [dreg:$0xb];
	[sflag:s30] =	ssyncadd.s32 $0xFFFFF000  }
0x7c: {  	[hbm4b:s31+s2] =	stream.linear.scatter [tilespmem:s15], [sflag:$0x2], $0x1000, $0x200038;
	[tilespmem:$0x14A00] =	vst v63  }
0x7d: {  	_ =	swait.ge [sflag:s30], $0x1000  }
0x7e: {  	[sflag:s30] =	ssyncset.done $0x0  }
0x7f: {  	s31 =	rddreg [dreg:$0xc];
	[sflag:s30] =	ssyncadd.s32 $0xFFFFF000  }
0x80: {  	[hbm4b:s31+s2] =	stream.linear.scatter [tilespmem:s16], [sflag:$0x2], $0x1000, $0x200038;
	[tilespmem:$0x14A00] =	vst v63  }
0x81: {  	_ =	swait.ge [sflag:s30], $0x1000  }
0x82: {  	[sflag:s30] =	ssyncset.done $0x0  }
0x83: {  	s31 =	rddreg [dreg:$0xd];
	[sflag:s30] =	ssyncadd.s32 $0xFFFFF000  }
0x84: {  	[hbm4b:s31+s2] =	stream.linear.scatter [tilespmem:s17], [sflag:$0x2], $0x1000, $0x200038;
	[tilespmem:$0x14A00] =	vst v63  }
0x85: {  	_ =	swait.ge [sflag:s30], $0x1000  }
0x86: {  	[sflag:s30] =	ssyncset.done $0x0  }
0x87: {  	s31 =	rddreg [dreg:$0xe];
	[sflag:s30] =	ssyncadd.s32 $0xFFFFF000  }
0x88: {  	[hbm4b:s31+s2] =	stream.linear.scatter [tilespmem:s18], [sflag:$0x2], $0x1000, $0x200038;
	[tilespmem:$0x14A00] =	vst v63  }
0x89: {  	_ =	swait.ge [sflag:s30], $0x1000  }
0x8a: {  	[sflag:s30] =	ssyncset.done $0x0  }
0x8b: {  	s31 =	rddreg [dreg:$0xf];
	[sflag:s30] =	ssyncadd.s32 $0xFFFFF000  }
0x8c: {  	[hbm4b:s31+s2] =	stream.linear.scatter [tilespmem:s19], [sflag:$0x2], $0x1000, $0x200038;
	[tilespmem:$0x14A00] =	vst v63  }
0x8d: {  	_ =	swait.ge [sflag:s30], $0x1000  }
0x8e: {  	[sflag:s30] =	ssyncset.done $0x0  }
0x8f: {  	s31 =	rddreg [dreg:$0x10];
	[sflag:s30] =	ssyncadd.s32 $0xFFFFF000  }
0x90: {  	[hbm4b:s31+s2] =	stream.linear.scatter [tilespmem:s20], [sflag:$0x2], $0x1000, $0x200038;
	[tilespmem:$0x14A00] =	vst v63  }
0x91: {  	_ =	swait.ge [sflag:s30], $0x1000  }
0x92: {  	[sflag:s30] =	ssyncset.done $0x0  }
0x93: {  	s31 =	rddreg [dreg:$0x11];
	[sflag:s30] =	ssyncadd.s32 $0xFFFFF000  }
0x94: {  	[hbm4b:s31+s2] =	stream.linear.scatter [tilespmem:s21], [sflag:$0x2], $0x1000, $0x200038;
	[tilespmem:$0x14A00] =	vst v63  }
0x95: {  	_ =	swait.ge [sflag:s30], $0x1000  }
0x96: {  	[sflag:s30] =	ssyncset.done $0x0  }
0x97: {  	s31 =	rddreg [dreg:$0x12];
	[sflag:s30] =	ssyncadd.s32 $0xFFFFF000  }
0x98: {  	[hbm4b:s31+s2] =	stream.linear.scatter [tilespmem:s22], [sflag:$0x2], $0x1000, $0x200038;
	[tilespmem:$0x14A00] =	vst v63  }
0x99: {  	_ =	swait.ge [sflag:s30], $0x1000  }
0x9a: {  	[sflag:s30] =	ssyncset.done $0x0  }
0x9b: {  	s31 =	rddreg [dreg:$0x13];
	[sflag:s30] =	ssyncadd.s32 $0xFFFFF000  }
0x9c: {  	[hbm4b:s31+s2] =	stream.linear.scatter [tilespmem:s23], [sflag:$0x2], $0x1000, $0x200038;
	[tilespmem:$0x14A00] =	vst v63  }
0x9d: {  	_ =	swait.ge [sflag:s30], $0x1000  }
0x9e: {  	[sflag:s30] =	ssyncset.done $0x0  }
0x9f: {  	s31 =	rddreg [dreg:$0x14];
	[sflag:s30] =	ssyncadd.s32 $0xFFFFF000  }
0xa0: {  	[hbm4b:s31+s2] =	stream.linear.scatter [tilespmem:s24], [sflag:$0x2], $0x1000, $0x200038;
	[tilespmem:$0x14A00] =	vst v63  }
0xa1: {  	_ =	swait.ge [sflag:s30], $0x1000  }
0xa2: {  	[sflag:s30] =	ssyncset.done $0x0  }
0xa3: {  	s31 =	rddreg [dreg:$0x15];
	[sflag:s30] =	ssyncadd.s32 $0xFFFFF000  }
0xa4: {  	[hbm4b:s31+s2] =	stream.linear.scatter [tilespmem:s26], [sflag:$0x2], $0x1000, $0x200038;
	[tilespmem:$0x14A00] =	vst v63  }
0xa5: {  	_ =	swait.ge [sflag:s30], $0x1000  }
0xa6: {  	[sflag:s30] =	ssyncset.done $0x0  }
0xa7: {  	s31 =	rddreg [dreg:$0x16];
	[sflag:s30] =	ssyncadd.s32 $0xFFFFF000  }
0xa8: {  	[hbm4b:s31+s2] =	stream.linear.scatter [tilespmem:s29], [sflag:$0x2], $0x1000, $0x200038;
	[tilespmem:$0x14A00] =	vst v63  }
0xa9: {  	s31 =	simm.s32 $0x2  }
0xaa: {  	_ =	swait.ge [sflag:s31], $0x1000  }
0xab: {  	[sflag:s31] =	ssyncset.done $0x0  }
0xac: {  	[sflag:s31] =	ssyncadd.s32 $0xFFFFF000  }
0xad: {  	_ =	swait.ge [sflag:s31], $0x1000  }
0xae: {  	[sflag:s31] =	ssyncset.done $0x0  }
0xaf: {  	[sflag:s31] =	ssyncadd.s32 $0xFFFFF000  }
0xb0: {  	_ =	swait.ge [sflag:s31], $0x1000  }
0xb1: {  	[sflag:s31] =	ssyncset.done $0x0  }
0xb2: {  	[sflag:s31] =	ssyncadd.s32 $0xFFFFF000  }
0xb3: {  	_ =	swait.ge [sflag:s31], $0x1000  }
0xb4: {  	[sflag:s31] =	ssyncset.done $0x0  }
0xb5: {  	[sflag:s31] =	ssyncadd.s32 $0xFFFFF000  }
0xb6: {  	_ =	swait.ge [sflag:s31], $0x1000  }
0xb7: {  	[sflag:s31] =	ssyncset.done $0x0  }
0xb8: {  	[sflag:s31] =	ssyncadd.s32 $0xFFFFF000  }
0xb9: {  	_ =	swait.ge [sflag:s31], $0x1000  }
0xba: {  	[sflag:s31] =	ssyncset.done $0x0  }
0xbb: {  	[sflag:s31] =	ssyncadd.s32 $0xFFFFF000  }
0xbc: {  	_ =	swait.ge [sflag:s31], $0x1000  }
0xbd: {  	[sflag:s31] =	ssyncset.done $0x0  }
0xbe: {  	[sflag:s31] =	ssyncadd.s32 $0xFFFFF000  }
0xbf: {  	_ =	swait.ge [sflag:s31], $0x1000  }
0xc0: {  	[sflag:s31] =	ssyncset.done $0x0  }
0xc1: {  	[sflag:s31] =	ssyncadd.s32 $0xFFFFF000  }
0xc2: {  	_ =	swait.ge [sflag:s31], $0x1000  }
0xc3: {  	[sflag:s31] =	ssyncset.done $0x0  }
0xc4: {  	[sflag:s31] =	ssyncadd.s32 $0xFFFFF000  }
0xc5: {  	_ =	swait.ge [sflag:s31], $0x1000  }
0xc6: {  	[sflag:s31] =	ssyncset.done $0x0  }
0xc7: {  	[sflag:s31] =	ssyncadd.s32 $0xFFFFF000  }
0xc8: {  	_ =	swait.ge [sflag:s31], $0x1000  }
0xc9: {  	[sflag:s31] =	ssyncset.done $0x0  }
0xca: {  	[sflag:s31] =	ssyncadd.s32 $0xFFFFF000  }
0xcb: {  	_ =	swait.ge [sflag:s31], $0x1000  }
0xcc: {  	[sflag:s31] =	ssyncset.done $0x0  }
0xcd: {  	[sflag:s31] =	ssyncadd.s32 $0xFFFFF000  }
0xce: {  	_ =	swait.ge [sflag:s31], $0x1000  }
0xcf: {  	[sflag:s31] =	ssyncset.done $0x0  }
0xd0: {  	[sflag:s31] =	ssyncadd.s32 $0xFFFFF000  }
0xd1: {  	_ =	swait.ge [sflag:s31], $0x1000  }
0xd2: {  	[sflag:s31] =	ssyncset.done $0x0  }
0xd3: {  	[sflag:s31] =	ssyncadd.s32 $0xFFFFF000  }
0xd4: {  	_ =	swait.ge [sflag:s31], $0x1000  }
0xd5: {  	[sflag:s31] =	ssyncset.done $0x0  }
0xd6: {  	[sflag:s31] =	ssyncadd.s32 $0xFFFFF000  }
0xd7: {  	_ =	swait.ge [sflag:s31], $0x1000  }
0xd8: {  	[sflag:s31] =	ssyncset.done $0x0  }
0xd9: {  	[sflag:s31] =	ssyncadd.s32 $0xFFFFF000  }
0xda: {  	_ =	swait.ge [sflag:s31], $0x1000  }
0xdb: {  	[sflag:s31] =	ssyncset.done $0x0  }
0xdc: {  	s1 =	ssub.s32 $0x2, s1;
	[sflag:s31] =	ssyncadd.s32 $0xFFFFF000  }
0xdd: {  	s25 =	sshrl.u32 s1, $0x1;
	_ =	swait.ge [sflag:s31], $0x1000  }
0xde: {  	s0 =	ssub.s32 s1, s25;
	[sflag:s31] =	ssyncset.done $0x0  }
0xdf: {  	s0 =	smax.u32 s0, $0x1;
	[sflag:s31] =	ssyncadd.s32 $0xFFFFF000  }
0xe0: {  	p0 =	sne.s32 s0, $0x1;
	_ =	swait.ge [sflag:s31], $0x1000  }
.Ltmp0:
0xe1: {  	[sflag:s31] =	ssyncset.done $0x0;
	(pc) =	sbr.rel @!p0 .LBB2_2-.Ltmp0, $4  }
0xe2: {  	[sflag:s31] =	ssyncadd.s32 $0xFFFFF000  }
0xe3: {  	_ =	swait.ge [sflag:s31], $0x1000  }
0xe4: {  	[sflag:s31] =	ssyncset.done $0x0  }
0xe5: {  	s1 =	sadd.s32 $0xFFFFFFFF, s0;
	[sflag:s31] =	ssyncadd.s32 $0xFFFFF000  }
.LBB2_1:
0xe6: {  	_ =	strace $0x90000051  }
0xe7: {  	_ =	strace $0x80000050  }
0xe8: {  	s0 =	rddreg [dreg:$0x3]  }
0xe9: {  	[tilespmem:s2], [sflag:$0x3] =	stream.linear.gather [hbm4b:s0+s2], $0xA00, $0x200038;
	[tilespmem:$0x14A00] =	vst v63  }
0xea: {  	_ =	swait.ge [sflag:s4], $0xA00  }
0xeb: {  	[sflag:s4] =	ssyncset.done $0x0  }
0xec: {  	[sflag:s4] =	ssyncadd.s32 $0xFFFFF600  }
0xed: {  	[tilespmem:s7], [sflag:$0x1] =	stream.indirect.gather [hbm4b:s5+s6], $0x20, s2, s6, $0x2000b8;
	[tilespmem:$0x14A00] =	vst v63  }
0xee: {  	s0 =	rddreg [dreg:$0x17]  }
0xef: {  	[tilespmem:s8], [sflag:$0x1] =	stream.indirect.gather [hbm4b:s5+s6], $0x20, s6, s6, $0x2000b8;
	[tilespmem:$0x14A00] =	vst v63  }
0xf0: {  	s25 =	rddreg [dreg:$0x18]  }
0xf1: {  	[tilespmem:s9], [sflag:$0x1] =	stream.indirect.gather [hbm4b:s5+s6], $0x20, s0, s6, $0x2000b8;
	[tilespmem:$0x14A00] =	vst v63  }
0xf2: {  	s0 =	rddreg [dreg:$0x19]  }
0xf3: {  	[tilespmem:s10], [sflag:$0x1] =	stream.indirect.gather [hbm4b:s5+s6], $0x20, s25, s6, $0x2000b8;
	[tilespmem:$0x14A00] =	vst v63  }
0xf4: {  	s25 =	rddreg [dreg:$0x1a]  }
0xf5: {  	[tilespmem:s11], [sflag:$0x1] =	stream.indirect.gather [hbm4b:s5+s6], $0x20, s0, s6, $0x2000b8;
	[tilespmem:$0x14A00] =	vst v63  }
0xf6: {  	s0 =	rddreg [dreg:$0x1b]  }
0xf7: {  	[tilespmem:s12], [sflag:$0x1] =	stream.indirect.gather [hbm4b:s5+s6], $0x20, s25, s6, $0x2000b8;
	[tilespmem:$0x14A00] =	vst v63  }
0xf8: {  	s25 =	rddreg [dreg:$0x1c]  }
0xf9: {  	[tilespmem:s13], [sflag:$0x1] =	stream.indirect.gather [hbm4b:s5+s6], $0x20, s0, s6, $0x2000b8;
	[tilespmem:$0x14A00] =	vst v63  }
0xfa: {  	s0 =	rddreg [dreg:$0x1d]  }
0xfb: {  	[tilespmem:s14], [sflag:$0x1] =	stream.indirect.gather [hbm4b:s5+s6], $0x20, s25, s6, $0x2000b8;
	[tilespmem:$0x14A00] =	vst v63  }
0xfc: {  	s25 =	rddreg [dreg:$0x1e]  }
0xfd: {  	[tilespmem:s15], [sflag:$0x1] =	stream.indirect.gather [hbm4b:s5+s6], $0x20, s0, s6, $0x2000b8;
	[tilespmem:$0x14A00] =	vst v63  }
0xfe: {  	s0 =	rddreg [dreg:$0x1f]  }
0xff: {  	[tilespmem:s16], [sflag:$0x1] =	stream.indirect.gather [hbm4b:s5+s6], $0x20, s25, s6, $0x2000b8;
	[tilespmem:$0x14A00] =	vst v63  }
0x100: {  	s25 =	sld [smem:$0x7F7]  }
0x101: {  	[tilespmem:s17], [sflag:$0x1] =	stream.indirect.gather [hbm4b:s5+s6], $0x20, s0, s6, $0x2000b8;
	[tilespmem:$0x14A00] =	vst v63  }
0x102: {  	s0 =	sld [smem:$0x7F8]  }
0x103: {  	[tilespmem:s18], [sflag:$0x1] =	stream.indirect.gather [hbm4b:s5+s6], $0x20, s25, s6, $0x2000b8;
	[tilespmem:$0x14A00] =	vst v63  }
0x104: {  	s25 =	sld [smem:$0x7F9]  }
0x105: {  	[tilespmem:s19], [sflag:$0x1] =	stream.indirect.gather [hbm4b:s5+s6], $0x20, s0, s6, $0x2000b8;
	[tilespmem:$0x14A00] =	vst v63  }
0x106: {  	s0 =	sld [smem:$0x7FA]  }
0x107: {  	[tilespmem:s20], [sflag:$0x1] =	stream.indirect.gather [hbm4b:s5+s6], $0x20, s25, s6, $0x2000b8;
	[tilespmem:$0x14A00] =	vst v63  }
0x108: {  	s25 =	sld [smem:$0x7FB]  }
0x109: {  	[tilespmem:s21], [sflag:$0x1] =	stream.indirect.gather [hbm4b:s5+s6], $0x20, s0, s6, $0x2000b8;
	[tilespmem:$0x14A00] =	vst v63  }
0x10a: {  	s0 =	sld [smem:$0x7FC]  }
0x10b: {  	[tilespmem:s22], [sflag:$0x1] =	stream.indirect.gather [hbm4b:s5+s6], $0x20, s25, s6, $0x2000b8;
	[tilespmem:$0x14A00] =	vst v63  }
0x10c: {  	s25 =	sld [smem:$0x7FD]  }
0x10d: {  	[tilespmem:s23], [sflag:$0x1] =	stream.indirect.gather [hbm4b:s5+s6], $0x20, s0, s6, $0x2000b8;
	[tilespmem:$0x14A00] =	vst v63  }
0x10e: {  	_ = 	snop  }
0x10f: {  	[tilespmem:s24], [sflag:$0x1] =	stream.indirect.gather [hbm4b:s5+s6], $0x20, s25, s6, $0x2000b8;
	[tilespmem:$0x14A00] =	vst v63  }
0x110: {  	s25 =	simm.s32 $0x900  }
0x111: {  	[tilespmem:s26], [sflag:$0x1] =	stream.indirect.gather [hbm4b:s5+s6], $0x20, s25, s6, $0x2000b8;
	[tilespmem:$0x14A00] =	vst v63  }
0x112: {  	_ = 	snop  }
0x113: {  	[tilespmem:s29], [sflag:$0x1] =	stream.indirect.gather [hbm4b:s5+s6], $0x20, s28, s6, $0x2000b8;
	[tilespmem:$0x14A00] =	vst v63  }
0x114: {  	_ =	strace $0x90000050  }
0x115: {  	_ =	strace $0x80000051  }
0x116: {  	_ =	swait.ge [sflag:s30], $0x1000  }
0x117: {  	[sflag:s30] =	ssyncset.done $0x0  }
0x118: {  	[sflag:s30] =	ssyncadd.s32 $0xFFFFF000  }
0x119: {  	[hbm4b:s3+s2] =	stream.linear.scatter [tilespmem:s7], [sflag:$0x2], $0x1000, $0x200038;
	[tilespmem:$0x14A00] =	vst v63  }
0x11a: {  	_ =	swait.ge [sflag:s30], $0x1000  }
0x11b: {  	[sflag:s30] =	ssyncset.done $0x0  }
0x11c: {  	s25 =	rddreg [dreg:$0x4];
	[sflag:s30] =	ssyncadd.s32 $0xFFFFF000  }
0x11d: {  	[hbm4b:s25+s2] =	stream.linear.scatter [tilespmem:s8], [sflag:$0x2], $0x1000, $0x200038;
	[tilespmem:$0x14A00] =	vst v63  }
0x11e: {  	_ =	swait.ge [sflag:s30], $0x1000  }
0x11f: {  	[sflag:s30] =	ssyncset.done $0x0  }
0x120: {  	s25 =	rddreg [dreg:$0x5];
	[sflag:s30] =	ssyncadd.s32 $0xFFFFF000  }
0x121: {  	[hbm4b:s25+s2] =	stream.linear.scatter [tilespmem:s9], [sflag:$0x2], $0x1000, $0x200038;
	[tilespmem:$0x14A00] =	vst v63  }
0x122: {  	_ =	swait.ge [sflag:s30], $0x1000  }
0x123: {  	[sflag:s30] =	ssyncset.done $0x0  }
0x124: {  	s25 =	rddreg [dreg:$0x6];
	[sflag:s30] =	ssyncadd.s32 $0xFFFFF000  }
0x125: {  	[hbm4b:s25+s2] =	stream.linear.scatter [tilespmem:s10], [sflag:$0x2], $0x1000, $0x200038;
	[tilespmem:$0x14A00] =	vst v63  }
0x126: {  	_ =	swait.ge [sflag:s30], $0x1000  }
0x127: {  	[sflag:s30] =	ssyncset.done $0x0  }
0x128: {  	s25 =	rddreg [dreg:$0x7];
	[sflag:s30] =	ssyncadd.s32 $0xFFFFF000  }
0x129: {  	[hbm4b:s25+s2] =	stream.linear.scatter [tilespmem:s11], [sflag:$0x2], $0x1000, $0x200038;
	[tilespmem:$0x14A00] =	vst v63  }
0x12a: {  	_ =	swait.ge [sflag:s30], $0x1000  }
0x12b: {  	[sflag:s30] =	ssyncset.done $0x0  }
0x12c: {  	s25 =	rddreg [dreg:$0x8];
	[sflag:s30] =	ssyncadd.s32 $0xFFFFF000  }
0x12d: {  	[hbm4b:s25+s2] =	stream.linear.scatter [tilespmem:s12], [sflag:$0x2], $0x1000, $0x200038;
	[tilespmem:$0x14A00] =	vst v63  }
0x12e: {  	_ =	swait.ge [sflag:s30], $0x1000  }
0x12f: {  	[sflag:s30] =	ssyncset.done $0x0  }
0x130: {  	s25 =	rddreg [dreg:$0x9];
	[sflag:s30] =	ssyncadd.s32 $0xFFFFF000  }
0x131: {  	[hbm4b:s25+s2] =	stream.linear.scatter [tilespmem:s13], [sflag:$0x2], $0x1000, $0x200038;
	[tilespmem:$0x14A00] =	vst v63  }
0x132: {  	_ =	swait.ge [sflag:s30], $0x1000  }
0x133: {  	[sflag:s30] =	ssyncset.done $0x0  }
0x134: {  	s25 =	rddreg [dreg:$0xa];
	[sflag:s30] =	ssyncadd.s32 $0xFFFFF000  }
0x135: {  	[hbm4b:s25+s2] =	stream.linear.scatter [tilespmem:s14], [sflag:$0x2], $0x1000, $0x200038;
	[tilespmem:$0x14A00] =	vst v63  }
0x136: {  	_ =	swait.ge [sflag:s30], $0x1000  }
0x137: {  	[sflag:s30] =	ssyncset.done $0x0  }
0x138: {  	s25 =	rddreg [dreg:$0xb];
	[sflag:s30] =	ssyncadd.s32 $0xFFFFF000  }
0x139: {  	[hbm4b:s25+s2] =	stream.linear.scatter [tilespmem:s15], [sflag:$0x2], $0x1000, $0x200038;
	[tilespmem:$0x14A00] =	vst v63  }
0x13a: {  	_ =	swait.ge [sflag:s30], $0x1000  }
0x13b: {  	[sflag:s30] =	ssyncset.done $0x0  }
0x13c: {  	s25 =	rddreg [dreg:$0xc];
	[sflag:s30] =	ssyncadd.s32 $0xFFFFF000  }
0x13d: {  	[hbm4b:s25+s2] =	stream.linear.scatter [tilespmem:s16], [sflag:$0x2], $0x1000, $0x200038;
	[tilespmem:$0x14A00] =	vst v63  }
0x13e: {  	_ =	swait.ge [sflag:s30], $0x1000  }
0x13f: {  	[sflag:s30] =	ssyncset.done $0x0  }
0x140: {  	s25 =	rddreg [dreg:$0xd];
	[sflag:s30] =	ssyncadd.s32 $0xFFFFF000  }
0x141: {  	[hbm4b:s25+s2] =	stream.linear.scatter [tilespmem:s17], [sflag:$0x2], $0x1000, $0x200038;
	[tilespmem:$0x14A00] =	vst v63  }
0x142: {  	_ =	swait.ge [sflag:s30], $0x1000  }
0x143: {  	[sflag:s30] =	ssyncset.done $0x0  }
0x144: {  	s25 =	rddreg [dreg:$0xe];
	[sflag:s30] =	ssyncadd.s32 $0xFFFFF000  }
0x145: {  	[hbm4b:s25+s2] =	stream.linear.scatter [tilespmem:s18], [sflag:$0x2], $0x1000, $0x200038;
	[tilespmem:$0x14A00] =	vst v63  }
0x146: {  	_ =	swait.ge [sflag:s30], $0x1000  }
0x147: {  	[sflag:s30] =	ssyncset.done $0x0  }
0x148: {  	s25 =	rddreg [dreg:$0xf];
	[sflag:s30] =	ssyncadd.s32 $0xFFFFF000  }
0x149: {  	[hbm4b:s25+s2] =	stream.linear.scatter [tilespmem:s19], [sflag:$0x2], $0x1000, $0x200038;
	[tilespmem:$0x14A00] =	vst v63  }
0x14a: {  	_ =	swait.ge [sflag:s30], $0x1000  }
0x14b: {  	[sflag:s30] =	ssyncset.done $0x0  }
0x14c: {  	s25 =	rddreg [dreg:$0x10];
	[sflag:s30] =	ssyncadd.s32 $0xFFFFF000  }
0x14d: {  	[hbm4b:s25+s2] =	stream.linear.scatter [tilespmem:s20], [sflag:$0x2], $0x1000, $0x200038;
	[tilespmem:$0x14A00] =	vst v63  }
0x14e: {  	_ =	swait.ge [sflag:s30], $0x1000  }
0x14f: {  	[sflag:s30] =	ssyncset.done $0x0  }
0x150: {  	s25 =	rddreg [dreg:$0x11];
	[sflag:s30] =	ssyncadd.s32 $0xFFFFF000  }
0x151: {  	[hbm4b:s25+s2] =	stream.linear.scatter [tilespmem:s21], [sflag:$0x2], $0x1000, $0x200038;
	[tilespmem:$0x14A00] =	vst v63  }
0x152: {  	_ =	swait.ge [sflag:s30], $0x1000  }
0x153: {  	[sflag:s30] =	ssyncset.done $0x0  }
0x154: {  	s25 =	rddreg [dreg:$0x12];
	[sflag:s30] =	ssyncadd.s32 $0xFFFFF000  }
0x155: {  	[hbm4b:s25+s2] =	stream.linear.scatter [tilespmem:s22], [sflag:$0x2], $0x1000, $0x200038;
	[tilespmem:$0x14A00] =	vst v63  }
0x156: {  	_ =	swait.ge [sflag:s30], $0x1000  }
0x157: {  	[sflag:s30] =	ssyncset.done $0x0  }
0x158: {  	s25 =	rddreg [dreg:$0x13];
	[sflag:s30] =	ssyncadd.s32 $0xFFFFF000  }
0x159: {  	[hbm4b:s25+s2] =	stream.linear.scatter [tilespmem:s23], [sflag:$0x2], $0x1000, $0x200038;
	[tilespmem:$0x14A00] =	vst v63  }
0x15a: {  	_ =	swait.ge [sflag:s30], $0x1000  }
0x15b: {  	[sflag:s30] =	ssyncset.done $0x0  }
0x15c: {  	s25 =	rddreg [dreg:$0x14];
	[sflag:s30] =	ssyncadd.s32 $0xFFFFF000  }
0x15d: {  	[hbm4b:s25+s2] =	stream.linear.scatter [tilespmem:s24], [sflag:$0x2], $0x1000, $0x200038;
	[tilespmem:$0x14A00] =	vst v63  }
0x15e: {  	_ =	swait.ge [sflag:s30], $0x1000  }
0x15f: {  	[sflag:s30] =	ssyncset.done $0x0  }
0x160: {  	s25 =	rddreg [dreg:$0x15];
	[sflag:s30] =	ssyncadd.s32 $0xFFFFF000  }
0x161: {  	[hbm4b:s25+s2] =	stream.linear.scatter [tilespmem:s26], [sflag:$0x2], $0x1000, $0x200038;
	[tilespmem:$0x14A00] =	vst v63  }
0x162: {  	_ =	swait.ge [sflag:s30], $0x1000  }
0x163: {  	[sflag:s30] =	ssyncset.done $0x0  }
0x164: {  	s25 =	rddreg [dreg:$0x16];
	[sflag:s30] =	ssyncadd.s32 $0xFFFFF000  }
0x165: {  	[hbm4b:s25+s2] =	stream.linear.scatter [tilespmem:s29], [sflag:$0x2], $0x1000, $0x200038;
	[tilespmem:$0x14A00] =	vst v63  }
0x166: {  	_ =	swait.ge [sflag:s31], $0x1000  }
0x167: {  	[sflag:s31] =	ssyncset.done $0x0  }
0x168: {  	[sflag:s31] =	ssyncadd.s32 $0xFFFFF000  }
0x169: {  	_ =	swait.ge [sflag:s31], $0x1000  }
0x16a: {  	[sflag:s31] =	ssyncset.done $0x0  }
0x16b: {  	[sflag:s31] =	ssyncadd.s32 $0xFFFFF000  }
0x16c: {  	_ =	swait.ge [sflag:s31], $0x1000  }
0x16d: {  	[sflag:s31] =	ssyncset.done $0x0  }
0x16e: {  	[sflag:s31] =	ssyncadd.s32 $0xFFFFF000  }
0x16f: {  	_ =	swait.ge [sflag:s31], $0x1000  }
0x170: {  	[sflag:s31] =	ssyncset.done $0x0  }
0x171: {  	[sflag:s31] =	ssyncadd.s32 $0xFFFFF000  }
0x172: {  	_ =	swait.ge [sflag:s31], $0x1000  }
0x173: {  	[sflag:s31] =	ssyncset.done $0x0  }
0x174: {  	[sflag:s31] =	ssyncadd.s32 $0xFFFFF000  }
0x175: {  	_ =	swait.ge [sflag:s31], $0x1000  }
0x176: {  	[sflag:s31] =	ssyncset.done $0x0  }
0x177: {  	[sflag:s31] =	ssyncadd.s32 $0xFFFFF000  }
0x178: {  	_ =	swait.ge [sflag:s31], $0x1000  }
0x179: {  	[sflag:s31] =	ssyncset.done $0x0  }
0x17a: {  	[sflag:s31] =	ssyncadd.s32 $0xFFFFF000  }
0x17b: {  	_ =	swait.ge [sflag:s31], $0x1000  }
0x17c: {  	[sflag:s31] =	ssyncset.done $0x0  }
0x17d: {  	[sflag:s31] =	ssyncadd.s32 $0xFFFFF000  }
0x17e: {  	_ =	swait.ge [sflag:s31], $0x1000  }
0x17f: {  	[sflag:s31] =	ssyncset.done $0x0  }
0x180: {  	[sflag:s31] =	ssyncadd.s32 $0xFFFFF000  }
0x181: {  	_ =	swait.ge [sflag:s31], $0x1000  }
0x182: {  	[sflag:s31] =	ssyncset.done $0x0  }
0x183: {  	[sflag:s31] =	ssyncadd.s32 $0xFFFFF000  }
0x184: {  	_ =	swait.ge [sflag:s31], $0x1000  }
0x185: {  	[sflag:s31] =	ssyncset.done $0x0  }
0x186: {  	[sflag:s31] =	ssyncadd.s32 $0xFFFFF000  }
0x187: {  	_ =	swait.ge [sflag:s31], $0x1000  }
0x188: {  	[sflag:s31] =	ssyncset.done $0x0  }
0x189: {  	[sflag:s31] =	ssyncadd.s32 $0xFFFFF000  }
0x18a: {  	_ =	swait.ge [sflag:s31], $0x1000  }
0x18b: {  	[sflag:s31] =	ssyncset.done $0x0  }
0x18c: {  	[sflag:s31] =	ssyncadd.s32 $0xFFFFF000  }
0x18d: {  	_ =	swait.ge [sflag:s31], $0x1000  }
0x18e: {  	[sflag:s31] =	ssyncset.done $0x0  }
0x18f: {  	[sflag:s31] =	ssyncadd.s32 $0xFFFFF000  }
0x190: {  	_ =	swait.ge [sflag:s31], $0x1000  }
0x191: {  	[sflag:s31] =	ssyncset.done $0x0  }
0x192: {  	[sflag:s31] =	ssyncadd.s32 $0xFFFFF000  }
0x193: {  	_ =	swait.ge [sflag:s31], $0x1000  }
0x194: {  	[sflag:s31] =	ssyncset.done $0x0  }
0x195: {  	[sflag:s31] =	ssyncadd.s32 $0xFFFFF000  }
0x196: {  	_ =	swait.ge [sflag:s31], $0x1000  }
0x197: {  	[sflag:s31] =	ssyncset.done $0x0  }
0x198: {  	[sflag:s31] =	ssyncadd.s32 $0xFFFFF000  }
0x199: {  	_ =	swait.ge [sflag:s31], $0x1000  }
0x19a: {  	[sflag:s31] =	ssyncset.done $0x0  }
0x19b: {  	[sflag:s31] =	ssyncadd.s32 $0xFFFFF000  }
0x19c: {  	p0 =	sne.s32 s1, $0x1;
	_ =	swait.ge [sflag:s31], $0x1000  }
.Ltmp1:
0x19d: {  	[sflag:s31] =	ssyncset.done $0x0;
	(pc) =	sbr.rel @p0 .LBB2_1-.Ltmp1, $4  }
0x19e: {  	[sflag:s31] =	ssyncadd.s32 $0xFFFFF000  }
0x19f: {  	_ =	swait.ge [sflag:s31], $0x1000  }
0x1a0: {  	[sflag:s31] =	ssyncset.done $0x0  }
0x1a1: {  	s1 =	sadd.s32 $0xFFFFFFFF, s1;
	[sflag:s31] =	ssyncadd.s32 $0xFFFFF000  }
.LBB2_2:
0x1a2: {  	_ =	strace $0x90000051  }
0x1a3: {  	_ =	sfence.sel $0x180000  }
0x1a4: {  	[bflag:$0x0] =	sbarrier.arrive $0xFFFF  }
0x1a5: {  	_ =	strace $0x9000004F  }
0x1a6: {  	s0 =	stileid.u32;
	[bflag:$0x2] =	sbarrier.arrive $0xFFFF  }
0x1a7: {  	p0 =	sne.s32 s0, $0x0;
	s0 =	rddreg [dreg:$0x2]  }
0x1a8: {  	s0 =	sadd.s32 @!p0 $0x100000, s0  }
0x1a9: {  	[sflag:s0] =	ssyncadd.tile.s32 @!p0 $0x1;
	_ =	shalt  }
.Lfunc_end2:
_tile_overlayer_lowered:
.L_overlay_start_2:
0x1aa: {  	(tag) =	ssettag $0x2  }
0x1ab: {  	s0 =	rddreg [dreg:$0x0];
	s2 =	stileid.u32  }
0x1ac: {  	s1 =	rddreg [dreg:$0x1];
	p0 =	sne.s32 s2, $0x0  }
0x1ad: {  	s3 =	rddreg [dreg:$0x2];
	[bflag:$0x3] =	sbarrier.arrive $0xFFFF;
	s2 =	simm.s32 @!p0 $0x1C03  }
0x1ae: {  	[timem:s3], [sflag:s2] =	dma.local @!p0 [hbm:s0], s1  }
0x1af: {  	s0 =	simm.s32 @!p0 $0x3  }
0x1b0: {  	_ =	swait.ge @!p0 [sflag:s0], s1  }
0x1b1: {  	s1 =	ssub.s32 @!p0 $0x0, s1;
	[sflag:s0] =	ssyncset.done @!p0 $0x0  }
0x1b2: {  	[sflag:s0] =	ssyncadd.s32 @!p0 s1  }
0x1b3: {  	[bflag:$0x3] =	sbarrier.arrive $0xFFFF  }
0x1b4: {  	_ =	shalt  }

</sc_bundles>
